<compile_context>
chip_gen: v7x
topology: tpu7x:2x2x1
jax: 0.10.2.dev20260603
libtpu: 0.0.44.dev20260713+nightly
codegen_flags: <defaults>
</compile_context>

<pallas_src>
import jax
import jax.numpy as jnp
from jax.experimental import pallas as pl
from jax.experimental.pallas import tpu as pltpu
from jax.experimental.pallas import tpu_sc as plsc

_N = 65536
_C = 82
_K_POS = 256
_K_NEG = 512
_NSEL = _K_POS + _K_NEG
_BLK = 4096
_NTILE = 8
_ROWS_PER_TILE = _N // _NTILE
_CAP = _NSEL
_UNROLL = 8


def _digamma_large(x):
    inv = 1.0 / x
    inv2 = inv * inv
    return jnp.log(x) - 0.5 * inv - inv2 * (
        (1.0 / 12.0) - inv2 * ((1.0 / 120.0) - inv2 * (1.0 / 252.0)))


def _digamma_small(x):
    q = ((((x + 15.0) * x + 85.0) * x + 225.0) * x + 274.0) * x * x + 120.0 * x
    qp = ((((6.0 * x + 75.0) * x + 340.0) * x + 675.0) * x + 548.0) * x + 120.0
    return _digamma_large(x + 6.0) - qp / q


def _sort_key(x):
    u = jax.lax.bitcast_convert_type(x, jnp.uint32)
    sign = u >> jnp.uint32(31)
    flip = sign * jnp.uint32(0x7FFFFFFF) + jnp.uint32(0x80000000)
    return u ^ flip




def _pack(x):
    return x.reshape(_BLK // 128, 128)


def _k1_body(scores_ref, lab8_ref, m80_ref, t_ref, sl_ref, slm1_ref,
             s79_ref, s80_ref, s81_ref):
    s = scores_ref[...]
    lab = lab8_ref[...].astype(jnp.int32)
    cols = jax.lax.broadcasted_iota(jnp.int32, s.shape, 1)
    sm = jnp.where(cols < 80, s, -jnp.inf)
    m80_ref[...] = _pack(jnp.max(sm, axis=1, keepdims=True))
    E = jnp.exp(s)
    ones = jnp.ones((_C, 1), dtype=jnp.float32)
    t_ref[...] = _pack(jax.lax.dot(E, ones))
    sl_ref[...] = _pack(jax.lax.dot(jnp.where(cols == lab, s, 0.0), ones))
    slm1_ref[...] = _pack(jax.lax.dot(jnp.where(cols == lab - 1, s, 0.0),
                                      ones))
    s79_ref[...] = _pack(s[:, 79:80])
    s80_ref[...] = _pack(s[:, 80:81])
    s81_ref[...] = _pack(s[:, 81:82])




def _kth_threshold(keys, ik, k):
    def hi_body(i, a):
        b = (jnp.int32(31) - i).astype(jnp.uint32)
        trial = a | (jnp.uint32(1) << b)
        cnt = jnp.sum((keys >= trial).astype(jnp.int32))
        return jnp.where(cnt >= k, trial, a)

    a_hi = jax.lax.fori_loop(0, 32, hi_body, jnp.uint32(0))
    eq = keys == a_hi
    cnt_gt = jnp.sum((keys > a_hi).astype(jnp.int32))

    def lo_body(i, a):
        b = (jnp.int32(15) - i).astype(jnp.uint32)
        trial = a | (jnp.uint32(1) << b)
        cnt = cnt_gt + jnp.sum((eq & (ik >= trial)).astype(jnp.int32))
        return jnp.where(cnt >= k, trial, a)

    a_lo = jax.lax.fori_loop(0, 16, lo_body, jnp.uint32(0))
    return a_hi, a_lo


def _k2_body(m80_ref, s81_ref, lab_ref, kp_ref, kn_ref, thr_ref):
    lab = lab_ref[...]
    fg = lab != 81
    kp = _sort_key(jnp.where(fg, -m80_ref[...], -jnp.inf))
    kn = _sort_key(jnp.where(fg, -jnp.inf, -s81_ref[...]))
    r = jax.lax.broadcasted_iota(jnp.uint32, kp.shape, 0)
    c = jax.lax.broadcasted_iota(jnp.uint32, kp.shape, 1)
    ik = jnp.uint32(_N - 1) - (r * jnp.uint32(kp.shape[1]) + c)
    p_hi, p_lo = _kth_threshold(kp, ik, _K_POS)
    n_hi, n_lo = _kth_threshold(kn, ik, _K_NEG)
    sgn = jnp.uint32(0x80000000)
    kp_ref[...] = (kp ^ sgn).astype(jnp.int32)
    kn_ref[...] = (kn ^ sgn).astype(jnp.int32)
    lanes = jax.lax.broadcasted_iota(jnp.int32, (1, 128), 1)
    vals = [(p_hi ^ sgn).astype(jnp.int32), p_lo.astype(jnp.int32),
            (n_hi ^ sgn).astype(jnp.int32), n_lo.astype(jnp.int32)]
    thr = jnp.zeros((1, 128), jnp.int32)
    for j, v in enumerate(vals):
        thr = jnp.where(lanes == j, v, thr)
    thr_ref[...] = thr




def _lane(v, j):
    return jax.lax.squeeze(jax.lax.slice(v, (j,), (j + 1,)), (0,))


def _k3_flow(tid, ctr_idx, keys_hbm, thr_lane, out_base, srcs, outs, keys_v,
             idx_v, bufs, thr_v, ctr_smem, sem):
    sid = jax.lax.axis_index("s")
    base = tid * _ROWS_PER_TILE
    pltpu.sync_copy(keys_hbm.at[pl.ds(base, _ROWS_PER_TILE)], keys_v)
    t_hi = _lane(thr_v[...], thr_lane)
    t_lo = _lane(thr_v[...], thr_lane + 1)
    lane_i = jax.lax.iota(jnp.int32, 16)

    for i in range((_CAP + 16) // 16):
        idx_v[pl.ds(i * 16, 16)] = jnp.zeros((16,), jnp.int32)

    def selmask(i):
        v = keys_v[pl.ds(i * 16, 16)]
        gidx = base + i * 16 + lane_i
        ik = jnp.int32(_N - 1) - gidx
        return (v > t_hi) | ((v == t_hi) & (ik >= t_lo)), gidx

    def count_body(i, acc):
        for j in range(_UNROLL):
            selm, _ = selmask(i * _UNROLL + j)
            acc = acc + selm.astype(jnp.int32)
        return acc

    lane_cnt = jax.lax.fori_loop(0, _ROWS_PER_TILE // 16 // _UNROLL,
                                 count_body, jnp.zeros((16,), jnp.int32))

    zero16 = jnp.zeros((16,), jnp.int32)
    lane_base = zero16
    run = jnp.int32(0)
    for j in range(16):
        lane_base = jnp.where(lane_i == j, run, lane_base)
        run = run + _lane(lane_cnt, j)
    cnt = run

    def compact_body(i, lrun):
        for j in range(_UNROLL):
            selm, gidx = selmask(i * _UNROLL + j)
            pos = jnp.where(selm, lane_base + lrun, jnp.int32(_CAP))
            plsc.store_scatter(idx_v, [pos], gidx)
            lrun = lrun + selm.astype(jnp.int32)
        return lrun

    jax.lax.fori_loop(0, _ROWS_PER_TILE // 16 // _UNROLL, compact_body,
                      zero16)

    plsc.subcore_barrier()
    off = plsc.fetch_and_add(ctr_smem.at[ctr_idx], cnt,
                             subcore_id=0) + out_base

    def fire_gathers(ch, _):
        @pl.when(ch * 16 < cnt)
        def _():
            iv = idx_v[pl.ds(ch * 16, 16)]
            for src, buf in zip(srcs, bufs):
                pltpu.async_copy(src.at[iv], buf.at[pl.ds(ch * 16, 16)], sem)
        return 0

    def drain_gathers(ch, _):
        @pl.when(ch * 16 < cnt)
        def _():
            iv = idx_v[pl.ds(ch * 16, 16)]
            for src, buf in zip(srcs, bufs):
                pltpu.make_async_copy(
                    src.at[iv], buf.at[pl.ds(ch * 16, 16)], sem).wait()
        return 0

    def fire_scatters(ch, _):
        @pl.when(ch * 16 < cnt)
        def _():
            j = ch * 16 + lane_i
            slot = jnp.where(j < cnt, off + j, jnp.int32(_NSEL))
            for out, buf in zip(outs, bufs):
                pltpu.async_copy(buf.at[pl.ds(ch * 16, 16)], out.at[slot],
                                 sem)
        return 0

    def drain_scatters(ch, _):
        @pl.when(ch * 16 < cnt)
        def _():
            j = ch * 16 + lane_i
            slot = jnp.where(j < cnt, off + j, jnp.int32(_NSEL))
            for out, buf in zip(outs, bufs):
                pltpu.make_async_copy(
                    buf.at[pl.ds(ch * 16, 16)], out.at[slot], sem).wait()
        return 0

    nch = (cnt + 15) // 16
    jax.lax.fori_loop(0, nch, fire_gathers, 0)
    jax.lax.fori_loop(0, nch, drain_gathers, 0)
    jax.lax.fori_loop(0, nch, fire_scatters, 0)
    jax.lax.fori_loop(0, nch, drain_scatters, 0)


def _k3_body(kp_hbm, kn_hbm, thr_hbm, labels_hbm, obj_hbm, t_hbm, sl_hbm,
             slm1_hbm, s79_hbm, s80_hbm, s81_hbm, lab_out, obj_out, t_out,
             sl_out, slm1_out, s79_out, s80_out, s81_out, keys_v, idx_v,
             labbuf, objbuf, tbuf, slbuf, slm1buf, s79buf, s80buf, s81buf,
             thr_v, ctr_smem, sem):
    sid = jax.lax.axis_index("s")
    pltpu.sync_copy(thr_hbm, thr_v)

    @pl.when(sid == 0)
    def _():
        ctr_smem[0] = jnp.int32(0)
        ctr_smem[1] = jnp.int32(0)

    srcs = (labels_hbm, obj_hbm, t_hbm, sl_hbm, slm1_hbm, s79_hbm, s80_hbm,
            s81_hbm)
    outs = (lab_out, obj_out, t_out, sl_out, slm1_out, s79_out, s80_out,
            s81_out)
    bufs = (labbuf, objbuf, tbuf, slbuf, slm1buf, s79buf, s80buf, s81buf)
    common = (srcs, outs, keys_v, idx_v, bufs, thr_v, ctr_smem, sem)

    @pl.when(sid < _NTILE)
    def _():
        _k3_flow(sid, 0, kp_hbm, 0, jnp.int32(0), *common)

    @pl.when(sid >= _NTILE)
    def _():
        _k3_flow(sid - _NTILE, 1, kn_hbm, 2, jnp.int32(_K_POS), *common)


def _gather_sc(kp_s, kn_s, thr16, labels, objectness, tflat, slflat,
               slm1flat, s79flat, s80flat, s81flat):
    mesh = plsc.VectorSubcoreMesh(core_axis_name="c", subcore_axis_name="s", num_cores=1)
    fvec = jax.ShapeDtypeStruct((_NSEL + 1,), jnp.float32)
    fbuf = pltpu.VMEM((_CAP,), jnp.float32)
    f = pl.kernel(
        _k3_body,
        out_type=[jax.ShapeDtypeStruct((_NSEL + 1,), jnp.int32)] +
        [fvec] * 7,
        mesh=mesh,
        scratch_types=[
            pltpu.VMEM((_ROWS_PER_TILE,), jnp.int32),
            pltpu.VMEM((_CAP + 16,), jnp.int32),
            pltpu.VMEM((_CAP,), jnp.int32),
            fbuf, fbuf, fbuf, fbuf, fbuf, fbuf, fbuf,
            pltpu.VMEM((16,), jnp.int32),
            pltpu.SMEM((2,), jnp.int32),
            pltpu.SemaphoreType.DMA,
        ],
        compiler_params=pltpu.CompilerParams(needs_layout_passes=False),
    )
    return f(kp_s, kn_s, thr16, labels, objectness, tflat, slflat, slm1flat,
             s79flat, s80flat, s81flat)




def _k4_body(lab_ref, obj_ref, t_ref, sl_ref, slm1_ref, s79_ref, s80_ref,
             s81_ref, out_ref):
    lab = lab_ref[...]
    obj = obj_ref[...]
    T = t_ref[...] + float(_C)
    E_l = jnp.exp(sl_ref[...])
    E_lm1 = jnp.exp(slm1_ref[...])
    E79 = jnp.exp(s79_ref[...])
    E80 = jnp.exp(s80_ref[...])
    E81 = jnp.exp(s81_ref[...])

    A = _digamma_large(T - E_l - 1.0)
    B = _digamma_large(T - E80 - 1.0)
    rows_i = jax.lax.broadcasted_iota(jnp.int32, lab.shape, 0)
    is_fg = rows_i < _K_POS
    le79 = lab <= 79
    f_t = jnp.where(le79, E80, E79)
    f_g = jnp.where(le79, E_l, E81)
    c1_f = 1.0 - obj
    c2_f = jnp.where(lab != 81, obj, 0.0)
    b_t = jnp.where(lab == 81, E80, E81)
    b_g = jnp.where((lab >= 1) & (lab <= 80), E_lm1, E81)
    c1_b = obj
    c2_b = 0.2 * (1.0 - obj)
    y_t = jnp.where(is_fg, f_t, b_t)
    y_g = jnp.where(is_fg, f_g, b_g)
    c1 = jnp.where(is_fg, c1_f, c1_b)
    c2 = jnp.where(is_fg, c2_f, c2_b)
    val = c1 * (A - _digamma_small(y_t + 1.0)) + c2 * (
        B - _digamma_small(y_g + 1.0))
    out_ref[...] = jnp.full((1, 1), jnp.sum(val) / float(_NSEL))


def kernel(scores, labels, squarescores, objectness, ious):
    del squarescores, ious
    nblk = _N // _BLK
    shape2 = (_N // 128, 128)
    lab8 = labels.astype(jnp.int8).reshape(_N, 1)
    col = jax.ShapeDtypeStruct(shape2, jnp.float32)
    cspec = pl.BlockSpec((_BLK // 128, 128), lambda i: (i, 0))
    m80, tcol, sl, slm1, s79, s80, s81 = pl.pallas_call(
        _k1_body,
        grid=(nblk,),
        in_specs=[
            pl.BlockSpec((_BLK, _C), lambda i: (i, 0)),
            pl.BlockSpec((_BLK, 1), lambda i: (i, 0)),
        ],
        out_specs=[cspec] * 7,
        out_shape=[col] * 7,
    )(scores, lab8)

    kp_s, kn_s, thr = pl.pallas_call(
        _k2_body,
        out_shape=[
            jax.ShapeDtypeStruct(shape2, jnp.int32),
            jax.ShapeDtypeStruct(shape2, jnp.int32),
            jax.ShapeDtypeStruct((1, 128), jnp.int32),
        ],
    )(m80, s81, labels.reshape(shape2))

    thr16 = thr.reshape(128)[:16]
    sel = _gather_sc(
        kp_s.reshape(_N), kn_s.reshape(_N), thr16, labels, objectness,
        tcol.reshape(_N), sl.reshape(_N), slm1.reshape(_N), s79.reshape(_N),
        s80.reshape(_N), s81.reshape(_N))

    out = pl.pallas_call(
        _k4_body,
        out_shape=jax.ShapeDtypeStruct((1, 1), jnp.float32),
    )(*[x[:_NSEL].reshape(_NSEL, 1) for x in sel])
    return out[0, 0]

# --- scband reference (transcript-rebuilt; emitter-appended) ---
"""Pipeline reference for scband-up-loss-24807731101771 (READ-ONLY COPY).

The authoritative reference and input builder live on the scoring server;
editing this copy changes nothing except your own understanding.
"""

import jax, jax.numpy as jnp
import numpy as np
from jax.scipy.special import digamma

NUM_CLASSES = 81
TOPK = 256
SAMPLING_RATIO = 2
N = 65536


def setup_inputs(seed: int = 0):
    key = jax.random.key(seed)
    ks = jax.random.split(key, 5)
    scores = jax.random.normal(ks[0], (N, NUM_CLASSES + 1), dtype=jnp.float32)
    labels = jax.random.randint(ks[1], (N,), 0, NUM_CLASSES + 1, dtype=jnp.int32)
    squarescores = jax.random.uniform(ks[2], (N,), dtype=jnp.float32)
    objectness = jax.random.uniform(ks[3], (N,), dtype=jnp.float32)
    ious = jax.random.uniform(ks[4], (N,), dtype=jnp.float32)
    return {"scores": scores, "labels": labels, "squarescores": squarescores, "objectness": objectness, "ious": ious}


def _forward(scores, squarescores, objectness, ious, labels, fg_mask, bg_mask, topk):
    K = NUM_CLASSES
    # sampling_metric == 'min_score'
    pos_metric = jnp.where(fg_mask, -jnp.max(scores[:, :-2], axis=1), -jnp.inf)
    neg_metric = jnp.where(bg_mask, -scores[:, -1], -jnp.inf)
    _, pos_inds = jax.lax.top_k(pos_metric, topk)
    _, neg_inds = jax.lax.top_k(neg_metric, topk * SAMPLING_RATIO)
    fg_scores = scores[pos_inds]
    fg_labels = labels[pos_inds]
    fg_obj = objectness[pos_inds]
    fg_square = squarescores[pos_inds]
    bg_scores = scores[neg_inds]
    bg_labels = labels[neg_inds]
    bg_obj = objectness[neg_inds]
    bg_square = squarescores[neg_inds]
    scores_c = jnp.concatenate([fg_scores, bg_scores], axis=0)
    labels_c = jnp.concatenate([fg_labels, bg_labels], axis=0)
    objs = jnp.concatenate([fg_obj, bg_obj], axis=0)
    final_cal = scores_c[:, :-2]
    n_chunks = final_cal.shape[1] // (K - 1)
    final_sum = jnp.sum(jnp.stack(jnp.split(final_cal, n_chunks, axis=1), axis=0), axis=0)
    scores2 = jnp.concatenate([final_sum, scores_c[:, -2:]], axis=1)
    num_sample, C = scores2.shape
    un_id = jnp.argmax(scores2[:, -2:-1], axis=1)
    base = jnp.arange(C - 1)
    # row-wise arange(C) with value == label removed (same as torch boolean-mask + reshape)
    mask = base[None, :] + (base[None, :] >= labels_c[:, None]).astype(base.dtype)
    mask_un_row = base + (base >= (K - 1)).astype(base.dtype)
    mask_un = jnp.tile(mask_un_row[None, :], (num_sample, 1))
    msc_no_gt = jnp.take_along_axis(scores2, mask, axis=1)
    msc_no_un = jnp.take_along_axis(scores2, mask_un, axis=1)
    rows = jnp.arange(num_sample)
    is_fg = rows < topk
    col_t = jnp.where(is_fg, K - 2 + un_id, K - 1 + un_id)
    val_t = jnp.where(is_fg, 1.0 - objs, objs)
    col_g = jnp.where(is_fg, labels_c, labels_c - 1)
    val_g = jnp.where(is_fg, objs, (1.0 - objs) * 0.2)
    targets = jax.lax.stop_gradient(jnp.zeros_like(msc_no_gt).at[rows, col_t].set(val_t))
    targets_gt = jax.lax.stop_gradient(jnp.zeros_like(msc_no_un).at[rows, col_g].set(val_g))
    S_un = jnp.sum(jnp.exp(msc_no_gt) + 1.0, axis=1, keepdims=True)
    S_gt = jnp.sum(jnp.exp(msc_no_un) + 1.0, axis=1, keepdims=True)
    A_un = jnp.sum(targets * (digamma(S_un) - digamma(jnp.exp(msc_no_gt) + 1.0)), axis=1, keepdims=True)
    A_gt = jnp.sum(targets_gt * (digamma(S_gt) - digamma(jnp.exp(msc_no_un) + 1.0)), axis=1, keepdims=True)
    return (jnp.sum(A_un) + jnp.sum(A_gt)) / msc_no_gt.shape[0]


def reference(scores, labels, squarescores, objectness, ious):
    K = NUM_CLASSES
    fg_mask = labels != K
    bg_mask = labels == K
    topk = TOPK
    return _forward(scores, squarescores, objectness, ious, labels, fg_mask, bg_mask, topk)

if __name__ == "__main__":
    import jax
    _d = setup_inputs()
    print(jax.jit(kernel)(*tuple(_d.values())))

</pallas_src>

<mosaic_0001>
#map = affine_map<(d0, d1) -> (0)>
module attributes {stable_mosaic.version = 14 : i64} {
  func.func @_k3_body(%arg0: i32, %arg1: i32, %arg2: memref<65536xi32, #tpu.memory_space<hbm>>, %arg3: memref<65536xi32, #tpu.memory_space<hbm>>, %arg4: memref<16xi32, #tpu.memory_space<hbm>>, %arg5: memref<65536xi32, #tpu.memory_space<hbm>>, %arg6: memref<65536xf32, #tpu.memory_space<hbm>>, %arg7: memref<65536xf32, #tpu.memory_space<hbm>>, %arg8: memref<65536xf32, #tpu.memory_space<hbm>>, %arg9: memref<65536xf32, #tpu.memory_space<hbm>>, %arg10: memref<65536xf32, #tpu.memory_space<hbm>>, %arg11: memref<65536xf32, #tpu.memory_space<hbm>>, %arg12: memref<65536xf32, #tpu.memory_space<hbm>>, %arg13: memref<769xi32, #tpu.memory_space<hbm>>, %arg14: memref<769xf32, #tpu.memory_space<hbm>>, %arg15: memref<769xf32, #tpu.memory_space<hbm>>, %arg16: memref<769xf32, #tpu.memory_space<hbm>>, %arg17: memref<769xf32, #tpu.memory_space<hbm>>, %arg18: memref<769xf32, #tpu.memory_space<hbm>>, %arg19: memref<769xf32, #tpu.memory_space<hbm>>, %arg20: memref<769xf32, #tpu.memory_space<hbm>>, %arg21: memref<8192xi32, #tpu.memory_space<vmem>>, %arg22: memref<784xi32, #tpu.memory_space<vmem>>, %arg23: memref<768xi32, #tpu.memory_space<vmem>>, %arg24: memref<768xf32, #tpu.memory_space<vmem>>, %arg25: memref<768xf32, #tpu.memory_space<vmem>>, %arg26: memref<768xf32, #tpu.memory_space<vmem>>, %arg27: memref<768xf32, #tpu.memory_space<vmem>>, %arg28: memref<768xf32, #tpu.memory_space<vmem>>, %arg29: memref<768xf32, #tpu.memory_space<vmem>>, %arg30: memref<768xf32, #tpu.memory_space<vmem>>, %arg31: memref<16xi32, #tpu.memory_space<vmem>>, %arg32: memref<2xi32, #tpu.memory_space<smem>>, %arg33: memref<!tpu.dma_semaphore, #tpu.memory_space<semaphore_mem>>) attributes {dimension_semantics = [#tpu.dimension_semantics<core_parallel>, #tpu.dimension_semantics<subcore_parallel>], iteration_bounds = array<i64: 1, 16>, scalar_prefetch = 0 : i64, scratch_operands = 13 : i64, tpu.core_type = #tpu.core_type<sc_vector_subcore>, window_params = [{transform_indices = #map}, {transform_indices = #map}, {transform_indices = #map}, {transform_indices = #map}, {transform_indices = #map}, {transform_indices = #map}, {transform_indices = #map}, {transform_indices = #map}, {transform_indices = #map}, {transform_indices = #map}, {transform_indices = #map}, {transform_indices = #map}, {transform_indices = #map}, {transform_indices = #map}, {transform_indices = #map}, {transform_indices = #map}, {transform_indices = #map}, {transform_indices = #map}, {transform_indices = #map}]} {
    "tpu.region"() ({
      %run_scoped3A = tpu.sem_alloc : memref<!tpu.dma_semaphore, #tpu.memory_space<semaphore_mem>>
      tpu.enqueue_dma source(%arg4 : memref<16xi32, #tpu.memory_space<hbm>>) target(%arg31 : memref<16xi32, #tpu.memory_space<vmem>>) target_semaphore(%run_scoped3A : memref<!tpu.dma_semaphore, #tpu.memory_space<semaphore_mem>>)
      tpu.wait_dma2 semaphore(%run_scoped3A : memref<!tpu.dma_semaphore, #tpu.memory_space<semaphore_mem>>) src(%arg4 : memref<16xi32, #tpu.memory_space<hbm>>) dst(%arg31 : memref<16xi32, #tpu.memory_space<vmem>>)
      tpu.yield
    }) : () -> ()
    %eq3A = arith.constant 0 : i32
    %eq3A_0 = arith.cmpi eq, %arg1, %eq3A : i32
    %convert_element_type3A = arith.extui %eq3A_0 : i1 to i32
    %cond3A = arith.constant 0 : i32
    %cond3A_1 = arith.cmpi ne, %convert_element_type3A, %cond3A : i32
    scf.if %cond3A_1 {
      %swap3A = arith.constant 0 : i32
      %swap3A_10 = arith.constant 0 : i32
      %swap3A_11 = arith.index_cast %swap3A_10 : i32 to index
      %swap3A_12 = memref.load %arg32[%swap3A_11] : memref<2xi32, #tpu.memory_space<smem>>
      memref.store %swap3A, %arg32[%swap3A_11] : memref<2xi32, #tpu.memory_space<smem>>
      %swap3A_13 = arith.constant 0 : i32
      %swap3A_14 = arith.constant 1 : i32
      %swap3A_15 = arith.index_cast %swap3A_14 : i32 to index
      %swap3A_16 = memref.load %arg32[%swap3A_15] : memref<2xi32, #tpu.memory_space<smem>>
      memref.store %swap3A_13, %arg32[%swap3A_15] : memref<2xi32, #tpu.memory_space<smem>>
    } else {
    }
    %lt3A = arith.constant 8 : i32
    %lt3A_2 = arith.cmpi slt, %arg1, %lt3A : i32
    %convert_element_type3A_3 = arith.extui %lt3A_2 : i1 to i32
    %cond3A_4 = arith.constant 0 : i32
    %cond3A_5 = arith.cmpi ne, %convert_element_type3A_3, %cond3A_4 : i32
    scf.if %cond3A_5 {
      %mul3A = arith.constant 8192 : i32
      %mul3A_10 = arith.muli %arg1, %mul3A : i32
      "tpu.region"() ({
        %run_scoped3A = tpu.sem_alloc : memref<!tpu.dma_semaphore, #tpu.memory_space<semaphore_mem>>
        %dma_start3A = tpu.memref_slice %arg2[%mul3A_10] : memref<65536xi32, #tpu.memory_space<hbm>> -> memref<8192xi32, #tpu.memory_space<hbm>>
        %dma_start3A_423 = tpu.memref_slice %arg2[%mul3A_10] : memref<65536xi32, #tpu.memory_space<hbm>> -> memref<8192xi32, #tpu.memory_space<hbm>>
        tpu.enqueue_dma source(%dma_start3A_423 : memref<8192xi32, #tpu.memory_space<hbm>>) target(%arg21 : memref<8192xi32, #tpu.memory_space<vmem>>) target_semaphore(%run_scoped3A : memref<!tpu.dma_semaphore, #tpu.memory_space<semaphore_mem>>)
        %dma_wait3A = tpu.memref_slice %arg2[%mul3A_10] : memref<65536xi32, #tpu.memory_space<hbm>> -> memref<8192xi32, #tpu.memory_space<hbm>>
        %dma_wait3A_424 = tpu.memref_slice %arg2[%mul3A_10] : memref<65536xi32, #tpu.memory_space<hbm>> -> memref<8192xi32, #tpu.memory_space<hbm>>
        tpu.wait_dma2 semaphore(%run_scoped3A : memref<!tpu.dma_semaphore, #tpu.memory_space<semaphore_mem>>) src(%dma_wait3A_424 : memref<8192xi32, #tpu.memory_space<hbm>>) dst(%arg21 : memref<8192xi32, #tpu.memory_space<vmem>>)
        tpu.yield
      }) : () -> ()
      %get3A = arith.constant 0 : index
      %get3A_11 = tpu.vector_load %arg31[%get3A] {strides = array<i32>} : memref<16xi32, #tpu.memory_space<vmem>>, vector<16xi32>,
      %slice3A = vector.extract_strided_slice %get3A_11 {offsets = [0], sizes = [1], strides = [1]} : vector<16xi32> to vector<1xi32>
      %squeeze3A = vector.extract %slice3A[0] : i32 from vector<1xi32>
      %get3A_12 = arith.constant 0 : index
      %get3A_13 = tpu.vector_load %arg31[%get3A_12] {strides = array<i32>} : memref<16xi32, #tpu.memory_space<vmem>>, vector<16xi32>,
      %slice3A_14 = vector.extract_strided_slice %get3A_13 {offsets = [1], sizes = [1], strides = [1]} : vector<16xi32> to vector<1xi32>
      %squeeze3A_15 = vector.extract %slice3A_14[0] : i32 from vector<1xi32>
      %iota3A = tpu.iota {dimensions = array<i32: 0>} : vector<16xi32>
      %broadcast_in_dim3A = arith.constant 0 : i32
      %broadcast_in_dim3A_16 = vector.broadcast %broadcast_in_dim3A : i32 to vector<16xi32>
      %swap3A = arith.constant 0 : index
      %swap3A_17 = tpu.vector_load %arg22[%swap3A] {strides = array<i32>} : memref<784xi32, #tpu.memory_space<vmem>>, vector<16xi32>,
      tpu.vector_store %arg22[%swap3A], %broadcast_in_dim3A_16 {strides = array<i32>} : memref<784xi32, #tpu.memory_space<vmem>>, vector<16xi32>,
      %broadcast_in_dim3A_18 = arith.constant 0 : i32
      %broadcast_in_dim3A_19 = vector.broadcast %broadcast_in_dim3A_18 : i32 to vector<16xi32>
      %swap3A_20 = arith.constant 16 : index
      %swap3A_21 = tpu.vector_load %arg22[%swap3A_20] {strides = array<i32>} : memref<784xi32, #tpu.memory_space<vmem>>, vector<16xi32>,
      tpu.vector_store %arg22[%swap3A_20], %broadcast_in_dim3A_19 {strides = array<i32>} : memref<784xi32, #tpu.memory_space<vmem>>, vector<16xi32>,
      %broadcast_in_dim3A_22 = arith.constant 0 : i32
      %broadcast_in_dim3A_23 = vector.broadcast %broadcast_in_dim3A_22 : i32 to vector<16xi32>
      %swap3A_24 = arith.constant 32 : index
      %swap3A_25 = tpu.vector_load %arg22[%swap3A_24] {strides = array<i32>} : memref<784xi32, #tpu.memory_space<vmem>>, vector<16xi32>,
      tpu.vector_store %arg22[%swap3A_24], %broadcast_in_dim3A_23 {strides = array<i32>} : memref<784xi32, #tpu.memory_space<vmem>>, vector<16xi32>,
      %broadcast_in_dim3A_26 = arith.constant 0 : i32
      %broadcast_in_dim3A_27 = vector.broadcast %broadcast_in_dim3A_26 : i32 to vector<16xi32>
      %swap3A_28 = arith.constant 48 : index
      %swap3A_29 = tpu.vector_load %arg22[%swap3A_28] {strides = array<i32>} : memref<784xi32, #tpu.memory_space<vmem>>, vector<16xi32>,
      tpu.vector_store %arg22[%swap3A_28], %broadcast_in_dim3A_27 {strides = array<i32>} : memref<784xi32, #tpu.memory_space<vmem>>, vector<16xi32>,
      %broadcast_in_dim3A_30 = arith.constant 0 : i32
      %broadcast_in_dim3A_31 = vector.broadcast %broadcast_in_dim3A_30 : i32 to vector<16xi32>
      %swap3A_32 = arith.constant 64 : index
      %swap3A_33 = tpu.vector_load %arg22[%swap3A_32] {strides = array<i32>} : memref<784xi32, #tpu.memory_space<vmem>>, vector<16xi32>,
      tpu.vector_store %arg22[%swap3A_32], %broadcast_in_dim3A_31 {strides = array<i32>} : memref<784xi32, #tpu.memory_space<vmem>>, vector<16xi32>,
      %broadcast_in_dim3A_34 = arith.constant 0 : i32
      %broadcast_in_dim3A_35 = vector.broadcast %broadcast_in_dim3A_34 : i32 to vector<16xi32>
      %swap3A_36 = arith.constant 80 : index
      %swap3A_37 = tpu.vector_load %arg22[%swap3A_36] {strides = array<i32>} : memref<784xi32, #tpu.memory_space<vmem>>, vector<16xi32>,
      tpu.vector_store %arg22[%swap3A_36], %broadcast_in_dim3A_35 {strides = array<i32>} : memref<784xi32, #tpu.memory_space<vmem>>, vector<16xi32>,
      %broadcast_in_dim3A_38 = arith.constant 0 : i32
      %broadcast_in_dim3A_39 = vector.broadcast %broadcast_in_dim3A_38 : i32 to vector<16xi32>
      %swap3A_40 = arith.constant 96 : index
      %swap3A_41 = tpu.vector_load %arg22[%swap3A_40] {strides = array<i32>} : memref<784xi32, #tpu.memory_space<vmem>>, vector<16xi32>,
      tpu.vector_store %arg22[%swap3A_40], %broadcast_in_dim3A_39 {strides = array<i32>} : memref<784xi32, #tpu.memory_space<vmem>>, vector<16xi32>,
      %broadcast_in_dim3A_42 = arith.constant 0 : i32
      %broadcast_in_dim3A_43 = vector.broadcast %broadcast_in_dim3A_42 : i32 to vector<16xi32>
      %swap3A_44 = arith.constant 112 : index
      %swap3A_45 = tpu.vector_load %arg22[%swap3A_44] {strides = array<i32>} : memref<784xi32, #tpu.memory_space<vmem>>, vector<16xi32>,
      tpu.vector_store %arg22[%swap3A_44], %broadcast_in_dim3A_43 {strides = array<i32>} : memref<784xi32, #tpu.memory_space<vmem>>, vector<16xi32>,
      %broadcast_in_dim3A_46 = arith.constant 0 : i32
      %broadcast_in_dim3A_47 = vector.broadcast %broadcast_in_dim3A_46 : i32 to vector<16xi32>
      %swap3A_48 = arith.constant 128 : index
      %swap3A_49 = tpu.vector_load %arg22[%swap3A_48] {strides = array<i32>} : memref<784xi32, #tpu.memory_space<vmem>>, vector<16xi32>,
      tpu.vector_store %arg22[%swap3A_48], %broadcast_in_dim3A_47 {strides = array<i32>} : memref<784xi32, #tpu.memory_space<vmem>>, vector<16xi32>,
      %broadcast_in_dim3A_50 = arith.constant 0 : i32
      %broadcast_in_dim3A_51 = vector.broadcast %broadcast_in_dim3A_50 : i32 to vector<16xi32>
      %swap3A_52 = arith.constant 144 : index
      %swap3A_53 = tpu.vector_load %arg22[%swap3A_52] {strides = array<i32>} : memref<784xi32, #tpu.memory_space<vmem>>, vector<16xi32>,
      tpu.vector_store %arg22[%swap3A_52], %broadcast_in_dim3A_51 {strides = array<i32>} : memref<784xi32, #tpu.memory_space<vmem>>, vector<16xi32>,
      %broadcast_in_dim3A_54 = arith.constant 0 : i32
      %broadcast_in_dim3A_55 = vector.broadcast %broadcast_in_dim3A_54 : i32 to vector<16xi32>
      %swap3A_56 = arith.constant 160 : index
      %swap3A_57 = tpu.vector_load %arg22[%swap3A_56] {strides = array<i32>} : memref<784xi32, #tpu.memory_space<vmem>>, vector<16xi32>,
      tpu.vector_store %arg22[%swap3A_56], %broadcast_in_dim3A_55 {strides = array<i32>} : memref<784xi32, #tpu.memory_space<vmem>>, vector<16xi32>,
      %broadcast_in_dim3A_58 = arith.constant 0 : i32
      %broadcast_in_dim3A_59 = vector.broadcast %broadcast_in_dim3A_58 : i32 to vector<16xi32>
      %swap3A_60 = arith.constant 176 : index
      %swap3A_61 = tpu.vector_load %arg22[%swap3A_60] {strides = array<i32>} : memref<784xi32, #tpu.memory_space<vmem>>, vector<16xi32>,
      tpu.vector_store %arg22[%swap3A_60], %broadcast_in_dim3A_59 {strides = array<i32>} : memref<784xi32, #tpu.memory_space<vmem>>, vector<16xi32>,
      %broadcast_in_dim3A_62 = arith.constant 0 : i32
      %broadcast_in_dim3A_63 = vector.broadcast %broadcast_in_dim3A_62 : i32 to vector<16xi32>
      %swap3A_64 = arith.constant 192 : index
      %swap3A_65 = tpu.vector_load %arg22[%swap3A_64] {strides = array<i32>} : memref<784xi32, #tpu.memory_space<vmem>>, vector<16xi32>,
      tpu.vector_store %arg22[%swap3A_64], %broadcast_in_dim3A_63 {strides = array<i32>} : memref<784xi32, #tpu.memory_space<vmem>>, vector<16xi32>,
      %broadcast_in_dim3A_66 = arith.constant 0 : i32
      %broadcast_in_dim3A_67 = vector.broadcast %broadcast_in_dim3A_66 : i32 to vector<16xi32>
      %swap3A_68 = arith.constant 208 : index
      %swap3A_69 = tpu.vector_load %arg22[%swap3A_68] {strides = array<i32>} : memref<784xi32, #tpu.memory_space<vmem>>, vector<16xi32>,
      tpu.vector_store %arg22[%swap3A_68], %broadcast_in_dim3A_67 {strides = array<i32>} : memref<784xi32, #tpu.memory_space<vmem>>, vector<16xi32>,
      %broadcast_in_dim3A_70 = arith.constant 0 : i32
      %broadcast_in_dim3A_71 = vector.broadcast %broadcast_in_dim3A_70 : i32 to vector<16xi32>
      %swap3A_72 = arith.constant 224 : index
      %swap3A_73 = tpu.vector_load %arg22[%swap3A_72] {strides = array<i32>} : memref<784xi32, #tpu.memory_space<vmem>>, vector<16xi32>,
      tpu.vector_store %arg22[%swap3A_72], %broadcast_in_dim3A_71 {strides = array<i32>} : memref<784xi32, #tpu.memory_space<vmem>>, vector<16xi32>,
      %broadcast_in_dim3A_74 = arith.constant 0 : i32
      %broadcast_in_dim3A_75 = vector.broadcast %broadcast_in_dim3A_74 : i32 to vector<16xi32>
      %swap3A_76 = arith.constant 240 : index
      %swap3A_77 = tpu.vector_load %arg22[%swap3A_76] {strides = array<i32>} : memref<784xi32, #tpu.memory_space<vmem>>, vector<16xi32>,
      tpu.vector_store %arg22[%swap3A_76], %broadcast_in_dim3A_75 {strides = array<i32>} : memref<784xi32, #tpu.memory_space<vmem>>, vector<16xi32>,
      %broadcast_in_dim3A_78 = arith.constant 0 : i32
      %broadcast_in_dim3A_79 = vector.broadcast %broadcast_in_dim3A_78 : i32 to vector<16xi32>
      %swap3A_80 = arith.constant 256 : index
      %swap3A_81 = tpu.vector_load %arg22[%swap3A_80] {strides = array<i32>} : memref<784xi32, #tpu.memory_space<vmem>>, vector<16xi32>,
      tpu.vector_store %arg22[%swap3A_80], %broadcast_in_dim3A_79 {strides = array<i32>} : memref<784xi32, #tpu.memory_space<vmem>>, vector<16xi32>,
      %broadcast_in_dim3A_82 = arith.constant 0 : i32
      %broadcast_in_dim3A_83 = vector.broadcast %broadcast_in_dim3A_82 : i32 to vector<16xi32>
      %swap3A_84 = arith.constant 272 : index
      %swap3A_85 = tpu.vector_load %arg22[%swap3A_84] {strides = array<i32>} : memref<784xi32, #tpu.memory_space<vmem>>, vector<16xi32>,
      tpu.vector_store %arg22[%swap3A_84], %broadcast_in_dim3A_83 {strides = array<i32>} : memref<784xi32, #tpu.memory_space<vmem>>, vector<16xi32>,
      %broadcast_in_dim3A_86 = arith.constant 0 : i32
      %broadcast_in_dim3A_87 = vector.broadcast %broadcast_in_dim3A_86 : i32 to vector<16xi32>
      %swap3A_88 = arith.constant 288 : index
      %swap3A_89 = tpu.vector_load %arg22[%swap3A_88] {strides = array<i32>} : memref<784xi32, #tpu.memory_space<vmem>>, vector<16xi32>,
      tpu.vector_store %arg22[%swap3A_88], %broadcast_in_dim3A_87 {strides = array<i32>} : memref<784xi32, #tpu.memory_space<vmem>>, vector<16xi32>,
      %broadcast_in_dim3A_90 = arith.constant 0 : i32
      %broadcast_in_dim3A_91 = vector.broadcast %broadcast_in_dim3A_90 : i32 to vector<16xi32>
      %swap3A_92 = arith.constant 304 : index
      %swap3A_93 = tpu.vector_load %arg22[%swap3A_92] {strides = array<i32>} : memref<784xi32, #tpu.memory_space<vmem>>, vector<16xi32>,
      tpu.vector_store %arg22[%swap3A_92], %broadcast_in_dim3A_91 {strides = array<i32>} : memref<784xi32, #tpu.memory_space<vmem>>, vector<16xi32>,
      %broadcast_in_dim3A_94 = arith.constant 0 : i32
      %broadcast_in_dim3A_95 = vector.broadcast %broadcast_in_dim3A_94 : i32 to vector<16xi32>
      %swap3A_96 = arith.constant 320 : index
      %swap3A_97 = tpu.vector_load %arg22[%swap3A_96] {strides = array<i32>} : memref<784xi32, #tpu.memory_space<vmem>>, vector<16xi32>,
      tpu.vector_store %arg22[%swap3A_96], %broadcast_in_dim3A_95 {strides = array<i32>} : memref<784xi32, #tpu.memory_space<vmem>>, vector<16xi32>,
      %broadcast_in_dim3A_98 = arith.constant 0 : i32
      %broadcast_in_dim3A_99 = vector.broadcast %broadcast_in_dim3A_98 : i32 to vector<16xi32>
      %swap3A_100 = arith.constant 336 : index
      %swap3A_101 = tpu.vector_load %arg22[%swap3A_100] {strides = array<i32>} : memref<784xi32, #tpu.memory_space<vmem>>, vector<16xi32>,
      tpu.vector_store %arg22[%swap3A_100], %broadcast_in_dim3A_99 {strides = array<i32>} : memref<784xi32, #tpu.memory_space<vmem>>, vector<16xi32>,
      %broadcast_in_dim3A_102 = arith.constant 0 : i32
      %broadcast_in_dim3A_103 = vector.broadcast %broadcast_in_dim3A_102 : i32 to vector<16xi32>
      %swap3A_104 = arith.constant 352 : index
      %swap3A_105 = tpu.vector_load %arg22[%swap3A_104] {strides = array<i32>} : memref<784xi32, #tpu.memory_space<vmem>>, vector<16xi32>,
      tpu.vector_store %arg22[%swap3A_104], %broadcast_in_dim3A_103 {strides = array<i32>} : memref<784xi32, #tpu.memory_space<vmem>>, vector<16xi32>,
      %broadcast_in_dim3A_106 = arith.constant 0 : i32
      %broadcast_in_dim3A_107 = vector.broadcast %broadcast_in_dim3A_106 : i32 to vector<16xi32>
      %swap3A_108 = arith.constant 368 : index
      %swap3A_109 = tpu.vector_load %arg22[%swap3A_108] {strides = array<i32>} : memref<784xi32, #tpu.memory_space<vmem>>, vector<16xi32>,
      tpu.vector_store %arg22[%swap3A_108], %broadcast_in_dim3A_107 {strides = array<i32>} : memref<784xi32, #tpu.memory_space<vmem>>, vector<16xi32>,
      %broadcast_in_dim3A_110 = arith.constant 0 : i32
      %broadcast_in_dim3A_111 = vector.broadcast %broadcast_in_dim3A_110 : i32 to vector<16xi32>
      %swap3A_112 = arith.constant 384 : index
      %swap3A_113 = tpu.vector_load %arg22[%swap3A_112] {strides = array<i32>} : memref<784xi32, #tpu.memory_space<vmem>>, vector<16xi32>,
      tpu.vector_store %arg22[%swap3A_112], %broadcast_in_dim3A_111 {strides = array<i32>} : memref<784xi32, #tpu.memory_space<vmem>>, vector<16xi32>,
      %broadcast_in_dim3A_114 = arith.constant 0 : i32
      %broadcast_in_dim3A_115 = vector.broadcast %broadcast_in_dim3A_114 : i32 to vector<16xi32>
      %swap3A_116 = arith.constant 400 : index
      %swap3A_117 = tpu.vector_load %arg22[%swap3A_116] {strides = array<i32>} : memref<784xi32, #tpu.memory_space<vmem>>, vector<16xi32>,
      tpu.vector_store %arg22[%swap3A_116], %broadcast_in_dim3A_115 {strides = array<i32>} : memref<784xi32, #tpu.memory_space<vmem>>, vector<16xi32>,
      %broadcast_in_dim3A_118 = arith.constant 0 : i32
      %broadcast_in_dim3A_119 = vector.broadcast %broadcast_in_dim3A_118 : i32 to vector<16xi32>
      %swap3A_120 = arith.constant 416 : index
      %swap3A_121 = tpu.vector_load %arg22[%swap3A_120] {strides = array<i32>} : memref<784xi32, #tpu.memory_space<vmem>>, vector<16xi32>,
      tpu.vector_store %arg22[%swap3A_120], %broadcast_in_dim3A_119 {strides = array<i32>} : memref<784xi32, #tpu.memory_space<vmem>>, vector<16xi32>,
      %broadcast_in_dim3A_122 = arith.constant 0 : i32
      %broadcast_in_dim3A_123 = vector.broadcast %broadcast_in_dim3A_122 : i32 to vector<16xi32>
      %swap3A_124 = arith.constant 432 : index
      %swap3A_125 = tpu.vector_load %arg22[%swap3A_124] {strides = array<i32>} : memref<784xi32, #tpu.memory_space<vmem>>, vector<16xi32>,
      tpu.vector_store %arg22[%swap3A_124], %broadcast_in_dim3A_123 {strides = array<i32>} : memref<784xi32, #tpu.memory_space<vmem>>, vector<16xi32>,
      %broadcast_in_dim3A_126 = arith.constant 0 : i32
      %broadcast_in_dim3A_127 = vector.broadcast %broadcast_in_dim3A_126 : i32 to vector<16xi32>
      %swap3A_128 = arith.constant 448 : index
      %swap3A_129 = tpu.vector_load %arg22[%swap3A_128] {strides = array<i32>} : memref<784xi32, #tpu.memory_space<vmem>>, vector<16xi32>,
      tpu.vector_store %arg22[%swap3A_128], %broadcast_in_dim3A_127 {strides = array<i32>} : memref<784xi32, #tpu.memory_space<vmem>>, vector<16xi32>,
      %broadcast_in_dim3A_130 = arith.constant 0 : i32
      %broadcast_in_dim3A_131 = vector.broadcast %broadcast_in_dim3A_130 : i32 to vector<16xi32>
      %swap3A_132 = arith.constant 464 : index
      %swap3A_133 = tpu.vector_load %arg22[%swap3A_132] {strides = array<i32>} : memref<784xi32, #tpu.memory_space<vmem>>, vector<16xi32>,
      tpu.vector_store %arg22[%swap3A_132], %broadcast_in_dim3A_131 {strides = array<i32>} : memref<784xi32, #tpu.memory_space<vmem>>, vector<16xi32>,
      %broadcast_in_dim3A_134 = arith.constant 0 : i32
      %broadcast_in_dim3A_135 = vector.broadcast %broadcast_in_dim3A_134 : i32 to vector<16xi32>
      %swap3A_136 = arith.constant 480 : index
      %swap3A_137 = tpu.vector_load %arg22[%swap3A_136] {strides = array<i32>} : memref<784xi32, #tpu.memory_space<vmem>>, vector<16xi32>,
      tpu.vector_store %arg22[%swap3A_136], %broadcast_in_dim3A_135 {strides = array<i32>} : memref<784xi32, #tpu.memory_space<vmem>>, vector<16xi32>,
      %broadcast_in_dim3A_138 = arith.constant 0 : i32
      %broadcast_in_dim3A_139 = vector.broadcast %broadcast_in_dim3A_138 : i32 to vector<16xi32>
      %swap3A_140 = arith.constant 496 : index
      %swap3A_141 = tpu.vector_load %arg22[%swap3A_140] {strides = array<i32>} : memref<784xi32, #tpu.memory_space<vmem>>, vector<16xi32>,
      tpu.vector_store %arg22[%swap3A_140], %broadcast_in_dim3A_139 {strides = array<i32>} : memref<784xi32, #tpu.memory_space<vmem>>, vector<16xi32>,
      %broadcast_in_dim3A_142 = arith.constant 0 : i32
      %broadcast_in_dim3A_143 = vector.broadcast %broadcast_in_dim3A_142 : i32 to vector<16xi32>
      %swap3A_144 = arith.constant 512 : index
      %swap3A_145 = tpu.vector_load %arg22[%swap3A_144] {strides = array<i32>} : memref<784xi32, #tpu.memory_space<vmem>>, vector<16xi32>,
      tpu.vector_store %arg22[%swap3A_144], %broadcast_in_dim3A_143 {strides = array<i32>} : memref<784xi32, #tpu.memory_space<vmem>>, vector<16xi32>,
      %broadcast_in_dim3A_146 = arith.constant 0 : i32
      %broadcast_in_dim3A_147 = vector.broadcast %broadcast_in_dim3A_146 : i32 to vector<16xi32>
      %swap3A_148 = arith.constant 528 : index
      %swap3A_149 = tpu.vector_load %arg22[%swap3A_148] {strides = array<i32>} : memref<784xi32, #tpu.memory_space<vmem>>, vector<16xi32>,
      tpu.vector_store %arg22[%swap3A_148], %broadcast_in_dim3A_147 {strides = array<i32>} : memref<784xi32, #tpu.memory_space<vmem>>, vector<16xi32>,
      %broadcast_in_dim3A_150 = arith.constant 0 : i32
      %broadcast_in_dim3A_151 = vector.broadcast %broadcast_in_dim3A_150 : i32 to vector<16xi32>
      %swap3A_152 = arith.constant 544 : index
      %swap3A_153 = tpu.vector_load %arg22[%swap3A_152] {strides = array<i32>} : memref<784xi32, #tpu.memory_space<vmem>>, vector<16xi32>,
      tpu.vector_store %arg22[%swap3A_152], %broadcast_in_dim3A_151 {strides = array<i32>} : memref<784xi32, #tpu.memory_space<vmem>>, vector<16xi32>,
      %broadcast_in_dim3A_154 = arith.constant 0 : i32
      %broadcast_in_dim3A_155 = vector.broadcast %broadcast_in_dim3A_154 : i32 to vector<16xi32>
      %swap3A_156 = arith.constant 560 : index
      %swap3A_157 = tpu.vector_load %arg22[%swap3A_156] {strides = array<i32>} : memref<784xi32, #tpu.memory_space<vmem>>, vector<16xi32>,
      tpu.vector_store %arg22[%swap3A_156], %broadcast_in_dim3A_155 {strides = array<i32>} : memref<784xi32, #tpu.memory_space<vmem>>, vector<16xi32>,
      %broadcast_in_dim3A_158 = arith.constant 0 : i32
      %broadcast_in_dim3A_159 = vector.broadcast %broadcast_in_dim3A_158 : i32 to vector<16xi32>
      %swap3A_160 = arith.constant 576 : index
      %swap3A_161 = tpu.vector_load %arg22[%swap3A_160] {strides = array<i32>} : memref<784xi32, #tpu.memory_space<vmem>>, vector<16xi32>,
      tpu.vector_store %arg22[%swap3A_160], %broadcast_in_dim3A_159 {strides = array<i32>} : memref<784xi32, #tpu.memory_space<vmem>>, vector<16xi32>,
      %broadcast_in_dim3A_162 = arith.constant 0 : i32
      %broadcast_in_dim3A_163 = vector.broadcast %broadcast_in_dim3A_162 : i32 to vector<16xi32>
      %swap3A_164 = arith.constant 592 : index
      %swap3A_165 = tpu.vector_load %arg22[%swap3A_164] {strides = array<i32>} : memref<784xi32, #tpu.memory_space<vmem>>, vector<16xi32>,
      tpu.vector_store %arg22[%swap3A_164], %broadcast_in_dim3A_163 {strides = array<i32>} : memref<784xi32, #tpu.memory_space<vmem>>, vector<16xi32>,
      %broadcast_in_dim3A_166 = arith.constant 0 : i32
      %broadcast_in_dim3A_167 = vector.broadcast %broadcast_in_dim3A_166 : i32 to vector<16xi32>
      %swap3A_168 = arith.constant 608 : index
      %swap3A_169 = tpu.vector_load %arg22[%swap3A_168] {strides = array<i32>} : memref<784xi32, #tpu.memory_space<vmem>>, vector<16xi32>,
      tpu.vector_store %arg22[%swap3A_168], %broadcast_in_dim3A_167 {strides = array<i32>} : memref<784xi32, #tpu.memory_space<vmem>>, vector<16xi32>,
      %broadcast_in_dim3A_170 = arith.constant 0 : i32
      %broadcast_in_dim3A_171 = vector.broadcast %broadcast_in_dim3A_170 : i32 to vector<16xi32>
      %swap3A_172 = arith.constant 624 : index
      %swap3A_173 = tpu.vector_load %arg22[%swap3A_172] {strides = array<i32>} : memref<784xi32, #tpu.memory_space<vmem>>, vector<16xi32>,
      tpu.vector_store %arg22[%swap3A_172], %broadcast_in_dim3A_171 {strides = array<i32>} : memref<784xi32, #tpu.memory_space<vmem>>, vector<16xi32>,
      %broadcast_in_dim3A_174 = arith.constant 0 : i32
      %broadcast_in_dim3A_175 = vector.broadcast %broadcast_in_dim3A_174 : i32 to vector<16xi32>
      %swap3A_176 = arith.constant 640 : index
      %swap3A_177 = tpu.vector_load %arg22[%swap3A_176] {strides = array<i32>} : memref<784xi32, #tpu.memory_space<vmem>>, vector<16xi32>,
      tpu.vector_store %arg22[%swap3A_176], %broadcast_in_dim3A_175 {strides = array<i32>} : memref<784xi32, #tpu.memory_space<vmem>>, vector<16xi32>,
      %broadcast_in_dim3A_178 = arith.constant 0 : i32
      %broadcast_in_dim3A_179 = vector.broadcast %broadcast_in_dim3A_178 : i32 to vector<16xi32>
      %swap3A_180 = arith.constant 656 : index
      %swap3A_181 = tpu.vector_load %arg22[%swap3A_180] {strides = array<i32>} : memref<784xi32, #tpu.memory_space<vmem>>, vector<16xi32>,
      tpu.vector_store %arg22[%swap3A_180], %broadcast_in_dim3A_179 {strides = array<i32>} : memref<784xi32, #tpu.memory_space<vmem>>, vector<16xi32>,
      %broadcast_in_dim3A_182 = arith.constant 0 : i32
      %broadcast_in_dim3A_183 = vector.broadcast %broadcast_in_dim3A_182 : i32 to vector<16xi32>
      %swap3A_184 = arith.constant 672 : index
      %swap3A_185 = tpu.vector_load %arg22[%swap3A_184] {strides = array<i32>} : memref<784xi32, #tpu.memory_space<vmem>>, vector<16xi32>,
      tpu.vector_store %arg22[%swap3A_184], %broadcast_in_dim3A_183 {strides = array<i32>} : memref<784xi32, #tpu.memory_space<vmem>>, vector<16xi32>,
      %broadcast_in_dim3A_186 = arith.constant 0 : i32
      %broadcast_in_dim3A_187 = vector.broadcast %broadcast_in_dim3A_186 : i32 to vector<16xi32>
      %swap3A_188 = arith.constant 688 : index
      %swap3A_189 = tpu.vector_load %arg22[%swap3A_188] {strides = array<i32>} : memref<784xi32, #tpu.memory_space<vmem>>, vector<16xi32>,
      tpu.vector_store %arg22[%swap3A_188], %broadcast_in_dim3A_187 {strides = array<i32>} : memref<784xi32, #tpu.memory_space<vmem>>, vector<16xi32>,
      %broadcast_in_dim3A_190 = arith.constant 0 : i32
      %broadcast_in_dim3A_191 = vector.broadcast %broadcast_in_dim3A_190 : i32 to vector<16xi32>
      %swap3A_192 = arith.constant 704 : index
      %swap3A_193 = tpu.vector_load %arg22[%swap3A_192] {strides = array<i32>} : memref<784xi32, #tpu.memory_space<vmem>>, vector<16xi32>,
      tpu.vector_store %arg22[%swap3A_192], %broadcast_in_dim3A_191 {strides = array<i32>} : memref<784xi32, #tpu.memory_space<vmem>>, vector<16xi32>,
      %broadcast_in_dim3A_194 = arith.constant 0 : i32
      %broadcast_in_dim3A_195 = vector.broadcast %broadcast_in_dim3A_194 : i32 to vector<16xi32>
      %swap3A_196 = arith.constant 720 : index
      %swap3A_197 = tpu.vector_load %arg22[%swap3A_196] {strides = array<i32>} : memref<784xi32, #tpu.memory_space<vmem>>, vector<16xi32>,
      tpu.vector_store %arg22[%swap3A_196], %broadcast_in_dim3A_195 {strides = array<i32>} : memref<784xi32, #tpu.memory_space<vmem>>, vector<16xi32>,
      %broadcast_in_dim3A_198 = arith.constant 0 : i32
      %broadcast_in_dim3A_199 = vector.broadcast %broadcast_in_dim3A_198 : i32 to vector<16xi32>
      %swap3A_200 = arith.constant 736 : index
      %swap3A_201 = tpu.vector_load %arg22[%swap3A_200] {strides = array<i32>} : memref<784xi32, #tpu.memory_space<vmem>>, vector<16xi32>,
      tpu.vector_store %arg22[%swap3A_200], %broadcast_in_dim3A_199 {strides = array<i32>} : memref<784xi32, #tpu.memory_space<vmem>>, vector<16xi32>,
      %broadcast_in_dim3A_202 = arith.constant 0 : i32
      %broadcast_in_dim3A_203 = vector.broadcast %broadcast_in_dim3A_202 : i32 to vector<16xi32>
      %swap3A_204 = arith.constant 752 : index
      %swap3A_205 = tpu.vector_load %arg22[%swap3A_204] {strides = array<i32>} : memref<784xi32, #tpu.memory_space<vmem>>, vector<16xi32>,
      tpu.vector_store %arg22[%swap3A_204], %broadcast_in_dim3A_203 {strides = array<i32>} : memref<784xi32, #tpu.memory_space<vmem>>, vector<16xi32>,
      %broadcast_in_dim3A_206 = arith.constant 0 : i32
      %broadcast_in_dim3A_207 = vector.broadcast %broadcast_in_dim3A_206 : i32 to vector<16xi32>
      %swap3A_208 = arith.constant 768 : index
      %swap3A_209 = tpu.vector_load %arg22[%swap3A_208] {strides = array<i32>} : memref<784xi32, #tpu.memory_space<vmem>>, vector<16xi32>,
      tpu.vector_store %arg22[%swap3A_208], %broadcast_in_dim3A_207 {strides = array<i32>} : memref<784xi32, #tpu.memory_space<vmem>>, vector<16xi32>,
      %broadcast_in_dim3A_210 = arith.constant 0 : i32
      %broadcast_in_dim3A_211 = vector.broadcast %broadcast_in_dim3A_210 : i32 to vector<16xi32>
      %scan3A = arith.constant 0 : i32
      %scan3A_212 = arith.constant 64 : i32
      %scan3A_213 = arith.addi %scan3A, %scan3A_212 : i32
      %scan3A_214 = arith.constant 1 : i32
      %scan3A_215 = scf.for %scan3A_423 = %scan3A to %scan3A_213 step %scan3A_214 iter_args(%scan3A_424 = %broadcast_in_dim3A_211) -> (vector<16xi32>)  : i32 {
        %mul3A_425 = arith.constant 8 : i32
        %mul3A_426 = arith.muli %scan3A_423, %mul3A_425 : i32
        %add3A_427 = arith.constant 0 : i32
        %add3A_428 = arith.addi %mul3A_426, %add3A_427 : i32
        %mul3A_429 = arith.constant 16 : i32
        %mul3A_430 = arith.muli %add3A_428, %mul3A_429 : i32
        %get3A_431 = arith.index_cast %mul3A_430 : i32 to index
        %get3A_432 = tpu.vector_load %arg21[%get3A_431] {strides = array<i32>} : memref<8192xi32, #tpu.memory_space<vmem>>, vector<16xi32>,
        %mul3A_433 = arith.constant 16 : i32
        %mul3A_434 = arith.muli %add3A_428, %mul3A_433 : i32
        %add3A_435 = arith.addi %mul3A_10, %mul3A_434 : i32
        %add3A_436 = vector.broadcast %add3A_435 : i32 to vector<16xi32>
        %add3A_437 = arith.addi %add3A_436, %iota3A : vector<16xi32>
        %sub3A_438 = arith.constant 65535 : i32
        %sub3A_439 = vector.broadcast %sub3A_438 : i32 to vector<16xi32>
        %sub3A_440 = arith.subi %sub3A_439, %add3A_437 : vector<16xi32>
        %gt3A = vector.broadcast %squeeze3A : i32 to vector<16xi32>
        %gt3A_441 = arith.cmpi sgt, %get3A_432, %gt3A : vector<16xi32>
        %eq3A_442 = vector.broadcast %squeeze3A : i32 to vector<16xi32>
        %eq3A_443 = arith.cmpi eq, %get3A_432, %eq3A_442 : vector<16xi32>
        %ge3A_444 = vector.broadcast %squeeze3A_15 : i32 to vector<16xi32>
        %ge3A_445 = arith.cmpi sge, %sub3A_440, %ge3A_444 : vector<16xi32>
        %and3A_446 = arith.andi %eq3A_443, %ge3A_445 : vector<16xi1>
        %or3A = arith.ori %gt3A_441, %and3A_446 : vector<16xi1>
        %convert_element_type3A_447 = arith.extui %or3A : vector<16xi1> to vector<16xi32>
        %add3A_448 = arith.addi %scan3A_424, %convert_element_type3A_447 : vector<16xi32>
        %mul3A_449 = arith.constant 8 : i32
        %mul3A_450 = arith.muli %scan3A_423, %mul3A_449 : i32
        %add3A_451 = arith.constant 1 : i32
        %add3A_452 = arith.addi %mul3A_450, %add3A_451 : i32
        %mul3A_453 = arith.constant 16 : i32
        %mul3A_454 = arith.muli %add3A_452, %mul3A_453 : i32
        %get3A_455 = arith.index_cast %mul3A_454 : i32 to index
        %get3A_456 = tpu.vector_load %arg21[%get3A_455] {strides = array<i32>} : memref<8192xi32, #tpu.memory_space<vmem>>, vector<16xi32>,
        %mul3A_457 = arith.constant 16 : i32
        %mul3A_458 = arith.muli %add3A_452, %mul3A_457 : i32
        %add3A_459 = arith.addi %mul3A_10, %mul3A_458 : i32
        %add3A_460 = vector.broadcast %add3A_459 : i32 to vector<16xi32>
        %add3A_461 = arith.addi %add3A_460, %iota3A : vector<16xi32>
        %sub3A_462 = arith.constant 65535 : i32
        %sub3A_463 = vector.broadcast %sub3A_462 : i32 to vector<16xi32>
        %sub3A_464 = arith.subi %sub3A_463, %add3A_461 : vector<16xi32>
        %gt3A_465 = vector.broadcast %squeeze3A : i32 to vector<16xi32>
        %gt3A_466 = arith.cmpi sgt, %get3A_456, %gt3A_465 : vector<16xi32>
        %eq3A_467 = vector.broadcast %squeeze3A : i32 to vector<16xi32>
        %eq3A_468 = arith.cmpi eq, %get3A_456, %eq3A_467 : vector<16xi32>
        %ge3A_469 = vector.broadcast %squeeze3A_15 : i32 to vector<16xi32>
        %ge3A_470 = arith.cmpi sge, %sub3A_464, %ge3A_469 : vector<16xi32>
        %and3A_471 = arith.andi %eq3A_468, %ge3A_470 : vector<16xi1>
        %or3A_472 = arith.ori %gt3A_466, %and3A_471 : vector<16xi1>
        %convert_element_type3A_473 = arith.extui %or3A_472 : vector<16xi1> to vector<16xi32>
        %add3A_474 = arith.addi %add3A_448, %convert_element_type3A_473 : vector<16xi32>
        %mul3A_475 = arith.constant 8 : i32
        %mul3A_476 = arith.muli %scan3A_423, %mul3A_475 : i32
        %add3A_477 = arith.constant 2 : i32
        %add3A_478 = arith.addi %mul3A_476, %add3A_477 : i32
        %mul3A_479 = arith.constant 16 : i32
        %mul3A_480 = arith.muli %add3A_478, %mul3A_479 : i32
        %get3A_481 = arith.index_cast %mul3A_480 : i32 to index
        %get3A_482 = tpu.vector_load %arg21[%get3A_481] {strides = array<i32>} : memref<8192xi32, #tpu.memory_space<vmem>>, vector<16xi32>,
        %mul3A_483 = arith.constant 16 : i32
        %mul3A_484 = arith.muli %add3A_478, %mul3A_483 : i32
        %add3A_485 = arith.addi %mul3A_10, %mul3A_484 : i32
        %add3A_486 = vector.broadcast %add3A_485 : i32 to vector<16xi32>
        %add3A_487 = arith.addi %add3A_486, %iota3A : vector<16xi32>
        %sub3A_488 = arith.constant 65535 : i32
        %sub3A_489 = vector.broadcast %sub3A_488 : i32 to vector<16xi32>
        %sub3A_490 = arith.subi %sub3A_489, %add3A_487 : vector<16xi32>
        %gt3A_491 = vector.broadcast %squeeze3A : i32 to vector<16xi32>
        %gt3A_492 = arith.cmpi sgt, %get3A_482, %gt3A_491 : vector<16xi32>
        %eq3A_493 = vector.broadcast %squeeze3A : i32 to vector<16xi32>
        %eq3A_494 = arith.cmpi eq, %get3A_482, %eq3A_493 : vector<16xi32>
        %ge3A_495 = vector.broadcast %squeeze3A_15 : i32 to vector<16xi32>
        %ge3A_496 = arith.cmpi sge, %sub3A_490, %ge3A_495 : vector<16xi32>
        %and3A_497 = arith.andi %eq3A_494, %ge3A_496 : vector<16xi1>
        %or3A_498 = arith.ori %gt3A_492, %and3A_497 : vector<16xi1>
        %convert_element_type3A_499 = arith.extui %or3A_498 : vector<16xi1> to vector<16xi32>
        %add3A_500 = arith.addi %add3A_474, %convert_element_type3A_499 : vector<16xi32>
        %mul3A_501 = arith.constant 8 : i32
        %mul3A_502 = arith.muli %scan3A_423, %mul3A_501 : i32
        %add3A_503 = arith.constant 3 : i32
        %add3A_504 = arith.addi %mul3A_502, %add3A_503 : i32
        %mul3A_505 = arith.constant 16 : i32
        %mul3A_506 = arith.muli %add3A_504, %mul3A_505 : i32
        %get3A_507 = arith.index_cast %mul3A_506 : i32 to index
        %get3A_508 = tpu.vector_load %arg21[%get3A_507] {strides = array<i32>} : memref<8192xi32, #tpu.memory_space<vmem>>, vector<16xi32>,
        %mul3A_509 = arith.constant 16 : i32
        %mul3A_510 = arith.muli %add3A_504, %mul3A_509 : i32
        %add3A_511 = arith.addi %mul3A_10, %mul3A_510 : i32
        %add3A_512 = vector.broadcast %add3A_511 : i32 to vector<16xi32>
        %add3A_513 = arith.addi %add3A_512, %iota3A : vector<16xi32>
        %sub3A_514 = arith.constant 65535 : i32
        %sub3A_515 = vector.broadcast %sub3A_514 : i32 to vector<16xi32>
        %sub3A_516 = arith.subi %sub3A_515, %add3A_513 : vector<16xi32>
        %gt3A_517 = vector.broadcast %squeeze3A : i32 to vector<16xi32>
        %gt3A_518 = arith.cmpi sgt, %get3A_508, %gt3A_517 : vector<16xi32>
        %eq3A_519 = vector.broadcast %squeeze3A : i32 to vector<16xi32>
        %eq3A_520 = arith.cmpi eq, %get3A_508, %eq3A_519 : vector<16xi32>
        %ge3A_521 = vector.broadcast %squeeze3A_15 : i32 to vector<16xi32>
        %ge3A_522 = arith.cmpi sge, %sub3A_516, %ge3A_521 : vector<16xi32>
        %and3A_523 = arith.andi %eq3A_520, %ge3A_522 : vector<16xi1>
        %or3A_524 = arith.ori %gt3A_518, %and3A_523 : vector<16xi1>
        %convert_element_type3A_525 = arith.extui %or3A_524 : vector<16xi1> to vector<16xi32>
        %add3A_526 = arith.addi %add3A_500, %convert_element_type3A_525 : vector<16xi32>
        %mul3A_527 = arith.constant 8 : i32
        %mul3A_528 = arith.muli %scan3A_423, %mul3A_527 : i32
        %add3A_529 = arith.constant 4 : i32
        %add3A_530 = arith.addi %mul3A_528, %add3A_529 : i32
        %mul3A_531 = arith.constant 16 : i32
        %mul3A_532 = arith.muli %add3A_530, %mul3A_531 : i32
        %get3A_533 = arith.index_cast %mul3A_532 : i32 to index
        %get3A_534 = tpu.vector_load %arg21[%get3A_533] {strides = array<i32>} : memref<8192xi32, #tpu.memory_space<vmem>>, vector<16xi32>,
        %mul3A_535 = arith.constant 16 : i32
        %mul3A_536 = arith.muli %add3A_530, %mul3A_535 : i32
        %add3A_537 = arith.addi %mul3A_10, %mul3A_536 : i32
        %add3A_538 = vector.broadcast %add3A_537 : i32 to vector<16xi32>
        %add3A_539 = arith.addi %add3A_538, %iota3A : vector<16xi32>
        %sub3A_540 = arith.constant 65535 : i32
        %sub3A_541 = vector.broadcast %sub3A_540 : i32 to vector<16xi32>
        %sub3A_542 = arith.subi %sub3A_541, %add3A_539 : vector<16xi32>
        %gt3A_543 = vector.broadcast %squeeze3A : i32 to vector<16xi32>
        %gt3A_544 = arith.cmpi sgt, %get3A_534, %gt3A_543 : vector<16xi32>
        %eq3A_545 = vector.broadcast %squeeze3A : i32 to vector<16xi32>
        %eq3A_546 = arith.cmpi eq, %get3A_534, %eq3A_545 : vector<16xi32>
        %ge3A_547 = vector.broadcast %squeeze3A_15 : i32 to vector<16xi32>
        %ge3A_548 = arith.cmpi sge, %sub3A_542, %ge3A_547 : vector<16xi32>
        %and3A_549 = arith.andi %eq3A_546, %ge3A_548 : vector<16xi1>
        %or3A_550 = arith.ori %gt3A_544, %and3A_549 : vector<16xi1>
        %convert_element_type3A_551 = arith.extui %or3A_550 : vector<16xi1> to vector<16xi32>
        %add3A_552 = arith.addi %add3A_526, %convert_element_type3A_551 : vector<16xi32>
        %mul3A_553 = arith.constant 8 : i32
        %mul3A_554 = arith.muli %scan3A_423, %mul3A_553 : i32
        %add3A_555 = arith.constant 5 : i32
        %add3A_556 = arith.addi %mul3A_554, %add3A_555 : i32
        %mul3A_557 = arith.constant 16 : i32
        %mul3A_558 = arith.muli %add3A_556, %mul3A_557 : i32
        %get3A_559 = arith.index_cast %mul3A_558 : i32 to index
        %get3A_560 = tpu.vector_load %arg21[%get3A_559] {strides = array<i32>} : memref<8192xi32, #tpu.memory_space<vmem>>, vector<16xi32>,
        %mul3A_561 = arith.constant 16 : i32
        %mul3A_562 = arith.muli %add3A_556, %mul3A_561 : i32
        %add3A_563 = arith.addi %mul3A_10, %mul3A_562 : i32
        %add3A_564 = vector.broadcast %add3A_563 : i32 to vector<16xi32>
        %add3A_565 = arith.addi %add3A_564, %iota3A : vector<16xi32>
        %sub3A_566 = arith.constant 65535 : i32
        %sub3A_567 = vector.broadcast %sub3A_566 : i32 to vector<16xi32>
        %sub3A_568 = arith.subi %sub3A_567, %add3A_565 : vector<16xi32>
        %gt3A_569 = vector.broadcast %squeeze3A : i32 to vector<16xi32>
        %gt3A_570 = arith.cmpi sgt, %get3A_560, %gt3A_569 : vector<16xi32>
        %eq3A_571 = vector.broadcast %squeeze3A : i32 to vector<16xi32>
        %eq3A_572 = arith.cmpi eq, %get3A_560, %eq3A_571 : vector<16xi32>
        %ge3A_573 = vector.broadcast %squeeze3A_15 : i32 to vector<16xi32>
        %ge3A_574 = arith.cmpi sge, %sub3A_568, %ge3A_573 : vector<16xi32>
        %and3A_575 = arith.andi %eq3A_572, %ge3A_574 : vector<16xi1>
        %or3A_576 = arith.ori %gt3A_570, %and3A_575 : vector<16xi1>
        %convert_element_type3A_577 = arith.extui %or3A_576 : vector<16xi1> to vector<16xi32>
        %add3A_578 = arith.addi %add3A_552, %convert_element_type3A_577 : vector<16xi32>
        %mul3A_579 = arith.constant 8 : i32
        %mul3A_580 = arith.muli %scan3A_423, %mul3A_579 : i32
        %add3A_581 = arith.constant 6 : i32
        %add3A_582 = arith.addi %mul3A_580, %add3A_581 : i32
        %mul3A_583 = arith.constant 16 : i32
        %mul3A_584 = arith.muli %add3A_582, %mul3A_583 : i32
        %get3A_585 = arith.index_cast %mul3A_584 : i32 to index
        %get3A_586 = tpu.vector_load %arg21[%get3A_585] {strides = array<i32>} : memref<8192xi32, #tpu.memory_space<vmem>>, vector<16xi32>,
        %mul3A_587 = arith.constant 16 : i32
        %mul3A_588 = arith.muli %add3A_582, %mul3A_587 : i32
        %add3A_589 = arith.addi %mul3A_10, %mul3A_588 : i32
        %add3A_590 = vector.broadcast %add3A_589 : i32 to vector<16xi32>
        %add3A_591 = arith.addi %add3A_590, %iota3A : vector<16xi32>
        %sub3A_592 = arith.constant 65535 : i32
        %sub3A_593 = vector.broadcast %sub3A_592 : i32 to vector<16xi32>
        %sub3A_594 = arith.subi %sub3A_593, %add3A_591 : vector<16xi32>
        %gt3A_595 = vector.broadcast %squeeze3A : i32 to vector<16xi32>
        %gt3A_596 = arith.cmpi sgt, %get3A_586, %gt3A_595 : vector<16xi32>
        %eq3A_597 = vector.broadcast %squeeze3A : i32 to vector<16xi32>
        %eq3A_598 = arith.cmpi eq, %get3A_586, %eq3A_597 : vector<16xi32>
        %ge3A_599 = vector.broadcast %squeeze3A_15 : i32 to vector<16xi32>
        %ge3A_600 = arith.cmpi sge, %sub3A_594, %ge3A_599 : vector<16xi32>
        %and3A_601 = arith.andi %eq3A_598, %ge3A_600 : vector<16xi1>
        %or3A_602 = arith.ori %gt3A_596, %and3A_601 : vector<16xi1>
        %convert_element_type3A_603 = arith.extui %or3A_602 : vector<16xi1> to vector<16xi32>
        %add3A_604 = arith.addi %add3A_578, %convert_element_type3A_603 : vector<16xi32>
        %mul3A_605 = arith.constant 8 : i32
        %mul3A_606 = arith.muli %scan3A_423, %mul3A_605 : i32
        %add3A_607 = arith.constant 7 : i32
        %add3A_608 = arith.addi %mul3A_606, %add3A_607 : i32
        %mul3A_609 = arith.constant 16 : i32
        %mul3A_610 = arith.muli %add3A_608, %mul3A_609 : i32
        %get3A_611 = arith.index_cast %mul3A_610 : i32 to index
        %get3A_612 = tpu.vector_load %arg21[%get3A_611] {strides = array<i32>} : memref<8192xi32, #tpu.memory_space<vmem>>, vector<16xi32>,
        %mul3A_613 = arith.constant 16 : i32
        %mul3A_614 = arith.muli %add3A_608, %mul3A_613 : i32
        %add3A_615 = arith.addi %mul3A_10, %mul3A_614 : i32
        %add3A_616 = vector.broadcast %add3A_615 : i32 to vector<16xi32>
        %add3A_617 = arith.addi %add3A_616, %iota3A : vector<16xi32>
        %sub3A_618 = arith.constant 65535 : i32
        %sub3A_619 = vector.broadcast %sub3A_618 : i32 to vector<16xi32>
        %sub3A_620 = arith.subi %sub3A_619, %add3A_617 : vector<16xi32>
        %gt3A_621 = vector.broadcast %squeeze3A : i32 to vector<16xi32>
        %gt3A_622 = arith.cmpi sgt, %get3A_612, %gt3A_621 : vector<16xi32>
        %eq3A_623 = vector.broadcast %squeeze3A : i32 to vector<16xi32>
        %eq3A_624 = arith.cmpi eq, %get3A_612, %eq3A_623 : vector<16xi32>
        %ge3A_625 = vector.broadcast %squeeze3A_15 : i32 to vector<16xi32>
        %ge3A_626 = arith.cmpi sge, %sub3A_620, %ge3A_625 : vector<16xi32>
        %and3A_627 = arith.andi %eq3A_624, %ge3A_626 : vector<16xi1>
        %or3A_628 = arith.ori %gt3A_622, %and3A_627 : vector<16xi1>
        %convert_element_type3A_629 = arith.extui %or3A_628 : vector<16xi1> to vector<16xi32>
        %add3A_630 = arith.addi %add3A_604, %convert_element_type3A_629 : vector<16xi32>
        scf.yield %add3A_630 : vector<16xi32>
      }
      %scan3A_216 = arith.constant 64 : i32
      %broadcast_in_dim3A_217 = arith.constant 0 : i32
      %broadcast_in_dim3A_218 = vector.broadcast %broadcast_in_dim3A_217 : i32 to vector<16xi32>
      %eq3A_219 = arith.constant 0 : i32
      %eq3A_220 = vector.broadcast %eq3A_219 : i32 to vector<16xi32>
      %eq3A_221 = arith.cmpi eq, %iota3A, %eq3A_220 : vector<16xi32>
      %jit3A = arith.constant 0 : i32
      %broadcast_in_dim3A_222 = vector.broadcast %jit3A : i32 to vector<16xi32>
      %select_n3A = arith.select %eq3A_221, %broadcast_in_dim3A_222, %broadcast_in_dim3A_218 : vector<16xi1>, vector<16xi32>
      %slice3A_223 = vector.extract_strided_slice %scan3A_215 {offsets = [0], sizes = [1], strides = [1]} : vector<16xi32> to vector<1xi32>
      %squeeze3A_224 = vector.extract %slice3A_223[0] : i32 from vector<1xi32>
      %add3A = arith.constant 0 : i32
      %add3A_225 = arith.addi %add3A, %squeeze3A_224 : i32
      %eq3A_226 = arith.constant 1 : i32
      %eq3A_227 = vector.broadcast %eq3A_226 : i32 to vector<16xi32>
      %eq3A_228 = arith.cmpi eq, %iota3A, %eq3A_227 : vector<16xi32>
      %broadcast_in_dim3A_229 = vector.broadcast %add3A_225 : i32 to vector<16xi32>
      %select_n3A_230 = arith.select %eq3A_228, %broadcast_in_dim3A_229, %select_n3A : vector<16xi1>, vector<16xi32>
      %slice3A_231 = vector.extract_strided_slice %scan3A_215 {offsets = [1], sizes = [1], strides = [1]} : vector<16xi32> to vector<1xi32>
      %squeeze3A_232 = vector.extract %slice3A_231[0] : i32 from vector<1xi32>
      %add3A_233 = arith.addi %add3A_225, %squeeze3A_232 : i32
      %eq3A_234 = arith.constant 2 : i32
      %eq3A_235 = vector.broadcast %eq3A_234 : i32 to vector<16xi32>
      %eq3A_236 = arith.cmpi eq, %iota3A, %eq3A_235 : vector<16xi32>
      %broadcast_in_dim3A_237 = vector.broadcast %add3A_233 : i32 to vector<16xi32>
      %select_n3A_238 = arith.select %eq3A_236, %broadcast_in_dim3A_237, %select_n3A_230 : vector<16xi1>, vector<16xi32>
      %slice3A_239 = vector.extract_strided_slice %scan3A_215 {offsets = [2], sizes = [1], strides = [1]} : vector<16xi32> to vector<1xi32>
      %squeeze3A_240 = vector.extract %slice3A_239[0] : i32 from vector<1xi32>
      %add3A_241 = arith.addi %add3A_233, %squeeze3A_240 : i32
      %eq3A_242 = arith.constant 3 : i32
      %eq3A_243 = vector.broadcast %eq3A_242 : i32 to vector<16xi32>
      %eq3A_244 = arith.cmpi eq, %iota3A, %eq3A_243 : vector<16xi32>
      %broadcast_in_dim3A_245 = vector.broadcast %add3A_241 : i32 to vector<16xi32>
      %select_n3A_246 = arith.select %eq3A_244, %broadcast_in_dim3A_245, %select_n3A_238 : vector<16xi1>, vector<16xi32>
      %slice3A_247 = vector.extract_strided_slice %scan3A_215 {offsets = [3], sizes = [1], strides = [1]} : vector<16xi32> to vector<1xi32>
      %squeeze3A_248 = vector.extract %slice3A_247[0] : i32 from vector<1xi32>
      %add3A_249 = arith.addi %add3A_241, %squeeze3A_248 : i32
      %eq3A_250 = arith.constant 4 : i32
      %eq3A_251 = vector.broadcast %eq3A_250 : i32 to vector<16xi32>
      %eq3A_252 = arith.cmpi eq, %iota3A, %eq3A_251 : vector<16xi32>
      %broadcast_in_dim3A_253 = vector.broadcast %add3A_249 : i32 to vector<16xi32>
      %select_n3A_254 = arith.select %eq3A_252, %broadcast_in_dim3A_253, %select_n3A_246 : vector<16xi1>, vector<16xi32>
      %slice3A_255 = vector.extract_strided_slice %scan3A_215 {offsets = [4], sizes = [1], strides = [1]} : vector<16xi32> to vector<1xi32>
      %squeeze3A_256 = vector.extract %slice3A_255[0] : i32 from vector<1xi32>
      %add3A_257 = arith.addi %add3A_249, %squeeze3A_256 : i32
      %eq3A_258 = arith.constant 5 : i32
      %eq3A_259 = vector.broadcast %eq3A_258 : i32 to vector<16xi32>
      %eq3A_260 = arith.cmpi eq, %iota3A, %eq3A_259 : vector<16xi32>
      %broadcast_in_dim3A_261 = vector.broadcast %add3A_257 : i32 to vector<16xi32>
      %select_n3A_262 = arith.select %eq3A_260, %broadcast_in_dim3A_261, %select_n3A_254 : vector<16xi1>, vector<16xi32>
      %slice3A_263 = vector.extract_strided_slice %scan3A_215 {offsets = [5], sizes = [1], strides = [1]} : vector<16xi32> to vector<1xi32>
      %squeeze3A_264 = vector.extract %slice3A_263[0] : i32 from vector<1xi32>
      %add3A_265 = arith.addi %add3A_257, %squeeze3A_264 : i32
      %eq3A_266 = arith.constant 6 : i32
      %eq3A_267 = vector.broadcast %eq3A_266 : i32 to vector<16xi32>
      %eq3A_268 = arith.cmpi eq, %iota3A, %eq3A_267 : vector<16xi32>
      %broadcast_in_dim3A_269 = vector.broadcast %add3A_265 : i32 to vector<16xi32>
      %select_n3A_270 = arith.select %eq3A_268, %broadcast_in_dim3A_269, %select_n3A_262 : vector<16xi1>, vector<16xi32>
      %slice3A_271 = vector.extract_strided_slice %scan3A_215 {offsets = [6], sizes = [1], strides = [1]} : vector<16xi32> to vector<1xi32>
      %squeeze3A_272 = vector.extract %slice3A_271[0] : i32 from vector<1xi32>
      %add3A_273 = arith.addi %add3A_265, %squeeze3A_272 : i32
      %eq3A_274 = arith.constant 7 : i32
      %eq3A_275 = vector.broadcast %eq3A_274 : i32 to vector<16xi32>
      %eq3A_276 = arith.cmpi eq, %iota3A, %eq3A_275 : vector<16xi32>
      %broadcast_in_dim3A_277 = vector.broadcast %add3A_273 : i32 to vector<16xi32>
      %select_n3A_278 = arith.select %eq3A_276, %broadcast_in_dim3A_277, %select_n3A_270 : vector<16xi1>, vector<16xi32>
      %slice3A_279 = vector.extract_strided_slice %scan3A_215 {offsets = [7], sizes = [1], strides = [1]} : vector<16xi32> to vector<1xi32>
      %squeeze3A_280 = vector.extract %slice3A_279[0] : i32 from vector<1xi32>
      %add3A_281 = arith.addi %add3A_273, %squeeze3A_280 : i32
      %eq3A_282 = arith.constant 8 : i32
      %eq3A_283 = vector.broadcast %eq3A_282 : i32 to vector<16xi32>
      %eq3A_284 = arith.cmpi eq, %iota3A, %eq3A_283 : vector<16xi32>
      %broadcast_in_dim3A_285 = vector.broadcast %add3A_281 : i32 to vector<16xi32>
      %select_n3A_286 = arith.select %eq3A_284, %broadcast_in_dim3A_285, %select_n3A_278 : vector<16xi1>, vector<16xi32>
      %slice3A_287 = vector.extract_strided_slice %scan3A_215 {offsets = [8], sizes = [1], strides = [1]} : vector<16xi32> to vector<1xi32>
      %squeeze3A_288 = vector.extract %slice3A_287[0] : i32 from vector<1xi32>
      %add3A_289 = arith.addi %add3A_281, %squeeze3A_288 : i32
      %eq3A_290 = arith.constant 9 : i32
      %eq3A_291 = vector.broadcast %eq3A_290 : i32 to vector<16xi32>
      %eq3A_292 = arith.cmpi eq, %iota3A, %eq3A_291 : vector<16xi32>
      %broadcast_in_dim3A_293 = vector.broadcast %add3A_289 : i32 to vector<16xi32>
      %select_n3A_294 = arith.select %eq3A_292, %broadcast_in_dim3A_293, %select_n3A_286 : vector<16xi1>, vector<16xi32>
      %slice3A_295 = vector.extract_strided_slice %scan3A_215 {offsets = [9], sizes = [1], strides = [1]} : vector<16xi32> to vector<1xi32>
      %squeeze3A_296 = vector.extract %slice3A_295[0] : i32 from vector<1xi32>
      %add3A_297 = arith.addi %add3A_289, %squeeze3A_296 : i32
      %eq3A_298 = arith.constant 10 : i32
      %eq3A_299 = vector.broadcast %eq3A_298 : i32 to vector<16xi32>
      %eq3A_300 = arith.cmpi eq, %iota3A, %eq3A_299 : vector<16xi32>
      %broadcast_in_dim3A_301 = vector.broadcast %add3A_297 : i32 to vector<16xi32>
      %select_n3A_302 = arith.select %eq3A_300, %broadcast_in_dim3A_301, %select_n3A_294 : vector<16xi1>, vector<16xi32>
      %slice3A_303 = vector.extract_strided_slice %scan3A_215 {offsets = [10], sizes = [1], strides = [1]} : vector<16xi32> to vector<1xi32>
      %squeeze3A_304 = vector.extract %slice3A_303[0] : i32 from vector<1xi32>
      %add3A_305 = arith.addi %add3A_297, %squeeze3A_304 : i32
      %eq3A_306 = arith.constant 11 : i32
      %eq3A_307 = vector.broadcast %eq3A_306 : i32 to vector<16xi32>
      %eq3A_308 = arith.cmpi eq, %iota3A, %eq3A_307 : vector<16xi32>
      %broadcast_in_dim3A_309 = vector.broadcast %add3A_305 : i32 to vector<16xi32>
      %select_n3A_310 = arith.select %eq3A_308, %broadcast_in_dim3A_309, %select_n3A_302 : vector<16xi1>, vector<16xi32>
      %slice3A_311 = vector.extract_strided_slice %scan3A_215 {offsets = [11], sizes = [1], strides = [1]} : vector<16xi32> to vector<1xi32>
      %squeeze3A_312 = vector.extract %slice3A_311[0] : i32 from vector<1xi32>
      %add3A_313 = arith.addi %add3A_305, %squeeze3A_312 : i32
      %eq3A_314 = arith.constant 12 : i32
      %eq3A_315 = vector.broadcast %eq3A_314 : i32 to vector<16xi32>
      %eq3A_316 = arith.cmpi eq, %iota3A, %eq3A_315 : vector<16xi32>
      %broadcast_in_dim3A_317 = vector.broadcast %add3A_313 : i32 to vector<16xi32>
      %select_n3A_318 = arith.select %eq3A_316, %broadcast_in_dim3A_317, %select_n3A_310 : vector<16xi1>, vector<16xi32>
      %slice3A_319 = vector.extract_strided_slice %scan3A_215 {offsets = [12], sizes = [1], strides = [1]} : vector<16xi32> to vector<1xi32>
      %squeeze3A_320 = vector.extract %slice3A_319[0] : i32 from vector<1xi32>
      %add3A_321 = arith.addi %add3A_313, %squeeze3A_320 : i32
      %eq3A_322 = arith.constant 13 : i32
      %eq3A_323 = vector.broadcast %eq3A_322 : i32 to vector<16xi32>
      %eq3A_324 = arith.cmpi eq, %iota3A, %eq3A_323 : vector<16xi32>
      %broadcast_in_dim3A_325 = vector.broadcast %add3A_321 : i32 to vector<16xi32>
      %select_n3A_326 = arith.select %eq3A_324, %broadcast_in_dim3A_325, %select_n3A_318 : vector<16xi1>, vector<16xi32>
      %slice3A_327 = vector.extract_strided_slice %scan3A_215 {offsets = [13], sizes = [1], strides = [1]} : vector<16xi32> to vector<1xi32>
      %squeeze3A_328 = vector.extract %slice3A_327[0] : i32 from vector<1xi32>
      %add3A_329 = arith.addi %add3A_321, %squeeze3A_328 : i32
      %eq3A_330 = arith.constant 14 : i32
      %eq3A_331 = vector.broadcast %eq3A_330 : i32 to vector<16xi32>
      %eq3A_332 = arith.cmpi eq, %iota3A, %eq3A_331 : vector<16xi32>
      %broadcast_in_dim3A_333 = vector.broadcast %add3A_329 : i32 to vector<16xi32>
      %select_n3A_334 = arith.select %eq3A_332, %broadcast_in_dim3A_333, %select_n3A_326 : vector<16xi1>, vector<16xi32>
      %slice3A_335 = vector.extract_strided_slice %scan3A_215 {offsets = [14], sizes = [1], strides = [1]} : vector<16xi32> to vector<1xi32>
      %squeeze3A_336 = vector.extract %slice3A_335[0] : i32 from vector<1xi32>
      %add3A_337 = arith.addi %add3A_329, %squeeze3A_336 : i32
      %eq3A_338 = arith.constant 15 : i32
      %eq3A_339 = vector.broadcast %eq3A_338 : i32 to vector<16xi32>
      %eq3A_340 = arith.cmpi eq, %iota3A, %eq3A_339 : vector<16xi32>
      %broadcast_in_dim3A_341 = vector.broadcast %add3A_337 : i32 to vector<16xi32>
      %select_n3A_342 = arith.select %eq3A_340, %broadcast_in_dim3A_341, %select_n3A_334 : vector<16xi1>, vector<16xi32>
      %slice3A_343 = vector.extract_strided_slice %scan3A_215 {offsets = [15], sizes = [1], strides = [1]} : vector<16xi32> to vector<1xi32>
      %squeeze3A_344 = vector.extract %slice3A_343[0] : i32 from vector<1xi32>
      %add3A_345 = arith.addi %add3A_337, %squeeze3A_344 : i32
      %scan3A_346 = arith.constant 0 : i32
      %scan3A_347 = arith.constant 64 : i32
      %scan3A_348 = arith.addi %scan3A_346, %scan3A_347 : i32
      %scan3A_349 = arith.constant 1 : i32
      %scan3A_350 = scf.for %scan3A_423 = %scan3A_346 to %scan3A_348 step %scan3A_349 iter_args(%scan3A_424 = %broadcast_in_dim3A_218) -> (vector<16xi32>)  : i32 {
        %mul3A_425 = arith.constant 8 : i32
        %mul3A_426 = arith.muli %scan3A_423, %mul3A_425 : i32
        %add3A_427 = arith.constant 0 : i32
        %add3A_428 = arith.addi %mul3A_426, %add3A_427 : i32
        %mul3A_429 = arith.constant 16 : i32
        %mul3A_430 = arith.muli %add3A_428, %mul3A_429 : i32
        %get3A_431 = arith.index_cast %mul3A_430 : i32 to index
        %get3A_432 = tpu.vector_load %arg21[%get3A_431] {strides = array<i32>} : memref<8192xi32, #tpu.memory_space<vmem>>, vector<16xi32>,
        %mul3A_433 = arith.constant 16 : i32
        %mul3A_434 = arith.muli %add3A_428, %mul3A_433 : i32
        %add3A_435 = arith.addi %mul3A_10, %mul3A_434 : i32
        %add3A_436 = vector.broadcast %add3A_435 : i32 to vector<16xi32>
        %add3A_437 = arith.addi %add3A_436, %iota3A : vector<16xi32>
        %sub3A_438 = arith.constant 65535 : i32
        %sub3A_439 = vector.broadcast %sub3A_438 : i32 to vector<16xi32>
        %sub3A_440 = arith.subi %sub3A_439, %add3A_437 : vector<16xi32>
        %gt3A = vector.broadcast %squeeze3A : i32 to vector<16xi32>
        %gt3A_441 = arith.cmpi sgt, %get3A_432, %gt3A : vector<16xi32>
        %eq3A_442 = vector.broadcast %squeeze3A : i32 to vector<16xi32>
        %eq3A_443 = arith.cmpi eq, %get3A_432, %eq3A_442 : vector<16xi32>
        %ge3A_444 = vector.broadcast %squeeze3A_15 : i32 to vector<16xi32>
        %ge3A_445 = arith.cmpi sge, %sub3A_440, %ge3A_444 : vector<16xi32>
        %and3A_446 = arith.andi %eq3A_443, %ge3A_445 : vector<16xi1>
        %or3A = arith.ori %gt3A_441, %and3A_446 : vector<16xi1>
        %add3A_447 = arith.addi %select_n3A_342, %scan3A_424 : vector<16xi32>
        %jit3A_448 = arith.constant 768 : i32
        %broadcast_in_dim3A_449 = vector.broadcast %jit3A_448 : i32 to vector<16xi32>
        %select_n3A_450 = arith.select %or3A, %add3A_447, %broadcast_in_dim3A_449 : vector<16xi1>, vector<16xi32>
        tpu.vector_store_idx %arg22[%select_n3A_450], %add3A_437 : memref<784xi32, #tpu.memory_space<vmem>>[vector<16xi32>], vector<16xi32>,
        %convert_element_type3A_451 = arith.extui %or3A : vector<16xi1> to vector<16xi32>
        %add3A_452 = arith.addi %scan3A_424, %convert_element_type3A_451 : vector<16xi32>
        %mul3A_453 = arith.constant 8 : i32
        %mul3A_454 = arith.muli %scan3A_423, %mul3A_453 : i32
        %add3A_455 = arith.constant 1 : i32
        %add3A_456 = arith.addi %mul3A_454, %add3A_455 : i32
        %mul3A_457 = arith.constant 16 : i32
        %mul3A_458 = arith.muli %add3A_456, %mul3A_457 : i32
        %get3A_459 = arith.index_cast %mul3A_458 : i32 to index
        %get3A_460 = tpu.vector_load %arg21[%get3A_459] {strides = array<i32>} : memref<8192xi32, #tpu.memory_space<vmem>>, vector<16xi32>,
        %mul3A_461 = arith.constant 16 : i32
        %mul3A_462 = arith.muli %add3A_456, %mul3A_461 : i32
        %add3A_463 = arith.addi %mul3A_10, %mul3A_462 : i32
        %add3A_464 = vector.broadcast %add3A_463 : i32 to vector<16xi32>
        %add3A_465 = arith.addi %add3A_464, %iota3A : vector<16xi32>
        %sub3A_466 = arith.constant 65535 : i32
        %sub3A_467 = vector.broadcast %sub3A_466 : i32 to vector<16xi32>
        %sub3A_468 = arith.subi %sub3A_467, %add3A_465 : vector<16xi32>
        %gt3A_469 = vector.broadcast %squeeze3A : i32 to vector<16xi32>
        %gt3A_470 = arith.cmpi sgt, %get3A_460, %gt3A_469 : vector<16xi32>
        %eq3A_471 = vector.broadcast %squeeze3A : i32 to vector<16xi32>
        %eq3A_472 = arith.cmpi eq, %get3A_460, %eq3A_471 : vector<16xi32>
        %ge3A_473 = vector.broadcast %squeeze3A_15 : i32 to vector<16xi32>
        %ge3A_474 = arith.cmpi sge, %sub3A_468, %ge3A_473 : vector<16xi32>
        %and3A_475 = arith.andi %eq3A_472, %ge3A_474 : vector<16xi1>
        %or3A_476 = arith.ori %gt3A_470, %and3A_475 : vector<16xi1>
        %add3A_477 = arith.addi %select_n3A_342, %add3A_452 : vector<16xi32>
        %jit3A_478 = arith.constant 768 : i32
        %broadcast_in_dim3A_479 = vector.broadcast %jit3A_478 : i32 to vector<16xi32>
        %select_n3A_480 = arith.select %or3A_476, %add3A_477, %broadcast_in_dim3A_479 : vector<16xi1>, vector<16xi32>
        tpu.vector_store_idx %arg22[%select_n3A_480], %add3A_465 : memref<784xi32, #tpu.memory_space<vmem>>[vector<16xi32>], vector<16xi32>,
        %convert_element_type3A_481 = arith.extui %or3A_476 : vector<16xi1> to vector<16xi32>
        %add3A_482 = arith.addi %add3A_452, %convert_element_type3A_481 : vector<16xi32>
        %mul3A_483 = arith.constant 8 : i32
        %mul3A_484 = arith.muli %scan3A_423, %mul3A_483 : i32
        %add3A_485 = arith.constant 2 : i32
        %add3A_486 = arith.addi %mul3A_484, %add3A_485 : i32
        %mul3A_487 = arith.constant 16 : i32
        %mul3A_488 = arith.muli %add3A_486, %mul3A_487 : i32
        %get3A_489 = arith.index_cast %mul3A_488 : i32 to index
        %get3A_490 = tpu.vector_load %arg21[%get3A_489] {strides = array<i32>} : memref<8192xi32, #tpu.memory_space<vmem>>, vector<16xi32>,
        %mul3A_491 = arith.constant 16 : i32
        %mul3A_492 = arith.muli %add3A_486, %mul3A_491 : i32
        %add3A_493 = arith.addi %mul3A_10, %mul3A_492 : i32
        %add3A_494 = vector.broadcast %add3A_493 : i32 to vector<16xi32>
        %add3A_495 = arith.addi %add3A_494, %iota3A : vector<16xi32>
        %sub3A_496 = arith.constant 65535 : i32
        %sub3A_497 = vector.broadcast %sub3A_496 : i32 to vector<16xi32>
        %sub3A_498 = arith.subi %sub3A_497, %add3A_495 : vector<16xi32>
        %gt3A_499 = vector.broadcast %squeeze3A : i32 to vector<16xi32>
        %gt3A_500 = arith.cmpi sgt, %get3A_490, %gt3A_499 : vector<16xi32>
        %eq3A_501 = vector.broadcast %squeeze3A : i32 to vector<16xi32>
        %eq3A_502 = arith.cmpi eq, %get3A_490, %eq3A_501 : vector<16xi32>
        %ge3A_503 = vector.broadcast %squeeze3A_15 : i32 to vector<16xi32>
        %ge3A_504 = arith.cmpi sge, %sub3A_498, %ge3A_503 : vector<16xi32>
        %and3A_505 = arith.andi %eq3A_502, %ge3A_504 : vector<16xi1>
        %or3A_506 = arith.ori %gt3A_500, %and3A_505 : vector<16xi1>
        %add3A_507 = arith.addi %select_n3A_342, %add3A_482 : vector<16xi32>
        %jit3A_508 = arith.constant 768 : i32
        %broadcast_in_dim3A_509 = vector.broadcast %jit3A_508 : i32 to vector<16xi32>
        %select_n3A_510 = arith.select %or3A_506, %add3A_507, %broadcast_in_dim3A_509 : vector<16xi1>, vector<16xi32>
        tpu.vector_store_idx %arg22[%select_n3A_510], %add3A_495 : memref<784xi32, #tpu.memory_space<vmem>>[vector<16xi32>], vector<16xi32>,
        %convert_element_type3A_511 = arith.extui %or3A_506 : vector<16xi1> to vector<16xi32>
        %add3A_512 = arith.addi %add3A_482, %convert_element_type3A_511 : vector<16xi32>
        %mul3A_513 = arith.constant 8 : i32
        %mul3A_514 = arith.muli %scan3A_423, %mul3A_513 : i32
        %add3A_515 = arith.constant 3 : i32
        %add3A_516 = arith.addi %mul3A_514, %add3A_515 : i32
        %mul3A_517 = arith.constant 16 : i32
        %mul3A_518 = arith.muli %add3A_516, %mul3A_517 : i32
        %get3A_519 = arith.index_cast %mul3A_518 : i32 to index
        %get3A_520 = tpu.vector_load %arg21[%get3A_519] {strides = array<i32>} : memref<8192xi32, #tpu.memory_space<vmem>>, vector<16xi32>,
        %mul3A_521 = arith.constant 16 : i32
        %mul3A_522 = arith.muli %add3A_516, %mul3A_521 : i32
        %add3A_523 = arith.addi %mul3A_10, %mul3A_522 : i32
        %add3A_524 = vector.broadcast %add3A_523 : i32 to vector<16xi32>
        %add3A_525 = arith.addi %add3A_524, %iota3A : vector<16xi32>
        %sub3A_526 = arith.constant 65535 : i32
        %sub3A_527 = vector.broadcast %sub3A_526 : i32 to vector<16xi32>
        %sub3A_528 = arith.subi %sub3A_527, %add3A_525 : vector<16xi32>
        %gt3A_529 = vector.broadcast %squeeze3A : i32 to vector<16xi32>
        %gt3A_530 = arith.cmpi sgt, %get3A_520, %gt3A_529 : vector<16xi32>
        %eq3A_531 = vector.broadcast %squeeze3A : i32 to vector<16xi32>
        %eq3A_532 = arith.cmpi eq, %get3A_520, %eq3A_531 : vector<16xi32>
        %ge3A_533 = vector.broadcast %squeeze3A_15 : i32 to vector<16xi32>
        %ge3A_534 = arith.cmpi sge, %sub3A_528, %ge3A_533 : vector<16xi32>
        %and3A_535 = arith.andi %eq3A_532, %ge3A_534 : vector<16xi1>
        %or3A_536 = arith.ori %gt3A_530, %and3A_535 : vector<16xi1>
        %add3A_537 = arith.addi %select_n3A_342, %add3A_512 : vector<16xi32>
        %jit3A_538 = arith.constant 768 : i32
        %broadcast_in_dim3A_539 = vector.broadcast %jit3A_538 : i32 to vector<16xi32>
        %select_n3A_540 = arith.select %or3A_536, %add3A_537, %broadcast_in_dim3A_539 : vector<16xi1>, vector<16xi32>
        tpu.vector_store_idx %arg22[%select_n3A_540], %add3A_525 : memref<784xi32, #tpu.memory_space<vmem>>[vector<16xi32>], vector<16xi32>,
        %convert_element_type3A_541 = arith.extui %or3A_536 : vector<16xi1> to vector<16xi32>
        %add3A_542 = arith.addi %add3A_512, %convert_element_type3A_541 : vector<16xi32>
        %mul3A_543 = arith.constant 8 : i32
        %mul3A_544 = arith.muli %scan3A_423, %mul3A_543 : i32
        %add3A_545 = arith.constant 4 : i32
        %add3A_546 = arith.addi %mul3A_544, %add3A_545 : i32
        %mul3A_547 = arith.constant 16 : i32
        %mul3A_548 = arith.muli %add3A_546, %mul3A_547 : i32
        %get3A_549 = arith.index_cast %mul3A_548 : i32 to index
        %get3A_550 = tpu.vector_load %arg21[%get3A_549] {strides = array<i32>} : memref<8192xi32, #tpu.memory_space<vmem>>, vector<16xi32>,
        %mul3A_551 = arith.constant 16 : i32
        %mul3A_552 = arith.muli %add3A_546, %mul3A_551 : i32
        %add3A_553 = arith.addi %mul3A_10, %mul3A_552 : i32
        %add3A_554 = vector.broadcast %add3A_553 : i32 to vector<16xi32>
        %add3A_555 = arith.addi %add3A_554, %iota3A : vector<16xi32>
        %sub3A_556 = arith.constant 65535 : i32
        %sub3A_557 = vector.broadcast %sub3A_556 : i32 to vector<16xi32>
        %sub3A_558 = arith.subi %sub3A_557, %add3A_555 : vector<16xi32>
        %gt3A_559 = vector.broadcast %squeeze3A : i32 to vector<16xi32>
        %gt3A_560 = arith.cmpi sgt, %get3A_550, %gt3A_559 : vector<16xi32>
        %eq3A_561 = vector.broadcast %squeeze3A : i32 to vector<16xi32>
        %eq3A_562 = arith.cmpi eq, %get3A_550, %eq3A_561 : vector<16xi32>
        %ge3A_563 = vector.broadcast %squeeze3A_15 : i32 to vector<16xi32>
        %ge3A_564 = arith.cmpi sge, %sub3A_558, %ge3A_563 : vector<16xi32>
        %and3A_565 = arith.andi %eq3A_562, %ge3A_564 : vector<16xi1>
        %or3A_566 = arith.ori %gt3A_560, %and3A_565 : vector<16xi1>
        %add3A_567 = arith.addi %select_n3A_342, %add3A_542 : vector<16xi32>
        %jit3A_568 = arith.constant 768 : i32
        %broadcast_in_dim3A_569 = vector.broadcast %jit3A_568 : i32 to vector<16xi32>
        %select_n3A_570 = arith.select %or3A_566, %add3A_567, %broadcast_in_dim3A_569 : vector<16xi1>, vector<16xi32>
        tpu.vector_store_idx %arg22[%select_n3A_570], %add3A_555 : memref<784xi32, #tpu.memory_space<vmem>>[vector<16xi32>], vector<16xi32>,
        %convert_element_type3A_571 = arith.extui %or3A_566 : vector<16xi1> to vector<16xi32>
        %add3A_572 = arith.addi %add3A_542, %convert_element_type3A_571 : vector<16xi32>
        %mul3A_573 = arith.constant 8 : i32
        %mul3A_574 = arith.muli %scan3A_423, %mul3A_573 : i32
        %add3A_575 = arith.constant 5 : i32
        %add3A_576 = arith.addi %mul3A_574, %add3A_575 : i32
        %mul3A_577 = arith.constant 16 : i32
        %mul3A_578 = arith.muli %add3A_576, %mul3A_577 : i32
        %get3A_579 = arith.index_cast %mul3A_578 : i32 to index
        %get3A_580 = tpu.vector_load %arg21[%get3A_579] {strides = array<i32>} : memref<8192xi32, #tpu.memory_space<vmem>>, vector<16xi32>,
        %mul3A_581 = arith.constant 16 : i32
        %mul3A_582 = arith.muli %add3A_576, %mul3A_581 : i32
        %add3A_583 = arith.addi %mul3A_10, %mul3A_582 : i32
        %add3A_584 = vector.broadcast %add3A_583 : i32 to vector<16xi32>
        %add3A_585 = arith.addi %add3A_584, %iota3A : vector<16xi32>
        %sub3A_586 = arith.constant 65535 : i32
        %sub3A_587 = vector.broadcast %sub3A_586 : i32 to vector<16xi32>
        %sub3A_588 = arith.subi %sub3A_587, %add3A_585 : vector<16xi32>
        %gt3A_589 = vector.broadcast %squeeze3A : i32 to vector<16xi32>
        %gt3A_590 = arith.cmpi sgt, %get3A_580, %gt3A_589 : vector<16xi32>
        %eq3A_591 = vector.broadcast %squeeze3A : i32 to vector<16xi32>
        %eq3A_592 = arith.cmpi eq, %get3A_580, %eq3A_591 : vector<16xi32>
        %ge3A_593 = vector.broadcast %squeeze3A_15 : i32 to vector<16xi32>
        %ge3A_594 = arith.cmpi sge, %sub3A_588, %ge3A_593 : vector<16xi32>
        %and3A_595 = arith.andi %eq3A_592, %ge3A_594 : vector<16xi1>
        %or3A_596 = arith.ori %gt3A_590, %and3A_595 : vector<16xi1>
        %add3A_597 = arith.addi %select_n3A_342, %add3A_572 : vector<16xi32>
        %jit3A_598 = arith.constant 768 : i32
        %broadcast_in_dim3A_599 = vector.broadcast %jit3A_598 : i32 to vector<16xi32>
        %select_n3A_600 = arith.select %or3A_596, %add3A_597, %broadcast_in_dim3A_599 : vector<16xi1>, vector<16xi32>
        tpu.vector_store_idx %arg22[%select_n3A_600], %add3A_585 : memref<784xi32, #tpu.memory_space<vmem>>[vector<16xi32>], vector<16xi32>,
        %convert_element_type3A_601 = arith.extui %or3A_596 : vector<16xi1> to vector<16xi32>
        %add3A_602 = arith.addi %add3A_572, %convert_element_type3A_601 : vector<16xi32>
        %mul3A_603 = arith.constant 8 : i32
        %mul3A_604 = arith.muli %scan3A_423, %mul3A_603 : i32
        %add3A_605 = arith.constant 6 : i32
        %add3A_606 = arith.addi %mul3A_604, %add3A_605 : i32
        %mul3A_607 = arith.constant 16 : i32
        %mul3A_608 = arith.muli %add3A_606, %mul3A_607 : i32
        %get3A_609 = arith.index_cast %mul3A_608 : i32 to index
        %get3A_610 = tpu.vector_load %arg21[%get3A_609] {strides = array<i32>} : memref<8192xi32, #tpu.memory_space<vmem>>, vector<16xi32>,
        %mul3A_611 = arith.constant 16 : i32
        %mul3A_612 = arith.muli %add3A_606, %mul3A_611 : i32
        %add3A_613 = arith.addi %mul3A_10, %mul3A_612 : i32
        %add3A_614 = vector.broadcast %add3A_613 : i32 to vector<16xi32>
        %add3A_615 = arith.addi %add3A_614, %iota3A : vector<16xi32>
        %sub3A_616 = arith.constant 65535 : i32
        %sub3A_617 = vector.broadcast %sub3A_616 : i32 to vector<16xi32>
        %sub3A_618 = arith.subi %sub3A_617, %add3A_615 : vector<16xi32>
        %gt3A_619 = vector.broadcast %squeeze3A : i32 to vector<16xi32>
        %gt3A_620 = arith.cmpi sgt, %get3A_610, %gt3A_619 : vector<16xi32>
        %eq3A_621 = vector.broadcast %squeeze3A : i32 to vector<16xi32>
        %eq3A_622 = arith.cmpi eq, %get3A_610, %eq3A_621 : vector<16xi32>
        %ge3A_623 = vector.broadcast %squeeze3A_15 : i32 to vector<16xi32>
        %ge3A_624 = arith.cmpi sge, %sub3A_618, %ge3A_623 : vector<16xi32>
        %and3A_625 = arith.andi %eq3A_622, %ge3A_624 : vector<16xi1>
        %or3A_626 = arith.ori %gt3A_620, %and3A_625 : vector<16xi1>
        %add3A_627 = arith.addi %select_n3A_342, %add3A_602 : vector<16xi32>
        %jit3A_628 = arith.constant 768 : i32
        %broadcast_in_dim3A_629 = vector.broadcast %jit3A_628 : i32 to vector<16xi32>
        %select_n3A_630 = arith.select %or3A_626, %add3A_627, %broadcast_in_dim3A_629 : vector<16xi1>, vector<16xi32>
        tpu.vector_store_idx %arg22[%select_n3A_630], %add3A_615 : memref<784xi32, #tpu.memory_space<vmem>>[vector<16xi32>], vector<16xi32>,
        %convert_element_type3A_631 = arith.extui %or3A_626 : vector<16xi1> to vector<16xi32>
        %add3A_632 = arith.addi %add3A_602, %convert_element_type3A_631 : vector<16xi32>
        %mul3A_633 = arith.constant 8 : i32
        %mul3A_634 = arith.muli %scan3A_423, %mul3A_633 : i32
        %add3A_635 = arith.constant 7 : i32
        %add3A_636 = arith.addi %mul3A_634, %add3A_635 : i32
        %mul3A_637 = arith.constant 16 : i32
        %mul3A_638 = arith.muli %add3A_636, %mul3A_637 : i32
        %get3A_639 = arith.index_cast %mul3A_638 : i32 to index
        %get3A_640 = tpu.vector_load %arg21[%get3A_639] {strides = array<i32>} : memref<8192xi32, #tpu.memory_space<vmem>>, vector<16xi32>,
        %mul3A_641 = arith.constant 16 : i32
        %mul3A_642 = arith.muli %add3A_636, %mul3A_641 : i32
        %add3A_643 = arith.addi %mul3A_10, %mul3A_642 : i32
        %add3A_644 = vector.broadcast %add3A_643 : i32 to vector<16xi32>
        %add3A_645 = arith.addi %add3A_644, %iota3A : vector<16xi32>
        %sub3A_646 = arith.constant 65535 : i32
        %sub3A_647 = vector.broadcast %sub3A_646 : i32 to vector<16xi32>
        %sub3A_648 = arith.subi %sub3A_647, %add3A_645 : vector<16xi32>
        %gt3A_649 = vector.broadcast %squeeze3A : i32 to vector<16xi32>
        %gt3A_650 = arith.cmpi sgt, %get3A_640, %gt3A_649 : vector<16xi32>
        %eq3A_651 = vector.broadcast %squeeze3A : i32 to vector<16xi32>
        %eq3A_652 = arith.cmpi eq, %get3A_640, %eq3A_651 : vector<16xi32>
        %ge3A_653 = vector.broadcast %squeeze3A_15 : i32 to vector<16xi32>
        %ge3A_654 = arith.cmpi sge, %sub3A_648, %ge3A_653 : vector<16xi32>
        %and3A_655 = arith.andi %eq3A_652, %ge3A_654 : vector<16xi1>
        %or3A_656 = arith.ori %gt3A_650, %and3A_655 : vector<16xi1>
        %add3A_657 = arith.addi %select_n3A_342, %add3A_632 : vector<16xi32>
        %jit3A_658 = arith.constant 768 : i32
        %broadcast_in_dim3A_659 = vector.broadcast %jit3A_658 : i32 to vector<16xi32>
        %select_n3A_660 = arith.select %or3A_656, %add3A_657, %broadcast_in_dim3A_659 : vector<16xi1>, vector<16xi32>
        tpu.vector_store_idx %arg22[%select_n3A_660], %add3A_645 : memref<784xi32, #tpu.memory_space<vmem>>[vector<16xi32>], vector<16xi32>,
        %convert_element_type3A_661 = arith.extui %or3A_656 : vector<16xi1> to vector<16xi32>
        %add3A_662 = arith.addi %add3A_632, %convert_element_type3A_661 : vector<16xi32>
        scf.yield %add3A_662 : vector<16xi32>
      }
      %scan3A_351 = arith.constant 64 : i32
      %barrier3A = arith.constant 0 : index
      tpu.barrier barrier_id(%barrier3A)
      %sc_fetch_and_add3A = arith.constant 0 : i32
      %sc_fetch_and_add3A_352 = arith.constant 0 : i32
      %sc_fetch_and_add3A_353 = tpu.fetch_and_add_sync %arg32[%sc_fetch_and_add3A], %add3A_345, %sc_fetch_and_add3A_352 : memref<2xi32, #tpu.memory_space<smem>>, i32 -> i32
      %add3A_354 = arith.constant 0 : i32
      %add3A_355 = arith.addi %sc_fetch_and_add3A_353, %add3A_354 : i32
      %add3A_356 = arith.constant 15 : i32
      %add3A_357 = arith.addi %add3A_345, %add3A_356 : i32
      %jit3A_358 = arith.constant 16 : i32
      %div3A = arith.divsi %add3A_357, %jit3A_358 : i32
      %sign3A = arith.constant 0 : i32
      %sign3A_359 = arith.cmpi sgt, %add3A_357, %sign3A : i32
      %sign3A_360 = arith.extui %sign3A_359 : i1 to i32
      %sign3A_361 = arith.constant 0 : i32
      %sign3A_362 = arith.cmpi slt, %add3A_357, %sign3A_361 : i32
      %sign3A_363 = arith.extui %sign3A_362 : i1 to i32
      %sign3A_364 = arith.subi %sign3A_360, %sign3A_363 : i32
      %sign3A_365 = arith.constant 0 : i32
      %sign3A_366 = arith.cmpi sgt, %jit3A_358, %sign3A_365 : i32
      %sign3A_367 = arith.extui %sign3A_366 : i1 to i32
      %sign3A_368 = arith.constant 0 : i32
      %sign3A_369 = arith.cmpi slt, %jit3A_358, %sign3A_368 : i32
      %sign3A_370 = arith.extui %sign3A_369 : i1 to i32
      %sign3A_371 = arith.subi %sign3A_367, %sign3A_370 : i32
      %ne3A = arith.cmpi ne, %sign3A_364, %sign3A_371 : i32
      %rem3A = arith.remsi %add3A_357, %jit3A_358 : i32
      %ne3A_372 = arith.constant 0 : i32
      %ne3A_373 = arith.cmpi ne, %rem3A, %ne3A_372 : i32
      %and3A = arith.andi %ne3A, %ne3A_373 : i1
      %sub3A = arith.constant 1 : i32
      %sub3A_374 = arith.subi %div3A, %sub3A : i32
      %select_n3A_375 = arith.select %and3A, %sub3A_374, %div3A : i32
      %while3A = arith.constant 0 : i32
      %while3A_376 = arith.constant 0 : i32
      %while3A_377 = arith.subi %select_n3A_375, %while3A : i32
      %while3A_378 = arith.addi %while3A, %while3A_377 : i32
      %while3A_379 = arith.constant 1 : i32
      %while3A_380 = arith.divsi %while3A_377, %while3A_379 : i32
      %while3A_381 = arith.muli %while3A_380, %while3A_379 : i32
      %while3A_382 = arith.addi %while3A, %while3A_381 : i32
      %while3A_383 = arith.constant 1 : i32
      %while3A_384 = scf.for %while3A_423 = %while3A to %while3A_382 step %while3A_383 iter_args(%while3A_424 = %while3A_376) -> (i32)  : i32 {
        %mul3A_425 = arith.constant 16 : i32
        %mul3A_426 = arith.muli %while3A_423, %mul3A_425 : i32
        %lt3A_427 = arith.cmpi slt, %mul3A_426, %add3A_345 : i32
        %convert_element_type3A_428 = arith.extui %lt3A_427 : i1 to i32
        %cond3A_429 = arith.constant 0 : i32
        %cond3A_430 = arith.cmpi ne, %convert_element_type3A_428, %cond3A_429 : i32
        scf.if %cond3A_430 {
          %mul3A_432 = arith.constant 16 : i32
          %mul3A_433 = arith.muli %while3A_423, %mul3A_432 : i32
          %get3A_434 = arith.index_cast %mul3A_433 : i32 to index
          %get3A_435 = tpu.vector_load %arg22[%get3A_434] {strides = array<i32>} : memref<784xi32, #tpu.memory_space<vmem>>, vector<16xi32>,
          %mul3A_436 = arith.constant 16 : i32
          %mul3A_437 = arith.muli %while3A_423, %mul3A_436 : i32
          %dma_start3A = tpu.memref_slice %arg23[%mul3A_437] : memref<768xi32, #tpu.memory_space<vmem>> -> memref<16xi32, #tpu.memory_space<vmem>>
          %dma_start3A_438 = arith.constant 0 : i32
          %dma_start3A_439 = tpu.memref_slice %arg5[%dma_start3A_438] : memref<65536xi32, #tpu.memory_space<hbm>> -> memref<65536xi32, #tpu.memory_space<hbm>>
          tpu.enqueue_indirect_dma source(%dma_start3A_439 : memref<65536xi32, #tpu.memory_space<hbm>>) target(%dma_start3A : memref<16xi32, #tpu.memory_space<vmem>>) offsets(%get3A_435 : vector<16xi32>) semaphore(%arg33 : memref<!tpu.dma_semaphore, #tpu.memory_space<semaphore_mem>>)
          %mul3A_440 = arith.constant 16 : i32
          %mul3A_441 = arith.muli %while3A_423, %mul3A_440 : i32
          %dma_start3A_442 = tpu.memref_slice %arg24[%mul3A_441] : memref<768xf32, #tpu.memory_space<vmem>> -> memref<16xf32, #tpu.memory_space<vmem>>
          %dma_start3A_443 = arith.constant 0 : i32
          %dma_start3A_444 = tpu.memref_slice %arg6[%dma_start3A_443] : memref<65536xf32, #tpu.memory_space<hbm>> -> memref<65536xf32, #tpu.memory_space<hbm>>
          tpu.enqueue_indirect_dma source(%dma_start3A_444 : memref<65536xf32, #tpu.memory_space<hbm>>) target(%dma_start3A_442 : memref<16xf32, #tpu.memory_space<vmem>>) offsets(%get3A_435 : vector<16xi32>) semaphore(%arg33 : memref<!tpu.dma_semaphore, #tpu.memory_space<semaphore_mem>>)
          %mul3A_445 = arith.constant 16 : i32
          %mul3A_446 = arith.muli %while3A_423, %mul3A_445 : i32
          %dma_start3A_447 = tpu.memref_slice %arg25[%mul3A_446] : memref<768xf32, #tpu.memory_space<vmem>> -> memref<16xf32, #tpu.memory_space<vmem>>
          %dma_start3A_448 = arith.constant 0 : i32
          %dma_start3A_449 = tpu.memref_slice %arg7[%dma_start3A_448] : memref<65536xf32, #tpu.memory_space<hbm>> -> memref<65536xf32, #tpu.memory_space<hbm>>
          tpu.enqueue_indirect_dma source(%dma_start3A_449 : memref<65536xf32, #tpu.memory_space<hbm>>) target(%dma_start3A_447 : memref<16xf32, #tpu.memory_space<vmem>>) offsets(%get3A_435 : vector<16xi32>) semaphore(%arg33 : memref<!tpu.dma_semaphore, #tpu.memory_space<semaphore_mem>>)
          %mul3A_450 = arith.constant 16 : i32
          %mul3A_451 = arith.muli %while3A_423, %mul3A_450 : i32
          %dma_start3A_452 = tpu.memref_slice %arg26[%mul3A_451] : memref<768xf32, #tpu.memory_space<vmem>> -> memref<16xf32, #tpu.memory_space<vmem>>
          %dma_start3A_453 = arith.constant 0 : i32
          %dma_start3A_454 = tpu.memref_slice %arg8[%dma_start3A_453] : memref<65536xf32, #tpu.memory_space<hbm>> -> memref<65536xf32, #tpu.memory_space<hbm>>
          tpu.enqueue_indirect_dma source(%dma_start3A_454 : memref<65536xf32, #tpu.memory_space<hbm>>) target(%dma_start3A_452 : memref<16xf32, #tpu.memory_space<vmem>>) offsets(%get3A_435 : vector<16xi32>) semaphore(%arg33 : memref<!tpu.dma_semaphore, #tpu.memory_space<semaphore_mem>>)
          %mul3A_455 = arith.constant 16 : i32
          %mul3A_456 = arith.muli %while3A_423, %mul3A_455 : i32
          %dma_start3A_457 = tpu.memref_slice %arg27[%mul3A_456] : memref<768xf32, #tpu.memory_space<vmem>> -> memref<16xf32, #tpu.memory_space<vmem>>
          %dma_start3A_458 = arith.constant 0 : i32
          %dma_start3A_459 = tpu.memref_slice %arg9[%dma_start3A_458] : memref<65536xf32, #tpu.memory_space<hbm>> -> memref<65536xf32, #tpu.memory_space<hbm>>
          tpu.enqueue_indirect_dma source(%dma_start3A_459 : memref<65536xf32, #tpu.memory_space<hbm>>) target(%dma_start3A_457 : memref<16xf32, #tpu.memory_space<vmem>>) offsets(%get3A_435 : vector<16xi32>) semaphore(%arg33 : memref<!tpu.dma_semaphore, #tpu.memory_space<semaphore_mem>>)
          %mul3A_460 = arith.constant 16 : i32
          %mul3A_461 = arith.muli %while3A_423, %mul3A_460 : i32
          %dma_start3A_462 = tpu.memref_slice %arg28[%mul3A_461] : memref<768xf32, #tpu.memory_space<vmem>> -> memref<16xf32, #tpu.memory_space<vmem>>
          %dma_start3A_463 = arith.constant 0 : i32
          %dma_start3A_464 = tpu.memref_slice %arg10[%dma_start3A_463] : memref<65536xf32, #tpu.memory_space<hbm>> -> memref<65536xf32, #tpu.memory_space<hbm>>
          tpu.enqueue_indirect_dma source(%dma_start3A_464 : memref<65536xf32, #tpu.memory_space<hbm>>) target(%dma_start3A_462 : memref<16xf32, #tpu.memory_space<vmem>>) offsets(%get3A_435 : vector<16xi32>) semaphore(%arg33 : memref<!tpu.dma_semaphore, #tpu.memory_space<semaphore_mem>>)
          %mul3A_465 = arith.constant 16 : i32
          %mul3A_466 = arith.muli %while3A_423, %mul3A_465 : i32
          %dma_start3A_467 = tpu.memref_slice %arg29[%mul3A_466] : memref<768xf32, #tpu.memory_space<vmem>> -> memref<16xf32, #tpu.memory_space<vmem>>
          %dma_start3A_468 = arith.constant 0 : i32
          %dma_start3A_469 = tpu.memref_slice %arg11[%dma_start3A_468] : memref<65536xf32, #tpu.memory_space<hbm>> -> memref<65536xf32, #tpu.memory_space<hbm>>
          tpu.enqueue_indirect_dma source(%dma_start3A_469 : memref<65536xf32, #tpu.memory_space<hbm>>) target(%dma_start3A_467 : memref<16xf32, #tpu.memory_space<vmem>>) offsets(%get3A_435 : vector<16xi32>) semaphore(%arg33 : memref<!tpu.dma_semaphore, #tpu.memory_space<semaphore_mem>>)
          %mul3A_470 = arith.constant 16 : i32
          %mul3A_471 = arith.muli %while3A_423, %mul3A_470 : i32
          %dma_start3A_472 = tpu.memref_slice %arg30[%mul3A_471] : memref<768xf32, #tpu.memory_space<vmem>> -> memref<16xf32, #tpu.memory_space<vmem>>
          %dma_start3A_473 = arith.constant 0 : i32
          %dma_start3A_474 = tpu.memref_slice %arg12[%dma_start3A_473] : memref<65536xf32, #tpu.memory_space<hbm>> -> memref<65536xf32, #tpu.memory_space<hbm>>
          tpu.enqueue_indirect_dma source(%dma_start3A_474 : memref<65536xf32, #tpu.memory_space<hbm>>) target(%dma_start3A_472 : memref<16xf32, #tpu.memory_space<vmem>>) offsets(%get3A_435 : vector<16xi32>) semaphore(%arg33 : memref<!tpu.dma_semaphore, #tpu.memory_space<semaphore_mem>>)
        } else {
        }
        %while3A_431 = arith.constant 0 : i32
        scf.yield %while3A_431 : i32
      }
      %while3A_385 = arith.constant 1 : i32
      %while3A_386 = scf.for %while3A_423 = %while3A_382 to %while3A_378 step %while3A_385 iter_args(%while3A_424 = %while3A_384) -> (i32)  : i32 {
        %mul3A_425 = arith.constant 16 : i32
        %mul3A_426 = arith.muli %while3A_423, %mul3A_425 : i32
        %lt3A_427 = arith.cmpi slt, %mul3A_426, %add3A_345 : i32
        %convert_element_type3A_428 = arith.extui %lt3A_427 : i1 to i32
        %cond3A_429 = arith.constant 0 : i32
        %cond3A_430 = arith.cmpi ne, %convert_element_type3A_428, %cond3A_429 : i32
        scf.if %cond3A_430 {
          %mul3A_432 = arith.constant 16 : i32
          %mul3A_433 = arith.muli %while3A_423, %mul3A_432 : i32
          %get3A_434 = arith.index_cast %mul3A_433 : i32 to index
          %get3A_435 = tpu.vector_load %arg22[%get3A_434] {strides = array<i32>} : memref<784xi32, #tpu.memory_space<vmem>>, vector<16xi32>,
          %mul3A_436 = arith.constant 16 : i32
          %mul3A_437 = arith.muli %while3A_423, %mul3A_436 : i32
          %dma_start3A = tpu.memref_slice %arg23[%mul3A_437] : memref<768xi32, #tpu.memory_space<vmem>> -> memref<16xi32, #tpu.memory_space<vmem>>
          %dma_start3A_438 = arith.constant 0 : i32
          %dma_start3A_439 = tpu.memref_slice %arg5[%dma_start3A_438] : memref<65536xi32, #tpu.memory_space<hbm>> -> memref<65536xi32, #tpu.memory_space<hbm>>
          tpu.enqueue_indirect_dma source(%dma_start3A_439 : memref<65536xi32, #tpu.memory_space<hbm>>) target(%dma_start3A : memref<16xi32, #tpu.memory_space<vmem>>) offsets(%get3A_435 : vector<16xi32>) semaphore(%arg33 : memref<!tpu.dma_semaphore, #tpu.memory_space<semaphore_mem>>)
          %mul3A_440 = arith.constant 16 : i32
          %mul3A_441 = arith.muli %while3A_423, %mul3A_440 : i32
          %dma_start3A_442 = tpu.memref_slice %arg24[%mul3A_441] : memref<768xf32, #tpu.memory_space<vmem>> -> memref<16xf32, #tpu.memory_space<vmem>>
          %dma_start3A_443 = arith.constant 0 : i32
          %dma_start3A_444 = tpu.memref_slice %arg6[%dma_start3A_443] : memref<65536xf32, #tpu.memory_space<hbm>> -> memref<65536xf32, #tpu.memory_space<hbm>>
          tpu.enqueue_indirect_dma source(%dma_start3A_444 : memref<65536xf32, #tpu.memory_space<hbm>>) target(%dma_start3A_442 : memref<16xf32, #tpu.memory_space<vmem>>) offsets(%get3A_435 : vector<16xi32>) semaphore(%arg33 : memref<!tpu.dma_semaphore, #tpu.memory_space<semaphore_mem>>)
          %mul3A_445 = arith.constant 16 : i32
          %mul3A_446 = arith.muli %while3A_423, %mul3A_445 : i32
          %dma_start3A_447 = tpu.memref_slice %arg25[%mul3A_446] : memref<768xf32, #tpu.memory_space<vmem>> -> memref<16xf32, #tpu.memory_space<vmem>>
          %dma_start3A_448 = arith.constant 0 : i32
          %dma_start3A_449 = tpu.memref_slice %arg7[%dma_start3A_448] : memref<65536xf32, #tpu.memory_space<hbm>> -> memref<65536xf32, #tpu.memory_space<hbm>>
          tpu.enqueue_indirect_dma source(%dma_start3A_449 : memref<65536xf32, #tpu.memory_space<hbm>>) target(%dma_start3A_447 : memref<16xf32, #tpu.memory_space<vmem>>) offsets(%get3A_435 : vector<16xi32>) semaphore(%arg33 : memref<!tpu.dma_semaphore, #tpu.memory_space<semaphore_mem>>)
          %mul3A_450 = arith.constant 16 : i32
          %mul3A_451 = arith.muli %while3A_423, %mul3A_450 : i32
          %dma_start3A_452 = tpu.memref_slice %arg26[%mul3A_451] : memref<768xf32, #tpu.memory_space<vmem>> -> memref<16xf32, #tpu.memory_space<vmem>>
          %dma_start3A_453 = arith.constant 0 : i32
          %dma_start3A_454 = tpu.memref_slice %arg8[%dma_start3A_453] : memref<65536xf32, #tpu.memory_space<hbm>> -> memref<65536xf32, #tpu.memory_space<hbm>>
          tpu.enqueue_indirect_dma source(%dma_start3A_454 : memref<65536xf32, #tpu.memory_space<hbm>>) target(%dma_start3A_452 : memref<16xf32, #tpu.memory_space<vmem>>) offsets(%get3A_435 : vector<16xi32>) semaphore(%arg33 : memref<!tpu.dma_semaphore, #tpu.memory_space<semaphore_mem>>)
          %mul3A_455 = arith.constant 16 : i32
          %mul3A_456 = arith.muli %while3A_423, %mul3A_455 : i32
          %dma_start3A_457 = tpu.memref_slice %arg27[%mul3A_456] : memref<768xf32, #tpu.memory_space<vmem>> -> memref<16xf32, #tpu.memory_space<vmem>>
          %dma_start3A_458 = arith.constant 0 : i32
          %dma_start3A_459 = tpu.memref_slice %arg9[%dma_start3A_458] : memref<65536xf32, #tpu.memory_space<hbm>> -> memref<65536xf32, #tpu.memory_space<hbm>>
          tpu.enqueue_indirect_dma source(%dma_start3A_459 : memref<65536xf32, #tpu.memory_space<hbm>>) target(%dma_start3A_457 : memref<16xf32, #tpu.memory_space<vmem>>) offsets(%get3A_435 : vector<16xi32>) semaphore(%arg33 : memref<!tpu.dma_semaphore, #tpu.memory_space<semaphore_mem>>)
          %mul3A_460 = arith.constant 16 : i32
          %mul3A_461 = arith.muli %while3A_423, %mul3A_460 : i32
          %dma_start3A_462 = tpu.memref_slice %arg28[%mul3A_461] : memref<768xf32, #tpu.memory_space<vmem>> -> memref<16xf32, #tpu.memory_space<vmem>>
          %dma_start3A_463 = arith.constant 0 : i32
          %dma_start3A_464 = tpu.memref_slice %arg10[%dma_start3A_463] : memref<65536xf32, #tpu.memory_space<hbm>> -> memref<65536xf32, #tpu.memory_space<hbm>>
          tpu.enqueue_indirect_dma source(%dma_start3A_464 : memref<65536xf32, #tpu.memory_space<hbm>>) target(%dma_start3A_462 : memref<16xf32, #tpu.memory_space<vmem>>) offsets(%get3A_435 : vector<16xi32>) semaphore(%arg33 : memref<!tpu.dma_semaphore, #tpu.memory_space<semaphore_mem>>)
          %mul3A_465 = arith.constant 16 : i32
          %mul3A_466 = arith.muli %while3A_423, %mul3A_465 : i32
          %dma_start3A_467 = tpu.memref_slice %arg29[%mul3A_466] : memref<768xf32, #tpu.memory_space<vmem>> -> memref<16xf32, #tpu.memory_space<vmem>>
          %dma_start3A_468 = arith.constant 0 : i32
          %dma_start3A_469 = tpu.memref_slice %arg11[%dma_start3A_468] : memref<65536xf32, #tpu.memory_space<hbm>> -> memref<65536xf32, #tpu.memory_space<hbm>>
          tpu.enqueue_indirect_dma source(%dma_start3A_469 : memref<65536xf32, #tpu.memory_space<hbm>>) target(%dma_start3A_467 : memref<16xf32, #tpu.memory_space<vmem>>) offsets(%get3A_435 : vector<16xi32>) semaphore(%arg33 : memref<!tpu.dma_semaphore, #tpu.memory_space<semaphore_mem>>)
          %mul3A_470 = arith.constant 16 : i32
          %mul3A_471 = arith.muli %while3A_423, %mul3A_470 : i32
          %dma_start3A_472 = tpu.memref_slice %arg30[%mul3A_471] : memref<768xf32, #tpu.memory_space<vmem>> -> memref<16xf32, #tpu.memory_space<vmem>>
          %dma_start3A_473 = arith.constant 0 : i32
          %dma_start3A_474 = tpu.memref_slice %arg12[%dma_start3A_473] : memref<65536xf32, #tpu.memory_space<hbm>> -> memref<65536xf32, #tpu.memory_space<hbm>>
          tpu.enqueue_indirect_dma source(%dma_start3A_474 : memref<65536xf32, #tpu.memory_space<hbm>>) target(%dma_start3A_472 : memref<16xf32, #tpu.memory_space<vmem>>) offsets(%get3A_435 : vector<16xi32>) semaphore(%arg33 : memref<!tpu.dma_semaphore, #tpu.memory_space<semaphore_mem>>)
        } else {
        }
        %while3A_431 = arith.constant 0 : i32
        scf.yield %while3A_431 : i32
      }
      %while3A_387 = arith.constant 0 : i32
      %while3A_388 = arith.constant 0 : i32
      %while3A_389 = arith.subi %select_n3A_375, %while3A_387 : i32
      %while3A_390 = arith.addi %while3A_387, %while3A_389 : i32
      %while3A_391 = arith.constant 1 : i32
      %while3A_392 = arith.divsi %while3A_389, %while3A_391 : i32
      %while3A_393 = arith.muli %while3A_392, %while3A_391 : i32
      %while3A_394 = arith.addi %while3A_387, %while3A_393 : i32
      %while3A_395 = arith.constant 1 : i32
      %while3A_396 = scf.for %while3A_423 = %while3A_387 to %while3A_394 step %while3A_395 iter_args(%while3A_424 = %while3A_388) -> (i32)  : i32 {
        %mul3A_425 = arith.constant 16 : i32
        %mul3A_426 = arith.muli %while3A_423, %mul3A_425 : i32
        %lt3A_427 = arith.cmpi slt, %mul3A_426, %add3A_345 : i32
        %convert_element_type3A_428 = arith.extui %lt3A_427 : i1 to i32
        %cond3A_429 = arith.constant 0 : i32
        %cond3A_430 = arith.cmpi ne, %convert_element_type3A_428, %cond3A_429 : i32
        scf.if %cond3A_430 {
          %mul3A_432 = arith.constant 16 : i32
          %mul3A_433 = arith.muli %while3A_423, %mul3A_432 : i32
          %get3A_434 = arith.index_cast %mul3A_433 : i32 to index
          %get3A_435 = tpu.vector_load %arg22[%get3A_434] {strides = array<i32>} : memref<784xi32, #tpu.memory_space<vmem>>, vector<16xi32>,
          %mul3A_436 = arith.constant 16 : i32
          %mul3A_437 = arith.muli %while3A_423, %mul3A_436 : i32
          %dma_wait3A = tpu.memref_slice %arg23[%mul3A_437] : memref<768xi32, #tpu.memory_space<vmem>> -> memref<16xi32, #tpu.memory_space<vmem>>
          %dma_wait3A_438 = arith.constant 0 : i32
          %dma_wait3A_439 = tpu.memref_slice %arg5[%dma_wait3A_438] : memref<65536xi32, #tpu.memory_space<hbm>> -> memref<65536xi32, #tpu.memory_space<hbm>>
          tpu.wait_indirect_dma semaphore(%arg33 : memref<!tpu.dma_semaphore, #tpu.memory_space<semaphore_mem>>) src(%dma_wait3A_439 : memref<65536xi32, #tpu.memory_space<hbm>>) dst(%dma_wait3A : memref<16xi32, #tpu.memory_space<vmem>>)
          %mul3A_440 = arith.constant 16 : i32
          %mul3A_441 = arith.muli %while3A_423, %mul3A_440 : i32
          %dma_wait3A_442 = tpu.memref_slice %arg24[%mul3A_441] : memref<768xf32, #tpu.memory_space<vmem>> -> memref<16xf32, #tpu.memory_space<vmem>>
          %dma_wait3A_443 = arith.constant 0 : i32
          %dma_wait3A_444 = tpu.memref_slice %arg6[%dma_wait3A_443] : memref<65536xf32, #tpu.memory_space<hbm>> -> memref<65536xf32, #tpu.memory_space<hbm>>
          tpu.wait_indirect_dma semaphore(%arg33 : memref<!tpu.dma_semaphore, #tpu.memory_space<semaphore_mem>>) src(%dma_wait3A_444 : memref<65536xf32, #tpu.memory_space<hbm>>) dst(%dma_wait3A_442 : memref<16xf32, #tpu.memory_space<vmem>>)
          %mul3A_445 = arith.constant 16 : i32
          %mul3A_446 = arith.muli %while3A_423, %mul3A_445 : i32
          %dma_wait3A_447 = tpu.memref_slice %arg25[%mul3A_446] : memref<768xf32, #tpu.memory_space<vmem>> -> memref<16xf32, #tpu.memory_space<vmem>>
          %dma_wait3A_448 = arith.constant 0 : i32
          %dma_wait3A_449 = tpu.memref_slice %arg7[%dma_wait3A_448] : memref<65536xf32, #tpu.memory_space<hbm>> -> memref<65536xf32, #tpu.memory_space<hbm>>
          tpu.wait_indirect_dma semaphore(%arg33 : memref<!tpu.dma_semaphore, #tpu.memory_space<semaphore_mem>>) src(%dma_wait3A_449 : memref<65536xf32, #tpu.memory_space<hbm>>) dst(%dma_wait3A_447 : memref<16xf32, #tpu.memory_space<vmem>>)
          %mul3A_450 = arith.constant 16 : i32
          %mul3A_451 = arith.muli %while3A_423, %mul3A_450 : i32
          %dma_wait3A_452 = tpu.memref_slice %arg26[%mul3A_451] : memref<768xf32, #tpu.memory_space<vmem>> -> memref<16xf32, #tpu.memory_space<vmem>>
          %dma_wait3A_453 = arith.constant 0 : i32
          %dma_wait3A_454 = tpu.memref_slice %arg8[%dma_wait3A_453] : memref<65536xf32, #tpu.memory_space<hbm>> -> memref<65536xf32, #tpu.memory_space<hbm>>
          tpu.wait_indirect_dma semaphore(%arg33 : memref<!tpu.dma_semaphore, #tpu.memory_space<semaphore_mem>>) src(%dma_wait3A_454 : memref<65536xf32, #tpu.memory_space<hbm>>) dst(%dma_wait3A_452 : memref<16xf32, #tpu.memory_space<vmem>>)
          %mul3A_455 = arith.constant 16 : i32
          %mul3A_456 = arith.muli %while3A_423, %mul3A_455 : i32
          %dma_wait3A_457 = tpu.memref_slice %arg27[%mul3A_456] : memref<768xf32, #tpu.memory_space<vmem>> -> memref<16xf32, #tpu.memory_space<vmem>>
          %dma_wait3A_458 = arith.constant 0 : i32
          %dma_wait3A_459 = tpu.memref_slice %arg9[%dma_wait3A_458] : memref<65536xf32, #tpu.memory_space<hbm>> -> memref<65536xf32, #tpu.memory_space<hbm>>
          tpu.wait_indirect_dma semaphore(%arg33 : memref<!tpu.dma_semaphore, #tpu.memory_space<semaphore_mem>>) src(%dma_wait3A_459 : memref<65536xf32, #tpu.memory_space<hbm>>) dst(%dma_wait3A_457 : memref<16xf32, #tpu.memory_space<vmem>>)
          %mul3A_460 = arith.constant 16 : i32
          %mul3A_461 = arith.muli %while3A_423, %mul3A_460 : i32
          %dma_wait3A_462 = tpu.memref_slice %arg28[%mul3A_461] : memref<768xf32, #tpu.memory_space<vmem>> -> memref<16xf32, #tpu.memory_space<vmem>>
          %dma_wait3A_463 = arith.constant 0 : i32
          %dma_wait3A_464 = tpu.memref_slice %arg10[%dma_wait3A_463] : memref<65536xf32, #tpu.memory_space<hbm>> -> memref<65536xf32, #tpu.memory_space<hbm>>
          tpu.wait_indirect_dma semaphore(%arg33 : memref<!tpu.dma_semaphore, #tpu.memory_space<semaphore_mem>>) src(%dma_wait3A_464 : memref<65536xf32, #tpu.memory_space<hbm>>) dst(%dma_wait3A_462 : memref<16xf32, #tpu.memory_space<vmem>>)
          %mul3A_465 = arith.constant 16 : i32
          %mul3A_466 = arith.muli %while3A_423, %mul3A_465 : i32
          %dma_wait3A_467 = tpu.memref_slice %arg29[%mul3A_466] : memref<768xf32, #tpu.memory_space<vmem>> -> memref<16xf32, #tpu.memory_space<vmem>>
          %dma_wait3A_468 = arith.constant 0 : i32
          %dma_wait3A_469 = tpu.memref_slice %arg11[%dma_wait3A_468] : memref<65536xf32, #tpu.memory_space<hbm>> -> memref<65536xf32, #tpu.memory_space<hbm>>
          tpu.wait_indirect_dma semaphore(%arg33 : memref<!tpu.dma_semaphore, #tpu.memory_space<semaphore_mem>>) src(%dma_wait3A_469 : memref<65536xf32, #tpu.memory_space<hbm>>) dst(%dma_wait3A_467 : memref<16xf32, #tpu.memory_space<vmem>>)
          %mul3A_470 = arith.constant 16 : i32
          %mul3A_471 = arith.muli %while3A_423, %mul3A_470 : i32
          %dma_wait3A_472 = tpu.memref_slice %arg30[%mul3A_471] : memref<768xf32, #tpu.memory_space<vmem>> -> memref<16xf32, #tpu.memory_space<vmem>>
          %dma_wait3A_473 = arith.constant 0 : i32
          %dma_wait3A_474 = tpu.memref_slice %arg12[%dma_wait3A_473] : memref<65536xf32, #tpu.memory_space<hbm>> -> memref<65536xf32, #tpu.memory_space<hbm>>
          tpu.wait_indirect_dma semaphore(%arg33 : memref<!tpu.dma_semaphore, #tpu.memory_space<semaphore_mem>>) src(%dma_wait3A_474 : memref<65536xf32, #tpu.memory_space<hbm>>) dst(%dma_wait3A_472 : memref<16xf32, #tpu.memory_space<vmem>>)
        } else {
        }
        %while3A_431 = arith.constant 0 : i32
        scf.yield %while3A_431 : i32
      }
      %while3A_397 = arith.constant 1 : i32
      %while3A_398 = scf.for %while3A_423 = %while3A_394 to %while3A_390 step %while3A_397 iter_args(%while3A_424 = %while3A_396) -> (i32)  : i32 {
        %mul3A_425 = arith.constant 16 : i32
        %mul3A_426 = arith.muli %while3A_423, %mul3A_425 : i32
        %lt3A_427 = arith.cmpi slt, %mul3A_426, %add3A_345 : i32
        %convert_element_type3A_428 = arith.extui %lt3A_427 : i1 to i32
        %cond3A_429 = arith.constant 0 : i32
        %cond3A_430 = arith.cmpi ne, %convert_element_type3A_428, %cond3A_429 : i32
        scf.if %cond3A_430 {
          %mul3A_432 = arith.constant 16 : i32
          %mul3A_433 = arith.muli %while3A_423, %mul3A_432 : i32
          %get3A_434 = arith.index_cast %mul3A_433 : i32 to index
          %get3A_435 = tpu.vector_load %arg22[%get3A_434] {strides = array<i32>} : memref<784xi32, #tpu.memory_space<vmem>>, vector<16xi32>,
          %mul3A_436 = arith.constant 16 : i32
          %mul3A_437 = arith.muli %while3A_423, %mul3A_436 : i32
          %dma_wait3A = tpu.memref_slice %arg23[%mul3A_437] : memref<768xi32, #tpu.memory_space<vmem>> -> memref<16xi32, #tpu.memory_space<vmem>>
          %dma_wait3A_438 = arith.constant 0 : i32
          %dma_wait3A_439 = tpu.memref_slice %arg5[%dma_wait3A_438] : memref<65536xi32, #tpu.memory_space<hbm>> -> memref<65536xi32, #tpu.memory_space<hbm>>
          tpu.wait_indirect_dma semaphore(%arg33 : memref<!tpu.dma_semaphore, #tpu.memory_space<semaphore_mem>>) src(%dma_wait3A_439 : memref<65536xi32, #tpu.memory_space<hbm>>) dst(%dma_wait3A : memref<16xi32, #tpu.memory_space<vmem>>)
          %mul3A_440 = arith.constant 16 : i32
          %mul3A_441 = arith.muli %while3A_423, %mul3A_440 : i32
          %dma_wait3A_442 = tpu.memref_slice %arg24[%mul3A_441] : memref<768xf32, #tpu.memory_space<vmem>> -> memref<16xf32, #tpu.memory_space<vmem>>
          %dma_wait3A_443 = arith.constant 0 : i32
          %dma_wait3A_444 = tpu.memref_slice %arg6[%dma_wait3A_443] : memref<65536xf32, #tpu.memory_space<hbm>> -> memref<65536xf32, #tpu.memory_space<hbm>>
          tpu.wait_indirect_dma semaphore(%arg33 : memref<!tpu.dma_semaphore, #tpu.memory_space<semaphore_mem>>) src(%dma_wait3A_444 : memref<65536xf32, #tpu.memory_space<hbm>>) dst(%dma_wait3A_442 : memref<16xf32, #tpu.memory_space<vmem>>)
          %mul3A_445 = arith.constant 16 : i32
          %mul3A_446 = arith.muli %while3A_423, %mul3A_445 : i32
          %dma_wait3A_447 = tpu.memref_slice %arg25[%mul3A_446] : memref<768xf32, #tpu.memory_space<vmem>> -> memref<16xf32, #tpu.memory_space<vmem>>
          %dma_wait3A_448 = arith.constant 0 : i32
          %dma_wait3A_449 = tpu.memref_slice %arg7[%dma_wait3A_448] : memref<65536xf32, #tpu.memory_space<hbm>> -> memref<65536xf32, #tpu.memory_space<hbm>>
          tpu.wait_indirect_dma semaphore(%arg33 : memref<!tpu.dma_semaphore, #tpu.memory_space<semaphore_mem>>) src(%dma_wait3A_449 : memref<65536xf32, #tpu.memory_space<hbm>>) dst(%dma_wait3A_447 : memref<16xf32, #tpu.memory_space<vmem>>)
          %mul3A_450 = arith.constant 16 : i32
          %mul3A_451 = arith.muli %while3A_423, %mul3A_450 : i32
          %dma_wait3A_452 = tpu.memref_slice %arg26[%mul3A_451] : memref<768xf32, #tpu.memory_space<vmem>> -> memref<16xf32, #tpu.memory_space<vmem>>
          %dma_wait3A_453 = arith.constant 0 : i32
          %dma_wait3A_454 = tpu.memref_slice %arg8[%dma_wait3A_453] : memref<65536xf32, #tpu.memory_space<hbm>> -> memref<65536xf32, #tpu.memory_space<hbm>>
          tpu.wait_indirect_dma semaphore(%arg33 : memref<!tpu.dma_semaphore, #tpu.memory_space<semaphore_mem>>) src(%dma_wait3A_454 : memref<65536xf32, #tpu.memory_space<hbm>>) dst(%dma_wait3A_452 : memref<16xf32, #tpu.memory_space<vmem>>)
          %mul3A_455 = arith.constant 16 : i32
          %mul3A_456 = arith.muli %while3A_423, %mul3A_455 : i32
          %dma_wait3A_457 = tpu.memref_slice %arg27[%mul3A_456] : memref<768xf32, #tpu.memory_space<vmem>> -> memref<16xf32, #tpu.memory_space<vmem>>
          %dma_wait3A_458 = arith.constant 0 : i32
          %dma_wait3A_459 = tpu.memref_slice %arg9[%dma_wait3A_458] : memref<65536xf32, #tpu.memory_space<hbm>> -> memref<65536xf32, #tpu.memory_space<hbm>>
          tpu.wait_indirect_dma semaphore(%arg33 : memref<!tpu.dma_semaphore, #tpu.memory_space<semaphore_mem>>) src(%dma_wait3A_459 : memref<65536xf32, #tpu.memory_space<hbm>>) dst(%dma_wait3A_457 : memref<16xf32, #tpu.memory_space<vmem>>)
          %mul3A_460 = arith.constant 16 : i32
          %mul3A_461 = arith.muli %while3A_423, %mul3A_460 : i32
          %dma_wait3A_462 = tpu.memref_slice %arg28[%mul3A_461] : memref<768xf32, #tpu.memory_space<vmem>> -> memref<16xf32, #tpu.memory_space<vmem>>
          %dma_wait3A_463 = arith.constant 0 : i32
          %dma_wait3A_464 = tpu.memref_slice %arg10[%dma_wait3A_463] : memref<65536xf32, #tpu.memory_space<hbm>> -> memref<65536xf32, #tpu.memory_space<hbm>>
          tpu.wait_indirect_dma semaphore(%arg33 : memref<!tpu.dma_semaphore, #tpu.memory_space<semaphore_mem>>) src(%dma_wait3A_464 : memref<65536xf32, #tpu.memory_space<hbm>>) dst(%dma_wait3A_462 : memref<16xf32, #tpu.memory_space<vmem>>)
          %mul3A_465 = arith.constant 16 : i32
          %mul3A_466 = arith.muli %while3A_423, %mul3A_465 : i32
          %dma_wait3A_467 = tpu.memref_slice %arg29[%mul3A_466] : memref<768xf32, #tpu.memory_space<vmem>> -> memref<16xf32, #tpu.memory_space<vmem>>
          %dma_wait3A_468 = arith.constant 0 : i32
          %dma_wait3A_469 = tpu.memref_slice %arg11[%dma_wait3A_468] : memref<65536xf32, #tpu.memory_space<hbm>> -> memref<65536xf32, #tpu.memory_space<hbm>>
          tpu.wait_indirect_dma semaphore(%arg33 : memref<!tpu.dma_semaphore, #tpu.memory_space<semaphore_mem>>) src(%dma_wait3A_469 : memref<65536xf32, #tpu.memory_space<hbm>>) dst(%dma_wait3A_467 : memref<16xf32, #tpu.memory_space<vmem>>)
          %mul3A_470 = arith.constant 16 : i32
          %mul3A_471 = arith.muli %while3A_423, %mul3A_470 : i32
          %dma_wait3A_472 = tpu.memref_slice %arg30[%mul3A_471] : memref<768xf32, #tpu.memory_space<vmem>> -> memref<16xf32, #tpu.memory_space<vmem>>
          %dma_wait3A_473 = arith.constant 0 : i32
          %dma_wait3A_474 = tpu.memref_slice %arg12[%dma_wait3A_473] : memref<65536xf32, #tpu.memory_space<hbm>> -> memref<65536xf32, #tpu.memory_space<hbm>>
          tpu.wait_indirect_dma semaphore(%arg33 : memref<!tpu.dma_semaphore, #tpu.memory_space<semaphore_mem>>) src(%dma_wait3A_474 : memref<65536xf32, #tpu.memory_space<hbm>>) dst(%dma_wait3A_472 : memref<16xf32, #tpu.memory_space<vmem>>)
        } else {
        }
        %while3A_431 = arith.constant 0 : i32
        scf.yield %while3A_431 : i32
      }
      %while3A_399 = arith.constant 0 : i32
      %while3A_400 = arith.constant 0 : i32
      %while3A_401 = arith.subi %select_n3A_375, %while3A_399 : i32
      %while3A_402 = arith.addi %while3A_399, %while3A_401 : i32
      %while3A_403 = arith.constant 1 : i32
      %while3A_404 = arith.divsi %while3A_401, %while3A_403 : i32
      %while3A_405 = arith.muli %while3A_404, %while3A_403 : i32
      %while3A_406 = arith.addi %while3A_399, %while3A_405 : i32
      %while3A_407 = arith.constant 1 : i32
      %while3A_408 = scf.for %while3A_423 = %while3A_399 to %while3A_406 step %while3A_407 iter_args(%while3A_424 = %while3A_400) -> (i32)  : i32 {
        %mul3A_425 = arith.constant 16 : i32
        %mul3A_426 = arith.muli %while3A_423, %mul3A_425 : i32
        %lt3A_427 = arith.cmpi slt, %mul3A_426, %add3A_345 : i32
        %convert_element_type3A_428 = arith.extui %lt3A_427 : i1 to i32
        %cond3A_429 = arith.constant 0 : i32
        %cond3A_430 = arith.cmpi ne, %convert_element_type3A_428, %cond3A_429 : i32
        scf.if %cond3A_430 {
          %mul3A_432 = arith.constant 16 : i32
          %mul3A_433 = arith.muli %while3A_423, %mul3A_432 : i32
          %add3A_434 = vector.broadcast %mul3A_433 : i32 to vector<16xi32>
          %add3A_435 = arith.addi %add3A_434, %iota3A : vector<16xi32>
          %lt3A_436 = vector.broadcast %add3A_345 : i32 to vector<16xi32>
          %lt3A_437 = arith.cmpi slt, %add3A_435, %lt3A_436 : vector<16xi32>
          %add3A_438 = vector.broadcast %add3A_355 : i32 to vector<16xi32>
          %add3A_439 = arith.addi %add3A_438, %add3A_435 : vector<16xi32>
          %jit3A_440 = arith.constant 768 : i32
          %broadcast_in_dim3A_441 = vector.broadcast %jit3A_440 : i32 to vector<16xi32>
          %select_n3A_442 = arith.select %lt3A_437, %add3A_439, %broadcast_in_dim3A_441 : vector<16xi1>, vector<16xi32>
          %mul3A_443 = arith.constant 16 : i32
          %mul3A_444 = arith.muli %while3A_423, %mul3A_443 : i32
          %dma_start3A = tpu.memref_slice %arg23[%mul3A_444] : memref<768xi32, #tpu.memory_space<vmem>> -> memref<16xi32, #tpu.memory_space<vmem>>
          %dma_start3A_445 = arith.constant 0 : i32
          %dma_start3A_446 = tpu.memref_slice %arg13[%dma_start3A_445] : memref<769xi32, #tpu.memory_space<hbm>> -> memref<769xi32, #tpu.memory_space<hbm>>
          tpu.enqueue_indirect_dma source(%dma_start3A : memref<16xi32, #tpu.memory_space<vmem>>) target(%dma_start3A_446 : memref<769xi32, #tpu.memory_space<hbm>>) offsets(%select_n3A_442 : vector<16xi32>) semaphore(%arg33 : memref<!tpu.dma_semaphore, #tpu.memory_space<semaphore_mem>>)
          %mul3A_447 = arith.constant 16 : i32
          %mul3A_448 = arith.muli %while3A_423, %mul3A_447 : i32
          %dma_start3A_449 = tpu.memref_slice %arg24[%mul3A_448] : memref<768xf32, #tpu.memory_space<vmem>> -> memref<16xf32, #tpu.memory_space<vmem>>
          %dma_start3A_450 = arith.constant 0 : i32
          %dma_start3A_451 = tpu.memref_slice %arg14[%dma_start3A_450] : memref<769xf32, #tpu.memory_space<hbm>> -> memref<769xf32, #tpu.memory_space<hbm>>
          tpu.enqueue_indirect_dma source(%dma_start3A_449 : memref<16xf32, #tpu.memory_space<vmem>>) target(%dma_start3A_451 : memref<769xf32, #tpu.memory_space<hbm>>) offsets(%select_n3A_442 : vector<16xi32>) semaphore(%arg33 : memref<!tpu.dma_semaphore, #tpu.memory_space<semaphore_mem>>)
          %mul3A_452 = arith.constant 16 : i32
          %mul3A_453 = arith.muli %while3A_423, %mul3A_452 : i32
          %dma_start3A_454 = tpu.memref_slice %arg25[%mul3A_453] : memref<768xf32, #tpu.memory_space<vmem>> -> memref<16xf32, #tpu.memory_space<vmem>>
          %dma_start3A_455 = arith.constant 0 : i32
          %dma_start3A_456 = tpu.memref_slice %arg15[%dma_start3A_455] : memref<769xf32, #tpu.memory_space<hbm>> -> memref<769xf32, #tpu.memory_space<hbm>>
          tpu.enqueue_indirect_dma source(%dma_start3A_454 : memref<16xf32, #tpu.memory_space<vmem>>) target(%dma_start3A_456 : memref<769xf32, #tpu.memory_space<hbm>>) offsets(%select_n3A_442 : vector<16xi32>) semaphore(%arg33 : memref<!tpu.dma_semaphore, #tpu.memory_space<semaphore_mem>>)
          %mul3A_457 = arith.constant 16 : i32
          %mul3A_458 = arith.muli %while3A_423, %mul3A_457 : i32
          %dma_start3A_459 = tpu.memref_slice %arg26[%mul3A_458] : memref<768xf32, #tpu.memory_space<vmem>> -> memref<16xf32, #tpu.memory_space<vmem>>
          %dma_start3A_460 = arith.constant 0 : i32
          %dma_start3A_461 = tpu.memref_slice %arg16[%dma_start3A_460] : memref<769xf32, #tpu.memory_space<hbm>> -> memref<769xf32, #tpu.memory_space<hbm>>
          tpu.enqueue_indirect_dma source(%dma_start3A_459 : memref<16xf32, #tpu.memory_space<vmem>>) target(%dma_start3A_461 : memref<769xf32, #tpu.memory_space<hbm>>) offsets(%select_n3A_442 : vector<16xi32>) semaphore(%arg33 : memref<!tpu.dma_semaphore, #tpu.memory_space<semaphore_mem>>)
          %mul3A_462 = arith.constant 16 : i32
          %mul3A_463 = arith.muli %while3A_423, %mul3A_462 : i32
          %dma_start3A_464 = tpu.memref_slice %arg27[%mul3A_463] : memref<768xf32, #tpu.memory_space<vmem>> -> memref<16xf32, #tpu.memory_space<vmem>>
          %dma_start3A_465 = arith.constant 0 : i32
          %dma_start3A_466 = tpu.memref_slice %arg17[%dma_start3A_465] : memref<769xf32, #tpu.memory_space<hbm>> -> memref<769xf32, #tpu.memory_space<hbm>>
          tpu.enqueue_indirect_dma source(%dma_start3A_464 : memref<16xf32, #tpu.memory_space<vmem>>) target(%dma_start3A_466 : memref<769xf32, #tpu.memory_space<hbm>>) offsets(%select_n3A_442 : vector<16xi32>) semaphore(%arg33 : memref<!tpu.dma_semaphore, #tpu.memory_space<semaphore_mem>>)
          %mul3A_467 = arith.constant 16 : i32
          %mul3A_468 = arith.muli %while3A_423, %mul3A_467 : i32
          %dma_start3A_469 = tpu.memref_slice %arg28[%mul3A_468] : memref<768xf32, #tpu.memory_space<vmem>> -> memref<16xf32, #tpu.memory_space<vmem>>
          %dma_start3A_470 = arith.constant 0 : i32
          %dma_start3A_471 = tpu.memref_slice %arg18[%dma_start3A_470] : memref<769xf32, #tpu.memory_space<hbm>> -> memref<769xf32, #tpu.memory_space<hbm>>
          tpu.enqueue_indirect_dma source(%dma_start3A_469 : memref<16xf32, #tpu.memory_space<vmem>>) target(%dma_start3A_471 : memref<769xf32, #tpu.memory_space<hbm>>) offsets(%select_n3A_442 : vector<16xi32>) semaphore(%arg33 : memref<!tpu.dma_semaphore, #tpu.memory_space<semaphore_mem>>)
          %mul3A_472 = arith.constant 16 : i32
          %mul3A_473 = arith.muli %while3A_423, %mul3A_472 : i32
          %dma_start3A_474 = tpu.memref_slice %arg29[%mul3A_473] : memref<768xf32, #tpu.memory_space<vmem>> -> memref<16xf32, #tpu.memory_space<vmem>>
          %dma_start3A_475 = arith.constant 0 : i32
          %dma_start3A_476 = tpu.memref_slice %arg19[%dma_start3A_475] : memref<769xf32, #tpu.memory_space<hbm>> -> memref<769xf32, #tpu.memory_space<hbm>>
          tpu.enqueue_indirect_dma source(%dma_start3A_474 : memref<16xf32, #tpu.memory_space<vmem>>) target(%dma_start3A_476 : memref<769xf32, #tpu.memory_space<hbm>>) offsets(%select_n3A_442 : vector<16xi32>) semaphore(%arg33 : memref<!tpu.dma_semaphore, #tpu.memory_space<semaphore_mem>>)
          %mul3A_477 = arith.constant 16 : i32
          %mul3A_478 = arith.muli %while3A_423, %mul3A_477 : i32
          %dma_start3A_479 = tpu.memref_slice %arg30[%mul3A_478] : memref<768xf32, #tpu.memory_space<vmem>> -> memref<16xf32, #tpu.memory_space<vmem>>
          %dma_start3A_480 = arith.constant 0 : i32
          %dma_start3A_481 = tpu.memref_slice %arg20[%dma_start3A_480] : memref<769xf32, #tpu.memory_space<hbm>> -> memref<769xf32, #tpu.memory_space<hbm>>
          tpu.enqueue_indirect_dma source(%dma_start3A_479 : memref<16xf32, #tpu.memory_space<vmem>>) target(%dma_start3A_481 : memref<769xf32, #tpu.memory_space<hbm>>) offsets(%select_n3A_442 : vector<16xi32>) semaphore(%arg33 : memref<!tpu.dma_semaphore, #tpu.memory_space<semaphore_mem>>)
        } else {
        }
        %while3A_431 = arith.constant 0 : i32
        scf.yield %while3A_431 : i32
      }
      %while3A_409 = arith.constant 1 : i32
      %while3A_410 = scf.for %while3A_423 = %while3A_406 to %while3A_402 step %while3A_409 iter_args(%while3A_424 = %while3A_408) -> (i32)  : i32 {
        %mul3A_425 = arith.constant 16 : i32
        %mul3A_426 = arith.muli %while3A_423, %mul3A_425 : i32
        %lt3A_427 = arith.cmpi slt, %mul3A_426, %add3A_345 : i32
        %convert_element_type3A_428 = arith.extui %lt3A_427 : i1 to i32
        %cond3A_429 = arith.constant 0 : i32
        %cond3A_430 = arith.cmpi ne, %convert_element_type3A_428, %cond3A_429 : i32
        scf.if %cond3A_430 {
          %mul3A_432 = arith.constant 16 : i32
          %mul3A_433 = arith.muli %while3A_423, %mul3A_432 : i32
          %add3A_434 = vector.broadcast %mul3A_433 : i32 to vector<16xi32>
          %add3A_435 = arith.addi %add3A_434, %iota3A : vector<16xi32>
          %lt3A_436 = vector.broadcast %add3A_345 : i32 to vector<16xi32>
          %lt3A_437 = arith.cmpi slt, %add3A_435, %lt3A_436 : vector<16xi32>
          %add3A_438 = vector.broadcast %add3A_355 : i32 to vector<16xi32>
          %add3A_439 = arith.addi %add3A_438, %add3A_435 : vector<16xi32>
          %jit3A_440 = arith.constant 768 : i32
          %broadcast_in_dim3A_441 = vector.broadcast %jit3A_440 : i32 to vector<16xi32>
          %select_n3A_442 = arith.select %lt3A_437, %add3A_439, %broadcast_in_dim3A_441 : vector<16xi1>, vector<16xi32>
          %mul3A_443 = arith.constant 16 : i32
          %mul3A_444 = arith.muli %while3A_423, %mul3A_443 : i32
          %dma_start3A = tpu.memref_slice %arg23[%mul3A_444] : memref<768xi32, #tpu.memory_space<vmem>> -> memref<16xi32, #tpu.memory_space<vmem>>
          %dma_start3A_445 = arith.constant 0 : i32
          %dma_start3A_446 = tpu.memref_slice %arg13[%dma_start3A_445] : memref<769xi32, #tpu.memory_space<hbm>> -> memref<769xi32, #tpu.memory_space<hbm>>
          tpu.enqueue_indirect_dma source(%dma_start3A : memref<16xi32, #tpu.memory_space<vmem>>) target(%dma_start3A_446 : memref<769xi32, #tpu.memory_space<hbm>>) offsets(%select_n3A_442 : vector<16xi32>) semaphore(%arg33 : memref<!tpu.dma_semaphore, #tpu.memory_space<semaphore_mem>>)
          %mul3A_447 = arith.constant 16 : i32
          %mul3A_448 = arith.muli %while3A_423, %mul3A_447 : i32
          %dma_start3A_449 = tpu.memref_slice %arg24[%mul3A_448] : memref<768xf32, #tpu.memory_space<vmem>> -> memref<16xf32, #tpu.memory_space<vmem>>
          %dma_start3A_450 = arith.constant 0 : i32
          %dma_start3A_451 = tpu.memref_slice %arg14[%dma_start3A_450] : memref<769xf32, #tpu.memory_space<hbm>> -> memref<769xf32, #tpu.memory_space<hbm>>
          tpu.enqueue_indirect_dma source(%dma_start3A_449 : memref<16xf32, #tpu.memory_space<vmem>>) target(%dma_start3A_451 : memref<769xf32, #tpu.memory_space<hbm>>) offsets(%select_n3A_442 : vector<16xi32>) semaphore(%arg33 : memref<!tpu.dma_semaphore, #tpu.memory_space<semaphore_mem>>)
          %mul3A_452 = arith.constant 16 : i32
          %mul3A_453 = arith.muli %while3A_423, %mul3A_452 : i32
          %dma_start3A_454 = tpu.memref_slice %arg25[%mul3A_453] : memref<768xf32, #tpu.memory_space<vmem>> -> memref<16xf32, #tpu.memory_space<vmem>>
          %dma_start3A_455 = arith.constant 0 : i32
          %dma_start3A_456 = tpu.memref_slice %arg15[%dma_start3A_455] : memref<769xf32, #tpu.memory_space<hbm>> -> memref<769xf32, #tpu.memory_space<hbm>>
          tpu.enqueue_indirect_dma source(%dma_start3A_454 : memref<16xf32, #tpu.memory_space<vmem>>) target(%dma_start3A_456 : memref<769xf32, #tpu.memory_space<hbm>>) offsets(%select_n3A_442 : vector<16xi32>) semaphore(%arg33 : memref<!tpu.dma_semaphore, #tpu.memory_space<semaphore_mem>>)
          %mul3A_457 = arith.constant 16 : i32
          %mul3A_458 = arith.muli %while3A_423, %mul3A_457 : i32
          %dma_start3A_459 = tpu.memref_slice %arg26[%mul3A_458] : memref<768xf32, #tpu.memory_space<vmem>> -> memref<16xf32, #tpu.memory_space<vmem>>
          %dma_start3A_460 = arith.constant 0 : i32
          %dma_start3A_461 = tpu.memref_slice %arg16[%dma_start3A_460] : memref<769xf32, #tpu.memory_space<hbm>> -> memref<769xf32, #tpu.memory_space<hbm>>
          tpu.enqueue_indirect_dma source(%dma_start3A_459 : memref<16xf32, #tpu.memory_space<vmem>>) target(%dma_start3A_461 : memref<769xf32, #tpu.memory_space<hbm>>) offsets(%select_n3A_442 : vector<16xi32>) semaphore(%arg33 : memref<!tpu.dma_semaphore, #tpu.memory_space<semaphore_mem>>)
          %mul3A_462 = arith.constant 16 : i32
          %mul3A_463 = arith.muli %while3A_423, %mul3A_462 : i32
          %dma_start3A_464 = tpu.memref_slice %arg27[%mul3A_463] : memref<768xf32, #tpu.memory_space<vmem>> -> memref<16xf32, #tpu.memory_space<vmem>>
          %dma_start3A_465 = arith.constant 0 : i32
          %dma_start3A_466 = tpu.memref_slice %arg17[%dma_start3A_465] : memref<769xf32, #tpu.memory_space<hbm>> -> memref<769xf32, #tpu.memory_space<hbm>>
          tpu.enqueue_indirect_dma source(%dma_start3A_464 : memref<16xf32, #tpu.memory_space<vmem>>) target(%dma_start3A_466 : memref<769xf32, #tpu.memory_space<hbm>>) offsets(%select_n3A_442 : vector<16xi32>) semaphore(%arg33 : memref<!tpu.dma_semaphore, #tpu.memory_space<semaphore_mem>>)
          %mul3A_467 = arith.constant 16 : i32
          %mul3A_468 = arith.muli %while3A_423, %mul3A_467 : i32
          %dma_start3A_469 = tpu.memref_slice %arg28[%mul3A_468] : memref<768xf32, #tpu.memory_space<vmem>> -> memref<16xf32, #tpu.memory_space<vmem>>
          %dma_start3A_470 = arith.constant 0 : i32
          %dma_start3A_471 = tpu.memref_slice %arg18[%dma_start3A_470] : memref<769xf32, #tpu.memory_space<hbm>> -> memref<769xf32, #tpu.memory_space<hbm>>
          tpu.enqueue_indirect_dma source(%dma_start3A_469 : memref<16xf32, #tpu.memory_space<vmem>>) target(%dma_start3A_471 : memref<769xf32, #tpu.memory_space<hbm>>) offsets(%select_n3A_442 : vector<16xi32>) semaphore(%arg33 : memref<!tpu.dma_semaphore, #tpu.memory_space<semaphore_mem>>)
          %mul3A_472 = arith.constant 16 : i32
          %mul3A_473 = arith.muli %while3A_423, %mul3A_472 : i32
          %dma_start3A_474 = tpu.memref_slice %arg29[%mul3A_473] : memref<768xf32, #tpu.memory_space<vmem>> -> memref<16xf32, #tpu.memory_space<vmem>>
          %dma_start3A_475 = arith.constant 0 : i32
          %dma_start3A_476 = tpu.memref_slice %arg19[%dma_start3A_475] : memref<769xf32, #tpu.memory_space<hbm>> -> memref<769xf32, #tpu.memory_space<hbm>>
          tpu.enqueue_indirect_dma source(%dma_start3A_474 : memref<16xf32, #tpu.memory_space<vmem>>) target(%dma_start3A_476 : memref<769xf32, #tpu.memory_space<hbm>>) offsets(%select_n3A_442 : vector<16xi32>) semaphore(%arg33 : memref<!tpu.dma_semaphore, #tpu.memory_space<semaphore_mem>>)
          %mul3A_477 = arith.constant 16 : i32
          %mul3A_478 = arith.muli %while3A_423, %mul3A_477 : i32
          %dma_start3A_479 = tpu.memref_slice %arg30[%mul3A_478] : memref<768xf32, #tpu.memory_space<vmem>> -> memref<16xf32, #tpu.memory_space<vmem>>
          %dma_start3A_480 = arith.constant 0 : i32
          %dma_start3A_481 = tpu.memref_slice %arg20[%dma_start3A_480] : memref<769xf32, #tpu.memory_space<hbm>> -> memref<769xf32, #tpu.memory_space<hbm>>
          tpu.enqueue_indirect_dma source(%dma_start3A_479 : memref<16xf32, #tpu.memory_space<vmem>>) target(%dma_start3A_481 : memref<769xf32, #tpu.memory_space<hbm>>) offsets(%select_n3A_442 : vector<16xi32>) semaphore(%arg33 : memref<!tpu.dma_semaphore, #tpu.memory_space<semaphore_mem>>)
        } else {
        }
        %while3A_431 = arith.constant 0 : i32
        scf.yield %while3A_431 : i32
      }
      %while3A_411 = arith.constant 0 : i32
      %while3A_412 = arith.constant 0 : i32
      %while3A_413 = arith.subi %select_n3A_375, %while3A_411 : i32
      %while3A_414 = arith.addi %while3A_411, %while3A_413 : i32
      %while3A_415 = arith.constant 1 : i32
      %while3A_416 = arith.divsi %while3A_413, %while3A_415 : i32
      %while3A_417 = arith.muli %while3A_416, %while3A_415 : i32
      %while3A_418 = arith.addi %while3A_411, %while3A_417 : i32
      %while3A_419 = arith.constant 1 : i32
      %while3A_420 = scf.for %while3A_423 = %while3A_411 to %while3A_418 step %while3A_419 iter_args(%while3A_424 = %while3A_412) -> (i32)  : i32 {
        %mul3A_425 = arith.constant 16 : i32
        %mul3A_426 = arith.muli %while3A_423, %mul3A_425 : i32
        %lt3A_427 = arith.cmpi slt, %mul3A_426, %add3A_345 : i32
        %convert_element_type3A_428 = arith.extui %lt3A_427 : i1 to i32
        %cond3A_429 = arith.constant 0 : i32
        %cond3A_430 = arith.cmpi ne, %convert_element_type3A_428, %cond3A_429 : i32
        scf.if %cond3A_430 {
          %mul3A_432 = arith.constant 16 : i32
          %mul3A_433 = arith.muli %while3A_423, %mul3A_432 : i32
          %add3A_434 = vector.broadcast %mul3A_433 : i32 to vector<16xi32>
          %add3A_435 = arith.addi %add3A_434, %iota3A : vector<16xi32>
          %lt3A_436 = vector.broadcast %add3A_345 : i32 to vector<16xi32>
          %lt3A_437 = arith.cmpi slt, %add3A_435, %lt3A_436 : vector<16xi32>
          %add3A_438 = vector.broadcast %add3A_355 : i32 to vector<16xi32>
          %add3A_439 = arith.addi %add3A_438, %add3A_435 : vector<16xi32>
          %jit3A_440 = arith.constant 768 : i32
          %broadcast_in_dim3A_441 = vector.broadcast %jit3A_440 : i32 to vector<16xi32>
          %select_n3A_442 = arith.select %lt3A_437, %add3A_439, %broadcast_in_dim3A_441 : vector<16xi1>, vector<16xi32>
          %mul3A_443 = arith.constant 16 : i32
          %mul3A_444 = arith.muli %while3A_423, %mul3A_443 : i32
          %dma_wait3A = tpu.memref_slice %arg23[%mul3A_444] : memref<768xi32, #tpu.memory_space<vmem>> -> memref<16xi32, #tpu.memory_space<vmem>>
          %dma_wait3A_445 = arith.constant 0 : i32
          %dma_wait3A_446 = tpu.memref_slice %arg13[%dma_wait3A_445] : memref<769xi32, #tpu.memory_space<hbm>> -> memref<769xi32, #tpu.memory_space<hbm>>
          tpu.wait_indirect_dma semaphore(%arg33 : memref<!tpu.dma_semaphore, #tpu.memory_space<semaphore_mem>>) src(%dma_wait3A : memref<16xi32, #tpu.memory_space<vmem>>) dst(%dma_wait3A_446 : memref<769xi32, #tpu.memory_space<hbm>>)
          %mul3A_447 = arith.constant 16 : i32
          %mul3A_448 = arith.muli %while3A_423, %mul3A_447 : i32
          %dma_wait3A_449 = tpu.memref_slice %arg24[%mul3A_448] : memref<768xf32, #tpu.memory_space<vmem>> -> memref<16xf32, #tpu.memory_space<vmem>>
          %dma_wait3A_450 = arith.constant 0 : i32
          %dma_wait3A_451 = tpu.memref_slice %arg14[%dma_wait3A_450] : memref<769xf32, #tpu.memory_space<hbm>> -> memref<769xf32, #tpu.memory_space<hbm>>
          tpu.wait_indirect_dma semaphore(%arg33 : memref<!tpu.dma_semaphore, #tpu.memory_space<semaphore_mem>>) src(%dma_wait3A_449 : memref<16xf32, #tpu.memory_space<vmem>>) dst(%dma_wait3A_451 : memref<769xf32, #tpu.memory_space<hbm>>)
          %mul3A_452 = arith.constant 16 : i32
          %mul3A_453 = arith.muli %while3A_423, %mul3A_452 : i32
          %dma_wait3A_454 = tpu.memref_slice %arg25[%mul3A_453] : memref<768xf32, #tpu.memory_space<vmem>> -> memref<16xf32, #tpu.memory_space<vmem>>
          %dma_wait3A_455 = arith.constant 0 : i32
          %dma_wait3A_456 = tpu.memref_slice %arg15[%dma_wait3A_455] : memref<769xf32, #tpu.memory_space<hbm>> -> memref<769xf32, #tpu.memory_space<hbm>>
          tpu.wait_indirect_dma semaphore(%arg33 : memref<!tpu.dma_semaphore, #tpu.memory_space<semaphore_mem>>) src(%dma_wait3A_454 : memref<16xf32, #tpu.memory_space<vmem>>) dst(%dma_wait3A_456 : memref<769xf32, #tpu.memory_space<hbm>>)
          %mul3A_457 = arith.constant 16 : i32
          %mul3A_458 = arith.muli %while3A_423, %mul3A_457 : i32
          %dma_wait3A_459 = tpu.memref_slice %arg26[%mul3A_458] : memref<768xf32, #tpu.memory_space<vmem>> -> memref<16xf32, #tpu.memory_space<vmem>>
          %dma_wait3A_460 = arith.constant 0 : i32
          %dma_wait3A_461 = tpu.memref_slice %arg16[%dma_wait3A_460] : memref<769xf32, #tpu.memory_space<hbm>> -> memref<769xf32, #tpu.memory_space<hbm>>
          tpu.wait_indirect_dma semaphore(%arg33 : memref<!tpu.dma_semaphore, #tpu.memory_space<semaphore_mem>>) src(%dma_wait3A_459 : memref<16xf32, #tpu.memory_space<vmem>>) dst(%dma_wait3A_461 : memref<769xf32, #tpu.memory_space<hbm>>)
          %mul3A_462 = arith.constant 16 : i32
          %mul3A_463 = arith.muli %while3A_423, %mul3A_462 : i32
          %dma_wait3A_464 = tpu.memref_slice %arg27[%mul3A_463] : memref<768xf32, #tpu.memory_space<vmem>> -> memref<16xf32, #tpu.memory_space<vmem>>
          %dma_wait3A_465 = arith.constant 0 : i32
          %dma_wait3A_466 = tpu.memref_slice %arg17[%dma_wait3A_465] : memref<769xf32, #tpu.memory_space<hbm>> -> memref<769xf32, #tpu.memory_space<hbm>>
          tpu.wait_indirect_dma semaphore(%arg33 : memref<!tpu.dma_semaphore, #tpu.memory_space<semaphore_mem>>) src(%dma_wait3A_464 : memref<16xf32, #tpu.memory_space<vmem>>) dst(%dma_wait3A_466 : memref<769xf32, #tpu.memory_space<hbm>>)
          %mul3A_467 = arith.constant 16 : i32
          %mul3A_468 = arith.muli %while3A_423, %mul3A_467 : i32
          %dma_wait3A_469 = tpu.memref_slice %arg28[%mul3A_468] : memref<768xf32, #tpu.memory_space<vmem>> -> memref<16xf32, #tpu.memory_space<vmem>>
          %dma_wait3A_470 = arith.constant 0 : i32
          %dma_wait3A_471 = tpu.memref_slice %arg18[%dma_wait3A_470] : memref<769xf32, #tpu.memory_space<hbm>> -> memref<769xf32, #tpu.memory_space<hbm>>
          tpu.wait_indirect_dma semaphore(%arg33 : memref<!tpu.dma_semaphore, #tpu.memory_space<semaphore_mem>>) src(%dma_wait3A_469 : memref<16xf32, #tpu.memory_space<vmem>>) dst(%dma_wait3A_471 : memref<769xf32, #tpu.memory_space<hbm>>)
          %mul3A_472 = arith.constant 16 : i32
          %mul3A_473 = arith.muli %while3A_423, %mul3A_472 : i32
          %dma_wait3A_474 = tpu.memref_slice %arg29[%mul3A_473] : memref<768xf32, #tpu.memory_space<vmem>> -> memref<16xf32, #tpu.memory_space<vmem>>
          %dma_wait3A_475 = arith.constant 0 : i32
          %dma_wait3A_476 = tpu.memref_slice %arg19[%dma_wait3A_475] : memref<769xf32, #tpu.memory_space<hbm>> -> memref<769xf32, #tpu.memory_space<hbm>>
          tpu.wait_indirect_dma semaphore(%arg33 : memref<!tpu.dma_semaphore, #tpu.memory_space<semaphore_mem>>) src(%dma_wait3A_474 : memref<16xf32, #tpu.memory_space<vmem>>) dst(%dma_wait3A_476 : memref<769xf32, #tpu.memory_space<hbm>>)
          %mul3A_477 = arith.constant 16 : i32
          %mul3A_478 = arith.muli %while3A_423, %mul3A_477 : i32
          %dma_wait3A_479 = tpu.memref_slice %arg30[%mul3A_478] : memref<768xf32, #tpu.memory_space<vmem>> -> memref<16xf32, #tpu.memory_space<vmem>>
          %dma_wait3A_480 = arith.constant 0 : i32
          %dma_wait3A_481 = tpu.memref_slice %arg20[%dma_wait3A_480] : memref<769xf32, #tpu.memory_space<hbm>> -> memref<769xf32, #tpu.memory_space<hbm>>
          tpu.wait_indirect_dma semaphore(%arg33 : memref<!tpu.dma_semaphore, #tpu.memory_space<semaphore_mem>>) src(%dma_wait3A_479 : memref<16xf32, #tpu.memory_space<vmem>>) dst(%dma_wait3A_481 : memref<769xf32, #tpu.memory_space<hbm>>)
        } else {
        }
        %while3A_431 = arith.constant 0 : i32
        scf.yield %while3A_431 : i32
      }
      %while3A_421 = arith.constant 1 : i32
      %while3A_422 = scf.for %while3A_423 = %while3A_418 to %while3A_414 step %while3A_421 iter_args(%while3A_424 = %while3A_420) -> (i32)  : i32 {
        %mul3A_425 = arith.constant 16 : i32
        %mul3A_426 = arith.muli %while3A_423, %mul3A_425 : i32
        %lt3A_427 = arith.cmpi slt, %mul3A_426, %add3A_345 : i32
        %convert_element_type3A_428 = arith.extui %lt3A_427 : i1 to i32
        %cond3A_429 = arith.constant 0 : i32
        %cond3A_430 = arith.cmpi ne, %convert_element_type3A_428, %cond3A_429 : i32
        scf.if %cond3A_430 {
          %mul3A_432 = arith.constant 16 : i32
          %mul3A_433 = arith.muli %while3A_423, %mul3A_432 : i32
          %add3A_434 = vector.broadcast %mul3A_433 : i32 to vector<16xi32>
          %add3A_435 = arith.addi %add3A_434, %iota3A : vector<16xi32>
          %lt3A_436 = vector.broadcast %add3A_345 : i32 to vector<16xi32>
          %lt3A_437 = arith.cmpi slt, %add3A_435, %lt3A_436 : vector<16xi32>
          %add3A_438 = vector.broadcast %add3A_355 : i32 to vector<16xi32>
          %add3A_439 = arith.addi %add3A_438, %add3A_435 : vector<16xi32>
          %jit3A_440 = arith.constant 768 : i32
          %broadcast_in_dim3A_441 = vector.broadcast %jit3A_440 : i32 to vector<16xi32>
          %select_n3A_442 = arith.select %lt3A_437, %add3A_439, %broadcast_in_dim3A_441 : vector<16xi1>, vector<16xi32>
          %mul3A_443 = arith.constant 16 : i32
          %mul3A_444 = arith.muli %while3A_423, %mul3A_443 : i32
          %dma_wait3A = tpu.memref_slice %arg23[%mul3A_444] : memref<768xi32, #tpu.memory_space<vmem>> -> memref<16xi32, #tpu.memory_space<vmem>>
          %dma_wait3A_445 = arith.constant 0 : i32
          %dma_wait3A_446 = tpu.memref_slice %arg13[%dma_wait3A_445] : memref<769xi32, #tpu.memory_space<hbm>> -> memref<769xi32, #tpu.memory_space<hbm>>
          tpu.wait_indirect_dma semaphore(%arg33 : memref<!tpu.dma_semaphore, #tpu.memory_space<semaphore_mem>>) src(%dma_wait3A : memref<16xi32, #tpu.memory_space<vmem>>) dst(%dma_wait3A_446 : memref<769xi32, #tpu.memory_space<hbm>>)
          %mul3A_447 = arith.constant 16 : i32
          %mul3A_448 = arith.muli %while3A_423, %mul3A_447 : i32
          %dma_wait3A_449 = tpu.memref_slice %arg24[%mul3A_448] : memref<768xf32, #tpu.memory_space<vmem>> -> memref<16xf32, #tpu.memory_space<vmem>>
          %dma_wait3A_450 = arith.constant 0 : i32
          %dma_wait3A_451 = tpu.memref_slice %arg14[%dma_wait3A_450] : memref<769xf32, #tpu.memory_space<hbm>> -> memref<769xf32, #tpu.memory_space<hbm>>
          tpu.wait_indirect_dma semaphore(%arg33 : memref<!tpu.dma_semaphore, #tpu.memory_space<semaphore_mem>>) src(%dma_wait3A_449 : memref<16xf32, #tpu.memory_space<vmem>>) dst(%dma_wait3A_451 : memref<769xf32, #tpu.memory_space<hbm>>)
          %mul3A_452 = arith.constant 16 : i32
          %mul3A_453 = arith.muli %while3A_423, %mul3A_452 : i32
          %dma_wait3A_454 = tpu.memref_slice %arg25[%mul3A_453] : memref<768xf32, #tpu.memory_space<vmem>> -> memref<16xf32, #tpu.memory_space<vmem>>
          %dma_wait3A_455 = arith.constant 0 : i32
          %dma_wait3A_456 = tpu.memref_slice %arg15[%dma_wait3A_455] : memref<769xf32, #tpu.memory_space<hbm>> -> memref<769xf32, #tpu.memory_space<hbm>>
          tpu.wait_indirect_dma semaphore(%arg33 : memref<!tpu.dma_semaphore, #tpu.memory_space<semaphore_mem>>) src(%dma_wait3A_454 : memref<16xf32, #tpu.memory_space<vmem>>) dst(%dma_wait3A_456 : memref<769xf32, #tpu.memory_space<hbm>>)
          %mul3A_457 = arith.constant 16 : i32
          %mul3A_458 = arith.muli %while3A_423, %mul3A_457 : i32
          %dma_wait3A_459 = tpu.memref_slice %arg26[%mul3A_458] : memref<768xf32, #tpu.memory_space<vmem>> -> memref<16xf32, #tpu.memory_space<vmem>>
          %dma_wait3A_460 = arith.constant 0 : i32
          %dma_wait3A_461 = tpu.memref_slice %arg16[%dma_wait3A_460] : memref<769xf32, #tpu.memory_space<hbm>> -> memref<769xf32, #tpu.memory_space<hbm>>
          tpu.wait_indirect_dma semaphore(%arg33 : memref<!tpu.dma_semaphore, #tpu.memory_space<semaphore_mem>>) src(%dma_wait3A_459 : memref<16xf32, #tpu.memory_space<vmem>>) dst(%dma_wait3A_461 : memref<769xf32, #tpu.memory_space<hbm>>)
          %mul3A_462 = arith.constant 16 : i32
          %mul3A_463 = arith.muli %while3A_423, %mul3A_462 : i32
          %dma_wait3A_464 = tpu.memref_slice %arg27[%mul3A_463] : memref<768xf32, #tpu.memory_space<vmem>> -> memref<16xf32, #tpu.memory_space<vmem>>
          %dma_wait3A_465 = arith.constant 0 : i32
          %dma_wait3A_466 = tpu.memref_slice %arg17[%dma_wait3A_465] : memref<769xf32, #tpu.memory_space<hbm>> -> memref<769xf32, #tpu.memory_space<hbm>>
          tpu.wait_indirect_dma semaphore(%arg33 : memref<!tpu.dma_semaphore, #tpu.memory_space<semaphore_mem>>) src(%dma_wait3A_464 : memref<16xf32, #tpu.memory_space<vmem>>) dst(%dma_wait3A_466 : memref<769xf32, #tpu.memory_space<hbm>>)
          %mul3A_467 = arith.constant 16 : i32
          %mul3A_468 = arith.muli %while3A_423, %mul3A_467 : i32
          %dma_wait3A_469 = tpu.memref_slice %arg28[%mul3A_468] : memref<768xf32, #tpu.memory_space<vmem>> -> memref<16xf32, #tpu.memory_space<vmem>>
          %dma_wait3A_470 = arith.constant 0 : i32
          %dma_wait3A_471 = tpu.memref_slice %arg18[%dma_wait3A_470] : memref<769xf32, #tpu.memory_space<hbm>> -> memref<769xf32, #tpu.memory_space<hbm>>
          tpu.wait_indirect_dma semaphore(%arg33 : memref<!tpu.dma_semaphore, #tpu.memory_space<semaphore_mem>>) src(%dma_wait3A_469 : memref<16xf32, #tpu.memory_space<vmem>>) dst(%dma_wait3A_471 : memref<769xf32, #tpu.memory_space<hbm>>)
          %mul3A_472 = arith.constant 16 : i32
          %mul3A_473 = arith.muli %while3A_423, %mul3A_472 : i32
          %dma_wait3A_474 = tpu.memref_slice %arg29[%mul3A_473] : memref<768xf32, #tpu.memory_space<vmem>> -> memref<16xf32, #tpu.memory_space<vmem>>
          %dma_wait3A_475 = arith.constant 0 : i32
          %dma_wait3A_476 = tpu.memref_slice %arg19[%dma_wait3A_475] : memref<769xf32, #tpu.memory_space<hbm>> -> memref<769xf32, #tpu.memory_space<hbm>>
          tpu.wait_indirect_dma semaphore(%arg33 : memref<!tpu.dma_semaphore, #tpu.memory_space<semaphore_mem>>) src(%dma_wait3A_474 : memref<16xf32, #tpu.memory_space<vmem>>) dst(%dma_wait3A_476 : memref<769xf32, #tpu.memory_space<hbm>>)
          %mul3A_477 = arith.constant 16 : i32
          %mul3A_478 = arith.muli %while3A_423, %mul3A_477 : i32
          %dma_wait3A_479 = tpu.memref_slice %arg30[%mul3A_478] : memref<768xf32, #tpu.memory_space<vmem>> -> memref<16xf32, #tpu.memory_space<vmem>>
          %dma_wait3A_480 = arith.constant 0 : i32
          %dma_wait3A_481 = tpu.memref_slice %arg20[%dma_wait3A_480] : memref<769xf32, #tpu.memory_space<hbm>> -> memref<769xf32, #tpu.memory_space<hbm>>
          tpu.wait_indirect_dma semaphore(%arg33 : memref<!tpu.dma_semaphore, #tpu.memory_space<semaphore_mem>>) src(%dma_wait3A_479 : memref<16xf32, #tpu.memory_space<vmem>>) dst(%dma_wait3A_481 : memref<769xf32, #tpu.memory_space<hbm>>)
        } else {
        }
        %while3A_431 = arith.constant 0 : i32
        scf.yield %while3A_431 : i32
      }
    } else {
    }
    %ge3A = arith.constant 8 : i32
    %ge3A_6 = arith.cmpi sge, %arg1, %ge3A : i32
    %convert_element_type3A_7 = arith.extui %ge3A_6 : i1 to i32
    %cond3A_8 = arith.constant 0 : i32
    %cond3A_9 = arith.cmpi ne, %convert_element_type3A_7, %cond3A_8 : i32
    scf.if %cond3A_9 {
      %sub3A = arith.constant 8 : i32
      %sub3A_10 = arith.subi %arg1, %sub3A : i32
      %mul3A = arith.constant 8192 : i32
      %mul3A_11 = arith.muli %sub3A_10, %mul3A : i32
      "tpu.region"() ({
        %run_scoped3A = tpu.sem_alloc : memref<!tpu.dma_semaphore, #tpu.memory_space<semaphore_mem>>
        %dma_start3A = tpu.memref_slice %arg3[%mul3A_11] : memref<65536xi32, #tpu.memory_space<hbm>> -> memref<8192xi32, #tpu.memory_space<hbm>>
        %dma_start3A_425 = tpu.memref_slice %arg3[%mul3A_11] : memref<65536xi32, #tpu.memory_space<hbm>> -> memref<8192xi32, #tpu.memory_space<hbm>>
        tpu.enqueue_dma source(%dma_start3A_425 : memref<8192xi32, #tpu.memory_space<hbm>>) target(%arg21 : memref<8192xi32, #tpu.memory_space<vmem>>) target_semaphore(%run_scoped3A : memref<!tpu.dma_semaphore, #tpu.memory_space<semaphore_mem>>)
        %dma_wait3A = tpu.memref_slice %arg3[%mul3A_11] : memref<65536xi32, #tpu.memory_space<hbm>> -> memref<8192xi32, #tpu.memory_space<hbm>>
        %dma_wait3A_426 = tpu.memref_slice %arg3[%mul3A_11] : memref<65536xi32, #tpu.memory_space<hbm>> -> memref<8192xi32, #tpu.memory_space<hbm>>
        tpu.wait_dma2 semaphore(%run_scoped3A : memref<!tpu.dma_semaphore, #tpu.memory_space<semaphore_mem>>) src(%dma_wait3A_426 : memref<8192xi32, #tpu.memory_space<hbm>>) dst(%arg21 : memref<8192xi32, #tpu.memory_space<vmem>>)
        tpu.yield
      }) : () -> ()
      %get3A = arith.constant 0 : index
      %get3A_12 = tpu.vector_load %arg31[%get3A] {strides = array<i32>} : memref<16xi32, #tpu.memory_space<vmem>>, vector<16xi32>,
      %slice3A = vector.extract_strided_slice %get3A_12 {offsets = [2], sizes = [1], strides = [1]} : vector<16xi32> to vector<1xi32>
      %squeeze3A = vector.extract %slice3A[0] : i32 from vector<1xi32>
      %get3A_13 = arith.constant 0 : index
      %get3A_14 = tpu.vector_load %arg31[%get3A_13] {strides = array<i32>} : memref<16xi32, #tpu.memory_space<vmem>>, vector<16xi32>,
      %slice3A_15 = vector.extract_strided_slice %get3A_14 {offsets = [3], sizes = [1], strides = [1]} : vector<16xi32> to vector<1xi32>
      %squeeze3A_16 = vector.extract %slice3A_15[0] : i32 from vector<1xi32>
      %iota3A = tpu.iota {dimensions = array<i32: 0>} : vector<16xi32>
      %broadcast_in_dim3A = arith.constant 0 : i32
      %broadcast_in_dim3A_17 = vector.broadcast %broadcast_in_dim3A : i32 to vector<16xi32>
      %swap3A = arith.constant 0 : index
      %swap3A_18 = tpu.vector_load %arg22[%swap3A] {strides = array<i32>} : memref<784xi32, #tpu.memory_space<vmem>>, vector<16xi32>,
      tpu.vector_store %arg22[%swap3A], %broadcast_in_dim3A_17 {strides = array<i32>} : memref<784xi32, #tpu.memory_space<vmem>>, vector<16xi32>,
      %broadcast_in_dim3A_19 = arith.constant 0 : i32
      %broadcast_in_dim3A_20 = vector.broadcast %broadcast_in_dim3A_19 : i32 to vector<16xi32>
      %swap3A_21 = arith.constant 16 : index
      %swap3A_22 = tpu.vector_load %arg22[%swap3A_21] {strides = array<i32>} : memref<784xi32, #tpu.memory_space<vmem>>, vector<16xi32>,
      tpu.vector_store %arg22[%swap3A_21], %broadcast_in_dim3A_20 {strides = array<i32>} : memref<784xi32, #tpu.memory_space<vmem>>, vector<16xi32>,
      %broadcast_in_dim3A_23 = arith.constant 0 : i32
      %broadcast_in_dim3A_24 = vector.broadcast %broadcast_in_dim3A_23 : i32 to vector<16xi32>
      %swap3A_25 = arith.constant 32 : index
      %swap3A_26 = tpu.vector_load %arg22[%swap3A_25] {strides = array<i32>} : memref<784xi32, #tpu.memory_space<vmem>>, vector<16xi32>,
      tpu.vector_store %arg22[%swap3A_25], %broadcast_in_dim3A_24 {strides = array<i32>} : memref<784xi32, #tpu.memory_space<vmem>>, vector<16xi32>,
      %broadcast_in_dim3A_27 = arith.constant 0 : i32
      %broadcast_in_dim3A_28 = vector.broadcast %broadcast_in_dim3A_27 : i32 to vector<16xi32>
      %swap3A_29 = arith.constant 48 : index
      %swap3A_30 = tpu.vector_load %arg22[%swap3A_29] {strides = array<i32>} : memref<784xi32, #tpu.memory_space<vmem>>, vector<16xi32>,
      tpu.vector_store %arg22[%swap3A_29], %broadcast_in_dim3A_28 {strides = array<i32>} : memref<784xi32, #tpu.memory_space<vmem>>, vector<16xi32>,
      %broadcast_in_dim3A_31 = arith.constant 0 : i32
      %broadcast_in_dim3A_32 = vector.broadcast %broadcast_in_dim3A_31 : i32 to vector<16xi32>
      %swap3A_33 = arith.constant 64 : index
      %swap3A_34 = tpu.vector_load %arg22[%swap3A_33] {strides = array<i32>} : memref<784xi32, #tpu.memory_space<vmem>>, vector<16xi32>,
      tpu.vector_store %arg22[%swap3A_33], %broadcast_in_dim3A_32 {strides = array<i32>} : memref<784xi32, #tpu.memory_space<vmem>>, vector<16xi32>,
      %broadcast_in_dim3A_35 = arith.constant 0 : i32
      %broadcast_in_dim3A_36 = vector.broadcast %broadcast_in_dim3A_35 : i32 to vector<16xi32>
      %swap3A_37 = arith.constant 80 : index
      %swap3A_38 = tpu.vector_load %arg22[%swap3A_37] {strides = array<i32>} : memref<784xi32, #tpu.memory_space<vmem>>, vector<16xi32>,
      tpu.vector_store %arg22[%swap3A_37], %broadcast_in_dim3A_36 {strides = array<i32>} : memref<784xi32, #tpu.memory_space<vmem>>, vector<16xi32>,
      %broadcast_in_dim3A_39 = arith.constant 0 : i32
      %broadcast_in_dim3A_40 = vector.broadcast %broadcast_in_dim3A_39 : i32 to vector<16xi32>
      %swap3A_41 = arith.constant 96 : index
      %swap3A_42 = tpu.vector_load %arg22[%swap3A_41] {strides = array<i32>} : memref<784xi32, #tpu.memory_space<vmem>>, vector<16xi32>,
      tpu.vector_store %arg22[%swap3A_41], %broadcast_in_dim3A_40 {strides = array<i32>} : memref<784xi32, #tpu.memory_space<vmem>>, vector<16xi32>,
      %broadcast_in_dim3A_43 = arith.constant 0 : i32
      %broadcast_in_dim3A_44 = vector.broadcast %broadcast_in_dim3A_43 : i32 to vector<16xi32>
      %swap3A_45 = arith.constant 112 : index
      %swap3A_46 = tpu.vector_load %arg22[%swap3A_45] {strides = array<i32>} : memref<784xi32, #tpu.memory_space<vmem>>, vector<16xi32>,
      tpu.vector_store %arg22[%swap3A_45], %broadcast_in_dim3A_44 {strides = array<i32>} : memref<784xi32, #tpu.memory_space<vmem>>, vector<16xi32>,
      %broadcast_in_dim3A_47 = arith.constant 0 : i32
      %broadcast_in_dim3A_48 = vector.broadcast %broadcast_in_dim3A_47 : i32 to vector<16xi32>
      %swap3A_49 = arith.constant 128 : index
      %swap3A_50 = tpu.vector_load %arg22[%swap3A_49] {strides = array<i32>} : memref<784xi32, #tpu.memory_space<vmem>>, vector<16xi32>,
      tpu.vector_store %arg22[%swap3A_49], %broadcast_in_dim3A_48 {strides = array<i32>} : memref<784xi32, #tpu.memory_space<vmem>>, vector<16xi32>,
      %broadcast_in_dim3A_51 = arith.constant 0 : i32
      %broadcast_in_dim3A_52 = vector.broadcast %broadcast_in_dim3A_51 : i32 to vector<16xi32>
      %swap3A_53 = arith.constant 144 : index
      %swap3A_54 = tpu.vector_load %arg22[%swap3A_53] {strides = array<i32>} : memref<784xi32, #tpu.memory_space<vmem>>, vector<16xi32>,
      tpu.vector_store %arg22[%swap3A_53], %broadcast_in_dim3A_52 {strides = array<i32>} : memref<784xi32, #tpu.memory_space<vmem>>, vector<16xi32>,
      %broadcast_in_dim3A_55 = arith.constant 0 : i32
      %broadcast_in_dim3A_56 = vector.broadcast %broadcast_in_dim3A_55 : i32 to vector<16xi32>
      %swap3A_57 = arith.constant 160 : index
      %swap3A_58 = tpu.vector_load %arg22[%swap3A_57] {strides = array<i32>} : memref<784xi32, #tpu.memory_space<vmem>>, vector<16xi32>,
      tpu.vector_store %arg22[%swap3A_57], %broadcast_in_dim3A_56 {strides = array<i32>} : memref<784xi32, #tpu.memory_space<vmem>>, vector<16xi32>,
      %broadcast_in_dim3A_59 = arith.constant 0 : i32
      %broadcast_in_dim3A_60 = vector.broadcast %broadcast_in_dim3A_59 : i32 to vector<16xi32>
      %swap3A_61 = arith.constant 176 : index
      %swap3A_62 = tpu.vector_load %arg22[%swap3A_61] {strides = array<i32>} : memref<784xi32, #tpu.memory_space<vmem>>, vector<16xi32>,
      tpu.vector_store %arg22[%swap3A_61], %broadcast_in_dim3A_60 {strides = array<i32>} : memref<784xi32, #tpu.memory_space<vmem>>, vector<16xi32>,
      %broadcast_in_dim3A_63 = arith.constant 0 : i32
      %broadcast_in_dim3A_64 = vector.broadcast %broadcast_in_dim3A_63 : i32 to vector<16xi32>
      %swap3A_65 = arith.constant 192 : index
      %swap3A_66 = tpu.vector_load %arg22[%swap3A_65] {strides = array<i32>} : memref<784xi32, #tpu.memory_space<vmem>>, vector<16xi32>,
      tpu.vector_store %arg22[%swap3A_65], %broadcast_in_dim3A_64 {strides = array<i32>} : memref<784xi32, #tpu.memory_space<vmem>>, vector<16xi32>,
      %broadcast_in_dim3A_67 = arith.constant 0 : i32
      %broadcast_in_dim3A_68 = vector.broadcast %broadcast_in_dim3A_67 : i32 to vector<16xi32>
      %swap3A_69 = arith.constant 208 : index
      %swap3A_70 = tpu.vector_load %arg22[%swap3A_69] {strides = array<i32>} : memref<784xi32, #tpu.memory_space<vmem>>, vector<16xi32>,
      tpu.vector_store %arg22[%swap3A_69], %broadcast_in_dim3A_68 {strides = array<i32>} : memref<784xi32, #tpu.memory_space<vmem>>, vector<16xi32>,
      %broadcast_in_dim3A_71 = arith.constant 0 : i32
      %broadcast_in_dim3A_72 = vector.broadcast %broadcast_in_dim3A_71 : i32 to vector<16xi32>
      %swap3A_73 = arith.constant 224 : index
      %swap3A_74 = tpu.vector_load %arg22[%swap3A_73] {strides = array<i32>} : memref<784xi32, #tpu.memory_space<vmem>>, vector<16xi32>,
      tpu.vector_store %arg22[%swap3A_73], %broadcast_in_dim3A_72 {strides = array<i32>} : memref<784xi32, #tpu.memory_space<vmem>>, vector<16xi32>,
      %broadcast_in_dim3A_75 = arith.constant 0 : i32
      %broadcast_in_dim3A_76 = vector.broadcast %broadcast_in_dim3A_75 : i32 to vector<16xi32>
      %swap3A_77 = arith.constant 240 : index
      %swap3A_78 = tpu.vector_load %arg22[%swap3A_77] {strides = array<i32>} : memref<784xi32, #tpu.memory_space<vmem>>, vector<16xi32>,
      tpu.vector_store %arg22[%swap3A_77], %broadcast_in_dim3A_76 {strides = array<i32>} : memref<784xi32, #tpu.memory_space<vmem>>, vector<16xi32>,
      %broadcast_in_dim3A_79 = arith.constant 0 : i32
      %broadcast_in_dim3A_80 = vector.broadcast %broadcast_in_dim3A_79 : i32 to vector<16xi32>
      %swap3A_81 = arith.constant 256 : index
      %swap3A_82 = tpu.vector_load %arg22[%swap3A_81] {strides = array<i32>} : memref<784xi32, #tpu.memory_space<vmem>>, vector<16xi32>,
      tpu.vector_store %arg22[%swap3A_81], %broadcast_in_dim3A_80 {strides = array<i32>} : memref<784xi32, #tpu.memory_space<vmem>>, vector<16xi32>,
      %broadcast_in_dim3A_83 = arith.constant 0 : i32
      %broadcast_in_dim3A_84 = vector.broadcast %broadcast_in_dim3A_83 : i32 to vector<16xi32>
      %swap3A_85 = arith.constant 272 : index
      %swap3A_86 = tpu.vector_load %arg22[%swap3A_85] {strides = array<i32>} : memref<784xi32, #tpu.memory_space<vmem>>, vector<16xi32>,
      tpu.vector_store %arg22[%swap3A_85], %broadcast_in_dim3A_84 {strides = array<i32>} : memref<784xi32, #tpu.memory_space<vmem>>, vector<16xi32>,
      %broadcast_in_dim3A_87 = arith.constant 0 : i32
      %broadcast_in_dim3A_88 = vector.broadcast %broadcast_in_dim3A_87 : i32 to vector<16xi32>
      %swap3A_89 = arith.constant 288 : index
      %swap3A_90 = tpu.vector_load %arg22[%swap3A_89] {strides = array<i32>} : memref<784xi32, #tpu.memory_space<vmem>>, vector<16xi32>,
      tpu.vector_store %arg22[%swap3A_89], %broadcast_in_dim3A_88 {strides = array<i32>} : memref<784xi32, #tpu.memory_space<vmem>>, vector<16xi32>,
      %broadcast_in_dim3A_91 = arith.constant 0 : i32
      %broadcast_in_dim3A_92 = vector.broadcast %broadcast_in_dim3A_91 : i32 to vector<16xi32>
      %swap3A_93 = arith.constant 304 : index
      %swap3A_94 = tpu.vector_load %arg22[%swap3A_93] {strides = array<i32>} : memref<784xi32, #tpu.memory_space<vmem>>, vector<16xi32>,
      tpu.vector_store %arg22[%swap3A_93], %broadcast_in_dim3A_92 {strides = array<i32>} : memref<784xi32, #tpu.memory_space<vmem>>, vector<16xi32>,
      %broadcast_in_dim3A_95 = arith.constant 0 : i32
      %broadcast_in_dim3A_96 = vector.broadcast %broadcast_in_dim3A_95 : i32 to vector<16xi32>
      %swap3A_97 = arith.constant 320 : index
      %swap3A_98 = tpu.vector_load %arg22[%swap3A_97] {strides = array<i32>} : memref<784xi32, #tpu.memory_space<vmem>>, vector<16xi32>,
      tpu.vector_store %arg22[%swap3A_97], %broadcast_in_dim3A_96 {strides = array<i32>} : memref<784xi32, #tpu.memory_space<vmem>>, vector<16xi32>,
      %broadcast_in_dim3A_99 = arith.constant 0 : i32
      %broadcast_in_dim3A_100 = vector.broadcast %broadcast_in_dim3A_99 : i32 to vector<16xi32>
      %swap3A_101 = arith.constant 336 : index
      %swap3A_102 = tpu.vector_load %arg22[%swap3A_101] {strides = array<i32>} : memref<784xi32, #tpu.memory_space<vmem>>, vector<16xi32>,
      tpu.vector_store %arg22[%swap3A_101], %broadcast_in_dim3A_100 {strides = array<i32>} : memref<784xi32, #tpu.memory_space<vmem>>, vector<16xi32>,
      %broadcast_in_dim3A_103 = arith.constant 0 : i32
      %broadcast_in_dim3A_104 = vector.broadcast %broadcast_in_dim3A_103 : i32 to vector<16xi32>
      %swap3A_105 = arith.constant 352 : index
      %swap3A_106 = tpu.vector_load %arg22[%swap3A_105] {strides = array<i32>} : memref<784xi32, #tpu.memory_space<vmem>>, vector<16xi32>,
      tpu.vector_store %arg22[%swap3A_105], %broadcast_in_dim3A_104 {strides = array<i32>} : memref<784xi32, #tpu.memory_space<vmem>>, vector<16xi32>,
      %broadcast_in_dim3A_107 = arith.constant 0 : i32
      %broadcast_in_dim3A_108 = vector.broadcast %broadcast_in_dim3A_107 : i32 to vector<16xi32>
      %swap3A_109 = arith.constant 368 : index
      %swap3A_110 = tpu.vector_load %arg22[%swap3A_109] {strides = array<i32>} : memref<784xi32, #tpu.memory_space<vmem>>, vector<16xi32>,
      tpu.vector_store %arg22[%swap3A_109], %broadcast_in_dim3A_108 {strides = array<i32>} : memref<784xi32, #tpu.memory_space<vmem>>, vector<16xi32>,
      %broadcast_in_dim3A_111 = arith.constant 0 : i32
      %broadcast_in_dim3A_112 = vector.broadcast %broadcast_in_dim3A_111 : i32 to vector<16xi32>
      %swap3A_113 = arith.constant 384 : index
      %swap3A_114 = tpu.vector_load %arg22[%swap3A_113] {strides = array<i32>} : memref<784xi32, #tpu.memory_space<vmem>>, vector<16xi32>,
      tpu.vector_store %arg22[%swap3A_113], %broadcast_in_dim3A_112 {strides = array<i32>} : memref<784xi32, #tpu.memory_space<vmem>>, vector<16xi32>,
      %broadcast_in_dim3A_115 = arith.constant 0 : i32
      %broadcast_in_dim3A_116 = vector.broadcast %broadcast_in_dim3A_115 : i32 to vector<16xi32>
      %swap3A_117 = arith.constant 400 : index
      %swap3A_118 = tpu.vector_load %arg22[%swap3A_117] {strides = array<i32>} : memref<784xi32, #tpu.memory_space<vmem>>, vector<16xi32>,
      tpu.vector_store %arg22[%swap3A_117], %broadcast_in_dim3A_116 {strides = array<i32>} : memref<784xi32, #tpu.memory_space<vmem>>, vector<16xi32>,
      %broadcast_in_dim3A_119 = arith.constant 0 : i32
      %broadcast_in_dim3A_120 = vector.broadcast %broadcast_in_dim3A_119 : i32 to vector<16xi32>
      %swap3A_121 = arith.constant 416 : index
      %swap3A_122 = tpu.vector_load %arg22[%swap3A_121] {strides = array<i32>} : memref<784xi32, #tpu.memory_space<vmem>>, vector<16xi32>,
      tpu.vector_store %arg22[%swap3A_121], %broadcast_in_dim3A_120 {strides = array<i32>} : memref<784xi32, #tpu.memory_space<vmem>>, vector<16xi32>,
      %broadcast_in_dim3A_123 = arith.constant 0 : i32
      %broadcast_in_dim3A_124 = vector.broadcast %broadcast_in_dim3A_123 : i32 to vector<16xi32>
      %swap3A_125 = arith.constant 432 : index
      %swap3A_126 = tpu.vector_load %arg22[%swap3A_125] {strides = array<i32>} : memref<784xi32, #tpu.memory_space<vmem>>, vector<16xi32>,
      tpu.vector_store %arg22[%swap3A_125], %broadcast_in_dim3A_124 {strides = array<i32>} : memref<784xi32, #tpu.memory_space<vmem>>, vector<16xi32>,
      %broadcast_in_dim3A_127 = arith.constant 0 : i32
      %broadcast_in_dim3A_128 = vector.broadcast %broadcast_in_dim3A_127 : i32 to vector<16xi32>
      %swap3A_129 = arith.constant 448 : index
      %swap3A_130 = tpu.vector_load %arg22[%swap3A_129] {strides = array<i32>} : memref<784xi32, #tpu.memory_space<vmem>>, vector<16xi32>,
      tpu.vector_store %arg22[%swap3A_129], %broadcast_in_dim3A_128 {strides = array<i32>} : memref<784xi32, #tpu.memory_space<vmem>>, vector<16xi32>,
      %broadcast_in_dim3A_131 = arith.constant 0 : i32
      %broadcast_in_dim3A_132 = vector.broadcast %broadcast_in_dim3A_131 : i32 to vector<16xi32>
      %swap3A_133 = arith.constant 464 : index
      %swap3A_134 = tpu.vector_load %arg22[%swap3A_133] {strides = array<i32>} : memref<784xi32, #tpu.memory_space<vmem>>, vector<16xi32>,
      tpu.vector_store %arg22[%swap3A_133], %broadcast_in_dim3A_132 {strides = array<i32>} : memref<784xi32, #tpu.memory_space<vmem>>, vector<16xi32>,
      %broadcast_in_dim3A_135 = arith.constant 0 : i32
      %broadcast_in_dim3A_136 = vector.broadcast %broadcast_in_dim3A_135 : i32 to vector<16xi32>
      %swap3A_137 = arith.constant 480 : index
      %swap3A_138 = tpu.vector_load %arg22[%swap3A_137] {strides = array<i32>} : memref<784xi32, #tpu.memory_space<vmem>>, vector<16xi32>,
      tpu.vector_store %arg22[%swap3A_137], %broadcast_in_dim3A_136 {strides = array<i32>} : memref<784xi32, #tpu.memory_space<vmem>>, vector<16xi32>,
      %broadcast_in_dim3A_139 = arith.constant 0 : i32
      %broadcast_in_dim3A_140 = vector.broadcast %broadcast_in_dim3A_139 : i32 to vector<16xi32>
      %swap3A_141 = arith.constant 496 : index
      %swap3A_142 = tpu.vector_load %arg22[%swap3A_141] {strides = array<i32>} : memref<784xi32, #tpu.memory_space<vmem>>, vector<16xi32>,
      tpu.vector_store %arg22[%swap3A_141], %broadcast_in_dim3A_140 {strides = array<i32>} : memref<784xi32, #tpu.memory_space<vmem>>, vector<16xi32>,
      %broadcast_in_dim3A_143 = arith.constant 0 : i32
      %broadcast_in_dim3A_144 = vector.broadcast %broadcast_in_dim3A_143 : i32 to vector<16xi32>
      %swap3A_145 = arith.constant 512 : index
      %swap3A_146 = tpu.vector_load %arg22[%swap3A_145] {strides = array<i32>} : memref<784xi32, #tpu.memory_space<vmem>>, vector<16xi32>,
      tpu.vector_store %arg22[%swap3A_145], %broadcast_in_dim3A_144 {strides = array<i32>} : memref<784xi32, #tpu.memory_space<vmem>>, vector<16xi32>,
      %broadcast_in_dim3A_147 = arith.constant 0 : i32
      %broadcast_in_dim3A_148 = vector.broadcast %broadcast_in_dim3A_147 : i32 to vector<16xi32>
      %swap3A_149 = arith.constant 528 : index
      %swap3A_150 = tpu.vector_load %arg22[%swap3A_149] {strides = array<i32>} : memref<784xi32, #tpu.memory_space<vmem>>, vector<16xi32>,
      tpu.vector_store %arg22[%swap3A_149], %broadcast_in_dim3A_148 {strides = array<i32>} : memref<784xi32, #tpu.memory_space<vmem>>, vector<16xi32>,
      %broadcast_in_dim3A_151 = arith.constant 0 : i32
      %broadcast_in_dim3A_152 = vector.broadcast %broadcast_in_dim3A_151 : i32 to vector<16xi32>
      %swap3A_153 = arith.constant 544 : index
      %swap3A_154 = tpu.vector_load %arg22[%swap3A_153] {strides = array<i32>} : memref<784xi32, #tpu.memory_space<vmem>>, vector<16xi32>,
      tpu.vector_store %arg22[%swap3A_153], %broadcast_in_dim3A_152 {strides = array<i32>} : memref<784xi32, #tpu.memory_space<vmem>>, vector<16xi32>,
      %broadcast_in_dim3A_155 = arith.constant 0 : i32
      %broadcast_in_dim3A_156 = vector.broadcast %broadcast_in_dim3A_155 : i32 to vector<16xi32>
      %swap3A_157 = arith.constant 560 : index
      %swap3A_158 = tpu.vector_load %arg22[%swap3A_157] {strides = array<i32>} : memref<784xi32, #tpu.memory_space<vmem>>, vector<16xi32>,
      tpu.vector_store %arg22[%swap3A_157], %broadcast_in_dim3A_156 {strides = array<i32>} : memref<784xi32, #tpu.memory_space<vmem>>, vector<16xi32>,
      %broadcast_in_dim3A_159 = arith.constant 0 : i32
      %broadcast_in_dim3A_160 = vector.broadcast %broadcast_in_dim3A_159 : i32 to vector<16xi32>
      %swap3A_161 = arith.constant 576 : index
      %swap3A_162 = tpu.vector_load %arg22[%swap3A_161] {strides = array<i32>} : memref<784xi32, #tpu.memory_space<vmem>>, vector<16xi32>,
      tpu.vector_store %arg22[%swap3A_161], %broadcast_in_dim3A_160 {strides = array<i32>} : memref<784xi32, #tpu.memory_space<vmem>>, vector<16xi32>,
      %broadcast_in_dim3A_163 = arith.constant 0 : i32
      %broadcast_in_dim3A_164 = vector.broadcast %broadcast_in_dim3A_163 : i32 to vector<16xi32>
      %swap3A_165 = arith.constant 592 : index
      %swap3A_166 = tpu.vector_load %arg22[%swap3A_165] {strides = array<i32>} : memref<784xi32, #tpu.memory_space<vmem>>, vector<16xi32>,
      tpu.vector_store %arg22[%swap3A_165], %broadcast_in_dim3A_164 {strides = array<i32>} : memref<784xi32, #tpu.memory_space<vmem>>, vector<16xi32>,
      %broadcast_in_dim3A_167 = arith.constant 0 : i32
      %broadcast_in_dim3A_168 = vector.broadcast %broadcast_in_dim3A_167 : i32 to vector<16xi32>
      %swap3A_169 = arith.constant 608 : index
      %swap3A_170 = tpu.vector_load %arg22[%swap3A_169] {strides = array<i32>} : memref<784xi32, #tpu.memory_space<vmem>>, vector<16xi32>,
      tpu.vector_store %arg22[%swap3A_169], %broadcast_in_dim3A_168 {strides = array<i32>} : memref<784xi32, #tpu.memory_space<vmem>>, vector<16xi32>,
      %broadcast_in_dim3A_171 = arith.constant 0 : i32
      %broadcast_in_dim3A_172 = vector.broadcast %broadcast_in_dim3A_171 : i32 to vector<16xi32>
      %swap3A_173 = arith.constant 624 : index
      %swap3A_174 = tpu.vector_load %arg22[%swap3A_173] {strides = array<i32>} : memref<784xi32, #tpu.memory_space<vmem>>, vector<16xi32>,
      tpu.vector_store %arg22[%swap3A_173], %broadcast_in_dim3A_172 {strides = array<i32>} : memref<784xi32, #tpu.memory_space<vmem>>, vector<16xi32>,
      %broadcast_in_dim3A_175 = arith.constant 0 : i32
      %broadcast_in_dim3A_176 = vector.broadcast %broadcast_in_dim3A_175 : i32 to vector<16xi32>
      %swap3A_177 = arith.constant 640 : index
      %swap3A_178 = tpu.vector_load %arg22[%swap3A_177] {strides = array<i32>} : memref<784xi32, #tpu.memory_space<vmem>>, vector<16xi32>,
      tpu.vector_store %arg22[%swap3A_177], %broadcast_in_dim3A_176 {strides = array<i32>} : memref<784xi32, #tpu.memory_space<vmem>>, vector<16xi32>,
      %broadcast_in_dim3A_179 = arith.constant 0 : i32
      %broadcast_in_dim3A_180 = vector.broadcast %broadcast_in_dim3A_179 : i32 to vector<16xi32>
      %swap3A_181 = arith.constant 656 : index
      %swap3A_182 = tpu.vector_load %arg22[%swap3A_181] {strides = array<i32>} : memref<784xi32, #tpu.memory_space<vmem>>, vector<16xi32>,
      tpu.vector_store %arg22[%swap3A_181], %broadcast_in_dim3A_180 {strides = array<i32>} : memref<784xi32, #tpu.memory_space<vmem>>, vector<16xi32>,
      %broadcast_in_dim3A_183 = arith.constant 0 : i32
      %broadcast_in_dim3A_184 = vector.broadcast %broadcast_in_dim3A_183 : i32 to vector<16xi32>
      %swap3A_185 = arith.constant 672 : index
      %swap3A_186 = tpu.vector_load %arg22[%swap3A_185] {strides = array<i32>} : memref<784xi32, #tpu.memory_space<vmem>>, vector<16xi32>,
      tpu.vector_store %arg22[%swap3A_185], %broadcast_in_dim3A_184 {strides = array<i32>} : memref<784xi32, #tpu.memory_space<vmem>>, vector<16xi32>,
      %broadcast_in_dim3A_187 = arith.constant 0 : i32
      %broadcast_in_dim3A_188 = vector.broadcast %broadcast_in_dim3A_187 : i32 to vector<16xi32>
      %swap3A_189 = arith.constant 688 : index
      %swap3A_190 = tpu.vector_load %arg22[%swap3A_189] {strides = array<i32>} : memref<784xi32, #tpu.memory_space<vmem>>, vector<16xi32>,
      tpu.vector_store %arg22[%swap3A_189], %broadcast_in_dim3A_188 {strides = array<i32>} : memref<784xi32, #tpu.memory_space<vmem>>, vector<16xi32>,
      %broadcast_in_dim3A_191 = arith.constant 0 : i32
      %broadcast_in_dim3A_192 = vector.broadcast %broadcast_in_dim3A_191 : i32 to vector<16xi32>
      %swap3A_193 = arith.constant 704 : index
      %swap3A_194 = tpu.vector_load %arg22[%swap3A_193] {strides = array<i32>} : memref<784xi32, #tpu.memory_space<vmem>>, vector<16xi32>,
      tpu.vector_store %arg22[%swap3A_193], %broadcast_in_dim3A_192 {strides = array<i32>} : memref<784xi32, #tpu.memory_space<vmem>>, vector<16xi32>,
      %broadcast_in_dim3A_195 = arith.constant 0 : i32
      %broadcast_in_dim3A_196 = vector.broadcast %broadcast_in_dim3A_195 : i32 to vector<16xi32>
      %swap3A_197 = arith.constant 720 : index
      %swap3A_198 = tpu.vector_load %arg22[%swap3A_197] {strides = array<i32>} : memref<784xi32, #tpu.memory_space<vmem>>, vector<16xi32>,
      tpu.vector_store %arg22[%swap3A_197], %broadcast_in_dim3A_196 {strides = array<i32>} : memref<784xi32, #tpu.memory_space<vmem>>, vector<16xi32>,
      %broadcast_in_dim3A_199 = arith.constant 0 : i32
      %broadcast_in_dim3A_200 = vector.broadcast %broadcast_in_dim3A_199 : i32 to vector<16xi32>
      %swap3A_201 = arith.constant 736 : index
      %swap3A_202 = tpu.vector_load %arg22[%swap3A_201] {strides = array<i32>} : memref<784xi32, #tpu.memory_space<vmem>>, vector<16xi32>,
      tpu.vector_store %arg22[%swap3A_201], %broadcast_in_dim3A_200 {strides = array<i32>} : memref<784xi32, #tpu.memory_space<vmem>>, vector<16xi32>,
      %broadcast_in_dim3A_203 = arith.constant 0 : i32
      %broadcast_in_dim3A_204 = vector.broadcast %broadcast_in_dim3A_203 : i32 to vector<16xi32>
      %swap3A_205 = arith.constant 752 : index
      %swap3A_206 = tpu.vector_load %arg22[%swap3A_205] {strides = array<i32>} : memref<784xi32, #tpu.memory_space<vmem>>, vector<16xi32>,
      tpu.vector_store %arg22[%swap3A_205], %broadcast_in_dim3A_204 {strides = array<i32>} : memref<784xi32, #tpu.memory_space<vmem>>, vector<16xi32>,
      %broadcast_in_dim3A_207 = arith.constant 0 : i32
      %broadcast_in_dim3A_208 = vector.broadcast %broadcast_in_dim3A_207 : i32 to vector<16xi32>
      %swap3A_209 = arith.constant 768 : index
      %swap3A_210 = tpu.vector_load %arg22[%swap3A_209] {strides = array<i32>} : memref<784xi32, #tpu.memory_space<vmem>>, vector<16xi32>,
      tpu.vector_store %arg22[%swap3A_209], %broadcast_in_dim3A_208 {strides = array<i32>} : memref<784xi32, #tpu.memory_space<vmem>>, vector<16xi32>,
      %broadcast_in_dim3A_211 = arith.constant 0 : i32
      %broadcast_in_dim3A_212 = vector.broadcast %broadcast_in_dim3A_211 : i32 to vector<16xi32>
      %scan3A = arith.constant 0 : i32
      %scan3A_213 = arith.constant 64 : i32
      %scan3A_214 = arith.addi %scan3A, %scan3A_213 : i32
      %scan3A_215 = arith.constant 1 : i32
      %scan3A_216 = scf.for %scan3A_425 = %scan3A to %scan3A_214 step %scan3A_215 iter_args(%scan3A_426 = %broadcast_in_dim3A_212) -> (vector<16xi32>)  : i32 {
        %mul3A_427 = arith.constant 8 : i32
        %mul3A_428 = arith.muli %scan3A_425, %mul3A_427 : i32
        %add3A_429 = arith.constant 0 : i32
        %add3A_430 = arith.addi %mul3A_428, %add3A_429 : i32
        %mul3A_431 = arith.constant 16 : i32
        %mul3A_432 = arith.muli %add3A_430, %mul3A_431 : i32
        %get3A_433 = arith.index_cast %mul3A_432 : i32 to index
        %get3A_434 = tpu.vector_load %arg21[%get3A_433] {strides = array<i32>} : memref<8192xi32, #tpu.memory_space<vmem>>, vector<16xi32>,
        %mul3A_435 = arith.constant 16 : i32
        %mul3A_436 = arith.muli %add3A_430, %mul3A_435 : i32
        %add3A_437 = arith.addi %mul3A_11, %mul3A_436 : i32
        %add3A_438 = vector.broadcast %add3A_437 : i32 to vector<16xi32>
        %add3A_439 = arith.addi %add3A_438, %iota3A : vector<16xi32>
        %sub3A_440 = arith.constant 65535 : i32
        %sub3A_441 = vector.broadcast %sub3A_440 : i32 to vector<16xi32>
        %sub3A_442 = arith.subi %sub3A_441, %add3A_439 : vector<16xi32>
        %gt3A = vector.broadcast %squeeze3A : i32 to vector<16xi32>
        %gt3A_443 = arith.cmpi sgt, %get3A_434, %gt3A : vector<16xi32>
        %eq3A_444 = vector.broadcast %squeeze3A : i32 to vector<16xi32>
        %eq3A_445 = arith.cmpi eq, %get3A_434, %eq3A_444 : vector<16xi32>
        %ge3A_446 = vector.broadcast %squeeze3A_16 : i32 to vector<16xi32>
        %ge3A_447 = arith.cmpi sge, %sub3A_442, %ge3A_446 : vector<16xi32>
        %and3A_448 = arith.andi %eq3A_445, %ge3A_447 : vector<16xi1>
        %or3A = arith.ori %gt3A_443, %and3A_448 : vector<16xi1>
        %convert_element_type3A_449 = arith.extui %or3A : vector<16xi1> to vector<16xi32>
        %add3A_450 = arith.addi %scan3A_426, %convert_element_type3A_449 : vector<16xi32>
        %mul3A_451 = arith.constant 8 : i32
        %mul3A_452 = arith.muli %scan3A_425, %mul3A_451 : i32
        %add3A_453 = arith.constant 1 : i32
        %add3A_454 = arith.addi %mul3A_452, %add3A_453 : i32
        %mul3A_455 = arith.constant 16 : i32
        %mul3A_456 = arith.muli %add3A_454, %mul3A_455 : i32
        %get3A_457 = arith.index_cast %mul3A_456 : i32 to index
        %get3A_458 = tpu.vector_load %arg21[%get3A_457] {strides = array<i32>} : memref<8192xi32, #tpu.memory_space<vmem>>, vector<16xi32>,
        %mul3A_459 = arith.constant 16 : i32
        %mul3A_460 = arith.muli %add3A_454, %mul3A_459 : i32
        %add3A_461 = arith.addi %mul3A_11, %mul3A_460 : i32
        %add3A_462 = vector.broadcast %add3A_461 : i32 to vector<16xi32>
        %add3A_463 = arith.addi %add3A_462, %iota3A : vector<16xi32>
        %sub3A_464 = arith.constant 65535 : i32
        %sub3A_465 = vector.broadcast %sub3A_464 : i32 to vector<16xi32>
        %sub3A_466 = arith.subi %sub3A_465, %add3A_463 : vector<16xi32>
        %gt3A_467 = vector.broadcast %squeeze3A : i32 to vector<16xi32>
        %gt3A_468 = arith.cmpi sgt, %get3A_458, %gt3A_467 : vector<16xi32>
        %eq3A_469 = vector.broadcast %squeeze3A : i32 to vector<16xi32>
        %eq3A_470 = arith.cmpi eq, %get3A_458, %eq3A_469 : vector<16xi32>
        %ge3A_471 = vector.broadcast %squeeze3A_16 : i32 to vector<16xi32>
        %ge3A_472 = arith.cmpi sge, %sub3A_466, %ge3A_471 : vector<16xi32>
        %and3A_473 = arith.andi %eq3A_470, %ge3A_472 : vector<16xi1>
        %or3A_474 = arith.ori %gt3A_468, %and3A_473 : vector<16xi1>
        %convert_element_type3A_475 = arith.extui %or3A_474 : vector<16xi1> to vector<16xi32>
        %add3A_476 = arith.addi %add3A_450, %convert_element_type3A_475 : vector<16xi32>
        %mul3A_477 = arith.constant 8 : i32
        %mul3A_478 = arith.muli %scan3A_425, %mul3A_477 : i32
        %add3A_479 = arith.constant 2 : i32
        %add3A_480 = arith.addi %mul3A_478, %add3A_479 : i32
        %mul3A_481 = arith.constant 16 : i32
        %mul3A_482 = arith.muli %add3A_480, %mul3A_481 : i32
        %get3A_483 = arith.index_cast %mul3A_482 : i32 to index
        %get3A_484 = tpu.vector_load %arg21[%get3A_483] {strides = array<i32>} : memref<8192xi32, #tpu.memory_space<vmem>>, vector<16xi32>,
        %mul3A_485 = arith.constant 16 : i32
        %mul3A_486 = arith.muli %add3A_480, %mul3A_485 : i32
        %add3A_487 = arith.addi %mul3A_11, %mul3A_486 : i32
        %add3A_488 = vector.broadcast %add3A_487 : i32 to vector<16xi32>
        %add3A_489 = arith.addi %add3A_488, %iota3A : vector<16xi32>
        %sub3A_490 = arith.constant 65535 : i32
        %sub3A_491 = vector.broadcast %sub3A_490 : i32 to vector<16xi32>
        %sub3A_492 = arith.subi %sub3A_491, %add3A_489 : vector<16xi32>
        %gt3A_493 = vector.broadcast %squeeze3A : i32 to vector<16xi32>
        %gt3A_494 = arith.cmpi sgt, %get3A_484, %gt3A_493 : vector<16xi32>
        %eq3A_495 = vector.broadcast %squeeze3A : i32 to vector<16xi32>
        %eq3A_496 = arith.cmpi eq, %get3A_484, %eq3A_495 : vector<16xi32>
        %ge3A_497 = vector.broadcast %squeeze3A_16 : i32 to vector<16xi32>
        %ge3A_498 = arith.cmpi sge, %sub3A_492, %ge3A_497 : vector<16xi32>
        %and3A_499 = arith.andi %eq3A_496, %ge3A_498 : vector<16xi1>
        %or3A_500 = arith.ori %gt3A_494, %and3A_499 : vector<16xi1>
        %convert_element_type3A_501 = arith.extui %or3A_500 : vector<16xi1> to vector<16xi32>
        %add3A_502 = arith.addi %add3A_476, %convert_element_type3A_501 : vector<16xi32>
        %mul3A_503 = arith.constant 8 : i32
        %mul3A_504 = arith.muli %scan3A_425, %mul3A_503 : i32
        %add3A_505 = arith.constant 3 : i32
        %add3A_506 = arith.addi %mul3A_504, %add3A_505 : i32
        %mul3A_507 = arith.constant 16 : i32
        %mul3A_508 = arith.muli %add3A_506, %mul3A_507 : i32
        %get3A_509 = arith.index_cast %mul3A_508 : i32 to index
        %get3A_510 = tpu.vector_load %arg21[%get3A_509] {strides = array<i32>} : memref<8192xi32, #tpu.memory_space<vmem>>, vector<16xi32>,
        %mul3A_511 = arith.constant 16 : i32
        %mul3A_512 = arith.muli %add3A_506, %mul3A_511 : i32
        %add3A_513 = arith.addi %mul3A_11, %mul3A_512 : i32
        %add3A_514 = vector.broadcast %add3A_513 : i32 to vector<16xi32>
        %add3A_515 = arith.addi %add3A_514, %iota3A : vector<16xi32>
        %sub3A_516 = arith.constant 65535 : i32
        %sub3A_517 = vector.broadcast %sub3A_516 : i32 to vector<16xi32>
        %sub3A_518 = arith.subi %sub3A_517, %add3A_515 : vector<16xi32>
        %gt3A_519 = vector.broadcast %squeeze3A : i32 to vector<16xi32>
        %gt3A_520 = arith.cmpi sgt, %get3A_510, %gt3A_519 : vector<16xi32>
        %eq3A_521 = vector.broadcast %squeeze3A : i32 to vector<16xi32>
        %eq3A_522 = arith.cmpi eq, %get3A_510, %eq3A_521 : vector<16xi32>
        %ge3A_523 = vector.broadcast %squeeze3A_16 : i32 to vector<16xi32>
        %ge3A_524 = arith.cmpi sge, %sub3A_518, %ge3A_523 : vector<16xi32>
        %and3A_525 = arith.andi %eq3A_522, %ge3A_524 : vector<16xi1>
        %or3A_526 = arith.ori %gt3A_520, %and3A_525 : vector<16xi1>
        %convert_element_type3A_527 = arith.extui %or3A_526 : vector<16xi1> to vector<16xi32>
        %add3A_528 = arith.addi %add3A_502, %convert_element_type3A_527 : vector<16xi32>
        %mul3A_529 = arith.constant 8 : i32
        %mul3A_530 = arith.muli %scan3A_425, %mul3A_529 : i32
        %add3A_531 = arith.constant 4 : i32
        %add3A_532 = arith.addi %mul3A_530, %add3A_531 : i32
        %mul3A_533 = arith.constant 16 : i32
        %mul3A_534 = arith.muli %add3A_532, %mul3A_533 : i32
        %get3A_535 = arith.index_cast %mul3A_534 : i32 to index
        %get3A_536 = tpu.vector_load %arg21[%get3A_535] {strides = array<i32>} : memref<8192xi32, #tpu.memory_space<vmem>>, vector<16xi32>,
        %mul3A_537 = arith.constant 16 : i32
        %mul3A_538 = arith.muli %add3A_532, %mul3A_537 : i32
        %add3A_539 = arith.addi %mul3A_11, %mul3A_538 : i32
        %add3A_540 = vector.broadcast %add3A_539 : i32 to vector<16xi32>
        %add3A_541 = arith.addi %add3A_540, %iota3A : vector<16xi32>
        %sub3A_542 = arith.constant 65535 : i32
        %sub3A_543 = vector.broadcast %sub3A_542 : i32 to vector<16xi32>
        %sub3A_544 = arith.subi %sub3A_543, %add3A_541 : vector<16xi32>
        %gt3A_545 = vector.broadcast %squeeze3A : i32 to vector<16xi32>
        %gt3A_546 = arith.cmpi sgt, %get3A_536, %gt3A_545 : vector<16xi32>
        %eq3A_547 = vector.broadcast %squeeze3A : i32 to vector<16xi32>
        %eq3A_548 = arith.cmpi eq, %get3A_536, %eq3A_547 : vector<16xi32>
        %ge3A_549 = vector.broadcast %squeeze3A_16 : i32 to vector<16xi32>
        %ge3A_550 = arith.cmpi sge, %sub3A_544, %ge3A_549 : vector<16xi32>
        %and3A_551 = arith.andi %eq3A_548, %ge3A_550 : vector<16xi1>
        %or3A_552 = arith.ori %gt3A_546, %and3A_551 : vector<16xi1>
        %convert_element_type3A_553 = arith.extui %or3A_552 : vector<16xi1> to vector<16xi32>
        %add3A_554 = arith.addi %add3A_528, %convert_element_type3A_553 : vector<16xi32>
        %mul3A_555 = arith.constant 8 : i32
        %mul3A_556 = arith.muli %scan3A_425, %mul3A_555 : i32
        %add3A_557 = arith.constant 5 : i32
        %add3A_558 = arith.addi %mul3A_556, %add3A_557 : i32
        %mul3A_559 = arith.constant 16 : i32
        %mul3A_560 = arith.muli %add3A_558, %mul3A_559 : i32
        %get3A_561 = arith.index_cast %mul3A_560 : i32 to index
        %get3A_562 = tpu.vector_load %arg21[%get3A_561] {strides = array<i32>} : memref<8192xi32, #tpu.memory_space<vmem>>, vector<16xi32>,
        %mul3A_563 = arith.constant 16 : i32
        %mul3A_564 = arith.muli %add3A_558, %mul3A_563 : i32
        %add3A_565 = arith.addi %mul3A_11, %mul3A_564 : i32
        %add3A_566 = vector.broadcast %add3A_565 : i32 to vector<16xi32>
        %add3A_567 = arith.addi %add3A_566, %iota3A : vector<16xi32>
        %sub3A_568 = arith.constant 65535 : i32
        %sub3A_569 = vector.broadcast %sub3A_568 : i32 to vector<16xi32>
        %sub3A_570 = arith.subi %sub3A_569, %add3A_567 : vector<16xi32>
        %gt3A_571 = vector.broadcast %squeeze3A : i32 to vector<16xi32>
        %gt3A_572 = arith.cmpi sgt, %get3A_562, %gt3A_571 : vector<16xi32>
        %eq3A_573 = vector.broadcast %squeeze3A : i32 to vector<16xi32>
        %eq3A_574 = arith.cmpi eq, %get3A_562, %eq3A_573 : vector<16xi32>
        %ge3A_575 = vector.broadcast %squeeze3A_16 : i32 to vector<16xi32>
        %ge3A_576 = arith.cmpi sge, %sub3A_570, %ge3A_575 : vector<16xi32>
        %and3A_577 = arith.andi %eq3A_574, %ge3A_576 : vector<16xi1>
        %or3A_578 = arith.ori %gt3A_572, %and3A_577 : vector<16xi1>
        %convert_element_type3A_579 = arith.extui %or3A_578 : vector<16xi1> to vector<16xi32>
        %add3A_580 = arith.addi %add3A_554, %convert_element_type3A_579 : vector<16xi32>
        %mul3A_581 = arith.constant 8 : i32
        %mul3A_582 = arith.muli %scan3A_425, %mul3A_581 : i32
        %add3A_583 = arith.constant 6 : i32
        %add3A_584 = arith.addi %mul3A_582, %add3A_583 : i32
        %mul3A_585 = arith.constant 16 : i32
        %mul3A_586 = arith.muli %add3A_584, %mul3A_585 : i32
        %get3A_587 = arith.index_cast %mul3A_586 : i32 to index
        %get3A_588 = tpu.vector_load %arg21[%get3A_587] {strides = array<i32>} : memref<8192xi32, #tpu.memory_space<vmem>>, vector<16xi32>,
        %mul3A_589 = arith.constant 16 : i32
        %mul3A_590 = arith.muli %add3A_584, %mul3A_589 : i32
        %add3A_591 = arith.addi %mul3A_11, %mul3A_590 : i32
        %add3A_592 = vector.broadcast %add3A_591 : i32 to vector<16xi32>
        %add3A_593 = arith.addi %add3A_592, %iota3A : vector<16xi32>
        %sub3A_594 = arith.constant 65535 : i32
        %sub3A_595 = vector.broadcast %sub3A_594 : i32 to vector<16xi32>
        %sub3A_596 = arith.subi %sub3A_595, %add3A_593 : vector<16xi32>
        %gt3A_597 = vector.broadcast %squeeze3A : i32 to vector<16xi32>
        %gt3A_598 = arith.cmpi sgt, %get3A_588, %gt3A_597 : vector<16xi32>
        %eq3A_599 = vector.broadcast %squeeze3A : i32 to vector<16xi32>
        %eq3A_600 = arith.cmpi eq, %get3A_588, %eq3A_599 : vector<16xi32>
        %ge3A_601 = vector.broadcast %squeeze3A_16 : i32 to vector<16xi32>
        %ge3A_602 = arith.cmpi sge, %sub3A_596, %ge3A_601 : vector<16xi32>
        %and3A_603 = arith.andi %eq3A_600, %ge3A_602 : vector<16xi1>
        %or3A_604 = arith.ori %gt3A_598, %and3A_603 : vector<16xi1>
        %convert_element_type3A_605 = arith.extui %or3A_604 : vector<16xi1> to vector<16xi32>
        %add3A_606 = arith.addi %add3A_580, %convert_element_type3A_605 : vector<16xi32>
        %mul3A_607 = arith.constant 8 : i32
        %mul3A_608 = arith.muli %scan3A_425, %mul3A_607 : i32
        %add3A_609 = arith.constant 7 : i32
        %add3A_610 = arith.addi %mul3A_608, %add3A_609 : i32
        %mul3A_611 = arith.constant 16 : i32
        %mul3A_612 = arith.muli %add3A_610, %mul3A_611 : i32
        %get3A_613 = arith.index_cast %mul3A_612 : i32 to index
        %get3A_614 = tpu.vector_load %arg21[%get3A_613] {strides = array<i32>} : memref<8192xi32, #tpu.memory_space<vmem>>, vector<16xi32>,
        %mul3A_615 = arith.constant 16 : i32
        %mul3A_616 = arith.muli %add3A_610, %mul3A_615 : i32
        %add3A_617 = arith.addi %mul3A_11, %mul3A_616 : i32
        %add3A_618 = vector.broadcast %add3A_617 : i32 to vector<16xi32>
        %add3A_619 = arith.addi %add3A_618, %iota3A : vector<16xi32>
        %sub3A_620 = arith.constant 65535 : i32
        %sub3A_621 = vector.broadcast %sub3A_620 : i32 to vector<16xi32>
        %sub3A_622 = arith.subi %sub3A_621, %add3A_619 : vector<16xi32>
        %gt3A_623 = vector.broadcast %squeeze3A : i32 to vector<16xi32>
        %gt3A_624 = arith.cmpi sgt, %get3A_614, %gt3A_623 : vector<16xi32>
        %eq3A_625 = vector.broadcast %squeeze3A : i32 to vector<16xi32>
        %eq3A_626 = arith.cmpi eq, %get3A_614, %eq3A_625 : vector<16xi32>
        %ge3A_627 = vector.broadcast %squeeze3A_16 : i32 to vector<16xi32>
        %ge3A_628 = arith.cmpi sge, %sub3A_622, %ge3A_627 : vector<16xi32>
        %and3A_629 = arith.andi %eq3A_626, %ge3A_628 : vector<16xi1>
        %or3A_630 = arith.ori %gt3A_624, %and3A_629 : vector<16xi1>
        %convert_element_type3A_631 = arith.extui %or3A_630 : vector<16xi1> to vector<16xi32>
        %add3A_632 = arith.addi %add3A_606, %convert_element_type3A_631 : vector<16xi32>
        scf.yield %add3A_632 : vector<16xi32>
      }
      %scan3A_217 = arith.constant 64 : i32
      %broadcast_in_dim3A_218 = arith.constant 0 : i32
      %broadcast_in_dim3A_219 = vector.broadcast %broadcast_in_dim3A_218 : i32 to vector<16xi32>
      %eq3A_220 = arith.constant 0 : i32
      %eq3A_221 = vector.broadcast %eq3A_220 : i32 to vector<16xi32>
      %eq3A_222 = arith.cmpi eq, %iota3A, %eq3A_221 : vector<16xi32>
      %jit3A = arith.constant 0 : i32
      %broadcast_in_dim3A_223 = vector.broadcast %jit3A : i32 to vector<16xi32>
      %select_n3A = arith.select %eq3A_222, %broadcast_in_dim3A_223, %broadcast_in_dim3A_219 : vector<16xi1>, vector<16xi32>
      %slice3A_224 = vector.extract_strided_slice %scan3A_216 {offsets = [0], sizes = [1], strides = [1]} : vector<16xi32> to vector<1xi32>
      %squeeze3A_225 = vector.extract %slice3A_224[0] : i32 from vector<1xi32>
      %add3A = arith.constant 0 : i32
      %add3A_226 = arith.addi %add3A, %squeeze3A_225 : i32
      %eq3A_227 = arith.constant 1 : i32
      %eq3A_228 = vector.broadcast %eq3A_227 : i32 to vector<16xi32>
      %eq3A_229 = arith.cmpi eq, %iota3A, %eq3A_228 : vector<16xi32>
      %broadcast_in_dim3A_230 = vector.broadcast %add3A_226 : i32 to vector<16xi32>
      %select_n3A_231 = arith.select %eq3A_229, %broadcast_in_dim3A_230, %select_n3A : vector<16xi1>, vector<16xi32>
      %slice3A_232 = vector.extract_strided_slice %scan3A_216 {offsets = [1], sizes = [1], strides = [1]} : vector<16xi32> to vector<1xi32>
      %squeeze3A_233 = vector.extract %slice3A_232[0] : i32 from vector<1xi32>
      %add3A_234 = arith.addi %add3A_226, %squeeze3A_233 : i32
      %eq3A_235 = arith.constant 2 : i32
      %eq3A_236 = vector.broadcast %eq3A_235 : i32 to vector<16xi32>
      %eq3A_237 = arith.cmpi eq, %iota3A, %eq3A_236 : vector<16xi32>
      %broadcast_in_dim3A_238 = vector.broadcast %add3A_234 : i32 to vector<16xi32>
      %select_n3A_239 = arith.select %eq3A_237, %broadcast_in_dim3A_238, %select_n3A_231 : vector<16xi1>, vector<16xi32>
      %slice3A_240 = vector.extract_strided_slice %scan3A_216 {offsets = [2], sizes = [1], strides = [1]} : vector<16xi32> to vector<1xi32>
      %squeeze3A_241 = vector.extract %slice3A_240[0] : i32 from vector<1xi32>
      %add3A_242 = arith.addi %add3A_234, %squeeze3A_241 : i32
      %eq3A_243 = arith.constant 3 : i32
      %eq3A_244 = vector.broadcast %eq3A_243 : i32 to vector<16xi32>
      %eq3A_245 = arith.cmpi eq, %iota3A, %eq3A_244 : vector<16xi32>
      %broadcast_in_dim3A_246 = vector.broadcast %add3A_242 : i32 to vector<16xi32>
      %select_n3A_247 = arith.select %eq3A_245, %broadcast_in_dim3A_246, %select_n3A_239 : vector<16xi1>, vector<16xi32>
      %slice3A_248 = vector.extract_strided_slice %scan3A_216 {offsets = [3], sizes = [1], strides = [1]} : vector<16xi32> to vector<1xi32>
      %squeeze3A_249 = vector.extract %slice3A_248[0] : i32 from vector<1xi32>
      %add3A_250 = arith.addi %add3A_242, %squeeze3A_249 : i32
      %eq3A_251 = arith.constant 4 : i32
      %eq3A_252 = vector.broadcast %eq3A_251 : i32 to vector<16xi32>
      %eq3A_253 = arith.cmpi eq, %iota3A, %eq3A_252 : vector<16xi32>
      %broadcast_in_dim3A_254 = vector.broadcast %add3A_250 : i32 to vector<16xi32>
      %select_n3A_255 = arith.select %eq3A_253, %broadcast_in_dim3A_254, %select_n3A_247 : vector<16xi1>, vector<16xi32>
      %slice3A_256 = vector.extract_strided_slice %scan3A_216 {offsets = [4], sizes = [1], strides = [1]} : vector<16xi32> to vector<1xi32>
      %squeeze3A_257 = vector.extract %slice3A_256[0] : i32 from vector<1xi32>
      %add3A_258 = arith.addi %add3A_250, %squeeze3A_257 : i32
      %eq3A_259 = arith.constant 5 : i32
      %eq3A_260 = vector.broadcast %eq3A_259 : i32 to vector<16xi32>
      %eq3A_261 = arith.cmpi eq, %iota3A, %eq3A_260 : vector<16xi32>
      %broadcast_in_dim3A_262 = vector.broadcast %add3A_258 : i32 to vector<16xi32>
      %select_n3A_263 = arith.select %eq3A_261, %broadcast_in_dim3A_262, %select_n3A_255 : vector<16xi1>, vector<16xi32>
      %slice3A_264 = vector.extract_strided_slice %scan3A_216 {offsets = [5], sizes = [1], strides = [1]} : vector<16xi32> to vector<1xi32>
      %squeeze3A_265 = vector.extract %slice3A_264[0] : i32 from vector<1xi32>
      %add3A_266 = arith.addi %add3A_258, %squeeze3A_265 : i32
      %eq3A_267 = arith.constant 6 : i32
      %eq3A_268 = vector.broadcast %eq3A_267 : i32 to vector<16xi32>
      %eq3A_269 = arith.cmpi eq, %iota3A, %eq3A_268 : vector<16xi32>
      %broadcast_in_dim3A_270 = vector.broadcast %add3A_266 : i32 to vector<16xi32>
      %select_n3A_271 = arith.select %eq3A_269, %broadcast_in_dim3A_270, %select_n3A_263 : vector<16xi1>, vector<16xi32>
      %slice3A_272 = vector.extract_strided_slice %scan3A_216 {offsets = [6], sizes = [1], strides = [1]} : vector<16xi32> to vector<1xi32>
      %squeeze3A_273 = vector.extract %slice3A_272[0] : i32 from vector<1xi32>
      %add3A_274 = arith.addi %add3A_266, %squeeze3A_273 : i32
      %eq3A_275 = arith.constant 7 : i32
      %eq3A_276 = vector.broadcast %eq3A_275 : i32 to vector<16xi32>
      %eq3A_277 = arith.cmpi eq, %iota3A, %eq3A_276 : vector<16xi32>
      %broadcast_in_dim3A_278 = vector.broadcast %add3A_274 : i32 to vector<16xi32>
      %select_n3A_279 = arith.select %eq3A_277, %broadcast_in_dim3A_278, %select_n3A_271 : vector<16xi1>, vector<16xi32>
      %slice3A_280 = vector.extract_strided_slice %scan3A_216 {offsets = [7], sizes = [1], strides = [1]} : vector<16xi32> to vector<1xi32>
      %squeeze3A_281 = vector.extract %slice3A_280[0] : i32 from vector<1xi32>
      %add3A_282 = arith.addi %add3A_274, %squeeze3A_281 : i32
      %eq3A_283 = arith.constant 8 : i32
      %eq3A_284 = vector.broadcast %eq3A_283 : i32 to vector<16xi32>
      %eq3A_285 = arith.cmpi eq, %iota3A, %eq3A_284 : vector<16xi32>
      %broadcast_in_dim3A_286 = vector.broadcast %add3A_282 : i32 to vector<16xi32>
      %select_n3A_287 = arith.select %eq3A_285, %broadcast_in_dim3A_286, %select_n3A_279 : vector<16xi1>, vector<16xi32>
      %slice3A_288 = vector.extract_strided_slice %scan3A_216 {offsets = [8], sizes = [1], strides = [1]} : vector<16xi32> to vector<1xi32>
      %squeeze3A_289 = vector.extract %slice3A_288[0] : i32 from vector<1xi32>
      %add3A_290 = arith.addi %add3A_282, %squeeze3A_289 : i32
      %eq3A_291 = arith.constant 9 : i32
      %eq3A_292 = vector.broadcast %eq3A_291 : i32 to vector<16xi32>
      %eq3A_293 = arith.cmpi eq, %iota3A, %eq3A_292 : vector<16xi32>
      %broadcast_in_dim3A_294 = vector.broadcast %add3A_290 : i32 to vector<16xi32>
      %select_n3A_295 = arith.select %eq3A_293, %broadcast_in_dim3A_294, %select_n3A_287 : vector<16xi1>, vector<16xi32>
      %slice3A_296 = vector.extract_strided_slice %scan3A_216 {offsets = [9], sizes = [1], strides = [1]} : vector<16xi32> to vector<1xi32>
      %squeeze3A_297 = vector.extract %slice3A_296[0] : i32 from vector<1xi32>
      %add3A_298 = arith.addi %add3A_290, %squeeze3A_297 : i32
      %eq3A_299 = arith.constant 10 : i32
      %eq3A_300 = vector.broadcast %eq3A_299 : i32 to vector<16xi32>
      %eq3A_301 = arith.cmpi eq, %iota3A, %eq3A_300 : vector<16xi32>
      %broadcast_in_dim3A_302 = vector.broadcast %add3A_298 : i32 to vector<16xi32>
      %select_n3A_303 = arith.select %eq3A_301, %broadcast_in_dim3A_302, %select_n3A_295 : vector<16xi1>, vector<16xi32>
      %slice3A_304 = vector.extract_strided_slice %scan3A_216 {offsets = [10], sizes = [1], strides = [1]} : vector<16xi32> to vector<1xi32>
      %squeeze3A_305 = vector.extract %slice3A_304[0] : i32 from vector<1xi32>
      %add3A_306 = arith.addi %add3A_298, %squeeze3A_305 : i32
      %eq3A_307 = arith.constant 11 : i32
      %eq3A_308 = vector.broadcast %eq3A_307 : i32 to vector<16xi32>
      %eq3A_309 = arith.cmpi eq, %iota3A, %eq3A_308 : vector<16xi32>
      %broadcast_in_dim3A_310 = vector.broadcast %add3A_306 : i32 to vector<16xi32>
      %select_n3A_311 = arith.select %eq3A_309, %broadcast_in_dim3A_310, %select_n3A_303 : vector<16xi1>, vector<16xi32>
      %slice3A_312 = vector.extract_strided_slice %scan3A_216 {offsets = [11], sizes = [1], strides = [1]} : vector<16xi32> to vector<1xi32>
      %squeeze3A_313 = vector.extract %slice3A_312[0] : i32 from vector<1xi32>
      %add3A_314 = arith.addi %add3A_306, %squeeze3A_313 : i32
      %eq3A_315 = arith.constant 12 : i32
      %eq3A_316 = vector.broadcast %eq3A_315 : i32 to vector<16xi32>
      %eq3A_317 = arith.cmpi eq, %iota3A, %eq3A_316 : vector<16xi32>
      %broadcast_in_dim3A_318 = vector.broadcast %add3A_314 : i32 to vector<16xi32>
      %select_n3A_319 = arith.select %eq3A_317, %broadcast_in_dim3A_318, %select_n3A_311 : vector<16xi1>, vector<16xi32>
      %slice3A_320 = vector.extract_strided_slice %scan3A_216 {offsets = [12], sizes = [1], strides = [1]} : vector<16xi32> to vector<1xi32>
      %squeeze3A_321 = vector.extract %slice3A_320[0] : i32 from vector<1xi32>
      %add3A_322 = arith.addi %add3A_314, %squeeze3A_321 : i32
      %eq3A_323 = arith.constant 13 : i32
      %eq3A_324 = vector.broadcast %eq3A_323 : i32 to vector<16xi32>
      %eq3A_325 = arith.cmpi eq, %iota3A, %eq3A_324 : vector<16xi32>
      %broadcast_in_dim3A_326 = vector.broadcast %add3A_322 : i32 to vector<16xi32>
      %select_n3A_327 = arith.select %eq3A_325, %broadcast_in_dim3A_326, %select_n3A_319 : vector<16xi1>, vector<16xi32>
      %slice3A_328 = vector.extract_strided_slice %scan3A_216 {offsets = [13], sizes = [1], strides = [1]} : vector<16xi32> to vector<1xi32>
      %squeeze3A_329 = vector.extract %slice3A_328[0] : i32 from vector<1xi32>
      %add3A_330 = arith.addi %add3A_322, %squeeze3A_329 : i32
      %eq3A_331 = arith.constant 14 : i32
      %eq3A_332 = vector.broadcast %eq3A_331 : i32 to vector<16xi32>
      %eq3A_333 = arith.cmpi eq, %iota3A, %eq3A_332 : vector<16xi32>
      %broadcast_in_dim3A_334 = vector.broadcast %add3A_330 : i32 to vector<16xi32>
      %select_n3A_335 = arith.select %eq3A_333, %broadcast_in_dim3A_334, %select_n3A_327 : vector<16xi1>, vector<16xi32>
      %slice3A_336 = vector.extract_strided_slice %scan3A_216 {offsets = [14], sizes = [1], strides = [1]} : vector<16xi32> to vector<1xi32>
      %squeeze3A_337 = vector.extract %slice3A_336[0] : i32 from vector<1xi32>
      %add3A_338 = arith.addi %add3A_330, %squeeze3A_337 : i32
      %eq3A_339 = arith.constant 15 : i32
      %eq3A_340 = vector.broadcast %eq3A_339 : i32 to vector<16xi32>
      %eq3A_341 = arith.cmpi eq, %iota3A, %eq3A_340 : vector<16xi32>
      %broadcast_in_dim3A_342 = vector.broadcast %add3A_338 : i32 to vector<16xi32>
      %select_n3A_343 = arith.select %eq3A_341, %broadcast_in_dim3A_342, %select_n3A_335 : vector<16xi1>, vector<16xi32>
      %slice3A_344 = vector.extract_strided_slice %scan3A_216 {offsets = [15], sizes = [1], strides = [1]} : vector<16xi32> to vector<1xi32>
      %squeeze3A_345 = vector.extract %slice3A_344[0] : i32 from vector<1xi32>
      %add3A_346 = arith.addi %add3A_338, %squeeze3A_345 : i32
      %scan3A_347 = arith.constant 0 : i32
      %scan3A_348 = arith.constant 64 : i32
      %scan3A_349 = arith.addi %scan3A_347, %scan3A_348 : i32
      %scan3A_350 = arith.constant 1 : i32
      %scan3A_351 = scf.for %scan3A_425 = %scan3A_347 to %scan3A_349 step %scan3A_350 iter_args(%scan3A_426 = %broadcast_in_dim3A_219) -> (vector<16xi32>)  : i32 {
        %mul3A_427 = arith.constant 8 : i32
        %mul3A_428 = arith.muli %scan3A_425, %mul3A_427 : i32
        %add3A_429 = arith.constant 0 : i32
        %add3A_430 = arith.addi %mul3A_428, %add3A_429 : i32
        %mul3A_431 = arith.constant 16 : i32
        %mul3A_432 = arith.muli %add3A_430, %mul3A_431 : i32
        %get3A_433 = arith.index_cast %mul3A_432 : i32 to index
        %get3A_434 = tpu.vector_load %arg21[%get3A_433] {strides = array<i32>} : memref<8192xi32, #tpu.memory_space<vmem>>, vector<16xi32>,
        %mul3A_435 = arith.constant 16 : i32
        %mul3A_436 = arith.muli %add3A_430, %mul3A_435 : i32
        %add3A_437 = arith.addi %mul3A_11, %mul3A_436 : i32
        %add3A_438 = vector.broadcast %add3A_437 : i32 to vector<16xi32>
        %add3A_439 = arith.addi %add3A_438, %iota3A : vector<16xi32>
        %sub3A_440 = arith.constant 65535 : i32
        %sub3A_441 = vector.broadcast %sub3A_440 : i32 to vector<16xi32>
        %sub3A_442 = arith.subi %sub3A_441, %add3A_439 : vector<16xi32>
        %gt3A = vector.broadcast %squeeze3A : i32 to vector<16xi32>
        %gt3A_443 = arith.cmpi sgt, %get3A_434, %gt3A : vector<16xi32>
        %eq3A_444 = vector.broadcast %squeeze3A : i32 to vector<16xi32>
        %eq3A_445 = arith.cmpi eq, %get3A_434, %eq3A_444 : vector<16xi32>
        %ge3A_446 = vector.broadcast %squeeze3A_16 : i32 to vector<16xi32>
        %ge3A_447 = arith.cmpi sge, %sub3A_442, %ge3A_446 : vector<16xi32>
        %and3A_448 = arith.andi %eq3A_445, %ge3A_447 : vector<16xi1>
        %or3A = arith.ori %gt3A_443, %and3A_448 : vector<16xi1>
        %add3A_449 = arith.addi %select_n3A_343, %scan3A_426 : vector<16xi32>
        %jit3A_450 = arith.constant 768 : i32
        %broadcast_in_dim3A_451 = vector.broadcast %jit3A_450 : i32 to vector<16xi32>
        %select_n3A_452 = arith.select %or3A, %add3A_449, %broadcast_in_dim3A_451 : vector<16xi1>, vector<16xi32>
        tpu.vector_store_idx %arg22[%select_n3A_452], %add3A_439 : memref<784xi32, #tpu.memory_space<vmem>>[vector<16xi32>], vector<16xi32>,
        %convert_element_type3A_453 = arith.extui %or3A : vector<16xi1> to vector<16xi32>
        %add3A_454 = arith.addi %scan3A_426, %convert_element_type3A_453 : vector<16xi32>
        %mul3A_455 = arith.constant 8 : i32
        %mul3A_456 = arith.muli %scan3A_425, %mul3A_455 : i32
        %add3A_457 = arith.constant 1 : i32
        %add3A_458 = arith.addi %mul3A_456, %add3A_457 : i32
        %mul3A_459 = arith.constant 16 : i32
        %mul3A_460 = arith.muli %add3A_458, %mul3A_459 : i32
        %get3A_461 = arith.index_cast %mul3A_460 : i32 to index
        %get3A_462 = tpu.vector_load %arg21[%get3A_461] {strides = array<i32>} : memref<8192xi32, #tpu.memory_space<vmem>>, vector<16xi32>,
        %mul3A_463 = arith.constant 16 : i32
        %mul3A_464 = arith.muli %add3A_458, %mul3A_463 : i32
        %add3A_465 = arith.addi %mul3A_11, %mul3A_464 : i32
        %add3A_466 = vector.broadcast %add3A_465 : i32 to vector<16xi32>
        %add3A_467 = arith.addi %add3A_466, %iota3A : vector<16xi32>
        %sub3A_468 = arith.constant 65535 : i32
        %sub3A_469 = vector.broadcast %sub3A_468 : i32 to vector<16xi32>
        %sub3A_470 = arith.subi %sub3A_469, %add3A_467 : vector<16xi32>
        %gt3A_471 = vector.broadcast %squeeze3A : i32 to vector<16xi32>
        %gt3A_472 = arith.cmpi sgt, %get3A_462, %gt3A_471 : vector<16xi32>
        %eq3A_473 = vector.broadcast %squeeze3A : i32 to vector<16xi32>
        %eq3A_474 = arith.cmpi eq, %get3A_462, %eq3A_473 : vector<16xi32>
        %ge3A_475 = vector.broadcast %squeeze3A_16 : i32 to vector<16xi32>
        %ge3A_476 = arith.cmpi sge, %sub3A_470, %ge3A_475 : vector<16xi32>
        %and3A_477 = arith.andi %eq3A_474, %ge3A_476 : vector<16xi1>
        %or3A_478 = arith.ori %gt3A_472, %and3A_477 : vector<16xi1>
        %add3A_479 = arith.addi %select_n3A_343, %add3A_454 : vector<16xi32>
        %jit3A_480 = arith.constant 768 : i32
        %broadcast_in_dim3A_481 = vector.broadcast %jit3A_480 : i32 to vector<16xi32>
        %select_n3A_482 = arith.select %or3A_478, %add3A_479, %broadcast_in_dim3A_481 : vector<16xi1>, vector<16xi32>
        tpu.vector_store_idx %arg22[%select_n3A_482], %add3A_467 : memref<784xi32, #tpu.memory_space<vmem>>[vector<16xi32>], vector<16xi32>,
        %convert_element_type3A_483 = arith.extui %or3A_478 : vector<16xi1> to vector<16xi32>
        %add3A_484 = arith.addi %add3A_454, %convert_element_type3A_483 : vector<16xi32>
        %mul3A_485 = arith.constant 8 : i32
        %mul3A_486 = arith.muli %scan3A_425, %mul3A_485 : i32
        %add3A_487 = arith.constant 2 : i32
        %add3A_488 = arith.addi %mul3A_486, %add3A_487 : i32
        %mul3A_489 = arith.constant 16 : i32
        %mul3A_490 = arith.muli %add3A_488, %mul3A_489 : i32
        %get3A_491 = arith.index_cast %mul3A_490 : i32 to index
        %get3A_492 = tpu.vector_load %arg21[%get3A_491] {strides = array<i32>} : memref<8192xi32, #tpu.memory_space<vmem>>, vector<16xi32>,
        %mul3A_493 = arith.constant 16 : i32
        %mul3A_494 = arith.muli %add3A_488, %mul3A_493 : i32
        %add3A_495 = arith.addi %mul3A_11, %mul3A_494 : i32
        %add3A_496 = vector.broadcast %add3A_495 : i32 to vector<16xi32>
        %add3A_497 = arith.addi %add3A_496, %iota3A : vector<16xi32>
        %sub3A_498 = arith.constant 65535 : i32
        %sub3A_499 = vector.broadcast %sub3A_498 : i32 to vector<16xi32>
        %sub3A_500 = arith.subi %sub3A_499, %add3A_497 : vector<16xi32>
        %gt3A_501 = vector.broadcast %squeeze3A : i32 to vector<16xi32>
        %gt3A_502 = arith.cmpi sgt, %get3A_492, %gt3A_501 : vector<16xi32>
        %eq3A_503 = vector.broadcast %squeeze3A : i32 to vector<16xi32>
        %eq3A_504 = arith.cmpi eq, %get3A_492, %eq3A_503 : vector<16xi32>
        %ge3A_505 = vector.broadcast %squeeze3A_16 : i32 to vector<16xi32>
        %ge3A_506 = arith.cmpi sge, %sub3A_500, %ge3A_505 : vector<16xi32>
        %and3A_507 = arith.andi %eq3A_504, %ge3A_506 : vector<16xi1>
        %or3A_508 = arith.ori %gt3A_502, %and3A_507 : vector<16xi1>
        %add3A_509 = arith.addi %select_n3A_343, %add3A_484 : vector<16xi32>
        %jit3A_510 = arith.constant 768 : i32
        %broadcast_in_dim3A_511 = vector.broadcast %jit3A_510 : i32 to vector<16xi32>
        %select_n3A_512 = arith.select %or3A_508, %add3A_509, %broadcast_in_dim3A_511 : vector<16xi1>, vector<16xi32>
        tpu.vector_store_idx %arg22[%select_n3A_512], %add3A_497 : memref<784xi32, #tpu.memory_space<vmem>>[vector<16xi32>], vector<16xi32>,
        %convert_element_type3A_513 = arith.extui %or3A_508 : vector<16xi1> to vector<16xi32>
        %add3A_514 = arith.addi %add3A_484, %convert_element_type3A_513 : vector<16xi32>
        %mul3A_515 = arith.constant 8 : i32
        %mul3A_516 = arith.muli %scan3A_425, %mul3A_515 : i32
        %add3A_517 = arith.constant 3 : i32
        %add3A_518 = arith.addi %mul3A_516, %add3A_517 : i32
        %mul3A_519 = arith.constant 16 : i32
        %mul3A_520 = arith.muli %add3A_518, %mul3A_519 : i32
        %get3A_521 = arith.index_cast %mul3A_520 : i32 to index
        %get3A_522 = tpu.vector_load %arg21[%get3A_521] {strides = array<i32>} : memref<8192xi32, #tpu.memory_space<vmem>>, vector<16xi32>,
        %mul3A_523 = arith.constant 16 : i32
        %mul3A_524 = arith.muli %add3A_518, %mul3A_523 : i32
        %add3A_525 = arith.addi %mul3A_11, %mul3A_524 : i32
        %add3A_526 = vector.broadcast %add3A_525 : i32 to vector<16xi32>
        %add3A_527 = arith.addi %add3A_526, %iota3A : vector<16xi32>
        %sub3A_528 = arith.constant 65535 : i32
        %sub3A_529 = vector.broadcast %sub3A_528 : i32 to vector<16xi32>
        %sub3A_530 = arith.subi %sub3A_529, %add3A_527 : vector<16xi32>
        %gt3A_531 = vector.broadcast %squeeze3A : i32 to vector<16xi32>
        %gt3A_532 = arith.cmpi sgt, %get3A_522, %gt3A_531 : vector<16xi32>
        %eq3A_533 = vector.broadcast %squeeze3A : i32 to vector<16xi32>
        %eq3A_534 = arith.cmpi eq, %get3A_522, %eq3A_533 : vector<16xi32>
        %ge3A_535 = vector.broadcast %squeeze3A_16 : i32 to vector<16xi32>
        %ge3A_536 = arith.cmpi sge, %sub3A_530, %ge3A_535 : vector<16xi32>
        %and3A_537 = arith.andi %eq3A_534, %ge3A_536 : vector<16xi1>
        %or3A_538 = arith.ori %gt3A_532, %and3A_537 : vector<16xi1>
        %add3A_539 = arith.addi %select_n3A_343, %add3A_514 : vector<16xi32>
        %jit3A_540 = arith.constant 768 : i32
        %broadcast_in_dim3A_541 = vector.broadcast %jit3A_540 : i32 to vector<16xi32>
        %select_n3A_542 = arith.select %or3A_538, %add3A_539, %broadcast_in_dim3A_541 : vector<16xi1>, vector<16xi32>
        tpu.vector_store_idx %arg22[%select_n3A_542], %add3A_527 : memref<784xi32, #tpu.memory_space<vmem>>[vector<16xi32>], vector<16xi32>,
        %convert_element_type3A_543 = arith.extui %or3A_538 : vector<16xi1> to vector<16xi32>
        %add3A_544 = arith.addi %add3A_514, %convert_element_type3A_543 : vector<16xi32>
        %mul3A_545 = arith.constant 8 : i32
        %mul3A_546 = arith.muli %scan3A_425, %mul3A_545 : i32
        %add3A_547 = arith.constant 4 : i32
        %add3A_548 = arith.addi %mul3A_546, %add3A_547 : i32
        %mul3A_549 = arith.constant 16 : i32
        %mul3A_550 = arith.muli %add3A_548, %mul3A_549 : i32
        %get3A_551 = arith.index_cast %mul3A_550 : i32 to index
        %get3A_552 = tpu.vector_load %arg21[%get3A_551] {strides = array<i32>} : memref<8192xi32, #tpu.memory_space<vmem>>, vector<16xi32>,
        %mul3A_553 = arith.constant 16 : i32
        %mul3A_554 = arith.muli %add3A_548, %mul3A_553 : i32
        %add3A_555 = arith.addi %mul3A_11, %mul3A_554 : i32
        %add3A_556 = vector.broadcast %add3A_555 : i32 to vector<16xi32>
        %add3A_557 = arith.addi %add3A_556, %iota3A : vector<16xi32>
        %sub3A_558 = arith.constant 65535 : i32
        %sub3A_559 = vector.broadcast %sub3A_558 : i32 to vector<16xi32>
        %sub3A_560 = arith.subi %sub3A_559, %add3A_557 : vector<16xi32>
        %gt3A_561 = vector.broadcast %squeeze3A : i32 to vector<16xi32>
        %gt3A_562 = arith.cmpi sgt, %get3A_552, %gt3A_561 : vector<16xi32>
        %eq3A_563 = vector.broadcast %squeeze3A : i32 to vector<16xi32>
        %eq3A_564 = arith.cmpi eq, %get3A_552, %eq3A_563 : vector<16xi32>
        %ge3A_565 = vector.broadcast %squeeze3A_16 : i32 to vector<16xi32>
        %ge3A_566 = arith.cmpi sge, %sub3A_560, %ge3A_565 : vector<16xi32>
        %and3A_567 = arith.andi %eq3A_564, %ge3A_566 : vector<16xi1>
        %or3A_568 = arith.ori %gt3A_562, %and3A_567 : vector<16xi1>
        %add3A_569 = arith.addi %select_n3A_343, %add3A_544 : vector<16xi32>
        %jit3A_570 = arith.constant 768 : i32
        %broadcast_in_dim3A_571 = vector.broadcast %jit3A_570 : i32 to vector<16xi32>
        %select_n3A_572 = arith.select %or3A_568, %add3A_569, %broadcast_in_dim3A_571 : vector<16xi1>, vector<16xi32>
        tpu.vector_store_idx %arg22[%select_n3A_572], %add3A_557 : memref<784xi32, #tpu.memory_space<vmem>>[vector<16xi32>], vector<16xi32>,
        %convert_element_type3A_573 = arith.extui %or3A_568 : vector<16xi1> to vector<16xi32>
        %add3A_574 = arith.addi %add3A_544, %convert_element_type3A_573 : vector<16xi32>
        %mul3A_575 = arith.constant 8 : i32
        %mul3A_576 = arith.muli %scan3A_425, %mul3A_575 : i32
        %add3A_577 = arith.constant 5 : i32
        %add3A_578 = arith.addi %mul3A_576, %add3A_577 : i32
        %mul3A_579 = arith.constant 16 : i32
        %mul3A_580 = arith.muli %add3A_578, %mul3A_579 : i32
        %get3A_581 = arith.index_cast %mul3A_580 : i32 to index
        %get3A_582 = tpu.vector_load %arg21[%get3A_581] {strides = array<i32>} : memref<8192xi32, #tpu.memory_space<vmem>>, vector<16xi32>,
        %mul3A_583 = arith.constant 16 : i32
        %mul3A_584 = arith.muli %add3A_578, %mul3A_583 : i32
        %add3A_585 = arith.addi %mul3A_11, %mul3A_584 : i32
        %add3A_586 = vector.broadcast %add3A_585 : i32 to vector<16xi32>
        %add3A_587 = arith.addi %add3A_586, %iota3A : vector<16xi32>
        %sub3A_588 = arith.constant 65535 : i32
        %sub3A_589 = vector.broadcast %sub3A_588 : i32 to vector<16xi32>
        %sub3A_590 = arith.subi %sub3A_589, %add3A_587 : vector<16xi32>
        %gt3A_591 = vector.broadcast %squeeze3A : i32 to vector<16xi32>
        %gt3A_592 = arith.cmpi sgt, %get3A_582, %gt3A_591 : vector<16xi32>
        %eq3A_593 = vector.broadcast %squeeze3A : i32 to vector<16xi32>
        %eq3A_594 = arith.cmpi eq, %get3A_582, %eq3A_593 : vector<16xi32>
        %ge3A_595 = vector.broadcast %squeeze3A_16 : i32 to vector<16xi32>
        %ge3A_596 = arith.cmpi sge, %sub3A_590, %ge3A_595 : vector<16xi32>
        %and3A_597 = arith.andi %eq3A_594, %ge3A_596 : vector<16xi1>
        %or3A_598 = arith.ori %gt3A_592, %and3A_597 : vector<16xi1>
        %add3A_599 = arith.addi %select_n3A_343, %add3A_574 : vector<16xi32>
        %jit3A_600 = arith.constant 768 : i32
        %broadcast_in_dim3A_601 = vector.broadcast %jit3A_600 : i32 to vector<16xi32>
        %select_n3A_602 = arith.select %or3A_598, %add3A_599, %broadcast_in_dim3A_601 : vector<16xi1>, vector<16xi32>
        tpu.vector_store_idx %arg22[%select_n3A_602], %add3A_587 : memref<784xi32, #tpu.memory_space<vmem>>[vector<16xi32>], vector<16xi32>,
        %convert_element_type3A_603 = arith.extui %or3A_598 : vector<16xi1> to vector<16xi32>
        %add3A_604 = arith.addi %add3A_574, %convert_element_type3A_603 : vector<16xi32>
        %mul3A_605 = arith.constant 8 : i32
        %mul3A_606 = arith.muli %scan3A_425, %mul3A_605 : i32
        %add3A_607 = arith.constant 6 : i32
        %add3A_608 = arith.addi %mul3A_606, %add3A_607 : i32
        %mul3A_609 = arith.constant 16 : i32
        %mul3A_610 = arith.muli %add3A_608, %mul3A_609 : i32
        %get3A_611 = arith.index_cast %mul3A_610 : i32 to index
        %get3A_612 = tpu.vector_load %arg21[%get3A_611] {strides = array<i32>} : memref<8192xi32, #tpu.memory_space<vmem>>, vector<16xi32>,
        %mul3A_613 = arith.constant 16 : i32
        %mul3A_614 = arith.muli %add3A_608, %mul3A_613 : i32
        %add3A_615 = arith.addi %mul3A_11, %mul3A_614 : i32
        %add3A_616 = vector.broadcast %add3A_615 : i32 to vector<16xi32>
        %add3A_617 = arith.addi %add3A_616, %iota3A : vector<16xi32>
        %sub3A_618 = arith.constant 65535 : i32
        %sub3A_619 = vector.broadcast %sub3A_618 : i32 to vector<16xi32>
        %sub3A_620 = arith.subi %sub3A_619, %add3A_617 : vector<16xi32>
        %gt3A_621 = vector.broadcast %squeeze3A : i32 to vector<16xi32>
        %gt3A_622 = arith.cmpi sgt, %get3A_612, %gt3A_621 : vector<16xi32>
        %eq3A_623 = vector.broadcast %squeeze3A : i32 to vector<16xi32>
        %eq3A_624 = arith.cmpi eq, %get3A_612, %eq3A_623 : vector<16xi32>
        %ge3A_625 = vector.broadcast %squeeze3A_16 : i32 to vector<16xi32>
        %ge3A_626 = arith.cmpi sge, %sub3A_620, %ge3A_625 : vector<16xi32>
        %and3A_627 = arith.andi %eq3A_624, %ge3A_626 : vector<16xi1>
        %or3A_628 = arith.ori %gt3A_622, %and3A_627 : vector<16xi1>
        %add3A_629 = arith.addi %select_n3A_343, %add3A_604 : vector<16xi32>
        %jit3A_630 = arith.constant 768 : i32
        %broadcast_in_dim3A_631 = vector.broadcast %jit3A_630 : i32 to vector<16xi32>
        %select_n3A_632 = arith.select %or3A_628, %add3A_629, %broadcast_in_dim3A_631 : vector<16xi1>, vector<16xi32>
        tpu.vector_store_idx %arg22[%select_n3A_632], %add3A_617 : memref<784xi32, #tpu.memory_space<vmem>>[vector<16xi32>], vector<16xi32>,
        %convert_element_type3A_633 = arith.extui %or3A_628 : vector<16xi1> to vector<16xi32>
        %add3A_634 = arith.addi %add3A_604, %convert_element_type3A_633 : vector<16xi32>
        %mul3A_635 = arith.constant 8 : i32
        %mul3A_636 = arith.muli %scan3A_425, %mul3A_635 : i32
        %add3A_637 = arith.constant 7 : i32
        %add3A_638 = arith.addi %mul3A_636, %add3A_637 : i32
        %mul3A_639 = arith.constant 16 : i32
        %mul3A_640 = arith.muli %add3A_638, %mul3A_639 : i32
        %get3A_641 = arith.index_cast %mul3A_640 : i32 to index
        %get3A_642 = tpu.vector_load %arg21[%get3A_641] {strides = array<i32>} : memref<8192xi32, #tpu.memory_space<vmem>>, vector<16xi32>,
        %mul3A_643 = arith.constant 16 : i32
        %mul3A_644 = arith.muli %add3A_638, %mul3A_643 : i32
        %add3A_645 = arith.addi %mul3A_11, %mul3A_644 : i32
        %add3A_646 = vector.broadcast %add3A_645 : i32 to vector<16xi32>
        %add3A_647 = arith.addi %add3A_646, %iota3A : vector<16xi32>
        %sub3A_648 = arith.constant 65535 : i32
        %sub3A_649 = vector.broadcast %sub3A_648 : i32 to vector<16xi32>
        %sub3A_650 = arith.subi %sub3A_649, %add3A_647 : vector<16xi32>
        %gt3A_651 = vector.broadcast %squeeze3A : i32 to vector<16xi32>
        %gt3A_652 = arith.cmpi sgt, %get3A_642, %gt3A_651 : vector<16xi32>
        %eq3A_653 = vector.broadcast %squeeze3A : i32 to vector<16xi32>
        %eq3A_654 = arith.cmpi eq, %get3A_642, %eq3A_653 : vector<16xi32>
        %ge3A_655 = vector.broadcast %squeeze3A_16 : i32 to vector<16xi32>
        %ge3A_656 = arith.cmpi sge, %sub3A_650, %ge3A_655 : vector<16xi32>
        %and3A_657 = arith.andi %eq3A_654, %ge3A_656 : vector<16xi1>
        %or3A_658 = arith.ori %gt3A_652, %and3A_657 : vector<16xi1>
        %add3A_659 = arith.addi %select_n3A_343, %add3A_634 : vector<16xi32>
        %jit3A_660 = arith.constant 768 : i32
        %broadcast_in_dim3A_661 = vector.broadcast %jit3A_660 : i32 to vector<16xi32>
        %select_n3A_662 = arith.select %or3A_658, %add3A_659, %broadcast_in_dim3A_661 : vector<16xi1>, vector<16xi32>
        tpu.vector_store_idx %arg22[%select_n3A_662], %add3A_647 : memref<784xi32, #tpu.memory_space<vmem>>[vector<16xi32>], vector<16xi32>,
        %convert_element_type3A_663 = arith.extui %or3A_658 : vector<16xi1> to vector<16xi32>
        %add3A_664 = arith.addi %add3A_634, %convert_element_type3A_663 : vector<16xi32>
        scf.yield %add3A_664 : vector<16xi32>
      }
      %scan3A_352 = arith.constant 64 : i32
      %barrier3A = arith.constant 0 : index
      tpu.barrier barrier_id(%barrier3A)
      %sc_fetch_and_add3A = arith.constant 1 : i32
      %sc_fetch_and_add3A_353 = arith.constant 0 : i32
      %sc_fetch_and_add3A_354 = tpu.fetch_and_add_sync %arg32[%sc_fetch_and_add3A], %add3A_346, %sc_fetch_and_add3A_353 : memref<2xi32, #tpu.memory_space<smem>>, i32 -> i32
      %add3A_355 = arith.constant 256 : i32
      %add3A_356 = arith.addi %sc_fetch_and_add3A_354, %add3A_355 : i32
      %add3A_357 = arith.constant 15 : i32
      %add3A_358 = arith.addi %add3A_346, %add3A_357 : i32
      %jit3A_359 = arith.constant 16 : i32
      %div3A = arith.divsi %add3A_358, %jit3A_359 : i32
      %sign3A = arith.constant 0 : i32
      %sign3A_360 = arith.cmpi sgt, %add3A_358, %sign3A : i32
      %sign3A_361 = arith.extui %sign3A_360 : i1 to i32
      %sign3A_362 = arith.constant 0 : i32
      %sign3A_363 = arith.cmpi slt, %add3A_358, %sign3A_362 : i32
      %sign3A_364 = arith.extui %sign3A_363 : i1 to i32
      %sign3A_365 = arith.subi %sign3A_361, %sign3A_364 : i32
      %sign3A_366 = arith.constant 0 : i32
      %sign3A_367 = arith.cmpi sgt, %jit3A_359, %sign3A_366 : i32
      %sign3A_368 = arith.extui %sign3A_367 : i1 to i32
      %sign3A_369 = arith.constant 0 : i32
      %sign3A_370 = arith.cmpi slt, %jit3A_359, %sign3A_369 : i32
      %sign3A_371 = arith.extui %sign3A_370 : i1 to i32
      %sign3A_372 = arith.subi %sign3A_368, %sign3A_371 : i32
      %ne3A = arith.cmpi ne, %sign3A_365, %sign3A_372 : i32
      %rem3A = arith.remsi %add3A_358, %jit3A_359 : i32
      %ne3A_373 = arith.constant 0 : i32
      %ne3A_374 = arith.cmpi ne, %rem3A, %ne3A_373 : i32
      %and3A = arith.andi %ne3A, %ne3A_374 : i1
      %sub3A_375 = arith.constant 1 : i32
      %sub3A_376 = arith.subi %div3A, %sub3A_375 : i32
      %select_n3A_377 = arith.select %and3A, %sub3A_376, %div3A : i32
      %while3A = arith.constant 0 : i32
      %while3A_378 = arith.constant 0 : i32
      %while3A_379 = arith.subi %select_n3A_377, %while3A : i32
      %while3A_380 = arith.addi %while3A, %while3A_379 : i32
      %while3A_381 = arith.constant 1 : i32
      %while3A_382 = arith.divsi %while3A_379, %while3A_381 : i32
      %while3A_383 = arith.muli %while3A_382, %while3A_381 : i32
      %while3A_384 = arith.addi %while3A, %while3A_383 : i32
      %while3A_385 = arith.constant 1 : i32
      %while3A_386 = scf.for %while3A_425 = %while3A to %while3A_384 step %while3A_385 iter_args(%while3A_426 = %while3A_378) -> (i32)  : i32 {
        %mul3A_427 = arith.constant 16 : i32
        %mul3A_428 = arith.muli %while3A_425, %mul3A_427 : i32
        %lt3A_429 = arith.cmpi slt, %mul3A_428, %add3A_346 : i32
        %convert_element_type3A_430 = arith.extui %lt3A_429 : i1 to i32
        %cond3A_431 = arith.constant 0 : i32
        %cond3A_432 = arith.cmpi ne, %convert_element_type3A_430, %cond3A_431 : i32
        scf.if %cond3A_432 {
          %mul3A_434 = arith.constant 16 : i32
          %mul3A_435 = arith.muli %while3A_425, %mul3A_434 : i32
          %get3A_436 = arith.index_cast %mul3A_435 : i32 to index
          %get3A_437 = tpu.vector_load %arg22[%get3A_436] {strides = array<i32>} : memref<784xi32, #tpu.memory_space<vmem>>, vector<16xi32>,
          %mul3A_438 = arith.constant 16 : i32
          %mul3A_439 = arith.muli %while3A_425, %mul3A_438 : i32
          %dma_start3A = tpu.memref_slice %arg23[%mul3A_439] : memref<768xi32, #tpu.memory_space<vmem>> -> memref<16xi32, #tpu.memory_space<vmem>>
          %dma_start3A_440 = arith.constant 0 : i32
          %dma_start3A_441 = tpu.memref_slice %arg5[%dma_start3A_440] : memref<65536xi32, #tpu.memory_space<hbm>> -> memref<65536xi32, #tpu.memory_space<hbm>>
          tpu.enqueue_indirect_dma source(%dma_start3A_441 : memref<65536xi32, #tpu.memory_space<hbm>>) target(%dma_start3A : memref<16xi32, #tpu.memory_space<vmem>>) offsets(%get3A_437 : vector<16xi32>) semaphore(%arg33 : memref<!tpu.dma_semaphore, #tpu.memory_space<semaphore_mem>>)
          %mul3A_442 = arith.constant 16 : i32
          %mul3A_443 = arith.muli %while3A_425, %mul3A_442 : i32
          %dma_start3A_444 = tpu.memref_slice %arg24[%mul3A_443] : memref<768xf32, #tpu.memory_space<vmem>> -> memref<16xf32, #tpu.memory_space<vmem>>
          %dma_start3A_445 = arith.constant 0 : i32
          %dma_start3A_446 = tpu.memref_slice %arg6[%dma_start3A_445] : memref<65536xf32, #tpu.memory_space<hbm>> -> memref<65536xf32, #tpu.memory_space<hbm>>
          tpu.enqueue_indirect_dma source(%dma_start3A_446 : memref<65536xf32, #tpu.memory_space<hbm>>) target(%dma_start3A_444 : memref<16xf32, #tpu.memory_space<vmem>>) offsets(%get3A_437 : vector<16xi32>) semaphore(%arg33 : memref<!tpu.dma_semaphore, #tpu.memory_space<semaphore_mem>>)
          %mul3A_447 = arith.constant 16 : i32
          %mul3A_448 = arith.muli %while3A_425, %mul3A_447 : i32
          %dma_start3A_449 = tpu.memref_slice %arg25[%mul3A_448] : memref<768xf32, #tpu.memory_space<vmem>> -> memref<16xf32, #tpu.memory_space<vmem>>
          %dma_start3A_450 = arith.constant 0 : i32
          %dma_start3A_451 = tpu.memref_slice %arg7[%dma_start3A_450] : memref<65536xf32, #tpu.memory_space<hbm>> -> memref<65536xf32, #tpu.memory_space<hbm>>
          tpu.enqueue_indirect_dma source(%dma_start3A_451 : memref<65536xf32, #tpu.memory_space<hbm>>) target(%dma_start3A_449 : memref<16xf32, #tpu.memory_space<vmem>>) offsets(%get3A_437 : vector<16xi32>) semaphore(%arg33 : memref<!tpu.dma_semaphore, #tpu.memory_space<semaphore_mem>>)
          %mul3A_452 = arith.constant 16 : i32
          %mul3A_453 = arith.muli %while3A_425, %mul3A_452 : i32
          %dma_start3A_454 = tpu.memref_slice %arg26[%mul3A_453] : memref<768xf32, #tpu.memory_space<vmem>> -> memref<16xf32, #tpu.memory_space<vmem>>
          %dma_start3A_455 = arith.constant 0 : i32
          %dma_start3A_456 = tpu.memref_slice %arg8[%dma_start3A_455] : memref<65536xf32, #tpu.memory_space<hbm>> -> memref<65536xf32, #tpu.memory_space<hbm>>
          tpu.enqueue_indirect_dma source(%dma_start3A_456 : memref<65536xf32, #tpu.memory_space<hbm>>) target(%dma_start3A_454 : memref<16xf32, #tpu.memory_space<vmem>>) offsets(%get3A_437 : vector<16xi32>) semaphore(%arg33 : memref<!tpu.dma_semaphore, #tpu.memory_space<semaphore_mem>>)
          %mul3A_457 = arith.constant 16 : i32
          %mul3A_458 = arith.muli %while3A_425, %mul3A_457 : i32
          %dma_start3A_459 = tpu.memref_slice %arg27[%mul3A_458] : memref<768xf32, #tpu.memory_space<vmem>> -> memref<16xf32, #tpu.memory_space<vmem>>
          %dma_start3A_460 = arith.constant 0 : i32
          %dma_start3A_461 = tpu.memref_slice %arg9[%dma_start3A_460] : memref<65536xf32, #tpu.memory_space<hbm>> -> memref<65536xf32, #tpu.memory_space<hbm>>
          tpu.enqueue_indirect_dma source(%dma_start3A_461 : memref<65536xf32, #tpu.memory_space<hbm>>) target(%dma_start3A_459 : memref<16xf32, #tpu.memory_space<vmem>>) offsets(%get3A_437 : vector<16xi32>) semaphore(%arg33 : memref<!tpu.dma_semaphore, #tpu.memory_space<semaphore_mem>>)
          %mul3A_462 = arith.constant 16 : i32
          %mul3A_463 = arith.muli %while3A_425, %mul3A_462 : i32
          %dma_start3A_464 = tpu.memref_slice %arg28[%mul3A_463] : memref<768xf32, #tpu.memory_space<vmem>> -> memref<16xf32, #tpu.memory_space<vmem>>
          %dma_start3A_465 = arith.constant 0 : i32
          %dma_start3A_466 = tpu.memref_slice %arg10[%dma_start3A_465] : memref<65536xf32, #tpu.memory_space<hbm>> -> memref<65536xf32, #tpu.memory_space<hbm>>
          tpu.enqueue_indirect_dma source(%dma_start3A_466 : memref<65536xf32, #tpu.memory_space<hbm>>) target(%dma_start3A_464 : memref<16xf32, #tpu.memory_space<vmem>>) offsets(%get3A_437 : vector<16xi32>) semaphore(%arg33 : memref<!tpu.dma_semaphore, #tpu.memory_space<semaphore_mem>>)
          %mul3A_467 = arith.constant 16 : i32
          %mul3A_468 = arith.muli %while3A_425, %mul3A_467 : i32
          %dma_start3A_469 = tpu.memref_slice %arg29[%mul3A_468] : memref<768xf32, #tpu.memory_space<vmem>> -> memref<16xf32, #tpu.memory_space<vmem>>
          %dma_start3A_470 = arith.constant 0 : i32
          %dma_start3A_471 = tpu.memref_slice %arg11[%dma_start3A_470] : memref<65536xf32, #tpu.memory_space<hbm>> -> memref<65536xf32, #tpu.memory_space<hbm>>
          tpu.enqueue_indirect_dma source(%dma_start3A_471 : memref<65536xf32, #tpu.memory_space<hbm>>) target(%dma_start3A_469 : memref<16xf32, #tpu.memory_space<vmem>>) offsets(%get3A_437 : vector<16xi32>) semaphore(%arg33 : memref<!tpu.dma_semaphore, #tpu.memory_space<semaphore_mem>>)
          %mul3A_472 = arith.constant 16 : i32
          %mul3A_473 = arith.muli %while3A_425, %mul3A_472 : i32
          %dma_start3A_474 = tpu.memref_slice %arg30[%mul3A_473] : memref<768xf32, #tpu.memory_space<vmem>> -> memref<16xf32, #tpu.memory_space<vmem>>
          %dma_start3A_475 = arith.constant 0 : i32
          %dma_start3A_476 = tpu.memref_slice %arg12[%dma_start3A_475] : memref<65536xf32, #tpu.memory_space<hbm>> -> memref<65536xf32, #tpu.memory_space<hbm>>
          tpu.enqueue_indirect_dma source(%dma_start3A_476 : memref<65536xf32, #tpu.memory_space<hbm>>) target(%dma_start3A_474 : memref<16xf32, #tpu.memory_space<vmem>>) offsets(%get3A_437 : vector<16xi32>) semaphore(%arg33 : memref<!tpu.dma_semaphore, #tpu.memory_space<semaphore_mem>>)
        } else {
        }
        %while3A_433 = arith.constant 0 : i32
        scf.yield %while3A_433 : i32
      }
      %while3A_387 = arith.constant 1 : i32
      %while3A_388 = scf.for %while3A_425 = %while3A_384 to %while3A_380 step %while3A_387 iter_args(%while3A_426 = %while3A_386) -> (i32)  : i32 {
        %mul3A_427 = arith.constant 16 : i32
        %mul3A_428 = arith.muli %while3A_425, %mul3A_427 : i32
        %lt3A_429 = arith.cmpi slt, %mul3A_428, %add3A_346 : i32
        %convert_element_type3A_430 = arith.extui %lt3A_429 : i1 to i32
        %cond3A_431 = arith.constant 0 : i32
        %cond3A_432 = arith.cmpi ne, %convert_element_type3A_430, %cond3A_431 : i32
        scf.if %cond3A_432 {
          %mul3A_434 = arith.constant 16 : i32
          %mul3A_435 = arith.muli %while3A_425, %mul3A_434 : i32
          %get3A_436 = arith.index_cast %mul3A_435 : i32 to index
          %get3A_437 = tpu.vector_load %arg22[%get3A_436] {strides = array<i32>} : memref<784xi32, #tpu.memory_space<vmem>>, vector<16xi32>,
          %mul3A_438 = arith.constant 16 : i32
          %mul3A_439 = arith.muli %while3A_425, %mul3A_438 : i32
          %dma_start3A = tpu.memref_slice %arg23[%mul3A_439] : memref<768xi32, #tpu.memory_space<vmem>> -> memref<16xi32, #tpu.memory_space<vmem>>
          %dma_start3A_440 = arith.constant 0 : i32
          %dma_start3A_441 = tpu.memref_slice %arg5[%dma_start3A_440] : memref<65536xi32, #tpu.memory_space<hbm>> -> memref<65536xi32, #tpu.memory_space<hbm>>
          tpu.enqueue_indirect_dma source(%dma_start3A_441 : memref<65536xi32, #tpu.memory_space<hbm>>) target(%dma_start3A : memref<16xi32, #tpu.memory_space<vmem>>) offsets(%get3A_437 : vector<16xi32>) semaphore(%arg33 : memref<!tpu.dma_semaphore, #tpu.memory_space<semaphore_mem>>)
          %mul3A_442 = arith.constant 16 : i32
          %mul3A_443 = arith.muli %while3A_425, %mul3A_442 : i32
          %dma_start3A_444 = tpu.memref_slice %arg24[%mul3A_443] : memref<768xf32, #tpu.memory_space<vmem>> -> memref<16xf32, #tpu.memory_space<vmem>>
          %dma_start3A_445 = arith.constant 0 : i32
          %dma_start3A_446 = tpu.memref_slice %arg6[%dma_start3A_445] : memref<65536xf32, #tpu.memory_space<hbm>> -> memref<65536xf32, #tpu.memory_space<hbm>>
          tpu.enqueue_indirect_dma source(%dma_start3A_446 : memref<65536xf32, #tpu.memory_space<hbm>>) target(%dma_start3A_444 : memref<16xf32, #tpu.memory_space<vmem>>) offsets(%get3A_437 : vector<16xi32>) semaphore(%arg33 : memref<!tpu.dma_semaphore, #tpu.memory_space<semaphore_mem>>)
          %mul3A_447 = arith.constant 16 : i32
          %mul3A_448 = arith.muli %while3A_425, %mul3A_447 : i32
          %dma_start3A_449 = tpu.memref_slice %arg25[%mul3A_448] : memref<768xf32, #tpu.memory_space<vmem>> -> memref<16xf32, #tpu.memory_space<vmem>>
          %dma_start3A_450 = arith.constant 0 : i32
          %dma_start3A_451 = tpu.memref_slice %arg7[%dma_start3A_450] : memref<65536xf32, #tpu.memory_space<hbm>> -> memref<65536xf32, #tpu.memory_space<hbm>>
          tpu.enqueue_indirect_dma source(%dma_start3A_451 : memref<65536xf32, #tpu.memory_space<hbm>>) target(%dma_start3A_449 : memref<16xf32, #tpu.memory_space<vmem>>) offsets(%get3A_437 : vector<16xi32>) semaphore(%arg33 : memref<!tpu.dma_semaphore, #tpu.memory_space<semaphore_mem>>)
          %mul3A_452 = arith.constant 16 : i32
          %mul3A_453 = arith.muli %while3A_425, %mul3A_452 : i32
          %dma_start3A_454 = tpu.memref_slice %arg26[%mul3A_453] : memref<768xf32, #tpu.memory_space<vmem>> -> memref<16xf32, #tpu.memory_space<vmem>>
          %dma_start3A_455 = arith.constant 0 : i32
          %dma_start3A_456 = tpu.memref_slice %arg8[%dma_start3A_455] : memref<65536xf32, #tpu.memory_space<hbm>> -> memref<65536xf32, #tpu.memory_space<hbm>>
          tpu.enqueue_indirect_dma source(%dma_start3A_456 : memref<65536xf32, #tpu.memory_space<hbm>>) target(%dma_start3A_454 : memref<16xf32, #tpu.memory_space<vmem>>) offsets(%get3A_437 : vector<16xi32>) semaphore(%arg33 : memref<!tpu.dma_semaphore, #tpu.memory_space<semaphore_mem>>)
          %mul3A_457 = arith.constant 16 : i32
          %mul3A_458 = arith.muli %while3A_425, %mul3A_457 : i32
          %dma_start3A_459 = tpu.memref_slice %arg27[%mul3A_458] : memref<768xf32, #tpu.memory_space<vmem>> -> memref<16xf32, #tpu.memory_space<vmem>>
          %dma_start3A_460 = arith.constant 0 : i32
          %dma_start3A_461 = tpu.memref_slice %arg9[%dma_start3A_460] : memref<65536xf32, #tpu.memory_space<hbm>> -> memref<65536xf32, #tpu.memory_space<hbm>>
          tpu.enqueue_indirect_dma source(%dma_start3A_461 : memref<65536xf32, #tpu.memory_space<hbm>>) target(%dma_start3A_459 : memref<16xf32, #tpu.memory_space<vmem>>) offsets(%get3A_437 : vector<16xi32>) semaphore(%arg33 : memref<!tpu.dma_semaphore, #tpu.memory_space<semaphore_mem>>)
          %mul3A_462 = arith.constant 16 : i32
          %mul3A_463 = arith.muli %while3A_425, %mul3A_462 : i32
          %dma_start3A_464 = tpu.memref_slice %arg28[%mul3A_463] : memref<768xf32, #tpu.memory_space<vmem>> -> memref<16xf32, #tpu.memory_space<vmem>>
          %dma_start3A_465 = arith.constant 0 : i32
          %dma_start3A_466 = tpu.memref_slice %arg10[%dma_start3A_465] : memref<65536xf32, #tpu.memory_space<hbm>> -> memref<65536xf32, #tpu.memory_space<hbm>>
          tpu.enqueue_indirect_dma source(%dma_start3A_466 : memref<65536xf32, #tpu.memory_space<hbm>>) target(%dma_start3A_464 : memref<16xf32, #tpu.memory_space<vmem>>) offsets(%get3A_437 : vector<16xi32>) semaphore(%arg33 : memref<!tpu.dma_semaphore, #tpu.memory_space<semaphore_mem>>)
          %mul3A_467 = arith.constant 16 : i32
          %mul3A_468 = arith.muli %while3A_425, %mul3A_467 : i32
          %dma_start3A_469 = tpu.memref_slice %arg29[%mul3A_468] : memref<768xf32, #tpu.memory_space<vmem>> -> memref<16xf32, #tpu.memory_space<vmem>>
          %dma_start3A_470 = arith.constant 0 : i32
          %dma_start3A_471 = tpu.memref_slice %arg11[%dma_start3A_470] : memref<65536xf32, #tpu.memory_space<hbm>> -> memref<65536xf32, #tpu.memory_space<hbm>>
          tpu.enqueue_indirect_dma source(%dma_start3A_471 : memref<65536xf32, #tpu.memory_space<hbm>>) target(%dma_start3A_469 : memref<16xf32, #tpu.memory_space<vmem>>) offsets(%get3A_437 : vector<16xi32>) semaphore(%arg33 : memref<!tpu.dma_semaphore, #tpu.memory_space<semaphore_mem>>)
          %mul3A_472 = arith.constant 16 : i32
          %mul3A_473 = arith.muli %while3A_425, %mul3A_472 : i32
          %dma_start3A_474 = tpu.memref_slice %arg30[%mul3A_473] : memref<768xf32, #tpu.memory_space<vmem>> -> memref<16xf32, #tpu.memory_space<vmem>>
          %dma_start3A_475 = arith.constant 0 : i32
          %dma_start3A_476 = tpu.memref_slice %arg12[%dma_start3A_475] : memref<65536xf32, #tpu.memory_space<hbm>> -> memref<65536xf32, #tpu.memory_space<hbm>>
          tpu.enqueue_indirect_dma source(%dma_start3A_476 : memref<65536xf32, #tpu.memory_space<hbm>>) target(%dma_start3A_474 : memref<16xf32, #tpu.memory_space<vmem>>) offsets(%get3A_437 : vector<16xi32>) semaphore(%arg33 : memref<!tpu.dma_semaphore, #tpu.memory_space<semaphore_mem>>)
        } else {
        }
        %while3A_433 = arith.constant 0 : i32
        scf.yield %while3A_433 : i32
      }
      %while3A_389 = arith.constant 0 : i32
      %while3A_390 = arith.constant 0 : i32
      %while3A_391 = arith.subi %select_n3A_377, %while3A_389 : i32
      %while3A_392 = arith.addi %while3A_389, %while3A_391 : i32
      %while3A_393 = arith.constant 1 : i32
      %while3A_394 = arith.divsi %while3A_391, %while3A_393 : i32
      %while3A_395 = arith.muli %while3A_394, %while3A_393 : i32
      %while3A_396 = arith.addi %while3A_389, %while3A_395 : i32
      %while3A_397 = arith.constant 1 : i32
      %while3A_398 = scf.for %while3A_425 = %while3A_389 to %while3A_396 step %while3A_397 iter_args(%while3A_426 = %while3A_390) -> (i32)  : i32 {
        %mul3A_427 = arith.constant 16 : i32
        %mul3A_428 = arith.muli %while3A_425, %mul3A_427 : i32
        %lt3A_429 = arith.cmpi slt, %mul3A_428, %add3A_346 : i32
        %convert_element_type3A_430 = arith.extui %lt3A_429 : i1 to i32
        %cond3A_431 = arith.constant 0 : i32
        %cond3A_432 = arith.cmpi ne, %convert_element_type3A_430, %cond3A_431 : i32
        scf.if %cond3A_432 {
          %mul3A_434 = arith.constant 16 : i32
          %mul3A_435 = arith.muli %while3A_425, %mul3A_434 : i32
          %get3A_436 = arith.index_cast %mul3A_435 : i32 to index
          %get3A_437 = tpu.vector_load %arg22[%get3A_436] {strides = array<i32>} : memref<784xi32, #tpu.memory_space<vmem>>, vector<16xi32>,
          %mul3A_438 = arith.constant 16 : i32
          %mul3A_439 = arith.muli %while3A_425, %mul3A_438 : i32
          %dma_wait3A = tpu.memref_slice %arg23[%mul3A_439] : memref<768xi32, #tpu.memory_space<vmem>> -> memref<16xi32, #tpu.memory_space<vmem>>
          %dma_wait3A_440 = arith.constant 0 : i32
          %dma_wait3A_441 = tpu.memref_slice %arg5[%dma_wait3A_440] : memref<65536xi32, #tpu.memory_space<hbm>> -> memref<65536xi32, #tpu.memory_space<hbm>>
          tpu.wait_indirect_dma semaphore(%arg33 : memref<!tpu.dma_semaphore, #tpu.memory_space<semaphore_mem>>) src(%dma_wait3A_441 : memref<65536xi32, #tpu.memory_space<hbm>>) dst(%dma_wait3A : memref<16xi32, #tpu.memory_space<vmem>>)
          %mul3A_442 = arith.constant 16 : i32
          %mul3A_443 = arith.muli %while3A_425, %mul3A_442 : i32
          %dma_wait3A_444 = tpu.memref_slice %arg24[%mul3A_443] : memref<768xf32, #tpu.memory_space<vmem>> -> memref<16xf32, #tpu.memory_space<vmem>>
          %dma_wait3A_445 = arith.constant 0 : i32
          %dma_wait3A_446 = tpu.memref_slice %arg6[%dma_wait3A_445] : memref<65536xf32, #tpu.memory_space<hbm>> -> memref<65536xf32, #tpu.memory_space<hbm>>
          tpu.wait_indirect_dma semaphore(%arg33 : memref<!tpu.dma_semaphore, #tpu.memory_space<semaphore_mem>>) src(%dma_wait3A_446 : memref<65536xf32, #tpu.memory_space<hbm>>) dst(%dma_wait3A_444 : memref<16xf32, #tpu.memory_space<vmem>>)
          %mul3A_447 = arith.constant 16 : i32
          %mul3A_448 = arith.muli %while3A_425, %mul3A_447 : i32
          %dma_wait3A_449 = tpu.memref_slice %arg25[%mul3A_448] : memref<768xf32, #tpu.memory_space<vmem>> -> memref<16xf32, #tpu.memory_space<vmem>>
          %dma_wait3A_450 = arith.constant 0 : i32
          %dma_wait3A_451 = tpu.memref_slice %arg7[%dma_wait3A_450] : memref<65536xf32, #tpu.memory_space<hbm>> -> memref<65536xf32, #tpu.memory_space<hbm>>
          tpu.wait_indirect_dma semaphore(%arg33 : memref<!tpu.dma_semaphore, #tpu.memory_space<semaphore_mem>>) src(%dma_wait3A_451 : memref<65536xf32, #tpu.memory_space<hbm>>) dst(%dma_wait3A_449 : memref<16xf32, #tpu.memory_space<vmem>>)
          %mul3A_452 = arith.constant 16 : i32
          %mul3A_453 = arith.muli %while3A_425, %mul3A_452 : i32
          %dma_wait3A_454 = tpu.memref_slice %arg26[%mul3A_453] : memref<768xf32, #tpu.memory_space<vmem>> -> memref<16xf32, #tpu.memory_space<vmem>>
          %dma_wait3A_455 = arith.constant 0 : i32
          %dma_wait3A_456 = tpu.memref_slice %arg8[%dma_wait3A_455] : memref<65536xf32, #tpu.memory_space<hbm>> -> memref<65536xf32, #tpu.memory_space<hbm>>
          tpu.wait_indirect_dma semaphore(%arg33 : memref<!tpu.dma_semaphore, #tpu.memory_space<semaphore_mem>>) src(%dma_wait3A_456 : memref<65536xf32, #tpu.memory_space<hbm>>) dst(%dma_wait3A_454 : memref<16xf32, #tpu.memory_space<vmem>>)
          %mul3A_457 = arith.constant 16 : i32
          %mul3A_458 = arith.muli %while3A_425, %mul3A_457 : i32
          %dma_wait3A_459 = tpu.memref_slice %arg27[%mul3A_458] : memref<768xf32, #tpu.memory_space<vmem>> -> memref<16xf32, #tpu.memory_space<vmem>>
          %dma_wait3A_460 = arith.constant 0 : i32
          %dma_wait3A_461 = tpu.memref_slice %arg9[%dma_wait3A_460] : memref<65536xf32, #tpu.memory_space<hbm>> -> memref<65536xf32, #tpu.memory_space<hbm>>
          tpu.wait_indirect_dma semaphore(%arg33 : memref<!tpu.dma_semaphore, #tpu.memory_space<semaphore_mem>>) src(%dma_wait3A_461 : memref<65536xf32, #tpu.memory_space<hbm>>) dst(%dma_wait3A_459 : memref<16xf32, #tpu.memory_space<vmem>>)
          %mul3A_462 = arith.constant 16 : i32
          %mul3A_463 = arith.muli %while3A_425, %mul3A_462 : i32
          %dma_wait3A_464 = tpu.memref_slice %arg28[%mul3A_463] : memref<768xf32, #tpu.memory_space<vmem>> -> memref<16xf32, #tpu.memory_space<vmem>>
          %dma_wait3A_465 = arith.constant 0 : i32
          %dma_wait3A_466 = tpu.memref_slice %arg10[%dma_wait3A_465] : memref<65536xf32, #tpu.memory_space<hbm>> -> memref<65536xf32, #tpu.memory_space<hbm>>
          tpu.wait_indirect_dma semaphore(%arg33 : memref<!tpu.dma_semaphore, #tpu.memory_space<semaphore_mem>>) src(%dma_wait3A_466 : memref<65536xf32, #tpu.memory_space<hbm>>) dst(%dma_wait3A_464 : memref<16xf32, #tpu.memory_space<vmem>>)
          %mul3A_467 = arith.constant 16 : i32
          %mul3A_468 = arith.muli %while3A_425, %mul3A_467 : i32
          %dma_wait3A_469 = tpu.memref_slice %arg29[%mul3A_468] : memref<768xf32, #tpu.memory_space<vmem>> -> memref<16xf32, #tpu.memory_space<vmem>>
          %dma_wait3A_470 = arith.constant 0 : i32
          %dma_wait3A_471 = tpu.memref_slice %arg11[%dma_wait3A_470] : memref<65536xf32, #tpu.memory_space<hbm>> -> memref<65536xf32, #tpu.memory_space<hbm>>
          tpu.wait_indirect_dma semaphore(%arg33 : memref<!tpu.dma_semaphore, #tpu.memory_space<semaphore_mem>>) src(%dma_wait3A_471 : memref<65536xf32, #tpu.memory_space<hbm>>) dst(%dma_wait3A_469 : memref<16xf32, #tpu.memory_space<vmem>>)
          %mul3A_472 = arith.constant 16 : i32
          %mul3A_473 = arith.muli %while3A_425, %mul3A_472 : i32
          %dma_wait3A_474 = tpu.memref_slice %arg30[%mul3A_473] : memref<768xf32, #tpu.memory_space<vmem>> -> memref<16xf32, #tpu.memory_space<vmem>>
          %dma_wait3A_475 = arith.constant 0 : i32
          %dma_wait3A_476 = tpu.memref_slice %arg12[%dma_wait3A_475] : memref<65536xf32, #tpu.memory_space<hbm>> -> memref<65536xf32, #tpu.memory_space<hbm>>
          tpu.wait_indirect_dma semaphore(%arg33 : memref<!tpu.dma_semaphore, #tpu.memory_space<semaphore_mem>>) src(%dma_wait3A_476 : memref<65536xf32, #tpu.memory_space<hbm>>) dst(%dma_wait3A_474 : memref<16xf32, #tpu.memory_space<vmem>>)
        } else {
        }
        %while3A_433 = arith.constant 0 : i32
        scf.yield %while3A_433 : i32
      }
      %while3A_399 = arith.constant 1 : i32
      %while3A_400 = scf.for %while3A_425 = %while3A_396 to %while3A_392 step %while3A_399 iter_args(%while3A_426 = %while3A_398) -> (i32)  : i32 {
        %mul3A_427 = arith.constant 16 : i32
        %mul3A_428 = arith.muli %while3A_425, %mul3A_427 : i32
        %lt3A_429 = arith.cmpi slt, %mul3A_428, %add3A_346 : i32
        %convert_element_type3A_430 = arith.extui %lt3A_429 : i1 to i32
        %cond3A_431 = arith.constant 0 : i32
        %cond3A_432 = arith.cmpi ne, %convert_element_type3A_430, %cond3A_431 : i32
        scf.if %cond3A_432 {
          %mul3A_434 = arith.constant 16 : i32
          %mul3A_435 = arith.muli %while3A_425, %mul3A_434 : i32
          %get3A_436 = arith.index_cast %mul3A_435 : i32 to index
          %get3A_437 = tpu.vector_load %arg22[%get3A_436] {strides = array<i32>} : memref<784xi32, #tpu.memory_space<vmem>>, vector<16xi32>,
          %mul3A_438 = arith.constant 16 : i32
          %mul3A_439 = arith.muli %while3A_425, %mul3A_438 : i32
          %dma_wait3A = tpu.memref_slice %arg23[%mul3A_439] : memref<768xi32, #tpu.memory_space<vmem>> -> memref<16xi32, #tpu.memory_space<vmem>>
          %dma_wait3A_440 = arith.constant 0 : i32
          %dma_wait3A_441 = tpu.memref_slice %arg5[%dma_wait3A_440] : memref<65536xi32, #tpu.memory_space<hbm>> -> memref<65536xi32, #tpu.memory_space<hbm>>
          tpu.wait_indirect_dma semaphore(%arg33 : memref<!tpu.dma_semaphore, #tpu.memory_space<semaphore_mem>>) src(%dma_wait3A_441 : memref<65536xi32, #tpu.memory_space<hbm>>) dst(%dma_wait3A : memref<16xi32, #tpu.memory_space<vmem>>)
          %mul3A_442 = arith.constant 16 : i32
          %mul3A_443 = arith.muli %while3A_425, %mul3A_442 : i32
          %dma_wait3A_444 = tpu.memref_slice %arg24[%mul3A_443] : memref<768xf32, #tpu.memory_space<vmem>> -> memref<16xf32, #tpu.memory_space<vmem>>
          %dma_wait3A_445 = arith.constant 0 : i32
          %dma_wait3A_446 = tpu.memref_slice %arg6[%dma_wait3A_445] : memref<65536xf32, #tpu.memory_space<hbm>> -> memref<65536xf32, #tpu.memory_space<hbm>>
          tpu.wait_indirect_dma semaphore(%arg33 : memref<!tpu.dma_semaphore, #tpu.memory_space<semaphore_mem>>) src(%dma_wait3A_446 : memref<65536xf32, #tpu.memory_space<hbm>>) dst(%dma_wait3A_444 : memref<16xf32, #tpu.memory_space<vmem>>)
          %mul3A_447 = arith.constant 16 : i32
          %mul3A_448 = arith.muli %while3A_425, %mul3A_447 : i32
          %dma_wait3A_449 = tpu.memref_slice %arg25[%mul3A_448] : memref<768xf32, #tpu.memory_space<vmem>> -> memref<16xf32, #tpu.memory_space<vmem>>
          %dma_wait3A_450 = arith.constant 0 : i32
          %dma_wait3A_451 = tpu.memref_slice %arg7[%dma_wait3A_450] : memref<65536xf32, #tpu.memory_space<hbm>> -> memref<65536xf32, #tpu.memory_space<hbm>>
          tpu.wait_indirect_dma semaphore(%arg33 : memref<!tpu.dma_semaphore, #tpu.memory_space<semaphore_mem>>) src(%dma_wait3A_451 : memref<65536xf32, #tpu.memory_space<hbm>>) dst(%dma_wait3A_449 : memref<16xf32, #tpu.memory_space<vmem>>)
          %mul3A_452 = arith.constant 16 : i32
          %mul3A_453 = arith.muli %while3A_425, %mul3A_452 : i32
          %dma_wait3A_454 = tpu.memref_slice %arg26[%mul3A_453] : memref<768xf32, #tpu.memory_space<vmem>> -> memref<16xf32, #tpu.memory_space<vmem>>
          %dma_wait3A_455 = arith.constant 0 : i32
          %dma_wait3A_456 = tpu.memref_slice %arg8[%dma_wait3A_455] : memref<65536xf32, #tpu.memory_space<hbm>> -> memref<65536xf32, #tpu.memory_space<hbm>>
          tpu.wait_indirect_dma semaphore(%arg33 : memref<!tpu.dma_semaphore, #tpu.memory_space<semaphore_mem>>) src(%dma_wait3A_456 : memref<65536xf32, #tpu.memory_space<hbm>>) dst(%dma_wait3A_454 : memref<16xf32, #tpu.memory_space<vmem>>)
          %mul3A_457 = arith.constant 16 : i32
          %mul3A_458 = arith.muli %while3A_425, %mul3A_457 : i32
          %dma_wait3A_459 = tpu.memref_slice %arg27[%mul3A_458] : memref<768xf32, #tpu.memory_space<vmem>> -> memref<16xf32, #tpu.memory_space<vmem>>
          %dma_wait3A_460 = arith.constant 0 : i32
          %dma_wait3A_461 = tpu.memref_slice %arg9[%dma_wait3A_460] : memref<65536xf32, #tpu.memory_space<hbm>> -> memref<65536xf32, #tpu.memory_space<hbm>>
          tpu.wait_indirect_dma semaphore(%arg33 : memref<!tpu.dma_semaphore, #tpu.memory_space<semaphore_mem>>) src(%dma_wait3A_461 : memref<65536xf32, #tpu.memory_space<hbm>>) dst(%dma_wait3A_459 : memref<16xf32, #tpu.memory_space<vmem>>)
          %mul3A_462 = arith.constant 16 : i32
          %mul3A_463 = arith.muli %while3A_425, %mul3A_462 : i32
          %dma_wait3A_464 = tpu.memref_slice %arg28[%mul3A_463] : memref<768xf32, #tpu.memory_space<vmem>> -> memref<16xf32, #tpu.memory_space<vmem>>
          %dma_wait3A_465 = arith.constant 0 : i32
          %dma_wait3A_466 = tpu.memref_slice %arg10[%dma_wait3A_465] : memref<65536xf32, #tpu.memory_space<hbm>> -> memref<65536xf32, #tpu.memory_space<hbm>>
          tpu.wait_indirect_dma semaphore(%arg33 : memref<!tpu.dma_semaphore, #tpu.memory_space<semaphore_mem>>) src(%dma_wait3A_466 : memref<65536xf32, #tpu.memory_space<hbm>>) dst(%dma_wait3A_464 : memref<16xf32, #tpu.memory_space<vmem>>)
          %mul3A_467 = arith.constant 16 : i32
          %mul3A_468 = arith.muli %while3A_425, %mul3A_467 : i32
          %dma_wait3A_469 = tpu.memref_slice %arg29[%mul3A_468] : memref<768xf32, #tpu.memory_space<vmem>> -> memref<16xf32, #tpu.memory_space<vmem>>
          %dma_wait3A_470 = arith.constant 0 : i32
          %dma_wait3A_471 = tpu.memref_slice %arg11[%dma_wait3A_470] : memref<65536xf32, #tpu.memory_space<hbm>> -> memref<65536xf32, #tpu.memory_space<hbm>>
          tpu.wait_indirect_dma semaphore(%arg33 : memref<!tpu.dma_semaphore, #tpu.memory_space<semaphore_mem>>) src(%dma_wait3A_471 : memref<65536xf32, #tpu.memory_space<hbm>>) dst(%dma_wait3A_469 : memref<16xf32, #tpu.memory_space<vmem>>)
          %mul3A_472 = arith.constant 16 : i32
          %mul3A_473 = arith.muli %while3A_425, %mul3A_472 : i32
          %dma_wait3A_474 = tpu.memref_slice %arg30[%mul3A_473] : memref<768xf32, #tpu.memory_space<vmem>> -> memref<16xf32, #tpu.memory_space<vmem>>
          %dma_wait3A_475 = arith.constant 0 : i32
          %dma_wait3A_476 = tpu.memref_slice %arg12[%dma_wait3A_475] : memref<65536xf32, #tpu.memory_space<hbm>> -> memref<65536xf32, #tpu.memory_space<hbm>>
          tpu.wait_indirect_dma semaphore(%arg33 : memref<!tpu.dma_semaphore, #tpu.memory_space<semaphore_mem>>) src(%dma_wait3A_476 : memref<65536xf32, #tpu.memory_space<hbm>>) dst(%dma_wait3A_474 : memref<16xf32, #tpu.memory_space<vmem>>)
        } else {
        }
        %while3A_433 = arith.constant 0 : i32
        scf.yield %while3A_433 : i32
      }
      %while3A_401 = arith.constant 0 : i32
      %while3A_402 = arith.constant 0 : i32
      %while3A_403 = arith.subi %select_n3A_377, %while3A_401 : i32
      %while3A_404 = arith.addi %while3A_401, %while3A_403 : i32
      %while3A_405 = arith.constant 1 : i32
      %while3A_406 = arith.divsi %while3A_403, %while3A_405 : i32
      %while3A_407 = arith.muli %while3A_406, %while3A_405 : i32
      %while3A_408 = arith.addi %while3A_401, %while3A_407 : i32
      %while3A_409 = arith.constant 1 : i32
      %while3A_410 = scf.for %while3A_425 = %while3A_401 to %while3A_408 step %while3A_409 iter_args(%while3A_426 = %while3A_402) -> (i32)  : i32 {
        %mul3A_427 = arith.constant 16 : i32
        %mul3A_428 = arith.muli %while3A_425, %mul3A_427 : i32
        %lt3A_429 = arith.cmpi slt, %mul3A_428, %add3A_346 : i32
        %convert_element_type3A_430 = arith.extui %lt3A_429 : i1 to i32
        %cond3A_431 = arith.constant 0 : i32
        %cond3A_432 = arith.cmpi ne, %convert_element_type3A_430, %cond3A_431 : i32
        scf.if %cond3A_432 {
          %mul3A_434 = arith.constant 16 : i32
          %mul3A_435 = arith.muli %while3A_425, %mul3A_434 : i32
          %add3A_436 = vector.broadcast %mul3A_435 : i32 to vector<16xi32>
          %add3A_437 = arith.addi %add3A_436, %iota3A : vector<16xi32>
          %lt3A_438 = vector.broadcast %add3A_346 : i32 to vector<16xi32>
          %lt3A_439 = arith.cmpi slt, %add3A_437, %lt3A_438 : vector<16xi32>
          %add3A_440 = vector.broadcast %add3A_356 : i32 to vector<16xi32>
          %add3A_441 = arith.addi %add3A_440, %add3A_437 : vector<16xi32>
          %jit3A_442 = arith.constant 768 : i32
          %broadcast_in_dim3A_443 = vector.broadcast %jit3A_442 : i32 to vector<16xi32>
          %select_n3A_444 = arith.select %lt3A_439, %add3A_441, %broadcast_in_dim3A_443 : vector<16xi1>, vector<16xi32>
          %mul3A_445 = arith.constant 16 : i32
          %mul3A_446 = arith.muli %while3A_425, %mul3A_445 : i32
          %dma_start3A = tpu.memref_slice %arg23[%mul3A_446] : memref<768xi32, #tpu.memory_space<vmem>> -> memref<16xi32, #tpu.memory_space<vmem>>
          %dma_start3A_447 = arith.constant 0 : i32
          %dma_start3A_448 = tpu.memref_slice %arg13[%dma_start3A_447] : memref<769xi32, #tpu.memory_space<hbm>> -> memref<769xi32, #tpu.memory_space<hbm>>
          tpu.enqueue_indirect_dma source(%dma_start3A : memref<16xi32, #tpu.memory_space<vmem>>) target(%dma_start3A_448 : memref<769xi32, #tpu.memory_space<hbm>>) offsets(%select_n3A_444 : vector<16xi32>) semaphore(%arg33 : memref<!tpu.dma_semaphore, #tpu.memory_space<semaphore_mem>>)
          %mul3A_449 = arith.constant 16 : i32
          %mul3A_450 = arith.muli %while3A_425, %mul3A_449 : i32
          %dma_start3A_451 = tpu.memref_slice %arg24[%mul3A_450] : memref<768xf32, #tpu.memory_space<vmem>> -> memref<16xf32, #tpu.memory_space<vmem>>
          %dma_start3A_452 = arith.constant 0 : i32
          %dma_start3A_453 = tpu.memref_slice %arg14[%dma_start3A_452] : memref<769xf32, #tpu.memory_space<hbm>> -> memref<769xf32, #tpu.memory_space<hbm>>
          tpu.enqueue_indirect_dma source(%dma_start3A_451 : memref<16xf32, #tpu.memory_space<vmem>>) target(%dma_start3A_453 : memref<769xf32, #tpu.memory_space<hbm>>) offsets(%select_n3A_444 : vector<16xi32>) semaphore(%arg33 : memref<!tpu.dma_semaphore, #tpu.memory_space<semaphore_mem>>)
          %mul3A_454 = arith.constant 16 : i32
          %mul3A_455 = arith.muli %while3A_425, %mul3A_454 : i32
          %dma_start3A_456 = tpu.memref_slice %arg25[%mul3A_455] : memref<768xf32, #tpu.memory_space<vmem>> -> memref<16xf32, #tpu.memory_space<vmem>>
          %dma_start3A_457 = arith.constant 0 : i32
          %dma_start3A_458 = tpu.memref_slice %arg15[%dma_start3A_457] : memref<769xf32, #tpu.memory_space<hbm>> -> memref<769xf32, #tpu.memory_space<hbm>>
          tpu.enqueue_indirect_dma source(%dma_start3A_456 : memref<16xf32, #tpu.memory_space<vmem>>) target(%dma_start3A_458 : memref<769xf32, #tpu.memory_space<hbm>>) offsets(%select_n3A_444 : vector<16xi32>) semaphore(%arg33 : memref<!tpu.dma_semaphore, #tpu.memory_space<semaphore_mem>>)
          %mul3A_459 = arith.constant 16 : i32
          %mul3A_460 = arith.muli %while3A_425, %mul3A_459 : i32
          %dma_start3A_461 = tpu.memref_slice %arg26[%mul3A_460] : memref<768xf32, #tpu.memory_space<vmem>> -> memref<16xf32, #tpu.memory_space<vmem>>
          %dma_start3A_462 = arith.constant 0 : i32
          %dma_start3A_463 = tpu.memref_slice %arg16[%dma_start3A_462] : memref<769xf32, #tpu.memory_space<hbm>> -> memref<769xf32, #tpu.memory_space<hbm>>
          tpu.enqueue_indirect_dma source(%dma_start3A_461 : memref<16xf32, #tpu.memory_space<vmem>>) target(%dma_start3A_463 : memref<769xf32, #tpu.memory_space<hbm>>) offsets(%select_n3A_444 : vector<16xi32>) semaphore(%arg33 : memref<!tpu.dma_semaphore, #tpu.memory_space<semaphore_mem>>)
          %mul3A_464 = arith.constant 16 : i32
          %mul3A_465 = arith.muli %while3A_425, %mul3A_464 : i32
          %dma_start3A_466 = tpu.memref_slice %arg27[%mul3A_465] : memref<768xf32, #tpu.memory_space<vmem>> -> memref<16xf32, #tpu.memory_space<vmem>>
          %dma_start3A_467 = arith.constant 0 : i32
          %dma_start3A_468 = tpu.memref_slice %arg17[%dma_start3A_467] : memref<769xf32, #tpu.memory_space<hbm>> -> memref<769xf32, #tpu.memory_space<hbm>>
          tpu.enqueue_indirect_dma source(%dma_start3A_466 : memref<16xf32, #tpu.memory_space<vmem>>) target(%dma_start3A_468 : memref<769xf32, #tpu.memory_space<hbm>>) offsets(%select_n3A_444 : vector<16xi32>) semaphore(%arg33 : memref<!tpu.dma_semaphore, #tpu.memory_space<semaphore_mem>>)
          %mul3A_469 = arith.constant 16 : i32
          %mul3A_470 = arith.muli %while3A_425, %mul3A_469 : i32
          %dma_start3A_471 = tpu.memref_slice %arg28[%mul3A_470] : memref<768xf32, #tpu.memory_space<vmem>> -> memref<16xf32, #tpu.memory_space<vmem>>
          %dma_start3A_472 = arith.constant 0 : i32
          %dma_start3A_473 = tpu.memref_slice %arg18[%dma_start3A_472] : memref<769xf32, #tpu.memory_space<hbm>> -> memref<769xf32, #tpu.memory_space<hbm>>
          tpu.enqueue_indirect_dma source(%dma_start3A_471 : memref<16xf32, #tpu.memory_space<vmem>>) target(%dma_start3A_473 : memref<769xf32, #tpu.memory_space<hbm>>) offsets(%select_n3A_444 : vector<16xi32>) semaphore(%arg33 : memref<!tpu.dma_semaphore, #tpu.memory_space<semaphore_mem>>)
          %mul3A_474 = arith.constant 16 : i32
          %mul3A_475 = arith.muli %while3A_425, %mul3A_474 : i32
          %dma_start3A_476 = tpu.memref_slice %arg29[%mul3A_475] : memref<768xf32, #tpu.memory_space<vmem>> -> memref<16xf32, #tpu.memory_space<vmem>>
          %dma_start3A_477 = arith.constant 0 : i32
          %dma_start3A_478 = tpu.memref_slice %arg19[%dma_start3A_477] : memref<769xf32, #tpu.memory_space<hbm>> -> memref<769xf32, #tpu.memory_space<hbm>>
          tpu.enqueue_indirect_dma source(%dma_start3A_476 : memref<16xf32, #tpu.memory_space<vmem>>) target(%dma_start3A_478 : memref<769xf32, #tpu.memory_space<hbm>>) offsets(%select_n3A_444 : vector<16xi32>) semaphore(%arg33 : memref<!tpu.dma_semaphore, #tpu.memory_space<semaphore_mem>>)
          %mul3A_479 = arith.constant 16 : i32
          %mul3A_480 = arith.muli %while3A_425, %mul3A_479 : i32
          %dma_start3A_481 = tpu.memref_slice %arg30[%mul3A_480] : memref<768xf32, #tpu.memory_space<vmem>> -> memref<16xf32, #tpu.memory_space<vmem>>
          %dma_start3A_482 = arith.constant 0 : i32
          %dma_start3A_483 = tpu.memref_slice %arg20[%dma_start3A_482] : memref<769xf32, #tpu.memory_space<hbm>> -> memref<769xf32, #tpu.memory_space<hbm>>
          tpu.enqueue_indirect_dma source(%dma_start3A_481 : memref<16xf32, #tpu.memory_space<vmem>>) target(%dma_start3A_483 : memref<769xf32, #tpu.memory_space<hbm>>) offsets(%select_n3A_444 : vector<16xi32>) semaphore(%arg33 : memref<!tpu.dma_semaphore, #tpu.memory_space<semaphore_mem>>)
        } else {
        }
        %while3A_433 = arith.constant 0 : i32
        scf.yield %while3A_433 : i32
      }
      %while3A_411 = arith.constant 1 : i32
      %while3A_412 = scf.for %while3A_425 = %while3A_408 to %while3A_404 step %while3A_411 iter_args(%while3A_426 = %while3A_410) -> (i32)  : i32 {
        %mul3A_427 = arith.constant 16 : i32
        %mul3A_428 = arith.muli %while3A_425, %mul3A_427 : i32
        %lt3A_429 = arith.cmpi slt, %mul3A_428, %add3A_346 : i32
        %convert_element_type3A_430 = arith.extui %lt3A_429 : i1 to i32
        %cond3A_431 = arith.constant 0 : i32
        %cond3A_432 = arith.cmpi ne, %convert_element_type3A_430, %cond3A_431 : i32
        scf.if %cond3A_432 {
          %mul3A_434 = arith.constant 16 : i32
          %mul3A_435 = arith.muli %while3A_425, %mul3A_434 : i32
          %add3A_436 = vector.broadcast %mul3A_435 : i32 to vector<16xi32>
          %add3A_437 = arith.addi %add3A_436, %iota3A : vector<16xi32>
          %lt3A_438 = vector.broadcast %add3A_346 : i32 to vector<16xi32>
          %lt3A_439 = arith.cmpi slt, %add3A_437, %lt3A_438 : vector<16xi32>
          %add3A_440 = vector.broadcast %add3A_356 : i32 to vector<16xi32>
          %add3A_441 = arith.addi %add3A_440, %add3A_437 : vector<16xi32>
          %jit3A_442 = arith.constant 768 : i32
          %broadcast_in_dim3A_443 = vector.broadcast %jit3A_442 : i32 to vector<16xi32>
          %select_n3A_444 = arith.select %lt3A_439, %add3A_441, %broadcast_in_dim3A_443 : vector<16xi1>, vector<16xi32>
          %mul3A_445 = arith.constant 16 : i32
          %mul3A_446 = arith.muli %while3A_425, %mul3A_445 : i32
          %dma_start3A = tpu.memref_slice %arg23[%mul3A_446] : memref<768xi32, #tpu.memory_space<vmem>> -> memref<16xi32, #tpu.memory_space<vmem>>
          %dma_start3A_447 = arith.constant 0 : i32
          %dma_start3A_448 = tpu.memref_slice %arg13[%dma_start3A_447] : memref<769xi32, #tpu.memory_space<hbm>> -> memref<769xi32, #tpu.memory_space<hbm>>
          tpu.enqueue_indirect_dma source(%dma_start3A : memref<16xi32, #tpu.memory_space<vmem>>) target(%dma_start3A_448 : memref<769xi32, #tpu.memory_space<hbm>>) offsets(%select_n3A_444 : vector<16xi32>) semaphore(%arg33 : memref<!tpu.dma_semaphore, #tpu.memory_space<semaphore_mem>>)
          %mul3A_449 = arith.constant 16 : i32
          %mul3A_450 = arith.muli %while3A_425, %mul3A_449 : i32
          %dma_start3A_451 = tpu.memref_slice %arg24[%mul3A_450] : memref<768xf32, #tpu.memory_space<vmem>> -> memref<16xf32, #tpu.memory_space<vmem>>
          %dma_start3A_452 = arith.constant 0 : i32
          %dma_start3A_453 = tpu.memref_slice %arg14[%dma_start3A_452] : memref<769xf32, #tpu.memory_space<hbm>> -> memref<769xf32, #tpu.memory_space<hbm>>
          tpu.enqueue_indirect_dma source(%dma_start3A_451 : memref<16xf32, #tpu.memory_space<vmem>>) target(%dma_start3A_453 : memref<769xf32, #tpu.memory_space<hbm>>) offsets(%select_n3A_444 : vector<16xi32>) semaphore(%arg33 : memref<!tpu.dma_semaphore, #tpu.memory_space<semaphore_mem>>)
          %mul3A_454 = arith.constant 16 : i32
          %mul3A_455 = arith.muli %while3A_425, %mul3A_454 : i32
          %dma_start3A_456 = tpu.memref_slice %arg25[%mul3A_455] : memref<768xf32, #tpu.memory_space<vmem>> -> memref<16xf32, #tpu.memory_space<vmem>>
          %dma_start3A_457 = arith.constant 0 : i32
          %dma_start3A_458 = tpu.memref_slice %arg15[%dma_start3A_457] : memref<769xf32, #tpu.memory_space<hbm>> -> memref<769xf32, #tpu.memory_space<hbm>>
          tpu.enqueue_indirect_dma source(%dma_start3A_456 : memref<16xf32, #tpu.memory_space<vmem>>) target(%dma_start3A_458 : memref<769xf32, #tpu.memory_space<hbm>>) offsets(%select_n3A_444 : vector<16xi32>) semaphore(%arg33 : memref<!tpu.dma_semaphore, #tpu.memory_space<semaphore_mem>>)
          %mul3A_459 = arith.constant 16 : i32
          %mul3A_460 = arith.muli %while3A_425, %mul3A_459 : i32
          %dma_start3A_461 = tpu.memref_slice %arg26[%mul3A_460] : memref<768xf32, #tpu.memory_space<vmem>> -> memref<16xf32, #tpu.memory_space<vmem>>
          %dma_start3A_462 = arith.constant 0 : i32
          %dma_start3A_463 = tpu.memref_slice %arg16[%dma_start3A_462] : memref<769xf32, #tpu.memory_space<hbm>> -> memref<769xf32, #tpu.memory_space<hbm>>
          tpu.enqueue_indirect_dma source(%dma_start3A_461 : memref<16xf32, #tpu.memory_space<vmem>>) target(%dma_start3A_463 : memref<769xf32, #tpu.memory_space<hbm>>) offsets(%select_n3A_444 : vector<16xi32>) semaphore(%arg33 : memref<!tpu.dma_semaphore, #tpu.memory_space<semaphore_mem>>)
          %mul3A_464 = arith.constant 16 : i32
          %mul3A_465 = arith.muli %while3A_425, %mul3A_464 : i32
          %dma_start3A_466 = tpu.memref_slice %arg27[%mul3A_465] : memref<768xf32, #tpu.memory_space<vmem>> -> memref<16xf32, #tpu.memory_space<vmem>>
          %dma_start3A_467 = arith.constant 0 : i32
          %dma_start3A_468 = tpu.memref_slice %arg17[%dma_start3A_467] : memref<769xf32, #tpu.memory_space<hbm>> -> memref<769xf32, #tpu.memory_space<hbm>>
          tpu.enqueue_indirect_dma source(%dma_start3A_466 : memref<16xf32, #tpu.memory_space<vmem>>) target(%dma_start3A_468 : memref<769xf32, #tpu.memory_space<hbm>>) offsets(%select_n3A_444 : vector<16xi32>) semaphore(%arg33 : memref<!tpu.dma_semaphore, #tpu.memory_space<semaphore_mem>>)
          %mul3A_469 = arith.constant 16 : i32
          %mul3A_470 = arith.muli %while3A_425, %mul3A_469 : i32
          %dma_start3A_471 = tpu.memref_slice %arg28[%mul3A_470] : memref<768xf32, #tpu.memory_space<vmem>> -> memref<16xf32, #tpu.memory_space<vmem>>
          %dma_start3A_472 = arith.constant 0 : i32
          %dma_start3A_473 = tpu.memref_slice %arg18[%dma_start3A_472] : memref<769xf32, #tpu.memory_space<hbm>> -> memref<769xf32, #tpu.memory_space<hbm>>
          tpu.enqueue_indirect_dma source(%dma_start3A_471 : memref<16xf32, #tpu.memory_space<vmem>>) target(%dma_start3A_473 : memref<769xf32, #tpu.memory_space<hbm>>) offsets(%select_n3A_444 : vector<16xi32>) semaphore(%arg33 : memref<!tpu.dma_semaphore, #tpu.memory_space<semaphore_mem>>)
          %mul3A_474 = arith.constant 16 : i32
          %mul3A_475 = arith.muli %while3A_425, %mul3A_474 : i32
          %dma_start3A_476 = tpu.memref_slice %arg29[%mul3A_475] : memref<768xf32, #tpu.memory_space<vmem>> -> memref<16xf32, #tpu.memory_space<vmem>>
          %dma_start3A_477 = arith.constant 0 : i32
          %dma_start3A_478 = tpu.memref_slice %arg19[%dma_start3A_477] : memref<769xf32, #tpu.memory_space<hbm>> -> memref<769xf32, #tpu.memory_space<hbm>>
          tpu.enqueue_indirect_dma source(%dma_start3A_476 : memref<16xf32, #tpu.memory_space<vmem>>) target(%dma_start3A_478 : memref<769xf32, #tpu.memory_space<hbm>>) offsets(%select_n3A_444 : vector<16xi32>) semaphore(%arg33 : memref<!tpu.dma_semaphore, #tpu.memory_space<semaphore_mem>>)
          %mul3A_479 = arith.constant 16 : i32
          %mul3A_480 = arith.muli %while3A_425, %mul3A_479 : i32
          %dma_start3A_481 = tpu.memref_slice %arg30[%mul3A_480] : memref<768xf32, #tpu.memory_space<vmem>> -> memref<16xf32, #tpu.memory_space<vmem>>
          %dma_start3A_482 = arith.constant 0 : i32
          %dma_start3A_483 = tpu.memref_slice %arg20[%dma_start3A_482] : memref<769xf32, #tpu.memory_space<hbm>> -> memref<769xf32, #tpu.memory_space<hbm>>
          tpu.enqueue_indirect_dma source(%dma_start3A_481 : memref<16xf32, #tpu.memory_space<vmem>>) target(%dma_start3A_483 : memref<769xf32, #tpu.memory_space<hbm>>) offsets(%select_n3A_444 : vector<16xi32>) semaphore(%arg33 : memref<!tpu.dma_semaphore, #tpu.memory_space<semaphore_mem>>)
        } else {
        }
        %while3A_433 = arith.constant 0 : i32
        scf.yield %while3A_433 : i32
      }
      %while3A_413 = arith.constant 0 : i32
      %while3A_414 = arith.constant 0 : i32
      %while3A_415 = arith.subi %select_n3A_377, %while3A_413 : i32
      %while3A_416 = arith.addi %while3A_413, %while3A_415 : i32
      %while3A_417 = arith.constant 1 : i32
      %while3A_418 = arith.divsi %while3A_415, %while3A_417 : i32
      %while3A_419 = arith.muli %while3A_418, %while3A_417 : i32
      %while3A_420 = arith.addi %while3A_413, %while3A_419 : i32
      %while3A_421 = arith.constant 1 : i32
      %while3A_422 = scf.for %while3A_425 = %while3A_413 to %while3A_420 step %while3A_421 iter_args(%while3A_426 = %while3A_414) -> (i32)  : i32 {
        %mul3A_427 = arith.constant 16 : i32
        %mul3A_428 = arith.muli %while3A_425, %mul3A_427 : i32
        %lt3A_429 = arith.cmpi slt, %mul3A_428, %add3A_346 : i32
        %convert_element_type3A_430 = arith.extui %lt3A_429 : i1 to i32
        %cond3A_431 = arith.constant 0 : i32
        %cond3A_432 = arith.cmpi ne, %convert_element_type3A_430, %cond3A_431 : i32
        scf.if %cond3A_432 {
          %mul3A_434 = arith.constant 16 : i32
          %mul3A_435 = arith.muli %while3A_425, %mul3A_434 : i32
          %add3A_436 = vector.broadcast %mul3A_435 : i32 to vector<16xi32>
          %add3A_437 = arith.addi %add3A_436, %iota3A : vector<16xi32>
          %lt3A_438 = vector.broadcast %add3A_346 : i32 to vector<16xi32>
          %lt3A_439 = arith.cmpi slt, %add3A_437, %lt3A_438 : vector<16xi32>
          %add3A_440 = vector.broadcast %add3A_356 : i32 to vector<16xi32>
          %add3A_441 = arith.addi %add3A_440, %add3A_437 : vector<16xi32>
          %jit3A_442 = arith.constant 768 : i32
          %broadcast_in_dim3A_443 = vector.broadcast %jit3A_442 : i32 to vector<16xi32>
          %select_n3A_444 = arith.select %lt3A_439, %add3A_441, %broadcast_in_dim3A_443 : vector<16xi1>, vector<16xi32>
          %mul3A_445 = arith.constant 16 : i32
          %mul3A_446 = arith.muli %while3A_425, %mul3A_445 : i32
          %dma_wait3A = tpu.memref_slice %arg23[%mul3A_446] : memref<768xi32, #tpu.memory_space<vmem>> -> memref<16xi32, #tpu.memory_space<vmem>>
          %dma_wait3A_447 = arith.constant 0 : i32
          %dma_wait3A_448 = tpu.memref_slice %arg13[%dma_wait3A_447] : memref<769xi32, #tpu.memory_space<hbm>> -> memref<769xi32, #tpu.memory_space<hbm>>
          tpu.wait_indirect_dma semaphore(%arg33 : memref<!tpu.dma_semaphore, #tpu.memory_space<semaphore_mem>>) src(%dma_wait3A : memref<16xi32, #tpu.memory_space<vmem>>) dst(%dma_wait3A_448 : memref<769xi32, #tpu.memory_space<hbm>>)
          %mul3A_449 = arith.constant 16 : i32
          %mul3A_450 = arith.muli %while3A_425, %mul3A_449 : i32
          %dma_wait3A_451 = tpu.memref_slice %arg24[%mul3A_450] : memref<768xf32, #tpu.memory_space<vmem>> -> memref<16xf32, #tpu.memory_space<vmem>>
          %dma_wait3A_452 = arith.constant 0 : i32
          %dma_wait3A_453 = tpu.memref_slice %arg14[%dma_wait3A_452] : memref<769xf32, #tpu.memory_space<hbm>> -> memref<769xf32, #tpu.memory_space<hbm>>
          tpu.wait_indirect_dma semaphore(%arg33 : memref<!tpu.dma_semaphore, #tpu.memory_space<semaphore_mem>>) src(%dma_wait3A_451 : memref<16xf32, #tpu.memory_space<vmem>>) dst(%dma_wait3A_453 : memref<769xf32, #tpu.memory_space<hbm>>)
          %mul3A_454 = arith.constant 16 : i32
          %mul3A_455 = arith.muli %while3A_425, %mul3A_454 : i32
          %dma_wait3A_456 = tpu.memref_slice %arg25[%mul3A_455] : memref<768xf32, #tpu.memory_space<vmem>> -> memref<16xf32, #tpu.memory_space<vmem>>
          %dma_wait3A_457 = arith.constant 0 : i32
          %dma_wait3A_458 = tpu.memref_slice %arg15[%dma_wait3A_457] : memref<769xf32, #tpu.memory_space<hbm>> -> memref<769xf32, #tpu.memory_space<hbm>>
          tpu.wait_indirect_dma semaphore(%arg33 : memref<!tpu.dma_semaphore, #tpu.memory_space<semaphore_mem>>) src(%dma_wait3A_456 : memref<16xf32, #tpu.memory_space<vmem>>) dst(%dma_wait3A_458 : memref<769xf32, #tpu.memory_space<hbm>>)
          %mul3A_459 = arith.constant 16 : i32
          %mul3A_460 = arith.muli %while3A_425, %mul3A_459 : i32
          %dma_wait3A_461 = tpu.memref_slice %arg26[%mul3A_460] : memref<768xf32, #tpu.memory_space<vmem>> -> memref<16xf32, #tpu.memory_space<vmem>>
          %dma_wait3A_462 = arith.constant 0 : i32
          %dma_wait3A_463 = tpu.memref_slice %arg16[%dma_wait3A_462] : memref<769xf32, #tpu.memory_space<hbm>> -> memref<769xf32, #tpu.memory_space<hbm>>
          tpu.wait_indirect_dma semaphore(%arg33 : memref<!tpu.dma_semaphore, #tpu.memory_space<semaphore_mem>>) src(%dma_wait3A_461 : memref<16xf32, #tpu.memory_space<vmem>>) dst(%dma_wait3A_463 : memref<769xf32, #tpu.memory_space<hbm>>)
          %mul3A_464 = arith.constant 16 : i32
          %mul3A_465 = arith.muli %while3A_425, %mul3A_464 : i32
          %dma_wait3A_466 = tpu.memref_slice %arg27[%mul3A_465] : memref<768xf32, #tpu.memory_space<vmem>> -> memref<16xf32, #tpu.memory_space<vmem>>
          %dma_wait3A_467 = arith.constant 0 : i32
          %dma_wait3A_468 = tpu.memref_slice %arg17[%dma_wait3A_467] : memref<769xf32, #tpu.memory_space<hbm>> -> memref<769xf32, #tpu.memory_space<hbm>>
          tpu.wait_indirect_dma semaphore(%arg33 : memref<!tpu.dma_semaphore, #tpu.memory_space<semaphore_mem>>) src(%dma_wait3A_466 : memref<16xf32, #tpu.memory_space<vmem>>) dst(%dma_wait3A_468 : memref<769xf32, #tpu.memory_space<hbm>>)
          %mul3A_469 = arith.constant 16 : i32
          %mul3A_470 = arith.muli %while3A_425, %mul3A_469 : i32
          %dma_wait3A_471 = tpu.memref_slice %arg28[%mul3A_470] : memref<768xf32, #tpu.memory_space<vmem>> -> memref<16xf32, #tpu.memory_space<vmem>>
          %dma_wait3A_472 = arith.constant 0 : i32
          %dma_wait3A_473 = tpu.memref_slice %arg18[%dma_wait3A_472] : memref<769xf32, #tpu.memory_space<hbm>> -> memref<769xf32, #tpu.memory_space<hbm>>
          tpu.wait_indirect_dma semaphore(%arg33 : memref<!tpu.dma_semaphore, #tpu.memory_space<semaphore_mem>>) src(%dma_wait3A_471 : memref<16xf32, #tpu.memory_space<vmem>>) dst(%dma_wait3A_473 : memref<769xf32, #tpu.memory_space<hbm>>)
          %mul3A_474 = arith.constant 16 : i32
          %mul3A_475 = arith.muli %while3A_425, %mul3A_474 : i32
          %dma_wait3A_476 = tpu.memref_slice %arg29[%mul3A_475] : memref<768xf32, #tpu.memory_space<vmem>> -> memref<16xf32, #tpu.memory_space<vmem>>
          %dma_wait3A_477 = arith.constant 0 : i32
          %dma_wait3A_478 = tpu.memref_slice %arg19[%dma_wait3A_477] : memref<769xf32, #tpu.memory_space<hbm>> -> memref<769xf32, #tpu.memory_space<hbm>>
          tpu.wait_indirect_dma semaphore(%arg33 : memref<!tpu.dma_semaphore, #tpu.memory_space<semaphore_mem>>) src(%dma_wait3A_476 : memref<16xf32, #tpu.memory_space<vmem>>) dst(%dma_wait3A_478 : memref<769xf32, #tpu.memory_space<hbm>>)
          %mul3A_479 = arith.constant 16 : i32
          %mul3A_480 = arith.muli %while3A_425, %mul3A_479 : i32
          %dma_wait3A_481 = tpu.memref_slice %arg30[%mul3A_480] : memref<768xf32, #tpu.memory_space<vmem>> -> memref<16xf32, #tpu.memory_space<vmem>>
          %dma_wait3A_482 = arith.constant 0 : i32
          %dma_wait3A_483 = tpu.memref_slice %arg20[%dma_wait3A_482] : memref<769xf32, #tpu.memory_space<hbm>> -> memref<769xf32, #tpu.memory_space<hbm>>
          tpu.wait_indirect_dma semaphore(%arg33 : memref<!tpu.dma_semaphore, #tpu.memory_space<semaphore_mem>>) src(%dma_wait3A_481 : memref<16xf32, #tpu.memory_space<vmem>>) dst(%dma_wait3A_483 : memref<769xf32, #tpu.memory_space<hbm>>)
        } else {
        }
        %while3A_433 = arith.constant 0 : i32
        scf.yield %while3A_433 : i32
      }
      %while3A_423 = arith.constant 1 : i32
      %while3A_424 = scf.for %while3A_425 = %while3A_420 to %while3A_416 step %while3A_423 iter_args(%while3A_426 = %while3A_422) -> (i32)  : i32 {
        %mul3A_427 = arith.constant 16 : i32
        %mul3A_428 = arith.muli %while3A_425, %mul3A_427 : i32
        %lt3A_429 = arith.cmpi slt, %mul3A_428, %add3A_346 : i32
        %convert_element_type3A_430 = arith.extui %lt3A_429 : i1 to i32
        %cond3A_431 = arith.constant 0 : i32
        %cond3A_432 = arith.cmpi ne, %convert_element_type3A_430, %cond3A_431 : i32
        scf.if %cond3A_432 {
          %mul3A_434 = arith.constant 16 : i32
          %mul3A_435 = arith.muli %while3A_425, %mul3A_434 : i32
          %add3A_436 = vector.broadcast %mul3A_435 : i32 to vector<16xi32>
          %add3A_437 = arith.addi %add3A_436, %iota3A : vector<16xi32>
          %lt3A_438 = vector.broadcast %add3A_346 : i32 to vector<16xi32>
          %lt3A_439 = arith.cmpi slt, %add3A_437, %lt3A_438 : vector<16xi32>
          %add3A_440 = vector.broadcast %add3A_356 : i32 to vector<16xi32>
          %add3A_441 = arith.addi %add3A_440, %add3A_437 : vector<16xi32>
          %jit3A_442 = arith.constant 768 : i32
          %broadcast_in_dim3A_443 = vector.broadcast %jit3A_442 : i32 to vector<16xi32>
          %select_n3A_444 = arith.select %lt3A_439, %add3A_441, %broadcast_in_dim3A_443 : vector<16xi1>, vector<16xi32>
          %mul3A_445 = arith.constant 16 : i32
          %mul3A_446 = arith.muli %while3A_425, %mul3A_445 : i32
          %dma_wait3A = tpu.memref_slice %arg23[%mul3A_446] : memref<768xi32, #tpu.memory_space<vmem>> -> memref<16xi32, #tpu.memory_space<vmem>>
          %dma_wait3A_447 = arith.constant 0 : i32
          %dma_wait3A_448 = tpu.memref_slice %arg13[%dma_wait3A_447] : memref<769xi32, #tpu.memory_space<hbm>> -> memref<769xi32, #tpu.memory_space<hbm>>
          tpu.wait_indirect_dma semaphore(%arg33 : memref<!tpu.dma_semaphore, #tpu.memory_space<semaphore_mem>>) src(%dma_wait3A : memref<16xi32, #tpu.memory_space<vmem>>) dst(%dma_wait3A_448 : memref<769xi32, #tpu.memory_space<hbm>>)
          %mul3A_449 = arith.constant 16 : i32
          %mul3A_450 = arith.muli %while3A_425, %mul3A_449 : i32
          %dma_wait3A_451 = tpu.memref_slice %arg24[%mul3A_450] : memref<768xf32, #tpu.memory_space<vmem>> -> memref<16xf32, #tpu.memory_space<vmem>>
          %dma_wait3A_452 = arith.constant 0 : i32
          %dma_wait3A_453 = tpu.memref_slice %arg14[%dma_wait3A_452] : memref<769xf32, #tpu.memory_space<hbm>> -> memref<769xf32, #tpu.memory_space<hbm>>
          tpu.wait_indirect_dma semaphore(%arg33 : memref<!tpu.dma_semaphore, #tpu.memory_space<semaphore_mem>>) src(%dma_wait3A_451 : memref<16xf32, #tpu.memory_space<vmem>>) dst(%dma_wait3A_453 : memref<769xf32, #tpu.memory_space<hbm>>)
          %mul3A_454 = arith.constant 16 : i32
          %mul3A_455 = arith.muli %while3A_425, %mul3A_454 : i32
          %dma_wait3A_456 = tpu.memref_slice %arg25[%mul3A_455] : memref<768xf32, #tpu.memory_space<vmem>> -> memref<16xf32, #tpu.memory_space<vmem>>
          %dma_wait3A_457 = arith.constant 0 : i32
          %dma_wait3A_458 = tpu.memref_slice %arg15[%dma_wait3A_457] : memref<769xf32, #tpu.memory_space<hbm>> -> memref<769xf32, #tpu.memory_space<hbm>>
          tpu.wait_indirect_dma semaphore(%arg33 : memref<!tpu.dma_semaphore, #tpu.memory_space<semaphore_mem>>) src(%dma_wait3A_456 : memref<16xf32, #tpu.memory_space<vmem>>) dst(%dma_wait3A_458 : memref<769xf32, #tpu.memory_space<hbm>>)
          %mul3A_459 = arith.constant 16 : i32
          %mul3A_460 = arith.muli %while3A_425, %mul3A_459 : i32
          %dma_wait3A_461 = tpu.memref_slice %arg26[%mul3A_460] : memref<768xf32, #tpu.memory_space<vmem>> -> memref<16xf32, #tpu.memory_space<vmem>>
          %dma_wait3A_462 = arith.constant 0 : i32
          %dma_wait3A_463 = tpu.memref_slice %arg16[%dma_wait3A_462] : memref<769xf32, #tpu.memory_space<hbm>> -> memref<769xf32, #tpu.memory_space<hbm>>
          tpu.wait_indirect_dma semaphore(%arg33 : memref<!tpu.dma_semaphore, #tpu.memory_space<semaphore_mem>>) src(%dma_wait3A_461 : memref<16xf32, #tpu.memory_space<vmem>>) dst(%dma_wait3A_463 : memref<769xf32, #tpu.memory_space<hbm>>)
          %mul3A_464 = arith.constant 16 : i32
          %mul3A_465 = arith.muli %while3A_425, %mul3A_464 : i32
          %dma_wait3A_466 = tpu.memref_slice %arg27[%mul3A_465] : memref<768xf32, #tpu.memory_space<vmem>> -> memref<16xf32, #tpu.memory_space<vmem>>
          %dma_wait3A_467 = arith.constant 0 : i32
          %dma_wait3A_468 = tpu.memref_slice %arg17[%dma_wait3A_467] : memref<769xf32, #tpu.memory_space<hbm>> -> memref<769xf32, #tpu.memory_space<hbm>>
          tpu.wait_indirect_dma semaphore(%arg33 : memref<!tpu.dma_semaphore, #tpu.memory_space<semaphore_mem>>) src(%dma_wait3A_466 : memref<16xf32, #tpu.memory_space<vmem>>) dst(%dma_wait3A_468 : memref<769xf32, #tpu.memory_space<hbm>>)
          %mul3A_469 = arith.constant 16 : i32
          %mul3A_470 = arith.muli %while3A_425, %mul3A_469 : i32
          %dma_wait3A_471 = tpu.memref_slice %arg28[%mul3A_470] : memref<768xf32, #tpu.memory_space<vmem>> -> memref<16xf32, #tpu.memory_space<vmem>>
          %dma_wait3A_472 = arith.constant 0 : i32
          %dma_wait3A_473 = tpu.memref_slice %arg18[%dma_wait3A_472] : memref<769xf32, #tpu.memory_space<hbm>> -> memref<769xf32, #tpu.memory_space<hbm>>
          tpu.wait_indirect_dma semaphore(%arg33 : memref<!tpu.dma_semaphore, #tpu.memory_space<semaphore_mem>>) src(%dma_wait3A_471 : memref<16xf32, #tpu.memory_space<vmem>>) dst(%dma_wait3A_473 : memref<769xf32, #tpu.memory_space<hbm>>)
          %mul3A_474 = arith.constant 16 : i32
          %mul3A_475 = arith.muli %while3A_425, %mul3A_474 : i32
          %dma_wait3A_476 = tpu.memref_slice %arg29[%mul3A_475] : memref<768xf32, #tpu.memory_space<vmem>> -> memref<16xf32, #tpu.memory_space<vmem>>
          %dma_wait3A_477 = arith.constant 0 : i32
          %dma_wait3A_478 = tpu.memref_slice %arg19[%dma_wait3A_477] : memref<769xf32, #tpu.memory_space<hbm>> -> memref<769xf32, #tpu.memory_space<hbm>>
          tpu.wait_indirect_dma semaphore(%arg33 : memref<!tpu.dma_semaphore, #tpu.memory_space<semaphore_mem>>) src(%dma_wait3A_476 : memref<16xf32, #tpu.memory_space<vmem>>) dst(%dma_wait3A_478 : memref<769xf32, #tpu.memory_space<hbm>>)
          %mul3A_479 = arith.constant 16 : i32
          %mul3A_480 = arith.muli %while3A_425, %mul3A_479 : i32
          %dma_wait3A_481 = tpu.memref_slice %arg30[%mul3A_480] : memref<768xf32, #tpu.memory_space<vmem>> -> memref<16xf32, #tpu.memory_space<vmem>>
          %dma_wait3A_482 = arith.constant 0 : i32
          %dma_wait3A_483 = tpu.memref_slice %arg20[%dma_wait3A_482] : memref<769xf32, #tpu.memory_space<hbm>> -> memref<769xf32, #tpu.memory_space<hbm>>
          tpu.wait_indirect_dma semaphore(%arg33 : memref<!tpu.dma_semaphore, #tpu.memory_space<semaphore_mem>>) src(%dma_wait3A_481 : memref<16xf32, #tpu.memory_space<vmem>>) dst(%dma_wait3A_483 : memref<769xf32, #tpu.memory_space<hbm>>)
        } else {
        }
        %while3A_433 = arith.constant 0 : i32
        scf.yield %while3A_433 : i32
      }
    } else {
    }
    return
  }
}

module attributes {stable_mosaic.version = 14 : i64} {
  func.func @_k1_body(%arg0: i32, %arg1: memref<4096x82xf32, #tpu.memory_space<vmem>>, %arg2: memref<4096x1xi8, #tpu.memory_space<vmem>>, %arg3: memref<32x128xf32, #tpu.memory_space<vmem>>, %arg4: memref<32x128xf32, #tpu.memory_space<vmem>>, %arg5: memref<32x128xf32, #tpu.memory_space<vmem>>, %arg6: memref<32x128xf32, #tpu.memory_space<vmem>>, %arg7: memref<32x128xf32, #tpu.memory_space<vmem>>, %arg8: memref<32x128xf32, #tpu.memory_space<vmem>>, %arg9: memref<32x128xf32, #tpu.memory_space<vmem>>) attributes {dimension_semantics = [#tpu.dimension_semantics<arbitrary>], iteration_bounds = array<i64: 16>, scalar_prefetch = 0 : i64, scratch_operands = 0 : i64, tpu.core_type = #tpu.core_type<tc>, window_params = [{transform_indices = @transform_0, window_bounds = array<i64: 4096, 82>}, {transform_indices = @transform_1, window_bounds = array<i64: 4096, 1>}, {transform_indices = @transform_2, window_bounds = array<i64: 32, 128>}, {transform_indices = @transform_3, window_bounds = array<i64: 32, 128>}, {transform_indices = @transform_4, window_bounds = array<i64: 32, 128>}, {transform_indices = @transform_5, window_bounds = array<i64: 32, 128>}, {transform_indices = @transform_6, window_bounds = array<i64: 32, 128>}, {transform_indices = @transform_7, window_bounds = array<i64: 32, 128>}, {transform_indices = @transform_8, window_bounds = array<i64: 32, 128>}]} {
    %get3A = arith.constant 0 : index
    %get3A_0 = arith.constant 0 : index
    %get3A_1 = vector.load %arg1[%get3A, %get3A_0] : memref<4096x82xf32, #tpu.memory_space<vmem>>, vector<4096x82xf32>
    %get3A_2 = arith.constant 0 : index
    %get3A_3 = arith.constant 0 : index
    %get3A_4 = vector.load %arg2[%get3A_2, %get3A_3] : memref<4096x1xi8, #tpu.memory_space<vmem>>, vector<4096x1xi8>
    %convert_element_type3A = arith.extsi %get3A_4 : vector<4096x1xi8> to vector<4096x1xi32>
    %iota3A = tpu.iota {dimensions = array<i32: 1>} : vector<4096x82xi32>
    %lt3A = arith.constant 80 : i32
    %lt3A_5 = vector.broadcast %lt3A : i32 to vector<4096x82xi32>
    %lt3A_6 = arith.cmpi slt, %iota3A, %lt3A_5 : vector<4096x82xi32>
    %jit3A = arith.constant 0xFF800000 : f32
    %broadcast_in_dim3A = vector.broadcast %jit3A : f32 to vector<4096x82xf32>
    %select_n3A = arith.select %lt3A_6, %get3A_1, %broadcast_in_dim3A : vector<4096x82xi1>, vector<4096x82xf32>
    %reduce_max3A = arith.constant dense<0xFF800000> : vector<4096xf32>
    %reduce_max3A_7 = vector.multi_reduction <maximumf>, %select_n3A, %reduce_max3A [1] : vector<4096x82xf32> to vector<4096xf32>
    %broadcast_in_dim3A_8 = vector.shape_cast %reduce_max3A_7 : vector<4096xf32> to vector<4096x1xf32>
    %reshape3A = vector.shape_cast %broadcast_in_dim3A_8 : vector<4096x1xf32> to vector<32x128xf32>
    %swap3A = arith.constant 0 : index
    %swap3A_9 = arith.constant 0 : index
    %swap3A_10 = vector.load %arg3[%swap3A, %swap3A_9] : memref<32x128xf32, #tpu.memory_space<vmem>>, vector<32x128xf32>
    tpu.vector_store %arg3[%swap3A, %swap3A_9], %reshape3A {strides = array<i32>} : memref<32x128xf32, #tpu.memory_space<vmem>>, vector<32x128xf32>,
    %exp3A = math.exp %get3A_1 : vector<4096x82xf32>
    %broadcast_in_dim3A_11 = arith.constant 1.000000e+00 : f32
    %broadcast_in_dim3A_12 = vector.broadcast %broadcast_in_dim3A_11 : f32 to vector<82x1xf32>
    %dot_general3A = arith.constant dense<0.000000e+00> : vector<4096x1xf32>
    %dot_general3A_13 = tpu.matmul %exp3A, %broadcast_in_dim3A_12, %dot_general3A {dimension_numbers = #tpu.dot_dimension_numbers<[1], [0], [0], [1], [0, 0, 1, 1], [], []>, transpose_lhs_hint = false} : vector<4096x82xf32>, vector<82x1xf32>, vector<4096x1xf32> -> vector<4096x1xf32>
    %reshape3A_14 = vector.shape_cast %dot_general3A_13 : vector<4096x1xf32> to vector<32x128xf32>
    %swap3A_15 = arith.constant 0 : index
    %swap3A_16 = arith.constant 0 : index
    %swap3A_17 = vector.load %arg4[%swap3A_15, %swap3A_16] : memref<32x128xf32, #tpu.memory_space<vmem>>, vector<32x128xf32>
    tpu.vector_store %arg4[%swap3A_15, %swap3A_16], %reshape3A_14 {strides = array<i32>} : memref<32x128xf32, #tpu.memory_space<vmem>>, vector<32x128xf32>,
    %eq3A = vector.broadcast %convert_element_type3A : vector<4096x1xi32> to vector<4096x82xi32>
    %eq3A_18 = arith.cmpi eq, %iota3A, %eq3A : vector<4096x82xi32>
    %jit3A_19 = arith.constant 0.000000e+00 : f32
    %broadcast_in_dim3A_20 = vector.broadcast %jit3A_19 : f32 to vector<4096x82xf32>
    %select_n3A_21 = arith.select %eq3A_18, %get3A_1, %broadcast_in_dim3A_20 : vector<4096x82xi1>, vector<4096x82xf32>
    %dot_general3A_22 = arith.constant dense<0.000000e+00> : vector<4096x1xf32>
    %dot_general3A_23 = tpu.matmul %select_n3A_21, %broadcast_in_dim3A_12, %dot_general3A_22 {dimension_numbers = #tpu.dot_dimension_numbers<[1], [0], [0], [1], [0, 0, 1, 1], [], []>, transpose_lhs_hint = false} : vector<4096x82xf32>, vector<82x1xf32>, vector<4096x1xf32> -> vector<4096x1xf32>
    %reshape3A_24 = vector.shape_cast %dot_general3A_23 : vector<4096x1xf32> to vector<32x128xf32>
    %swap3A_25 = arith.constant 0 : index
    %swap3A_26 = arith.constant 0 : index
    %swap3A_27 = vector.load %arg5[%swap3A_25, %swap3A_26] : memref<32x128xf32, #tpu.memory_space<vmem>>, vector<32x128xf32>
    tpu.vector_store %arg5[%swap3A_25, %swap3A_26], %reshape3A_24 {strides = array<i32>} : memref<32x128xf32, #tpu.memory_space<vmem>>, vector<32x128xf32>,
    %sub3A = arith.constant 1 : i32
    %sub3A_28 = vector.broadcast %sub3A : i32 to vector<4096x1xi32>
    %sub3A_29 = arith.subi %convert_element_type3A, %sub3A_28 : vector<4096x1xi32>
    %eq3A_30 = vector.broadcast %sub3A_29 : vector<4096x1xi32> to vector<4096x82xi32>
    %eq3A_31 = arith.cmpi eq, %iota3A, %eq3A_30 : vector<4096x82xi32>
    %jit3A_32 = arith.constant 0.000000e+00 : f32
    %broadcast_in_dim3A_33 = vector.broadcast %jit3A_32 : f32 to vector<4096x82xf32>
    %select_n3A_34 = arith.select %eq3A_31, %get3A_1, %broadcast_in_dim3A_33 : vector<4096x82xi1>, vector<4096x82xf32>
    %dot_general3A_35 = arith.constant dense<0.000000e+00> : vector<4096x1xf32>
    %dot_general3A_36 = tpu.matmul %select_n3A_34, %broadcast_in_dim3A_12, %dot_general3A_35 {dimension_numbers = #tpu.dot_dimension_numbers<[1], [0], [0], [1], [0, 0, 1, 1], [], []>, transpose_lhs_hint = false} : vector<4096x82xf32>, vector<82x1xf32>, vector<4096x1xf32> -> vector<4096x1xf32>
    %reshape3A_37 = vector.shape_cast %dot_general3A_36 : vector<4096x1xf32> to vector<32x128xf32>
    %swap3A_38 = arith.constant 0 : index
    %swap3A_39 = arith.constant 0 : index
    %swap3A_40 = vector.load %arg6[%swap3A_38, %swap3A_39] : memref<32x128xf32, #tpu.memory_space<vmem>>, vector<32x128xf32>
    tpu.vector_store %arg6[%swap3A_38, %swap3A_39], %reshape3A_37 {strides = array<i32>} : memref<32x128xf32, #tpu.memory_space<vmem>>, vector<32x128xf32>,
    %slice3A = vector.extract_strided_slice %get3A_1 {offsets = [0, 79], sizes = [4096, 1], strides = [1, 1]} : vector<4096x82xf32> to vector<4096x1xf32>
    %reshape3A_41 = vector.shape_cast %slice3A : vector<4096x1xf32> to vector<32x128xf32>
    %swap3A_42 = arith.constant 0 : index
    %swap3A_43 = arith.constant 0 : index
    %swap3A_44 = vector.load %arg7[%swap3A_42, %swap3A_43] : memref<32x128xf32, #tpu.memory_space<vmem>>, vector<32x128xf32>
    tpu.vector_store %arg7[%swap3A_42, %swap3A_43], %reshape3A_41 {strides = array<i32>} : memref<32x128xf32, #tpu.memory_space<vmem>>, vector<32x128xf32>,
    %slice3A_45 = vector.extract_strided_slice %get3A_1 {offsets = [0, 80], sizes = [4096, 1], strides = [1, 1]} : vector<4096x82xf32> to vector<4096x1xf32>
    %reshape3A_46 = vector.shape_cast %slice3A_45 : vector<4096x1xf32> to vector<32x128xf32>
    %swap3A_47 = arith.constant 0 : index
    %swap3A_48 = arith.constant 0 : index
    %swap3A_49 = vector.load %arg8[%swap3A_47, %swap3A_48] : memref<32x128xf32, #tpu.memory_space<vmem>>, vector<32x128xf32>
    tpu.vector_store %arg8[%swap3A_47, %swap3A_48], %reshape3A_46 {strides = array<i32>} : memref<32x128xf32, #tpu.memory_space<vmem>>, vector<32x128xf32>,
    %slice3A_50 = vector.extract_strided_slice %get3A_1 {offsets = [0, 81], sizes = [4096, 1], strides = [1, 1]} : vector<4096x82xf32> to vector<4096x1xf32>
    %reshape3A_51 = vector.shape_cast %slice3A_50 : vector<4096x1xf32> to vector<32x128xf32>
    %swap3A_52 = arith.constant 0 : index
    %swap3A_53 = arith.constant 0 : index
    %swap3A_54 = vector.load %arg9[%swap3A_52, %swap3A_53] : memref<32x128xf32, #tpu.memory_space<vmem>>, vector<32x128xf32>
    tpu.vector_store %arg9[%swap3A_52, %swap3A_53], %reshape3A_51 {strides = array<i32>} : memref<32x128xf32, #tpu.memory_space<vmem>>, vector<32x128xf32>,
    return
  }
  func.func @transform_0(%arg0: i32) -> (i32, i32) {
    %c0_i32 = arith.constant 0 : i32
    %c0_i32_0 = arith.constant 0 : i32
    return %arg0, %c0_i32 : i32, i32
  }
  func.func @transform_1(%arg0: i32) -> (i32, i32) {
    %c0_i32 = arith.constant 0 : i32
    %c0_i32_0 = arith.constant 0 : i32
    return %arg0, %c0_i32 : i32, i32
  }
  func.func @transform_2(%arg0: i32) -> (i32, i32) {
    %c0_i32 = arith.constant 0 : i32
    %c0_i32_0 = arith.constant 0 : i32
    return %arg0, %c0_i32 : i32, i32
  }
  func.func @transform_3(%arg0: i32) -> (i32, i32) {
    %c0_i32 = arith.constant 0 : i32
    %c0_i32_0 = arith.constant 0 : i32
    return %arg0, %c0_i32 : i32, i32
  }
  func.func @transform_4(%arg0: i32) -> (i32, i32) {
    %c0_i32 = arith.constant 0 : i32
    %c0_i32_0 = arith.constant 0 : i32
    return %arg0, %c0_i32 : i32, i32
  }
  func.func @transform_5(%arg0: i32) -> (i32, i32) {
    %c0_i32 = arith.constant 0 : i32
    %c0_i32_0 = arith.constant 0 : i32
    return %arg0, %c0_i32 : i32, i32
  }
  func.func @transform_6(%arg0: i32) -> (i32, i32) {
    %c0_i32 = arith.constant 0 : i32
    %c0_i32_0 = arith.constant 0 : i32
    return %arg0, %c0_i32 : i32, i32
  }
  func.func @transform_7(%arg0: i32) -> (i32, i32) {
    %c0_i32 = arith.constant 0 : i32
    %c0_i32_0 = arith.constant 0 : i32
    return %arg0, %c0_i32 : i32, i32
  }
  func.func @transform_8(%arg0: i32) -> (i32, i32) {
    %c0_i32 = arith.constant 0 : i32
    %c0_i32_0 = arith.constant 0 : i32
    return %arg0, %c0_i32 : i32, i32
  }
}

module attributes {stable_mosaic.version = 14 : i64} {
  func.func @_k2_body(%arg0: memref<512x128xf32, #tpu.memory_space<vmem>>, %arg1: memref<512x128xf32, #tpu.memory_space<vmem>>, %arg2: memref<512x128xi32, #tpu.memory_space<vmem>>, %arg3: memref<512x128xi32, #tpu.memory_space<vmem>>, %arg4: memref<512x128xi32, #tpu.memory_space<vmem>>, %arg5: memref<1x128xi32, #tpu.memory_space<vmem>>) attributes {dimension_semantics = [], scalar_prefetch = 0 : i64, scratch_operands = 0 : i64, tpu.core_type = #tpu.core_type<tc>} {
    %get3A = arith.constant 0 : index
    %get3A_0 = arith.constant 0 : index
    %get3A_1 = vector.load %arg2[%get3A, %get3A_0] : memref<512x128xi32, #tpu.memory_space<vmem>>, vector<512x128xi32>
    %ne3A = arith.constant 81 : i32
    %ne3A_2 = vector.broadcast %ne3A : i32 to vector<512x128xi32>
    %ne3A_3 = arith.cmpi ne, %get3A_1, %ne3A_2 : vector<512x128xi32>
    %get3A_4 = arith.constant 0 : index
    %get3A_5 = arith.constant 0 : index
    %get3A_6 = vector.load %arg0[%get3A_4, %get3A_5] : memref<512x128xf32, #tpu.memory_space<vmem>>, vector<512x128xf32>
    %neg3A = arith.constant 0.000000e+00 : f32
    %neg3A_7 = vector.broadcast %neg3A : f32 to vector<512x128xf32>
    %neg3A_8 = arith.subf %neg3A_7, %get3A_6 : vector<512x128xf32>
    %jit3A = arith.constant 0xFF800000 : f32
    %broadcast_in_dim3A = vector.broadcast %jit3A : f32 to vector<512x128xf32>
    %select_n3A = arith.select %ne3A_3, %neg3A_8, %broadcast_in_dim3A : vector<512x128xi1>, vector<512x128xf32>
    %bitcast_convert_type3A = tpu.bitcast %select_n3A : vector<512x128xf32> -> vector<512x128xi32>
    %shift_right_logical3A = arith.constant 31 : i32
    %shift_right_logical3A_9 = vector.broadcast %shift_right_logical3A : i32 to vector<512x128xi32>
    %shift_right_logical3A_10 = arith.shrui %bitcast_convert_type3A, %shift_right_logical3A_9 : vector<512x128xi32>
    %mul3A = arith.constant 2147483647 : i32
    %mul3A_11 = vector.broadcast %mul3A : i32 to vector<512x128xi32>
    %mul3A_12 = arith.muli %shift_right_logical3A_10, %mul3A_11 : vector<512x128xi32>
    %add3A = arith.constant -2147483648 : i32
    %add3A_13 = vector.broadcast %add3A : i32 to vector<512x128xi32>
    %add3A_14 = arith.addi %mul3A_12, %add3A_13 : vector<512x128xi32>
    %xor3A = arith.xori %bitcast_convert_type3A, %add3A_14 : vector<512x128xi32>
    %get3A_15 = arith.constant 0 : index
    %get3A_16 = arith.constant 0 : index
    %get3A_17 = vector.load %arg1[%get3A_15, %get3A_16] : memref<512x128xf32, #tpu.memory_space<vmem>>, vector<512x128xf32>
    %neg3A_18 = arith.constant 0.000000e+00 : f32
    %neg3A_19 = vector.broadcast %neg3A_18 : f32 to vector<512x128xf32>
    %neg3A_20 = arith.subf %neg3A_19, %get3A_17 : vector<512x128xf32>
    %jit3A_21 = arith.constant 0xFF800000 : f32
    %broadcast_in_dim3A_22 = vector.broadcast %jit3A_21 : f32 to vector<512x128xf32>
    %select_n3A_23 = arith.select %ne3A_3, %broadcast_in_dim3A_22, %neg3A_20 : vector<512x128xi1>, vector<512x128xf32>
    %bitcast_convert_type3A_24 = tpu.bitcast %select_n3A_23 : vector<512x128xf32> -> vector<512x128xi32>
    %shift_right_logical3A_25 = arith.constant 31 : i32
    %shift_right_logical3A_26 = vector.broadcast %shift_right_logical3A_25 : i32 to vector<512x128xi32>
    %shift_right_logical3A_27 = arith.shrui %bitcast_convert_type3A_24, %shift_right_logical3A_26 : vector<512x128xi32>
    %mul3A_28 = arith.constant 2147483647 : i32
    %mul3A_29 = vector.broadcast %mul3A_28 : i32 to vector<512x128xi32>
    %mul3A_30 = arith.muli %shift_right_logical3A_27, %mul3A_29 : vector<512x128xi32>
    %add3A_31 = arith.constant -2147483648 : i32
    %add3A_32 = vector.broadcast %add3A_31 : i32 to vector<512x128xi32>
    %add3A_33 = arith.addi %mul3A_30, %add3A_32 : vector<512x128xi32>
    %xor3A_34 = arith.xori %bitcast_convert_type3A_24, %add3A_33 : vector<512x128xi32>
    %iota3A = tpu.iota {dimensions = array<i32: 0>} : vector<512x128xi32>
    %iota3A_35 = tpu.iota {dimensions = array<i32: 1>} : vector<512x128xi32>
    %mul3A_36 = arith.constant 128 : i32
    %mul3A_37 = vector.broadcast %mul3A_36 : i32 to vector<512x128xi32>
    %mul3A_38 = arith.muli %iota3A, %mul3A_37 : vector<512x128xi32>
    %add3A_39 = arith.addi %mul3A_38, %iota3A_35 : vector<512x128xi32>
    %sub3A = arith.constant 65535 : i32
    %sub3A_40 = vector.broadcast %sub3A : i32 to vector<512x128xi32>
    %sub3A_41 = arith.subi %sub3A_40, %add3A_39 : vector<512x128xi32>
    %scan3A = arith.constant 0 : i32
    %scan3A_42 = arith.constant 0 : i32
    %scan3A_43 = arith.constant 32 : i32
    %scan3A_44 = arith.addi %scan3A_42, %scan3A_43 : i32
    %scan3A_45 = arith.constant 1 : i32
    %scan3A_46 = scf.for %scan3A_126 = %scan3A_42 to %scan3A_44 step %scan3A_45 iter_args(%scan3A_127 = %scan3A) -> (i32)  : i32 {
      %sub3A_128 = arith.constant 31 : i32
      %sub3A_129 = arith.subi %sub3A_128, %scan3A_126 : i32
      %shift_left3A = arith.constant 1 : i32
      %shift_left3A_130 = arith.shli %shift_left3A, %sub3A_129 : i32
      %or3A = arith.ori %scan3A_127, %shift_left3A_130 : i32
      %ge3A = vector.broadcast %or3A : i32 to vector<512x128xi32>
      %ge3A_131 = arith.cmpi uge, %xor3A, %ge3A : vector<512x128xi32>
      %convert_element_type3A_132 = arith.extui %ge3A_131 : vector<512x128xi1> to vector<512x128xi32>
      %reduce_sum3A_133 = vector.shape_cast %convert_element_type3A_132 : vector<512x128xi32> to vector<1x512x128xi32>
      %reduce_sum3A_134 = arith.constant dense<0> : vector<1xi32>
      %reduce_sum3A_135 = vector.multi_reduction <add>, %reduce_sum3A_133, %reduce_sum3A_134 [1, 2] : vector<1x512x128xi32> to vector<1xi32>
      %reduce_sum3A_136 = vector.shape_cast %reduce_sum3A_135 : vector<1xi32> to vector<1x1x1xi32>
      %reduce_sum3A_137 = vector.extract %reduce_sum3A_136[0, 0, 0] : i32 from vector<1x1x1xi32>
      %ge3A_138 = arith.constant 256 : i32
      %ge3A_139 = arith.cmpi sge, %reduce_sum3A_137, %ge3A_138 : i32
      %select_n3A_140 = arith.select %ge3A_139, %or3A, %scan3A_127 : i32
      scf.yield %select_n3A_140 : i32
    }
    %scan3A_47 = arith.constant 32 : i32
    %eq3A = vector.broadcast %scan3A_46 : i32 to vector<512x128xi32>
    %eq3A_48 = arith.cmpi eq, %xor3A, %eq3A : vector<512x128xi32>
    %gt3A = vector.broadcast %scan3A_46 : i32 to vector<512x128xi32>
    %gt3A_49 = arith.cmpi ugt, %xor3A, %gt3A : vector<512x128xi32>
    %convert_element_type3A = arith.extui %gt3A_49 : vector<512x128xi1> to vector<512x128xi32>
    %reduce_sum3A = vector.shape_cast %convert_element_type3A : vector<512x128xi32> to vector<1x512x128xi32>
    %reduce_sum3A_50 = arith.constant dense<0> : vector<1xi32>
    %reduce_sum3A_51 = vector.multi_reduction <add>, %reduce_sum3A, %reduce_sum3A_50 [1, 2] : vector<1x512x128xi32> to vector<1xi32>
    %reduce_sum3A_52 = vector.shape_cast %reduce_sum3A_51 : vector<1xi32> to vector<1x1x1xi32>
    %reduce_sum3A_53 = vector.extract %reduce_sum3A_52[0, 0, 0] : i32 from vector<1x1x1xi32>
    %scan3A_54 = arith.constant 0 : i32
    %scan3A_55 = arith.constant 0 : i32
    %scan3A_56 = arith.constant 16 : i32
    %scan3A_57 = arith.addi %scan3A_55, %scan3A_56 : i32
    %scan3A_58 = arith.constant 1 : i32
    %scan3A_59 = scf.for %scan3A_126 = %scan3A_55 to %scan3A_57 step %scan3A_58 iter_args(%scan3A_127 = %scan3A_54) -> (i32)  : i32 {
      %sub3A_128 = arith.constant 15 : i32
      %sub3A_129 = arith.subi %sub3A_128, %scan3A_126 : i32
      %shift_left3A = arith.constant 1 : i32
      %shift_left3A_130 = arith.shli %shift_left3A, %sub3A_129 : i32
      %or3A = arith.ori %scan3A_127, %shift_left3A_130 : i32
      %ge3A = vector.broadcast %or3A : i32 to vector<512x128xi32>
      %ge3A_131 = arith.cmpi uge, %sub3A_41, %ge3A : vector<512x128xi32>
      %and3A = arith.andi %eq3A_48, %ge3A_131 : vector<512x128xi1>
      %convert_element_type3A_132 = arith.extui %and3A : vector<512x128xi1> to vector<512x128xi32>
      %reduce_sum3A_133 = vector.shape_cast %convert_element_type3A_132 : vector<512x128xi32> to vector<1x512x128xi32>
      %reduce_sum3A_134 = arith.constant dense<0> : vector<1xi32>
      %reduce_sum3A_135 = vector.multi_reduction <add>, %reduce_sum3A_133, %reduce_sum3A_134 [1, 2] : vector<1x512x128xi32> to vector<1xi32>
      %reduce_sum3A_136 = vector.shape_cast %reduce_sum3A_135 : vector<1xi32> to vector<1x1x1xi32>
      %reduce_sum3A_137 = vector.extract %reduce_sum3A_136[0, 0, 0] : i32 from vector<1x1x1xi32>
      %add3A_138 = arith.addi %reduce_sum3A_53, %reduce_sum3A_137 : i32
      %ge3A_139 = arith.constant 256 : i32
      %ge3A_140 = arith.cmpi sge, %add3A_138, %ge3A_139 : i32
      %select_n3A_141 = arith.select %ge3A_140, %or3A, %scan3A_127 : i32
      scf.yield %select_n3A_141 : i32
    }
    %scan3A_60 = arith.constant 16 : i32
    %scan3A_61 = arith.constant 0 : i32
    %scan3A_62 = arith.constant 0 : i32
    %scan3A_63 = arith.constant 32 : i32
    %scan3A_64 = arith.addi %scan3A_62, %scan3A_63 : i32
    %scan3A_65 = arith.constant 1 : i32
    %scan3A_66 = scf.for %scan3A_126 = %scan3A_62 to %scan3A_64 step %scan3A_65 iter_args(%scan3A_127 = %scan3A_61) -> (i32)  : i32 {
      %sub3A_128 = arith.constant 31 : i32
      %sub3A_129 = arith.subi %sub3A_128, %scan3A_126 : i32
      %shift_left3A = arith.constant 1 : i32
      %shift_left3A_130 = arith.shli %shift_left3A, %sub3A_129 : i32
      %or3A = arith.ori %scan3A_127, %shift_left3A_130 : i32
      %ge3A = vector.broadcast %or3A : i32 to vector<512x128xi32>
      %ge3A_131 = arith.cmpi uge, %xor3A_34, %ge3A : vector<512x128xi32>
      %convert_element_type3A_132 = arith.extui %ge3A_131 : vector<512x128xi1> to vector<512x128xi32>
      %reduce_sum3A_133 = vector.shape_cast %convert_element_type3A_132 : vector<512x128xi32> to vector<1x512x128xi32>
      %reduce_sum3A_134 = arith.constant dense<0> : vector<1xi32>
      %reduce_sum3A_135 = vector.multi_reduction <add>, %reduce_sum3A_133, %reduce_sum3A_134 [1, 2] : vector<1x512x128xi32> to vector<1xi32>
      %reduce_sum3A_136 = vector.shape_cast %reduce_sum3A_135 : vector<1xi32> to vector<1x1x1xi32>
      %reduce_sum3A_137 = vector.extract %reduce_sum3A_136[0, 0, 0] : i32 from vector<1x1x1xi32>
      %ge3A_138 = arith.constant 512 : i32
      %ge3A_139 = arith.cmpi sge, %reduce_sum3A_137, %ge3A_138 : i32
      %select_n3A_140 = arith.select %ge3A_139, %or3A, %scan3A_127 : i32
      scf.yield %select_n3A_140 : i32
    }
    %scan3A_67 = arith.constant 32 : i32
    %eq3A_68 = vector.broadcast %scan3A_66 : i32 to vector<512x128xi32>
    %eq3A_69 = arith.cmpi eq, %xor3A_34, %eq3A_68 : vector<512x128xi32>
    %gt3A_70 = vector.broadcast %scan3A_66 : i32 to vector<512x128xi32>
    %gt3A_71 = arith.cmpi ugt, %xor3A_34, %gt3A_70 : vector<512x128xi32>
    %convert_element_type3A_72 = arith.extui %gt3A_71 : vector<512x128xi1> to vector<512x128xi32>
    %reduce_sum3A_73 = vector.shape_cast %convert_element_type3A_72 : vector<512x128xi32> to vector<1x512x128xi32>
    %reduce_sum3A_74 = arith.constant dense<0> : vector<1xi32>
    %reduce_sum3A_75 = vector.multi_reduction <add>, %reduce_sum3A_73, %reduce_sum3A_74 [1, 2] : vector<1x512x128xi32> to vector<1xi32>
    %reduce_sum3A_76 = vector.shape_cast %reduce_sum3A_75 : vector<1xi32> to vector<1x1x1xi32>
    %reduce_sum3A_77 = vector.extract %reduce_sum3A_76[0, 0, 0] : i32 from vector<1x1x1xi32>
    %scan3A_78 = arith.constant 0 : i32
    %scan3A_79 = arith.constant 0 : i32
    %scan3A_80 = arith.constant 16 : i32
    %scan3A_81 = arith.addi %scan3A_79, %scan3A_80 : i32
    %scan3A_82 = arith.constant 1 : i32
    %scan3A_83 = scf.for %scan3A_126 = %scan3A_79 to %scan3A_81 step %scan3A_82 iter_args(%scan3A_127 = %scan3A_78) -> (i32)  : i32 {
      %sub3A_128 = arith.constant 15 : i32
      %sub3A_129 = arith.subi %sub3A_128, %scan3A_126 : i32
      %shift_left3A = arith.constant 1 : i32
      %shift_left3A_130 = arith.shli %shift_left3A, %sub3A_129 : i32
      %or3A = arith.ori %scan3A_127, %shift_left3A_130 : i32
      %ge3A = vector.broadcast %or3A : i32 to vector<512x128xi32>
      %ge3A_131 = arith.cmpi uge, %sub3A_41, %ge3A : vector<512x128xi32>
      %and3A = arith.andi %eq3A_69, %ge3A_131 : vector<512x128xi1>
      %convert_element_type3A_132 = arith.extui %and3A : vector<512x128xi1> to vector<512x128xi32>
      %reduce_sum3A_133 = vector.shape_cast %convert_element_type3A_132 : vector<512x128xi32> to vector<1x512x128xi32>
      %reduce_sum3A_134 = arith.constant dense<0> : vector<1xi32>
      %reduce_sum3A_135 = vector.multi_reduction <add>, %reduce_sum3A_133, %reduce_sum3A_134 [1, 2] : vector<1x512x128xi32> to vector<1xi32>
      %reduce_sum3A_136 = vector.shape_cast %reduce_sum3A_135 : vector<1xi32> to vector<1x1x1xi32>
      %reduce_sum3A_137 = vector.extract %reduce_sum3A_136[0, 0, 0] : i32 from vector<1x1x1xi32>
      %add3A_138 = arith.addi %reduce_sum3A_77, %reduce_sum3A_137 : i32
      %ge3A_139 = arith.constant 512 : i32
      %ge3A_140 = arith.cmpi sge, %add3A_138, %ge3A_139 : i32
      %select_n3A_141 = arith.select %ge3A_140, %or3A, %scan3A_127 : i32
      scf.yield %select_n3A_141 : i32
    }
    %scan3A_84 = arith.constant 16 : i32
    %xor3A_85 = arith.constant -2147483648 : i32
    %xor3A_86 = vector.broadcast %xor3A_85 : i32 to vector<512x128xi32>
    %xor3A_87 = arith.xori %xor3A, %xor3A_86 : vector<512x128xi32>
    %swap3A = arith.constant 0 : index
    %swap3A_88 = arith.constant 0 : index
    %swap3A_89 = vector.load %arg3[%swap3A, %swap3A_88] : memref<512x128xi32, #tpu.memory_space<vmem>>, vector<512x128xi32>
    tpu.vector_store %arg3[%swap3A, %swap3A_88], %xor3A_87 {strides = array<i32>} : memref<512x128xi32, #tpu.memory_space<vmem>>, vector<512x128xi32>,
    %xor3A_90 = arith.constant -2147483648 : i32
    %xor3A_91 = vector.broadcast %xor3A_90 : i32 to vector<512x128xi32>
    %xor3A_92 = arith.xori %xor3A_34, %xor3A_91 : vector<512x128xi32>
    %swap3A_93 = arith.constant 0 : index
    %swap3A_94 = arith.constant 0 : index
    %swap3A_95 = vector.load %arg4[%swap3A_93, %swap3A_94] : memref<512x128xi32, #tpu.memory_space<vmem>>, vector<512x128xi32>
    tpu.vector_store %arg4[%swap3A_93, %swap3A_94], %xor3A_92 {strides = array<i32>} : memref<512x128xi32, #tpu.memory_space<vmem>>, vector<512x128xi32>,
    %iota3A_96 = tpu.iota {dimensions = array<i32: 1>} : vector<1x128xi32>
    %xor3A_97 = arith.constant -2147483648 : i32
    %xor3A_98 = arith.xori %scan3A_46, %xor3A_97 : i32
    %xor3A_99 = arith.constant -2147483648 : i32
    %xor3A_100 = arith.xori %scan3A_66, %xor3A_99 : i32
    %broadcast_in_dim3A_101 = arith.constant 0 : i32
    %broadcast_in_dim3A_102 = vector.broadcast %broadcast_in_dim3A_101 : i32 to vector<1x128xi32>
    %eq3A_103 = arith.constant 0 : i32
    %eq3A_104 = vector.broadcast %eq3A_103 : i32 to vector<1x128xi32>
    %eq3A_105 = arith.cmpi eq, %iota3A_96, %eq3A_104 : vector<1x128xi32>
    %broadcast_in_dim3A_106 = vector.broadcast %xor3A_98 : i32 to vector<1x128xi32>
    %select_n3A_107 = arith.select %eq3A_105, %broadcast_in_dim3A_106, %broadcast_in_dim3A_102 : vector<1x128xi1>, vector<1x128xi32>
    %eq3A_108 = arith.constant 1 : i32
    %eq3A_109 = vector.broadcast %eq3A_108 : i32 to vector<1x128xi32>
    %eq3A_110 = arith.cmpi eq, %iota3A_96, %eq3A_109 : vector<1x128xi32>
    %broadcast_in_dim3A_111 = vector.broadcast %scan3A_59 : i32 to vector<1x128xi32>
    %select_n3A_112 = arith.select %eq3A_110, %broadcast_in_dim3A_111, %select_n3A_107 : vector<1x128xi1>, vector<1x128xi32>
    %eq3A_113 = arith.constant 2 : i32
    %eq3A_114 = vector.broadcast %eq3A_113 : i32 to vector<1x128xi32>
    %eq3A_115 = arith.cmpi eq, %iota3A_96, %eq3A_114 : vector<1x128xi32>
    %broadcast_in_dim3A_116 = vector.broadcast %xor3A_100 : i32 to vector<1x128xi32>
    %select_n3A_117 = arith.select %eq3A_115, %broadcast_in_dim3A_116, %select_n3A_112 : vector<1x128xi1>, vector<1x128xi32>
    %eq3A_118 = arith.constant 3 : i32
    %eq3A_119 = vector.broadcast %eq3A_118 : i32 to vector<1x128xi32>
    %eq3A_120 = arith.cmpi eq, %iota3A_96, %eq3A_119 : vector<1x128xi32>
    %broadcast_in_dim3A_121 = vector.broadcast %scan3A_83 : i32 to vector<1x128xi32>
    %select_n3A_122 = arith.select %eq3A_120, %broadcast_in_dim3A_121, %select_n3A_117 : vector<1x128xi1>, vector<1x128xi32>
    %swap3A_123 = arith.constant 0 : index
    %swap3A_124 = arith.constant 0 : index
    %swap3A_125 = vector.load %arg5[%swap3A_123, %swap3A_124] : memref<1x128xi32, #tpu.memory_space<vmem>>, vector<1x128xi32>
    tpu.vector_store %arg5[%swap3A_123, %swap3A_124], %select_n3A_122 {strides = array<i32>} : memref<1x128xi32, #tpu.memory_space<vmem>>, vector<1x128xi32>,
    return
  }
}

module attributes {stable_mosaic.version = 14 : i64} {
  func.func @_k4_body(%arg0: memref<768x1xi32, #tpu.memory_space<vmem>>, %arg1: memref<768x1xf32, #tpu.memory_space<vmem>>, %arg2: memref<768x1xf32, #tpu.memory_space<vmem>>, %arg3: memref<768x1xf32, #tpu.memory_space<vmem>>, %arg4: memref<768x1xf32, #tpu.memory_space<vmem>>, %arg5: memref<768x1xf32, #tpu.memory_space<vmem>>, %arg6: memref<768x1xf32, #tpu.memory_space<vmem>>, %arg7: memref<768x1xf32, #tpu.memory_space<vmem>>, %arg8: memref<1x1xf32, #tpu.memory_space<vmem>>) attributes {dimension_semantics = [], scalar_prefetch = 0 : i64, scratch_operands = 0 : i64, tpu.core_type = #tpu.core_type<tc>} {
    %get3A = arith.constant 0 : index
    %get3A_0 = arith.constant 0 : index
    %get3A_1 = vector.load %arg0[%get3A, %get3A_0] : memref<768x1xi32, #tpu.memory_space<vmem>>, vector<768x1xi32>
    %get3A_2 = arith.constant 0 : index
    %get3A_3 = arith.constant 0 : index
    %get3A_4 = vector.load %arg1[%get3A_2, %get3A_3] : memref<768x1xf32, #tpu.memory_space<vmem>>, vector<768x1xf32>
    %get3A_5 = arith.constant 0 : index
    %get3A_6 = arith.constant 0 : index
    %get3A_7 = vector.load %arg2[%get3A_5, %get3A_6] : memref<768x1xf32, #tpu.memory_space<vmem>>, vector<768x1xf32>
    %add3A = arith.constant 8.200000e+01 : f32
    %add3A_8 = vector.broadcast %add3A : f32 to vector<768x1xf32>
    %add3A_9 = arith.addf %get3A_7, %add3A_8 : vector<768x1xf32>
    %get3A_10 = arith.constant 0 : index
    %get3A_11 = arith.constant 0 : index
    %get3A_12 = vector.load %arg3[%get3A_10, %get3A_11] : memref<768x1xf32, #tpu.memory_space<vmem>>, vector<768x1xf32>
    %exp3A = math.exp %get3A_12 : vector<768x1xf32>
    %get3A_13 = arith.constant 0 : index
    %get3A_14 = arith.constant 0 : index
    %get3A_15 = vector.load %arg4[%get3A_13, %get3A_14] : memref<768x1xf32, #tpu.memory_space<vmem>>, vector<768x1xf32>
    %exp3A_16 = math.exp %get3A_15 : vector<768x1xf32>
    %get3A_17 = arith.constant 0 : index
    %get3A_18 = arith.constant 0 : index
    %get3A_19 = vector.load %arg5[%get3A_17, %get3A_18] : memref<768x1xf32, #tpu.memory_space<vmem>>, vector<768x1xf32>
    %exp3A_20 = math.exp %get3A_19 : vector<768x1xf32>
    %get3A_21 = arith.constant 0 : index
    %get3A_22 = arith.constant 0 : index
    %get3A_23 = vector.load %arg6[%get3A_21, %get3A_22] : memref<768x1xf32, #tpu.memory_space<vmem>>, vector<768x1xf32>
    %exp3A_24 = math.exp %get3A_23 : vector<768x1xf32>
    %get3A_25 = arith.constant 0 : index
    %get3A_26 = arith.constant 0 : index
    %get3A_27 = vector.load %arg7[%get3A_25, %get3A_26] : memref<768x1xf32, #tpu.memory_space<vmem>>, vector<768x1xf32>
    %exp3A_28 = math.exp %get3A_27 : vector<768x1xf32>
    %sub3A = arith.subf %add3A_9, %exp3A : vector<768x1xf32>
    %sub3A_29 = arith.constant 1.000000e+00 : f32
    %sub3A_30 = vector.broadcast %sub3A_29 : f32 to vector<768x1xf32>
    %sub3A_31 = arith.subf %sub3A, %sub3A_30 : vector<768x1xf32>
    %div3A = arith.constant 1.000000e+00 : f32
    %div3A_32 = vector.broadcast %div3A : f32 to vector<768x1xf32>
    %div3A_33 = arith.divf %div3A_32, %sub3A_31 : vector<768x1xf32>
    %mul3A = arith.mulf %div3A_33, %div3A_33 : vector<768x1xf32>
    %log3A = math.log %sub3A_31 : vector<768x1xf32>
    %mul3A_34 = arith.constant 5.000000e-01 : f32
    %mul3A_35 = vector.broadcast %mul3A_34 : f32 to vector<768x1xf32>
    %mul3A_36 = arith.mulf %mul3A_35, %div3A_33 : vector<768x1xf32>
    %sub3A_37 = arith.subf %log3A, %mul3A_36 : vector<768x1xf32>
    %mul3A_38 = arith.constant 0.0039682542 : f32
    %mul3A_39 = vector.broadcast %mul3A_38 : f32 to vector<768x1xf32>
    %mul3A_40 = arith.mulf %mul3A, %mul3A_39 : vector<768x1xf32>
    %sub3A_41 = arith.constant 0.00833333377 : f32
    %sub3A_42 = vector.broadcast %sub3A_41 : f32 to vector<768x1xf32>
    %sub3A_43 = arith.subf %sub3A_42, %mul3A_40 : vector<768x1xf32>
    %mul3A_44 = arith.mulf %mul3A, %sub3A_43 : vector<768x1xf32>
    %sub3A_45 = arith.constant 0.0833333358 : f32
    %sub3A_46 = vector.broadcast %sub3A_45 : f32 to vector<768x1xf32>
    %sub3A_47 = arith.subf %sub3A_46, %mul3A_44 : vector<768x1xf32>
    %mul3A_48 = arith.mulf %mul3A, %sub3A_47 : vector<768x1xf32>
    %sub3A_49 = arith.subf %sub3A_37, %mul3A_48 : vector<768x1xf32>
    %sub3A_50 = arith.subf %add3A_9, %exp3A_24 : vector<768x1xf32>
    %sub3A_51 = arith.constant 1.000000e+00 : f32
    %sub3A_52 = vector.broadcast %sub3A_51 : f32 to vector<768x1xf32>
    %sub3A_53 = arith.subf %sub3A_50, %sub3A_52 : vector<768x1xf32>
    %div3A_54 = arith.constant 1.000000e+00 : f32
    %div3A_55 = vector.broadcast %div3A_54 : f32 to vector<768x1xf32>
    %div3A_56 = arith.divf %div3A_55, %sub3A_53 : vector<768x1xf32>
    %mul3A_57 = arith.mulf %div3A_56, %div3A_56 : vector<768x1xf32>
    %log3A_58 = math.log %sub3A_53 : vector<768x1xf32>
    %mul3A_59 = arith.constant 5.000000e-01 : f32
    %mul3A_60 = vector.broadcast %mul3A_59 : f32 to vector<768x1xf32>
    %mul3A_61 = arith.mulf %mul3A_60, %div3A_56 : vector<768x1xf32>
    %sub3A_62 = arith.subf %log3A_58, %mul3A_61 : vector<768x1xf32>
    %mul3A_63 = arith.constant 0.0039682542 : f32
    %mul3A_64 = vector.broadcast %mul3A_63 : f32 to vector<768x1xf32>
    %mul3A_65 = arith.mulf %mul3A_57, %mul3A_64 : vector<768x1xf32>
    %sub3A_66 = arith.constant 0.00833333377 : f32
    %sub3A_67 = vector.broadcast %sub3A_66 : f32 to vector<768x1xf32>
    %sub3A_68 = arith.subf %sub3A_67, %mul3A_65 : vector<768x1xf32>
    %mul3A_69 = arith.mulf %mul3A_57, %sub3A_68 : vector<768x1xf32>
    %sub3A_70 = arith.constant 0.0833333358 : f32
    %sub3A_71 = vector.broadcast %sub3A_70 : f32 to vector<768x1xf32>
    %sub3A_72 = arith.subf %sub3A_71, %mul3A_69 : vector<768x1xf32>
    %mul3A_73 = arith.mulf %mul3A_57, %sub3A_72 : vector<768x1xf32>
    %sub3A_74 = arith.subf %sub3A_62, %mul3A_73 : vector<768x1xf32>
    %iota3A = tpu.iota {dimensions = array<i32: 0>} : vector<768x1xi32>
    %lt3A = arith.constant 256 : i32
    %lt3A_75 = vector.broadcast %lt3A : i32 to vector<768x1xi32>
    %lt3A_76 = arith.cmpi slt, %iota3A, %lt3A_75 : vector<768x1xi32>
    %le3A = arith.constant 79 : i32
    %le3A_77 = vector.broadcast %le3A : i32 to vector<768x1xi32>
    %le3A_78 = arith.cmpi sle, %get3A_1, %le3A_77 : vector<768x1xi32>
    %select_n3A = arith.select %le3A_78, %exp3A_24, %exp3A_20 : vector<768x1xi1>, vector<768x1xf32>
    %select_n3A_79 = arith.select %le3A_78, %exp3A, %exp3A_28 : vector<768x1xi1>, vector<768x1xf32>
    %sub3A_80 = arith.constant 1.000000e+00 : f32
    %sub3A_81 = vector.broadcast %sub3A_80 : f32 to vector<768x1xf32>
    %sub3A_82 = arith.subf %sub3A_81, %get3A_4 : vector<768x1xf32>
    %ne3A = arith.constant 81 : i32
    %ne3A_83 = vector.broadcast %ne3A : i32 to vector<768x1xi32>
    %ne3A_84 = arith.cmpi ne, %get3A_1, %ne3A_83 : vector<768x1xi32>
    %jit3A = arith.constant 0.000000e+00 : f32
    %broadcast_in_dim3A = vector.broadcast %jit3A : f32 to vector<768x1xf32>
    %select_n3A_85 = arith.select %ne3A_84, %get3A_4, %broadcast_in_dim3A : vector<768x1xi1>, vector<768x1xf32>
    %eq3A = arith.constant 81 : i32
    %eq3A_86 = vector.broadcast %eq3A : i32 to vector<768x1xi32>
    %eq3A_87 = arith.cmpi eq, %get3A_1, %eq3A_86 : vector<768x1xi32>
    %select_n3A_88 = arith.select %eq3A_87, %exp3A_24, %exp3A_28 : vector<768x1xi1>, vector<768x1xf32>
    %ge3A = arith.constant 1 : i32
    %ge3A_89 = vector.broadcast %ge3A : i32 to vector<768x1xi32>
    %ge3A_90 = arith.cmpi sge, %get3A_1, %ge3A_89 : vector<768x1xi32>
    %le3A_91 = arith.constant 80 : i32
    %le3A_92 = vector.broadcast %le3A_91 : i32 to vector<768x1xi32>
    %le3A_93 = arith.cmpi sle, %get3A_1, %le3A_92 : vector<768x1xi32>
    %and3A = arith.andi %ge3A_90, %le3A_93 : vector<768x1xi1>
    %select_n3A_94 = arith.select %and3A, %exp3A_16, %exp3A_28 : vector<768x1xi1>, vector<768x1xf32>
    %sub3A_95 = arith.constant 1.000000e+00 : f32
    %sub3A_96 = vector.broadcast %sub3A_95 : f32 to vector<768x1xf32>
    %sub3A_97 = arith.subf %sub3A_96, %get3A_4 : vector<768x1xf32>
    %mul3A_98 = arith.constant 2.000000e-01 : f32
    %mul3A_99 = vector.broadcast %mul3A_98 : f32 to vector<768x1xf32>
    %mul3A_100 = arith.mulf %mul3A_99, %sub3A_97 : vector<768x1xf32>
    %select_n3A_101 = arith.select %lt3A_76, %select_n3A, %select_n3A_88 : vector<768x1xi1>, vector<768x1xf32>
    %select_n3A_102 = arith.select %lt3A_76, %select_n3A_79, %select_n3A_94 : vector<768x1xi1>, vector<768x1xf32>
    %select_n3A_103 = arith.select %lt3A_76, %sub3A_82, %get3A_4 : vector<768x1xi1>, vector<768x1xf32>
    %select_n3A_104 = arith.select %lt3A_76, %select_n3A_85, %mul3A_100 : vector<768x1xi1>, vector<768x1xf32>
    %add3A_105 = arith.constant 1.000000e+00 : f32
    %add3A_106 = vector.broadcast %add3A_105 : f32 to vector<768x1xf32>
    %add3A_107 = arith.addf %select_n3A_101, %add3A_106 : vector<768x1xf32>
    %add3A_108 = arith.constant 1.500000e+01 : f32
    %add3A_109 = vector.broadcast %add3A_108 : f32 to vector<768x1xf32>
    %add3A_110 = arith.addf %add3A_107, %add3A_109 : vector<768x1xf32>
    %mul3A_111 = arith.mulf %add3A_110, %add3A_107 : vector<768x1xf32>
    %add3A_112 = arith.constant 8.500000e+01 : f32
    %add3A_113 = vector.broadcast %add3A_112 : f32 to vector<768x1xf32>
    %add3A_114 = arith.addf %mul3A_111, %add3A_113 : vector<768x1xf32>
    %mul3A_115 = arith.mulf %add3A_114, %add3A_107 : vector<768x1xf32>
    %add3A_116 = arith.constant 2.250000e+02 : f32
    %add3A_117 = vector.broadcast %add3A_116 : f32 to vector<768x1xf32>
    %add3A_118 = arith.addf %mul3A_115, %add3A_117 : vector<768x1xf32>
    %mul3A_119 = arith.mulf %add3A_118, %add3A_107 : vector<768x1xf32>
    %add3A_120 = arith.constant 2.740000e+02 : f32
    %add3A_121 = vector.broadcast %add3A_120 : f32 to vector<768x1xf32>
    %add3A_122 = arith.addf %mul3A_119, %add3A_121 : vector<768x1xf32>
    %mul3A_123 = arith.mulf %add3A_122, %add3A_107 : vector<768x1xf32>
    %mul3A_124 = arith.mulf %mul3A_123, %add3A_107 : vector<768x1xf32>
    %mul3A_125 = arith.constant 1.200000e+02 : f32
    %mul3A_126 = vector.broadcast %mul3A_125 : f32 to vector<768x1xf32>
    %mul3A_127 = arith.mulf %mul3A_126, %add3A_107 : vector<768x1xf32>
    %add3A_128 = arith.addf %mul3A_124, %mul3A_127 : vector<768x1xf32>
    %mul3A_129 = arith.constant 6.000000e+00 : f32
    %mul3A_130 = vector.broadcast %mul3A_129 : f32 to vector<768x1xf32>
    %mul3A_131 = arith.mulf %mul3A_130, %add3A_107 : vector<768x1xf32>
    %add3A_132 = arith.constant 7.500000e+01 : f32
    %add3A_133 = vector.broadcast %add3A_132 : f32 to vector<768x1xf32>
    %add3A_134 = arith.addf %mul3A_131, %add3A_133 : vector<768x1xf32>
    %mul3A_135 = arith.mulf %add3A_134, %add3A_107 : vector<768x1xf32>
    %add3A_136 = arith.constant 3.400000e+02 : f32
    %add3A_137 = vector.broadcast %add3A_136 : f32 to vector<768x1xf32>
    %add3A_138 = arith.addf %mul3A_135, %add3A_137 : vector<768x1xf32>
    %mul3A_139 = arith.mulf %add3A_138, %add3A_107 : vector<768x1xf32>
    %add3A_140 = arith.constant 6.750000e+02 : f32
    %add3A_141 = vector.broadcast %add3A_140 : f32 to vector<768x1xf32>
    %add3A_142 = arith.addf %mul3A_139, %add3A_141 : vector<768x1xf32>
    %mul3A_143 = arith.mulf %add3A_142, %add3A_107 : vector<768x1xf32>
    %add3A_144 = arith.constant 5.480000e+02 : f32
    %add3A_145 = vector.broadcast %add3A_144 : f32 to vector<768x1xf32>
    %add3A_146 = arith.addf %mul3A_143, %add3A_145 : vector<768x1xf32>
    %mul3A_147 = arith.mulf %add3A_146, %add3A_107 : vector<768x1xf32>
    %add3A_148 = arith.constant 1.200000e+02 : f32
    %add3A_149 = vector.broadcast %add3A_148 : f32 to vector<768x1xf32>
    %add3A_150 = arith.addf %mul3A_147, %add3A_149 : vector<768x1xf32>
    %add3A_151 = arith.constant 6.000000e+00 : f32
    %add3A_152 = vector.broadcast %add3A_151 : f32 to vector<768x1xf32>
    %add3A_153 = arith.addf %add3A_107, %add3A_152 : vector<768x1xf32>
    %div3A_154 = arith.constant 1.000000e+00 : f32
    %div3A_155 = vector.broadcast %div3A_154 : f32 to vector<768x1xf32>
    %div3A_156 = arith.divf %div3A_155, %add3A_153 : vector<768x1xf32>
    %mul3A_157 = arith.mulf %div3A_156, %div3A_156 : vector<768x1xf32>
    %log3A_158 = math.log %add3A_153 : vector<768x1xf32>
    %mul3A_159 = arith.constant 5.000000e-01 : f32
    %mul3A_160 = vector.broadcast %mul3A_159 : f32 to vector<768x1xf32>
    %mul3A_161 = arith.mulf %mul3A_160, %div3A_156 : vector<768x1xf32>
    %sub3A_162 = arith.subf %log3A_158, %mul3A_161 : vector<768x1xf32>
    %mul3A_163 = arith.constant 0.0039682542 : f32
    %mul3A_164 = vector.broadcast %mul3A_163 : f32 to vector<768x1xf32>
    %mul3A_165 = arith.mulf %mul3A_157, %mul3A_164 : vector<768x1xf32>
    %sub3A_166 = arith.constant 0.00833333377 : f32
    %sub3A_167 = vector.broadcast %sub3A_166 : f32 to vector<768x1xf32>
    %sub3A_168 = arith.subf %sub3A_167, %mul3A_165 : vector<768x1xf32>
    %mul3A_169 = arith.mulf %mul3A_157, %sub3A_168 : vector<768x1xf32>
    %sub3A_170 = arith.constant 0.0833333358 : f32
    %sub3A_171 = vector.broadcast %sub3A_170 : f32 to vector<768x1xf32>
    %sub3A_172 = arith.subf %sub3A_171, %mul3A_169 : vector<768x1xf32>
    %mul3A_173 = arith.mulf %mul3A_157, %sub3A_172 : vector<768x1xf32>
    %sub3A_174 = arith.subf %sub3A_162, %mul3A_173 : vector<768x1xf32>
    %div3A_175 = arith.divf %add3A_150, %add3A_128 : vector<768x1xf32>
    %sub3A_176 = arith.subf %sub3A_174, %div3A_175 : vector<768x1xf32>
    %sub3A_177 = arith.subf %sub3A_49, %sub3A_176 : vector<768x1xf32>
    %mul3A_178 = arith.mulf %select_n3A_103, %sub3A_177 : vector<768x1xf32>
    %add3A_179 = arith.constant 1.000000e+00 : f32
    %add3A_180 = vector.broadcast %add3A_179 : f32 to vector<768x1xf32>
    %add3A_181 = arith.addf %select_n3A_102, %add3A_180 : vector<768x1xf32>
    %add3A_182 = arith.constant 1.500000e+01 : f32
    %add3A_183 = vector.broadcast %add3A_182 : f32 to vector<768x1xf32>
    %add3A_184 = arith.addf %add3A_181, %add3A_183 : vector<768x1xf32>
    %mul3A_185 = arith.mulf %add3A_184, %add3A_181 : vector<768x1xf32>
    %add3A_186 = arith.constant 8.500000e+01 : f32
    %add3A_187 = vector.broadcast %add3A_186 : f32 to vector<768x1xf32>
    %add3A_188 = arith.addf %mul3A_185, %add3A_187 : vector<768x1xf32>
    %mul3A_189 = arith.mulf %add3A_188, %add3A_181 : vector<768x1xf32>
    %add3A_190 = arith.constant 2.250000e+02 : f32
    %add3A_191 = vector.broadcast %add3A_190 : f32 to vector<768x1xf32>
    %add3A_192 = arith.addf %mul3A_189, %add3A_191 : vector<768x1xf32>
    %mul3A_193 = arith.mulf %add3A_192, %add3A_181 : vector<768x1xf32>
    %add3A_194 = arith.constant 2.740000e+02 : f32
    %add3A_195 = vector.broadcast %add3A_194 : f32 to vector<768x1xf32>
    %add3A_196 = arith.addf %mul3A_193, %add3A_195 : vector<768x1xf32>
    %mul3A_197 = arith.mulf %add3A_196, %add3A_181 : vector<768x1xf32>
    %mul3A_198 = arith.mulf %mul3A_197, %add3A_181 : vector<768x1xf32>
    %mul3A_199 = arith.constant 1.200000e+02 : f32
    %mul3A_200 = vector.broadcast %mul3A_199 : f32 to vector<768x1xf32>
    %mul3A_201 = arith.mulf %mul3A_200, %add3A_181 : vector<768x1xf32>
    %add3A_202 = arith.addf %mul3A_198, %mul3A_201 : vector<768x1xf32>
    %mul3A_203 = arith.constant 6.000000e+00 : f32
    %mul3A_204 = vector.broadcast %mul3A_203 : f32 to vector<768x1xf32>
    %mul3A_205 = arith.mulf %mul3A_204, %add3A_181 : vector<768x1xf32>
    %add3A_206 = arith.constant 7.500000e+01 : f32
    %add3A_207 = vector.broadcast %add3A_206 : f32 to vector<768x1xf32>
    %add3A_208 = arith.addf %mul3A_205, %add3A_207 : vector<768x1xf32>
    %mul3A_209 = arith.mulf %add3A_208, %add3A_181 : vector<768x1xf32>
    %add3A_210 = arith.constant 3.400000e+02 : f32
    %add3A_211 = vector.broadcast %add3A_210 : f32 to vector<768x1xf32>
    %add3A_212 = arith.addf %mul3A_209, %add3A_211 : vector<768x1xf32>
    %mul3A_213 = arith.mulf %add3A_212, %add3A_181 : vector<768x1xf32>
    %add3A_214 = arith.constant 6.750000e+02 : f32
    %add3A_215 = vector.broadcast %add3A_214 : f32 to vector<768x1xf32>
    %add3A_216 = arith.addf %mul3A_213, %add3A_215 : vector<768x1xf32>
    %mul3A_217 = arith.mulf %add3A_216, %add3A_181 : vector<768x1xf32>
    %add3A_218 = arith.constant 5.480000e+02 : f32
    %add3A_219 = vector.broadcast %add3A_218 : f32 to vector<768x1xf32>
    %add3A_220 = arith.addf %mul3A_217, %add3A_219 : vector<768x1xf32>
    %mul3A_221 = arith.mulf %add3A_220, %add3A_181 : vector<768x1xf32>
    %add3A_222 = arith.constant 1.200000e+02 : f32
    %add3A_223 = vector.broadcast %add3A_222 : f32 to vector<768x1xf32>
    %add3A_224 = arith.addf %mul3A_221, %add3A_223 : vector<768x1xf32>
    %add3A_225 = arith.constant 6.000000e+00 : f32
    %add3A_226 = vector.broadcast %add3A_225 : f32 to vector<768x1xf32>
    %add3A_227 = arith.addf %add3A_181, %add3A_226 : vector<768x1xf32>
    %div3A_228 = arith.constant 1.000000e+00 : f32
    %div3A_229 = vector.broadcast %div3A_228 : f32 to vector<768x1xf32>
    %div3A_230 = arith.divf %div3A_229, %add3A_227 : vector<768x1xf32>
    %mul3A_231 = arith.mulf %div3A_230, %div3A_230 : vector<768x1xf32>
    %log3A_232 = math.log %add3A_227 : vector<768x1xf32>
    %mul3A_233 = arith.constant 5.000000e-01 : f32
    %mul3A_234 = vector.broadcast %mul3A_233 : f32 to vector<768x1xf32>
    %mul3A_235 = arith.mulf %mul3A_234, %div3A_230 : vector<768x1xf32>
    %sub3A_236 = arith.subf %log3A_232, %mul3A_235 : vector<768x1xf32>
    %mul3A_237 = arith.constant 0.0039682542 : f32
    %mul3A_238 = vector.broadcast %mul3A_237 : f32 to vector<768x1xf32>
    %mul3A_239 = arith.mulf %mul3A_231, %mul3A_238 : vector<768x1xf32>
    %sub3A_240 = arith.constant 0.00833333377 : f32
    %sub3A_241 = vector.broadcast %sub3A_240 : f32 to vector<768x1xf32>
    %sub3A_242 = arith.subf %sub3A_241, %mul3A_239 : vector<768x1xf32>
    %mul3A_243 = arith.mulf %mul3A_231, %sub3A_242 : vector<768x1xf32>
    %sub3A_244 = arith.constant 0.0833333358 : f32
    %sub3A_245 = vector.broadcast %sub3A_244 : f32 to vector<768x1xf32>
    %sub3A_246 = arith.subf %sub3A_245, %mul3A_243 : vector<768x1xf32>
    %mul3A_247 = arith.mulf %mul3A_231, %sub3A_246 : vector<768x1xf32>
    %sub3A_248 = arith.subf %sub3A_236, %mul3A_247 : vector<768x1xf32>
    %div3A_249 = arith.divf %add3A_224, %add3A_202 : vector<768x1xf32>
    %sub3A_250 = arith.subf %sub3A_248, %div3A_249 : vector<768x1xf32>
    %sub3A_251 = arith.subf %sub3A_74, %sub3A_250 : vector<768x1xf32>
    %mul3A_252 = arith.mulf %select_n3A_104, %sub3A_251 : vector<768x1xf32>
    %add3A_253 = arith.addf %mul3A_178, %mul3A_252 : vector<768x1xf32>
    %reduce_sum3A = vector.shape_cast %add3A_253 : vector<768x1xf32> to vector<1x768x1xf32>
    %reduce_sum3A_254 = arith.constant dense<0.000000e+00> : vector<1xf32>
    %reduce_sum3A_255 = vector.multi_reduction <add>, %reduce_sum3A, %reduce_sum3A_254 [1, 2] : vector<1x768x1xf32> to vector<1xf32>
    %reduce_sum3A_256 = vector.shape_cast %reduce_sum3A_255 : vector<1xf32> to vector<1x1x1xf32>
    %reduce_sum3A_257 = vector.extract %reduce_sum3A_256[0, 0, 0] : f32 from vector<1x1x1xf32>
    %div3A_258 = arith.constant 7.680000e+02 : f32
    %div3A_259 = arith.divf %reduce_sum3A_257, %div3A_258 : f32
    %broadcast_in_dim3A_260 = vector.broadcast %div3A_259 : f32 to vector<1x1xf32>
    %swap3A = arith.constant 0 : index
    %swap3A_261 = arith.constant 0 : index
    %swap3A_262 = vector.load %arg8[%swap3A, %swap3A_261] : memref<1x1xf32, #tpu.memory_space<vmem>>, vector<1x1xf32>
    tpu.vector_store %arg8[%swap3A, %swap3A_261], %broadcast_in_dim3A_260 {strides = array<i32>} : memref<1x1xf32, #tpu.memory_space<vmem>>, vector<1x1xf32>,
    return
  }
}

</mosaic_0001>

<sc_bundles>
// kernel: kernel.6.cloned.1.call-start
scs
__scs_entry_jumppad:
0x0: {  	(pc) =	sbr.rel $0x88, $3  }
0x1: {  	(tag) =	ssettag $0x0;
	lr =	simm.s32 $0x1  }
0x2: {  	[smem:$0x3F9E] =	sst lr;
	_ =	strace $0xD0000000  }
0x3: {  	_ = 	snop  }
0x4: {  	_ = 	snop  }
0x5: {  	_ = 	snop  }
0x6: {  	_ = 	snop  }
0x7: {  	_ = 	snop  }
__scs_overlays_trampoline_lowered:
0x8: {  	[smem:$0x3FAD] =	sst s0  }
0x9: {  	[smem:$0x3FAE] =	sst s1  }
0xa: {  	[smem:$0x3FAF] =	sst s2  }
0xb: {  	[smem:$0x3FB0] =	sst s3  }
0xc: {  	[smem:$0x3FB1] =	sst s4  }
0xd: {  	[smem:$0x3FB2] =	sst s5  }
0xe: {  	[smem:$0x3FB3] =	sst s6  }
0xf: {  	[smem:$0x3FB4] =	sst s7  }
0x10: {  	[smem:$0x3FB5] =	sst s8  }
0x11: {  	[smem:$0x3FB6] =	sst s9;
	s0 =	simm.s32 @!p0 $0x0  }
0x12: {  	s1 =	sld [smem:$0x3F9C];
	s0 =	simm.s32 @p0 $0x1  }
0x13: {  	[smem:$0x3FB7] =	sst s0;
	s0 =	simm.s32 @!p1 $0x0  }
0x14: {  	s2 =	sld [smem:$0x3F9B];
	s0 =	simm.s32 @p1 $0x1  }
0x15: {  	[smem:$0x3FB8] =	sst s0;
	s0 =	simm.s32 @!p2 $0x0  }
0x16: {  	s3 =	sld [smem:$0x3FDB];
	s0 =	simm.s32 @p2 $0x1  }
0x17: {  	s4 =	simm.s32 $0x1BF5;
	[smem:$0x3FBA] =	sst s0  }
0x18: {  	s0 =	sld [smem:$0x3F9D];
	_ =	swait.ge [sflag:s4], $0x0  }
0x19: {  	s7 =	sld [smem:$0x3F9E]  }
0x1a: {  	s8 =	sadd.s32 $0xFFFFE003, lr  }
0x1b: {  	s9 =	sadd.s32 $0xFFFFFEF7, lr;
	s5 =	simm.s32 $0xFFFFFFFF;
	p2 =	slt.u32 s8, $0xFFFFF086  }
0x1c: {  	p1 =	slt.u32 s9, $0xF7A;
	s5 =	simm.s32 @!p2 $0x0  }
0x1d: {  	s5 =	simm.s32 @p1 $0x1;
	p0 =	seq.s32 s7, s2  }
0x1e: {  	s7 =	smul.u32 @!p0 $0xF7A, s2;
	p2 =	seq.s32 @!p0 s5, $0x0  }
0x1f: {  	s9 =	smul.u32 $0xF7A, s1;
	s8 =	simm.s32 @!p0 $0x1BF5;
	p2 =	por !p2, p0  }
0x20: {  	[sflag:s8] =	ssyncset.s32 @!p0 $0xFFFFF086;
	s6 =	sadd.s32 @!p0 s3, s7;
	s7 =	simm.s32 @!p0 $0x108  }
0x21: {  	s3 =	sadd.s32 s3, s9;
	s6 =	sadd.s32 @!p0 $0x88, s6;
	s7 =	simm.s32 @p2 $0x1082  }
0x22: {  	[simem:s7], [sflag:s8] =	dma.local @!p0 [hbm:s6], $0xF7A  }
0x23: {  	s9 =	sor.u32 $0xD0000000, s2;
	s6 =	simm.s32 $0x108;
	_ =	swait.ge @!p0 [sflag:s8], $0x0  }
0x24: {  	s3 =	sadd.s32 $0x88, s3;
	s6 =	simm.s32 @!p1 $0x1082;
	[sflag:s4] =	ssyncset.s32 $0xFFFFF086  }
0x25: {  	[simem:s6], [sflag:s4] =	dma.local [hbm:s3], $0xF7A  }
0x26: {  	[smem:$0x3F9E] =	sst s1;
	(tag) =	ssettag s2;
	_ =	strace s9  }
0x27: {  	s1 =	sld [smem:$0x3FAE]  }
0x28: {  	s2 =	sld [smem:$0x3FAF]  }
0x29: {  	s4 =	sld [smem:$0x3FB1]  }
0x2a: {  	p0 =	seq.s32 s5, $0x0;
	s5 =	sld [smem:$0x3FB2]  }
0x2b: {  	s6 =	sld [smem:$0x3FB3]  }
0x2c: {  	s7 =	sld [smem:$0x3FB4]  }
0x2d: {  	s3 =	simm.s32 $0x108;
	s8 =	sld [smem:$0x3FB5]  }
0x2e: {  	s3 =	simm.s32 @!p0 $0x1082;
	s9 =	sld [smem:$0x3FB6]  }
0x2f: {  	lr =	sadd.s32 s0, s3;
	s0 =	sld [smem:$0x3FAD]  }
0x30: {  	s3 =	sld [smem:$0x3FB0]  }
0x31: {  	[smem:$0x3FB9] =	sst s10  }
0x32: {  	s10 =	sld [smem:$0x3FB7];
	_ =	sdelay $0x3  }
0x33: {  	p0 =	seq.s32 s10, $0x1;
	s10 =	sld [smem:$0x3FB9];
	_ =	sdelay $0x3  }
0x34: {  	[smem:$0x3FB9] =	sst s10  }
0x35: {  	s10 =	sld [smem:$0x3FB8];
	_ =	sdelay $0x3  }
0x36: {  	p1 =	seq.s32 s10, $0x1;
	s10 =	sld [smem:$0x3FB9];
	_ =	sdelay $0x3  }
0x37: {  	[smem:$0x3FB9] =	sst s10  }
0x38: {  	s10 =	sld [smem:$0x3FBA]  }
0x39: {  	_ = 	snop;
	(pc) =	sbr.ind lr, $3  }
0x3a: {  	_ = 	snop  }
0x3b: {  	_ = 	snop  }
0x3c: {  	p2 =	seq.s32 s10, $0x1;
	s10 =	sld [smem:$0x3FB9]  }
0x3d: {  	_ =	shalt  }
0x3e: {  	_ =	shalt  }
0x3f: {  	_ =	shalt  }
0x40: {  	_ =	shalt  }
0x41: {  	_ =	shalt  }
0x42: {  	_ =	shalt  }
0x43: {  	_ =	shalt  }
0x44: {  	_ =	shalt  }
0x45: {  	_ =	shalt  }
0x46: {  	_ =	shalt  }
0x47: {  	_ =	shalt  }
0x48: {  	_ =	shalt  }
0x49: {  	_ =	shalt  }
0x4a: {  	_ =	shalt  }
0x4b: {  	_ =	shalt  }
0x4c: {  	_ =	shalt  }
0x4d: {  	_ =	shalt  }
0x4e: {  	_ =	shalt  }
0x4f: {  	_ =	shalt  }
0x50: {  	_ =	shalt  }
0x51: {  	_ =	shalt  }
0x52: {  	_ =	shalt  }
0x53: {  	_ =	shalt  }
0x54: {  	_ =	shalt  }
0x55: {  	_ =	shalt  }
0x56: {  	_ =	shalt  }
0x57: {  	_ =	shalt  }
0x58: {  	_ =	shalt  }
0x59: {  	_ =	shalt  }
0x5a: {  	_ =	shalt  }
0x5b: {  	_ =	shalt  }
0x5c: {  	_ =	shalt  }
0x5d: {  	_ =	shalt  }
0x5e: {  	_ =	shalt  }
0x5f: {  	_ =	shalt  }
0x60: {  	_ =	shalt  }
0x61: {  	_ =	shalt  }
0x62: {  	_ =	shalt  }
0x63: {  	_ =	shalt  }
0x64: {  	_ =	shalt  }
0x65: {  	_ =	shalt  }
0x66: {  	_ =	shalt  }
0x67: {  	_ =	shalt  }
0x68: {  	_ =	shalt  }
0x69: {  	_ =	shalt  }
0x6a: {  	_ =	shalt  }
0x6b: {  	_ =	shalt  }
0x6c: {  	_ =	shalt  }
0x6d: {  	_ =	shalt  }
0x6e: {  	_ =	shalt  }
0x6f: {  	_ =	shalt  }
0x70: {  	_ =	shalt  }
0x71: {  	_ =	shalt  }
0x72: {  	_ =	shalt  }
0x73: {  	_ =	shalt  }
0x74: {  	_ =	shalt  }
0x75: {  	_ =	shalt  }
0x76: {  	_ =	shalt  }
0x77: {  	_ =	shalt  }
0x78: {  	_ =	shalt  }
0x79: {  	_ =	shalt  }
0x7a: {  	_ =	shalt  }
0x7b: {  	_ =	shalt  }
0x7c: {  	_ =	shalt  }
0x7d: {  	_ =	shalt  }
0x7e: {  	_ =	shalt  }
0x7f: {  	_ =	shalt  }
0x80: {  	_ =	shalt  }
0x81: {  	_ =	shalt  }
0x82: {  	_ =	shalt  }
0x83: {  	_ =	shalt  }
0x84: {  	_ =	shalt  }
0x85: {  	_ =	shalt  }
0x86: {  	_ =	shalt  }
0x87: {  	_ =	shalt  }
.Lfunc_end0:
.L_simem_size_0:
called_computation_lowered:
.L_overlay_start_0:
0x88: {  	s0 =	sld [smem:$0x3FD9]  }
0x89: {  	s1 =	sld [smem:$0x3FFE];
	_ =	sdelay $0x3  }
0x8a: {  	s0 =	sadd.s32 s1, s0  }
0x8b: {  	[smem:$0x3FC5] =	sst s0  }
0x8c: {  	_ = 	snop  }
0x8d: {  	s0 =	sld [smem:$0x3FC8]  }
0x8e: {  	s16 =	sld [smem:$0x3FC7]  }
0x8f: {  	s2 =	sld [smem:$0x3FD0];
	(tm) =	ssettm $0x1  }
0x90: {  	s3 =	sld [smem:$0x3FFB];
	_ =	sdelay $0x3  }
0x91: {  	_ =	strace s3  }
0x92: {  	s3 =	sld [smem:$0x3FFC];
	_ =	sdelay $0x3  }
0x93: {  	_ =	strace s3  }
0x94: {  	s3 =	sld [smem:$0x3FFD];
	_ =	sdelay $0x3  }
0x95: {  	_ =	strace s3  }
0x96: {  	_ =	strace $0x8FFFFFFF  }
0x97: {  	s17 =	sld [smem:$0x3FDB];
	_ =	sdelay $0x1  }
0x98: {  	s4 =	simm.s32 $_scs_section_size  }
0x99: {  	s5 =	simm.s32 $_size__tile_overlayer_lowered;
	s6 =	simm.s32 $_tile_overlayer_lowered  }
0x9a: {  	s20 =	simm.s32 $0x1BFF;
	s19 =	sshll.u32 s6, $0x1;
	s3 =	sadd.s32 s4, s17  }
0x9b: {  	s7 =	simm.s32 $0x0;
	s18 =	sshll.u32 s5, $0x1;
	s5 =	sadd.s32 s19, s3  }
0x9c: {  	[timem:s7], [sflag:s20] =	dma.local [hbm:s5], s18  }
0x9d: {  	_ =	swait.ge [sflag:s20], s18  }
0x9e: {  	s4 =	ssub.s32 $0x0, s18;
	[sflag:s20] =	ssyncset.done $0x0  }
0x9f: {  	[sflag:s20] =	ssyncadd.s32 s4;
	_ =	sdelay $0x1  }
0xa0: {  	s21 =	simm.s32 $0x1B8B  }
0xa1: {  	_ =	swait.ge [sflag:s21], $0x1  }
0xa2: {  	[sflag:s21] =	ssyncset.done $0x0  }
0xa3: {  	s23 =	simm.s32 $0x1B8E;
	s22 =	sld [smem:$0x3FFE];
	[sflag:s21] =	ssyncadd.s32 $0xFFFFFFFF  }
0xa4: {  	s24 =	simm.s32 $execute0_lowered;
	[smem:$0x3FD2] =	sst s23  }
0xa5: {  	s5 =	sshll.u32 s24, $0x1;
	_ =	strace $0x80000046;
	[dreg:$0x1] =	wrdreg $0xFFFFFFFF  }
0xa6: {  	s25 =	simm.s32 $_size_execute0_lowered;
	s3 =	sadd.s32 s3, s5;
	[dreg:$0x0] =	wrdreg $0x0  }
0xa7: {  	s5 =	sshll.u32 s25, $0x1;
	[dreg:$0x2] =	wrdreg s3  }
0xa8: {  	[dreg:$0x3] =	wrdreg s5  }
0xa9: {  	[dreg:$0x4] =	wrdreg $0xC0  }
0xaa: {  	_ =	task [dreg:s7], $0x5FFFF  }
0xab: {  	[dreg:$0x1] =	wrdreg $0xFFFFFFFF  }
0xac: {  	[dreg:$0x0] =	wrdreg $0x60  }
0xad: {  	[dreg:$0x2] =	wrdreg s22  }
0xae: {  	[dreg:$0x3] =	wrdreg s2  }
0xaf: {  	[dreg:$0x4] =	wrdreg s0  }
0xb0: {  	[dreg:$0x5] =	wrdreg s16  }
0xb1: {  	[dreg:$0x6] =	wrdreg $0x9  }
0xb2: {  	_ =	task.clear_ibuf [dreg:s7], $0x7FFFF;
	_ =	strace $0x90000046  }
0xb3: {  	s26 =	simm.s32 $0x9;
	_ =	strace $0x80000048  }
0xb4: {  	_ =	swait.ge [sflag:s26], $0x1  }
0xb5: {  	[sflag:s26] =	ssyncadd.s32 $0xFFFFFFFF  }
0xb6: {  	_ =	strace $0x90000048  }
0xb7: {  	_ =	sfence  }
0xb8: {  	s28 =	sld [smem:$0x0];
	_ =	sdelay $0x1  }
0xb9: {  	s29 =	srdreg.scid  }
0xba: {  	s30 =	sshll.u32 s29, $0xD;
	s31 =	sshrl.u32 s29, $0x2  }
0xbb: {  	s1 =	sand.u32 $0x1, s29;
	s2 =	sand.u32 $0x4000, s30;
	s0 =	sadd.s32 s31, s28  }
0xbc: {  	s1 =	sor.u32 s2, s1;
	s0 =	sshll.u32 s0, $0x11  }
0xbd: {  	s0 =	sor.u32 s0, s1  }
0xbe: {  	s0 =	sadd.s32 $0x8F2B, s0  }
0xbf: {  	[sflag:s0] =	ssyncadd.remote.s32 $0x1  }
0xc0: {  	_ =	sfence.sel $0xFFFF  }
0xc1: {  	[dreg:$0x0] =	wrdreg $0xFFFFFFFF;
	(pc) =	sbr.abs _section_cstart, $3  }
0xc2: {  	[dreg:$0x1] =	wrdreg $0xFFFFFFFF  }
0xc3: {  	_ =	task.clear_ibuf [dreg:s7], $0x2FFFF;
	_ =	strace $0x9FFFFFFF  }
0xc4: {  	(tm) =	ssettm $0x7FFFFFFF  }
0xc5: {  	_ =	shalt  }
tec
execute0_lowered:
.L_overlay_start_1:
0x0: {  	(tag) =	ssettag $0x1  }
0x1: {  	s10 =	rddreg [dreg:$0x0]  }
0x2: {  	s2 =	rddreg [dreg:$0x1]  }
0x3: {  	s28 =	rddreg [dreg:$0x2]  }
0x4: {  	s9 =	rddreg [dreg:$0x3]  }
0x5: {  	s30 =	rddreg [dreg:$0x4]  }
0x6: {  	s0 =	simm.s32 $0x0;
	s19 =	stileid.u32;
	s3 =	simm.s32 $0x3B80  }
0x7: {  	s18 =	simm.s32 $0x4;
	[smem:$0x7FF] =	sst s0;
	s17 =	sshll.u32 s19, $0xD  }
0x8: {  	s11 =	sadd.s32 $0x1E00, s10;
	s12 =	sadd.s32 $0x3E00, s10;
	s13 =	sadd.s32 $0x9E00, s10  }
0x9: {  	s14 =	sadd.s32 $0xBE00, s10;
	s15 =	sadd.s32 $0x5E00, s10;
	s16 =	sadd.s32 $0x7E00, s10  }
0xa: {  	s1 =	sadd.s32 $0x12000, s10;
	s4 =	sadd.s32 $0x12400, s10;
	p2 =	sne.s32 s19, $0x0  }
.Ltmp0:
0xb: {  	_ =	strace $0x80000047;
	[dreg:$0x5] =	wrdreg s1;
	(pc) =	sbr.rel @!p2 .LBB2_1-.Ltmp0, $4  }
0xc: {  	[tilespmem:s3], [sflag:$0x4] =	stream.linear.gather [hbm4b:s2+s0], $0x80, $0x38;
	[tilespmem:$0x3C00] =	vst v63  }
0xd: {  	s5 =	sadd.s32 $0x12600, s10;
	s6 =	sadd.s32 $0x12800, s10;
	_ =	swait.ge [sflag:s18], $0x80  }
0xe: {  	s7 =	sadd.s32 $0x12A00, s10;
	s8 =	sadd.s32 $0x12C00, s10;
	[sflag:s18] =	ssyncset.done $0x0  }
0xf: {  	s2 =	sadd.s32 $0x11E00, s10;
	s3 =	sadd.s32 $0x12200, s10;
	[sflag:s18] =	ssyncadd.s32 $0xFFFFFF80  }
0x10: {  	p0 =	sgt.u32 s19, $0x7  }
.Ltmp1:
0x11: {  	_ = 	snop;
	(pc) =	sbr.rel @p0 .LBB2_31-.Ltmp1, $4  }
.Ltmp2:
0x12: {  	_ = 	snop;
	(pc) =	sbr.rel @!p0 .LBB2_3-.Ltmp2, $4  }
0x13: {  	_ = 	snop  }
0x14: {  	_ = 	snop  }
0x15: {  	_ = 	snop  }
0x16: {  	_ = 	snop  }
.LBB2_1:
0x17: {  	[smem:$0x0] =	sst s0  }
0x18: {  	[smem:$0x1] =	sst s0  }
.LBB2_3:
0x19: {  	s0 =	sshll.u32 s19, $0xA  }
0x1a: {  	s0 =	sadd.s32 s0, s10  }
0x1b: {  	s18 =	simm.s32 $0x0;
	s24 =	simm.s32 $0x4;
	s0 =	sadd.s32 $0xDE00, s0  }
0x1c: {  	[tilespmem:s18], [sflag:$0x4] =	stream.linear.gather [hbm4b:s0+s18], $0x2000, $0x38;
	[tilespmem:$0x3C00] =	vst v63  }
0x1d: {  	_ =	swait.ge [sflag:s24], $0x2000  }
0x1e: {  	[sflag:s24] =	ssyncset.done $0x0  }
0x1f: {  	v2 =	vimm.s32 $0x0;
	[sflag:s24] =	ssyncadd.s32 $0xFFFFE000  }
0x20: {  	[tilespmem:$0x2000] =	vst v2  }
0x21: {  	[tilespmem:$0x2010] =	vst v2  }
0x22: {  	[tilespmem:$0x2020] =	vst v2  }
0x23: {  	[tilespmem:$0x2030] =	vst v2  }
0x24: {  	[tilespmem:$0x2040] =	vst v2  }
0x25: {  	[tilespmem:$0x2050] =	vst v2  }
0x26: {  	[tilespmem:$0x2060] =	vst v2  }
0x27: {  	[tilespmem:$0x2070] =	vst v2  }
0x28: {  	[tilespmem:$0x2080] =	vst v2  }
0x29: {  	[tilespmem:$0x2090] =	vst v2  }
0x2a: {  	[tilespmem:$0x20A0] =	vst v2  }
0x2b: {  	[tilespmem:$0x20B0] =	vst v2  }
0x2c: {  	[tilespmem:$0x20C0] =	vst v2  }
0x2d: {  	[tilespmem:$0x20D0] =	vst v2  }
0x2e: {  	[tilespmem:$0x20E0] =	vst v2  }
0x2f: {  	[tilespmem:$0x20F0] =	vst v2  }
0x30: {  	[tilespmem:$0x2100] =	vst v2  }
0x31: {  	[tilespmem:$0x2110] =	vst v2  }
0x32: {  	[tilespmem:$0x2120] =	vst v2  }
0x33: {  	[tilespmem:$0x2130] =	vst v2  }
0x34: {  	[tilespmem:$0x2140] =	vst v2  }
0x35: {  	[tilespmem:$0x2150] =	vst v2  }
0x36: {  	[tilespmem:$0x2160] =	vst v2  }
0x37: {  	[tilespmem:$0x2170] =	vst v2  }
0x38: {  	[tilespmem:$0x2180] =	vst v2  }
0x39: {  	[tilespmem:$0x2190] =	vst v2  }
0x3a: {  	[tilespmem:$0x21A0] =	vst v2  }
0x3b: {  	[tilespmem:$0x21B0] =	vst v2  }
0x3c: {  	[tilespmem:$0x21C0] =	vst v2  }
0x3d: {  	[tilespmem:$0x21D0] =	vst v2  }
0x3e: {  	[tilespmem:$0x21E0] =	vst v2  }
0x3f: {  	[tilespmem:$0x21F0] =	vst v2  }
0x40: {  	[tilespmem:$0x2200] =	vst v2  }
0x41: {  	[tilespmem:$0x2210] =	vst v2  }
0x42: {  	[tilespmem:$0x2220] =	vst v2  }
0x43: {  	[tilespmem:$0x2230] =	vst v2  }
0x44: {  	[tilespmem:$0x2240] =	vst v2  }
0x45: {  	[tilespmem:$0x2250] =	vst v2  }
0x46: {  	[tilespmem:$0x2260] =	vst v2  }
0x47: {  	[tilespmem:$0x2270] =	vst v2  }
0x48: {  	[tilespmem:$0x2280] =	vst v2  }
0x49: {  	[tilespmem:$0x2290] =	vst v2  }
0x4a: {  	[tilespmem:$0x22A0] =	vst v2  }
0x4b: {  	[tilespmem:$0x22B0] =	vst v2  }
0x4c: {  	[tilespmem:$0x22C0] =	vst v2  }
0x4d: {  	v0 =	vlaneseq.u32;
	s25 =	sadd.s32 $0x0, s17;
	v1 =	vld [tilespmem:$0x3B80];
	[tilespmem:$0x22D0] =	vst v2  }
0x4e: {  	v3 =	vmul.u32 $0xFFFFFFFF, v0;
	v4 =	vmov s25;
	s26 =	sadd.s32 $0x60, s25;
	s29 =	sadd.s32 $0x70, s25;
	s21 =	sadd.s32 $0x30, s25;
	[tilespmem:$0x22E0] =	vst v2  }
0x4f: {  	s22 =	sadd.s32 $0x40, s25;
	s23 =	sadd.s32 $0x50, s25;
	v6 =	vmov s26;
	v7 =	vmov s29;
	v9 =	vmov s21;
	[tilespmem:$0x22F0] =	vst v2  }
0x50: {  	s20 =	simm.s32 $0x40;
	s31 =	sadd.s32 $0x10, s25;
	v10 =	vmov s22;
	v5 =	vmov s23;
	v3 =	vadd.s32 $0xFFFF, v3;
	s0 =	sadd.s32 $0x20, s25;
	[tilespmem:$0x2300] =	vst v2  }
0x51: {  	v11 =	vmov s31;
	v4 =	vsub.s32 v3, v4;
	v13 =	vmov s0;
	v12 =	vld [tilespmem:s20+$0x30]  }
0x52: {  	v14 =	vsub.s32 v3, v5;
	v8 =	vld [tilespmem:s20+$0x20];
	v0 =	vbroadcast v1, $0x0;
	v1 =	vbroadcast v1, $0x1  }
0x53: {  	v15 =	vsub.s32 v3, v6;
	v16 =	vsub.s32 v3, v7;
	v17 =	vsub.s32 v3, v9;
	v5 =	vld [tilespmem:s20+$0x10]  }
0x54: {  	v9 =	vsub.s32 v3, v10;
	v13 =	vsub.s32 v3, v13;
	v6 =	vld [tilespmem:s20+$0x0];
	vm3 =	vge.s32 v4, v1  }
0x55: {  	v7 =	vld [tilespmem:s20+$0xFFFFFFF0];
	v4 =	vsub.s32 v3, v11;
	vm10 =	vge.s32 v16, v1;
	vm4 =	vge.s32 v9, v1  }
0x56: {  	v10 =	vld [tilespmem:s20+$0xFFFFFFD0];
	vm5 =	vge.s32 v14, v1;
	vm9 =	vge.s32 v15, v1;
	vm12 =	vge.s32 v13, v1  }
0x57: {  	v9 =	vld [tilespmem:s20+$0xFFFFFFE0];
	vm8 =	vge.s32 v17, v1;
	vm11 =	vgt.s32 v8, v0;
	vm6 =	vgt.s32 v12, v0  }
0x58: {  	s21 =	simm.s32 $0x80;
	v11 =	vld [tilespmem:s20+$0xFFFFFFC0];
	vm13 =	veq.s32 v12, v0;
	vm14 =	vge.s32 v4, v1;
	v4 =	vimm.s32 $0x0  }
.LBB2_4:
0x59: {  	v12 =	vimm.s32 $0x0  }
0x5a: {  	v58 =	vimm.s32 $0x0;
	v59 =	vimm.s32 $0x0;
	v12 =	vsel vm14, $0xFFFFFFFF, v12  }
0x5b: {  	v60 =	vimm.s32 $0x0;
	v61 =	vimm.s32 $0x0;
	[tilespmem:$0x1FF80] =	vst v12;
	v12 =	vsel vm11, $0xFFFFFFFF, v58  }
0x5c: {  	vm14 =	veq.s32 v8, v0;
	[tilespmem:$0x1FFE0] =	vst v12;
	v12 =	vsel vm6, $0xFFFFFFFF, v59;
	vm0 =	vgt.s32 v6, v0  }
0x5d: {  	v8 =	vimm.s32 $0x0;
	[tilespmem:$0x1FFF0] =	vst v12;
	v12 =	vsel vm0, $0xFFFFFFFF, v60;
	vm0 =	vgt.s32 v5, v0  }
0x5e: {  	vm1 =	vgt.s32 v10, v0;
	[tilespmem:$0x1FFC0] =	vst v12;
	v12 =	vsel vm0, $0xFFFFFFFF, v61;
	vm0 =	vgt.s32 v7, v0  }
0x5f: {  	v8 =	vsel vm0, $0xFFFFFFFF, v8;
	vm0 =	veq.s32 v5, v0;
	v5 =	vimm.s32 $0x0  }
0x60: {  	v5 =	vsel vm1, $0xFFFFFFFF, v5  }
0x61: {  	vm1 =	vgt.s32 v9, v0;
	[tilespmem:$0x1FF90] =	vst v5;
	v5 =	vimm.s32 $0x0  }
0x62: {  	vm15 =	veq.s32 v6, v0;
	v5 =	vsel vm1, $0xFFFFFFFF, v5;
	v6 =	vld [tilespmem:$0x1FF90]  }
0x63: {  	[tilespmem:$0x1FFA0] =	vst v5;
	v5 =	vld [tilespmem:$0x1FF80];
	_ =	sdelay $0x1  }
0x64: {  	vm7 =	vmmov vm5;
	vm5 =	vmmov vm3;
	vm3 =	veq.s32 v11, v0  }
0x65: {  	vm2 =	vgt.s32 v11, v0;
	vm3 =	vmand vm5, vm3  }
0x66: {  	vm2 =	vmor vm2, vm3  }
0x67: {  	vm3 =	vnez.u8 v5;
	v5 =	vsel vm2, $0x1, v2;
	vm2 =	vnez.u8 v6;
	v6 =	vld [tilespmem:$0x1FFA0];
	_ =	sdelay $0x1  }
0x68: {  	vm6 =	vmmov vm12;
	vm12 =	veq.s32 v10, v0  }
0x69: {  	vm3 =	vmand vm3, vm12  }
0x6a: {  	[tilespmem:$0x1FFB0] =	vst v8;
	vm2 =	vmor vm2, vm3  }
0x6b: {  	v4 =	vadd.s32 v5, v4;
	v5 =	vsel vm2, $0x1, v2;
	vm2 =	vnez.u8 v6;
	v6 =	vld [tilespmem:$0x1FFB0];
	_ =	sdelay $0x1  }
0x6c: {  	vm11 =	veq.s32 v9, v0  }
0x6d: {  	vm3 =	vmand vm6, vm11  }
0x6e: {  	vm2 =	vmor vm2, vm3  }
0x6f: {  	v4 =	vadd.s32 v5, v4;
	v5 =	vsel vm2, $0x1, v2;
	vm2 =	vnez.u8 v6;
	v6 =	vld [tilespmem:$0x1FFC0];
	_ =	sdelay $0x1  }
0x70: {  	vm1 =	veq.s32 v7, v0  }
0x71: {  	vm1 =	vmand vm8, vm1  }
0x72: {  	[tilespmem:$0x1FFD0] =	vst v12;
	vm1 =	vmor vm2, vm1  }
0x73: {  	v4 =	vadd.s32 v5, v4;
	v5 =	vsel vm1, $0x1, v2;
	vm1 =	vnez.u8 v6;
	v6 =	vld [tilespmem:$0x1FFD0];
	_ =	sdelay $0x1  }
0x74: {  	s0 =	sadd.s32 s21, s17  }
0x75: {  	vm10 =	vmand vm10, vm13;
	s24 =	sadd.s32 $0x50, s0;
	s31 =	sadd.s32 $0x10, s0;
	vm13 =	vmand vm4, vm15  }
0x76: {  	v13 =	vmov s24;
	v15 =	vmov s31;
	vm1 =	vmor vm1, vm13  }
0x77: {  	v4 =	vadd.s32 v5, v4;
	v5 =	vsel vm1, $0x1, v2;
	vm1 =	vnez.u8 v6;
	v6 =	vld [tilespmem:$0x1FFE0]  }
0x78: {  	s20 =	sadd.s32 $0x80, s20;
	s22 =	sadd.s32 $0x30, s0;
	s23 =	sadd.s32 $0x40, s0;
	vm9 =	vmand vm9, vm14;
	v13 =	vsub.s32 v3, v13;
	v63 =	vsub.s32 v3, v15  }
0x79: {  	v10 =	vmov s22;
	v11 =	vmov s23;
	vm14 =	vge.s32 v63, v1;
	v8 =	vld [tilespmem:s20+$0x20]  }
0x7a: {  	s19 =	sadd.s32 $0x70, s0;
	v62 =	vld [tilespmem:s20+$0x30];
	v19 =	vsub.s32 v3, v10;
	v11 =	vsub.s32 v3, v11;
	vm0 =	vmand vm7, vm0  }
0x7b: {  	vm5 =	vge.s32 v13, v1;
	v9 =	vmov s19;
	vm0 =	vmor vm1, vm0  }
0x7c: {  	s18 =	sadd.s32 $0x60, s0;
	v4 =	vadd.s32 v5, v4;
	v5 =	vsel vm0, $0x1, v2;
	vm0 =	vnez.u8 v6;
	v6 =	vld [tilespmem:$0x1FFF0]  }
0x7d: {  	vm4 =	vge.s32 v11, v1;
	v18 =	vsub.s32 v3, v9;
	v7 =	vmov s18  }
0x7e: {  	v17 =	vsub.s32 v3, v7;
	vm8 =	vge.s32 v19, v1;
	vm11 =	vgt.s32 v8, v0  }
0x7f: {  	p1 =	sne.s32 s21, $0x1F80;
	v10 =	vld [tilespmem:s20+$0xFFFFFFD0];
	vm6 =	vgt.s32 v62, v0;
	vm13 =	veq.s32 v62, v0;
	vm0 =	vmor vm0, vm9  }
.Ltmp3:
0x80: {  	v11 =	vld [tilespmem:s20+$0xFFFFFFC0];
	v4 =	vadd.s32 v5, v4;
	vm9 =	vge.s32 v17, v1;
	v5 =	vsel vm0, $0x1, v2;
	(pc) =	sbr.rel @p1 .LBB2_4-.Ltmp3, $4  }
0x81: {  	v9 =	vld [tilespmem:s20+$0xFFFFFFE0];
	v4 =	vadd.s32 v5, v4;
	vm0 =	vnez.u8 v6;
	v6 =	vmov s0;
	s0 =	sadd.s32 $0x20, s0  }
0x82: {  	v7 =	vld [tilespmem:s20+$0xFFFFFFF0];
	vm0 =	vmor vm0, vm10;
	v14 =	vsub.s32 v3, v6;
	v16 =	vmov s0  }
0x83: {  	v6 =	vld [tilespmem:s20+$0x0];
	vm10 =	vge.s32 v18, v1;
	v5 =	vsel vm0, $0x1, v2;
	v16 =	vsub.s32 v3, v16  }
0x84: {  	s21 =	sadd.s32 $0x80, s21;
	vm3 =	vge.s32 v14, v1;
	v4 =	vadd.s32 v5, v4;
	v5 =	vld [tilespmem:s20+$0x10];
	vm12 =	vge.s32 v16, v1  }
0x85: {  	vm0 =	veq.s32 v8, v0;
	vm7 =	vmand vm10, vm13;
	vm2 =	veq.s32 v11, v0  }
0x86: {  	vm10 =	vgt.s32 v11, v0;
	vm13 =	veq.s32 v10, v0;
	vm2 =	vmand vm3, vm2  }
0x87: {  	vm9 =	vmand vm9, vm0;
	vm3 =	veq.s32 v7, v0;
	vm2 =	vmor vm10, vm2  }
0x88: {  	vm10 =	vgt.s32 v10, v0;
	vm1 =	veq.s32 v6, v0;
	vm3 =	vmand vm8, vm3  }
0x89: {  	v3 =	vsel vm2, $0x1, v2;
	vm8 =	vgt.s32 v6, v0;
	vm15 =	veq.s32 v5, v0  }
0x8a: {  	vm1 =	vmand vm4, vm1;
	v3 =	vadd.s32 v3, v4;
	vm0 =	vmand vm5, vm15  }
0x8b: {  	vm15 =	vmand vm14, vm13;
	vm13 =	veq.s32 v9, v0;
	vm14 =	vgt.s32 v9, v0  }
0x8c: {  	vm1 =	vmor vm8, vm1;
	vm4 =	vmor vm10, vm15;
	vm2 =	vmand vm12, vm13  }
0x8d: {  	vm15 =	vgt.s32 v7, v0;
	v8 =	vsel vm4, $0x1, v2;
	vm2 =	vmor vm14, vm2  }
0x8e: {  	vm5 =	vmor vm15, vm3;
	v7 =	vsel vm2, $0x1, v2;
	v3 =	vadd.s32 v8, v3  }
0x8f: {  	vm10 =	vgt.s32 v5, v0;
	v4 =	vsel vm5, $0x1, v2;
	v3 =	vadd.s32 v7, v3  }
0x90: {  	v5 =	vsel vm1, $0x1, v2;
	vm0 =	vmor vm10, vm0;
	v3 =	vadd.s32 v4, v3  }
0x91: {  	vm11 =	vmor vm11, vm9;
	v4 =	vsel vm0, $0x1, v2;
	v3 =	vadd.s32 v5, v3  }
0x92: {  	vm12 =	vmor vm6, vm7;
	v5 =	vsel vm11, $0x1, v2;
	v3 =	vadd.s32 v4, v3  }
0x93: {  	v2 =	vsel vm12, $0x1, v2;
	v3 =	vadd.s32 v5, v3  }
0x94: {  	v2 =	vadd.s32 v2, v3  }
0x95: {  	(v2sf) =	vpush v2, $0x0  }
0x96: {  	(v2sf) =	vpush v2, $0x1  }
0x97: {  	(v2sf) =	vpush v2, $0x2  }
0x98: {  	(v2sf) =	vpush v2, $0x3  }
0x99: {  	(v2sf) =	vpush v2, $0x4  }
0x9a: {  	(v2sf) =	vpush v2, $0x5  }
0x9b: {  	(v2sf) =	vpush v2, $0x6  }
0x9c: {  	(v2sf) =	vpush v2, $0x7  }
0x9d: {  	(v2sf) =	vpush v2, $0x8  }
0x9e: {  	(v2sf) =	vpush v2, $0x9  }
0x9f: {  	(v2sf) =	vpush v2, $0xA  }
0xa0: {  	(v2sf) =	vpush v2, $0xB  }
0xa1: {  	(v2sf) =	vpush v2, $0xC  }
0xa2: {  	(v2sf) =	vpush v2, $0xD  }
0xa3: {  	(v2sf) =	vpush v2, $0xE  }
0xa4: {  	v3 =	vlaneseq.u32;
	v4 =	vbroadcast v2, $0x0;
	s0 =	spop (v2sf)  }
0xa5: {  	vm13 =	veq.s32 v3, $0x0;
	s18 =	spop (v2sf)  }
0xa6: {  	vm14 =	veq.s32 v3, $0x2;
	v4 =	vsel vm13, $0x0, v4;
	s19 =	spop (v2sf);
	s0 =	sadd.s32 s18, s0  }
0xa7: {  	vm15 =	veq.s32 v3, $0x3;
	s29 =	spop (v2sf);
	v4 =	vsel vm14, s0, v4;
	s0 =	sadd.s32 s19, s0  }
0xa8: {  	vm4 =	veq.s32 v3, $0x4;
	s31 =	spop (v2sf);
	v4 =	vsel vm15, s0, v4;
	s0 =	sadd.s32 s29, s0  }
0xa9: {  	vm5 =	veq.s32 v3, $0x5;
	s1 =	spop (v2sf);
	v4 =	vsel vm4, s0, v4;
	s0 =	sadd.s32 s31, s0  }
0xaa: {  	vm6 =	veq.s32 v3, $0x6;
	s20 =	spop (v2sf);
	v4 =	vsel vm5, s0, v4;
	s0 =	sadd.s32 s1, s0  }
0xab: {  	vm7 =	veq.s32 v3, $0x7;
	s21 =	spop (v2sf);
	v4 =	vsel vm6, s0, v4;
	s0 =	sadd.s32 s20, s0  }
0xac: {  	vm8 =	veq.s32 v3, $0x8;
	s22 =	spop (v2sf);
	v4 =	vsel vm7, s0, v4;
	s0 =	sadd.s32 s21, s0  }
0xad: {  	vm9 =	veq.s32 v3, $0x9;
	s23 =	spop (v2sf);
	v4 =	vsel vm8, s0, v4;
	s0 =	sadd.s32 s22, s0  }
0xae: {  	vm10 =	veq.s32 v3, $0xA;
	s24 =	spop (v2sf);
	v4 =	vsel vm9, s0, v4;
	s0 =	sadd.s32 s23, s0  }
0xaf: {  	vm11 =	veq.s32 v3, $0xB;
	s25 =	spop (v2sf);
	v4 =	vsel vm10, s0, v4;
	s0 =	sadd.s32 s24, s0  }
0xb0: {  	vm12 =	veq.s32 v3, $0xC;
	s26 =	spop (v2sf);
	v4 =	vsel vm11, s0, v4;
	s0 =	sadd.s32 s25, s0  }
0xb1: {  	vm13 =	veq.s32 v3, $0xD;
	s29 =	spop (v2sf);
	v4 =	vsel vm12, s0, v4;
	s0 =	sadd.s32 s26, s0  }
0xb2: {  	v6 =	vmul.u32 $0xFFFFFFFF, v3;
	vm14 =	veq.s32 v3, $0xE;
	v4 =	vsel vm13, s0, v4;
	s0 =	sadd.s32 s29, s0;
	s31 =	spop (v2sf)  }
0xb3: {  	v7 =	vimm.s32 $0x0;
	vm15 =	veq.s32 v3, $0xF;
	v4 =	vsel vm14, s0, v4;
	s20 =	sadd.s32 s31, s0  }
0xb4: {  	v5 =	vimm.s32 $0x0;
	v6 =	vadd.s32 $0xFFFF, v6;
	s21 =	simm.s32 $0x0;
	s22 =	simm.s32 $0x40;
	s23 =	simm.s32 $0x2000;
	v4 =	vsel vm15, s20, v4  }
.LBB2_6:
0xb5: {  	v8 =	vld [tilespmem:s22+$0xFFFFFFC0];
	_ =	sdelay $0x1  }
0xb6: {  	s24 =	sadd.s32 s21, s17  }
0xb7: {  	v9 =	vmov s24  }
0xb8: {  	v9 =	vsub.s32 v6, v9  }
0xb9: {  	vm1 =	vge.s32 v9, v1;
	vm0 =	veq.s32 v8, v0  }
0xba: {  	vm2 =	vgt.s32 v8, v0;
	vm0 =	vmand vm1, vm0  }
0xbb: {  	v8 =	vadd.s32 v4, v7;
	vm0 =	vmor vm2, vm0  }
0xbc: {  	v8 =	vnsel vm0, $0x300, v8;
	_ =	sdelay $0x3  }
0xbd: {  	v42 =	vor.u32 s24, v3  }
0xbe: {  	[tilespmem:v8+s23+$0x0] =	vst.idx.msk $0xffff, v42  }
0xbf: {  	v8 =	vld [tilespmem:s22+$0xFFFFFFD0];
	_ =	sdelay $0x1  }
0xc0: {  	s0 =	sadd.s32 $0x10, s24  }
0xc1: {  	v43 =	vmov s0  }
0xc2: {  	v9 =	vsub.s32 v6, v43  }
0xc3: {  	vm8 =	vge.s32 v9, v1;
	v10 =	vsel vm0, $0x1, v5;
	vm7 =	veq.s32 v8, v0  }
0xc4: {  	v7 =	vadd.s32 v10, v7;
	vm9 =	vgt.s32 v8, v0;
	vm0 =	vmand vm8, vm7  }
0xc5: {  	v8 =	vadd.s32 v4, v7;
	vm0 =	vmor vm9, vm0  }
0xc6: {  	v8 =	vnsel vm0, $0x300, v8;
	_ =	sdelay $0x3  }
0xc7: {  	v44 =	vor.u32 s0, v3  }
0xc8: {  	[tilespmem:v8+s23+$0x0] =	vst.idx.msk $0xffff, v44  }
0xc9: {  	v8 =	vld [tilespmem:s22+$0xFFFFFFE0];
	_ =	sdelay $0x1  }
0xca: {  	s18 =	sadd.s32 $0x20, s24  }
0xcb: {  	v45 =	vmov s18  }
0xcc: {  	v9 =	vsub.s32 v6, v45  }
0xcd: {  	vm11 =	vge.s32 v9, v1;
	v46 =	vsel vm0, $0x1, v5;
	vm10 =	veq.s32 v8, v0  }
0xce: {  	v7 =	vadd.s32 v46, v7;
	vm12 =	vgt.s32 v8, v0;
	vm0 =	vmand vm11, vm10  }
0xcf: {  	v8 =	vadd.s32 v4, v7;
	vm0 =	vmor vm12, vm0  }
0xd0: {  	v8 =	vnsel vm0, $0x300, v8;
	_ =	sdelay $0x3  }
0xd1: {  	v47 =	vor.u32 s18, v3  }
0xd2: {  	[tilespmem:v8+s23+$0x0] =	vst.idx.msk $0xffff, v47  }
0xd3: {  	v8 =	vld [tilespmem:s22+$0xFFFFFFF0];
	_ =	sdelay $0x1  }
0xd4: {  	s19 =	sadd.s32 $0x30, s24  }
0xd5: {  	v48 =	vmov s19  }
0xd6: {  	v9 =	vsub.s32 v6, v48  }
0xd7: {  	vm14 =	vge.s32 v9, v1;
	v49 =	vsel vm0, $0x1, v5;
	vm13 =	veq.s32 v8, v0  }
0xd8: {  	v7 =	vadd.s32 v49, v7;
	vm15 =	vgt.s32 v8, v0;
	vm0 =	vmand vm14, vm13  }
0xd9: {  	v8 =	vadd.s32 v4, v7;
	vm0 =	vmor vm15, vm0  }
0xda: {  	v8 =	vnsel vm0, $0x300, v8;
	_ =	sdelay $0x3  }
0xdb: {  	v50 =	vor.u32 s19, v3  }
0xdc: {  	[tilespmem:v8+s23+$0x0] =	vst.idx.msk $0xffff, v50  }
0xdd: {  	v8 =	vld [tilespmem:s22+$0x0];
	_ =	sdelay $0x1  }
0xde: {  	s25 =	sadd.s32 $0x40, s24  }
0xdf: {  	v51 =	vmov s25  }
0xe0: {  	v9 =	vsub.s32 v6, v51  }
0xe1: {  	vm5 =	vge.s32 v9, v1;
	v52 =	vsel vm0, $0x1, v5;
	vm4 =	veq.s32 v8, v0  }
0xe2: {  	v7 =	vadd.s32 v52, v7;
	vm6 =	vgt.s32 v8, v0;
	vm0 =	vmand vm5, vm4  }
0xe3: {  	v8 =	vadd.s32 v4, v7;
	vm0 =	vmor vm6, vm0  }
0xe4: {  	v8 =	vnsel vm0, $0x300, v8;
	_ =	sdelay $0x3  }
0xe5: {  	v53 =	vor.u32 s25, v3  }
0xe6: {  	[tilespmem:v8+s23+$0x0] =	vst.idx.msk $0xffff, v53  }
0xe7: {  	v8 =	vld [tilespmem:s22+$0x10];
	_ =	sdelay $0x1  }
0xe8: {  	s26 =	sadd.s32 $0x50, s24  }
0xe9: {  	v54 =	vmov s26  }
0xea: {  	v9 =	vsub.s32 v6, v54  }
0xeb: {  	vm8 =	vge.s32 v9, v1;
	v55 =	vsel vm0, $0x1, v5;
	vm7 =	veq.s32 v8, v0  }
0xec: {  	v7 =	vadd.s32 v55, v7;
	vm9 =	vgt.s32 v8, v0;
	vm0 =	vmand vm8, vm7  }
0xed: {  	v8 =	vadd.s32 v4, v7;
	vm0 =	vmor vm9, vm0  }
0xee: {  	v8 =	vnsel vm0, $0x300, v8;
	_ =	sdelay $0x3  }
0xef: {  	v56 =	vor.u32 s26, v3  }
0xf0: {  	[tilespmem:v8+s23+$0x0] =	vst.idx.msk $0xffff, v56  }
0xf1: {  	v8 =	vld [tilespmem:s22+$0x20];
	_ =	sdelay $0x1  }
0xf2: {  	s29 =	sadd.s32 $0x60, s24  }
0xf3: {  	v57 =	vmov s29  }
0xf4: {  	v9 =	vsub.s32 v6, v57  }
0xf5: {  	vm11 =	vge.s32 v9, v1;
	v58 =	vsel vm0, $0x1, v5;
	vm10 =	veq.s32 v8, v0  }
0xf6: {  	v7 =	vadd.s32 v58, v7;
	vm12 =	vgt.s32 v8, v0;
	vm0 =	vmand vm11, vm10  }
0xf7: {  	v8 =	vadd.s32 v4, v7;
	vm0 =	vmor vm12, vm0  }
0xf8: {  	v8 =	vnsel vm0, $0x300, v8;
	_ =	sdelay $0x3  }
0xf9: {  	v59 =	vor.u32 s29, v3  }
0xfa: {  	[tilespmem:v8+s23+$0x0] =	vst.idx.msk $0xffff, v59  }
0xfb: {  	v8 =	vld [tilespmem:s22+$0x30];
	_ =	sdelay $0x1  }
0xfc: {  	s31 =	sadd.s32 $0x70, s24  }
0xfd: {  	v60 =	vmov s31  }
0xfe: {  	v9 =	vsub.s32 v6, v60  }
0xff: {  	vm14 =	vge.s32 v9, v1;
	v61 =	vsel vm0, $0x1, v5;
	vm13 =	veq.s32 v8, v0  }
0x100: {  	v7 =	vadd.s32 v61, v7;
	vm15 =	vgt.s32 v8, v0;
	vm0 =	vmand vm14, vm13  }
0x101: {  	v8 =	vadd.s32 v4, v7;
	vm0 =	vmor vm15, vm0  }
0x102: {  	p0 =	sne.s32 s21, $0x1F80;
	v8 =	vnsel vm0, $0x300, v8  }
.Ltmp4:
0x103: {  	_ = 	snop;
	(pc) =	sbr.rel @p0 .LBB2_6-.Ltmp4, $3  }
0x104: {  	_ =	sdelay $0x1  }
0x105: {  	v62 =	vor.u32 s31, v3;
	v63 =	vsel vm0, $0x1, v5  }
0x106: {  	s21 =	sadd.s32 $0x80, s21;
	s22 =	sadd.s32 $0x80, s22;
	v7 =	vadd.s32 v63, v7;
	[tilespmem:v8+s23+$0x0] =	vst.idx.msk $0xffff, v62  }
0x107: {  	(v2sf) =	vpush v2, $0xF;
	_ =	sdelay $0xe  }
0x108: {  	s0 =	spop (v2sf)  }
0x109: {  	s20 =	sadd.s32 s0, s20  }
0x10a: {  	s18 =	simm.s32 $0x2;
	[bflag:$0x0] =	sbarrier.arrive $0xFFFF;
	s0 =	sadd.s32 $0xF, s20  }
0x10b: {  	s19 =	simm.s32 $0x0;
	[sflag:s18] =	ssyncset.done $0x0;
	s21 =	sand.u32 $0xF, s0  }
0x10c: {  	s29 =	sshra.s32 s0, $0x1F;
	p1 =	slt.s32 s0, $0x1;
	p0 =	sne.s32 s21, $0x0  }
0x10d: {  	[smem:s19], [sflag:$0x2] =	smem.add.s32 s20;
	s31 =	sshrl.u32 s29, $0x1C;
	p0 =	por !p1, !p0  }
0x10e: {  	s19 =	simm.s32 $0x1;
	s0 =	sadd.s32 s31, s0;
	p0 =	por !p0, !p0  }
0x10f: {  	s0 =	sshra.s32 s0, $0x4;
	s19 =	simm.s32 @!p0 $0x0  }
0x110: {  	s0 =	ssub.s32 s0, s19  }
0x111: {  	p0 =	slt.s32 s0, $0x1  }
.Ltmp5:
0x112: {  	_ = 	snop;
	(pc) =	sbr.rel @p0 .LBB2_57-.Ltmp5, $4  }
0x113: {  	_ =	swait.done [sflag:s18]  }
0x114: {  	s1 =	ssyncread [sflag:$0x2]  }
0x115: {  	[sflag:s18] =	ssyncset.s32 $0x0  }
0x116: {  	[sflag:s18] =	ssyncset.done $0x0  }
0x117: {  	[dreg:$0x9] =	wrdreg s1;
	s19 =	sadd.s32 $0xFFFFFFFF, s0  }
0x118: {  	s1 =	simm.s32 @!p2 $0x0;
	s30 =	simm.s32 $0x2000;
	p1 =	seq.s32 s19, $0x0  }
.Ltmp6:
0x119: {  	s29 =	simm.s32 $0x2380;
	s24 =	simm.s32 $0x2680;
	(pc) =	sbr.rel @p1 .LBB2_9-.Ltmp6, $4  }
0x11a: {  	s26 =	simm.s32 $0x2980;
	s25 =	simm.s32 $0x2C80;
	s23 =	simm.s32 $0x2F80  }
0x11b: {  	s21 =	simm.s32 $0x3280;
	s18 =	simm.s32 $0x3580;
	p0 =	sle.s32 s20, $0x0  }
0x11c: {  	s22 =	simm.s32 $0x3880;
	s1 =	simm.s32 @p2 $0x1;
	[dreg:$0x7] =	wrdreg s19  }
0x11d: {  	p4 =	por $0x0, $0x0;
	p2 =	por p0, p0;
	[smem:$0x7FD] =	sst s1  }
0x11e: {  	v0 =	vld @!p2 [tilespmem:s30+$0x0];
	_ =	sdelay $0x5  }
0x11f: {  	p3 =	por p2, p2  }
0x120: {  	vm0 =	vmmov @!p3 $0xffff;
	s31 =	simm.s32 @!p3 $0x0  }
0x121: {  	[tilespmem:s29], [sflag:$0x1] =	stream.indirect_vreg.gather @!p3 [hbm4b:s28+s31], $0x1, v0, vm0, $0xb8;
	[tilespmem:$0x3C00] =	vst v63  }
0x122: {  	[dreg:$0x6] =	wrdreg s2  }
0x123: {  	[tilespmem:s24], [sflag:$0x1] =	stream.indirect_vreg.gather @!p3 [hbm4b:s9+s31], $0x1, v0, vm0, $0xb8;
	[tilespmem:$0x3C00] =	vst v63  }
0x124: {  	s0 =	sadd.s32 $0xFFFFFFFF, s19;
	p6 =	sle.s32 s20, $0x10;
	s19 =	simm.s32 $0x3590  }
0x125: {  	[tilespmem:s26], [sflag:$0x1] =	stream.indirect_vreg.gather @!p3 [hbm4b:s11+s31], $0x1, v0, vm0, $0xb8;
	[tilespmem:$0x3C00] =	vst v63  }
0x126: {  	s2 =	smov.u32 s9;
	s1 =	smov.u32 s28;
	s30 =	simm.s32 $0x2010  }
0x127: {  	[tilespmem:s25], [sflag:$0x1] =	stream.indirect_vreg.gather @!p3 [hbm4b:s12+s31], $0x1, v0, vm0, $0xb8;
	[tilespmem:$0x3C00] =	vst v63  }
0x128: {  	p4 =	por $0x1, $0x1;
	p0 =	seq.s32 s0, $0x0;
	p2 =	por p6, p6  }
0x129: {  	[tilespmem:s23], [sflag:$0x1] =	stream.indirect_vreg.gather @!p3 [hbm4b:s13+s31], $0x1, v0, vm0, $0xb8;
	[tilespmem:$0x3C00] =	vst v63  }
.Ltmp7:
0x12a: {  	s28 =	simm.s32 $0x3890;
	s29 =	simm.s32 $0x2390;
	(pc) =	sbr.rel @p0 .LBB2_11-.Ltmp7, $4  }
0x12b: {  	[tilespmem:s21], [sflag:$0x1] =	stream.indirect_vreg.gather @!p3 [hbm4b:s14+s31], $0x1, v0, vm0, $0xb8;
	[tilespmem:$0x3C00] =	vst v63  }
0x12c: {  	s24 =	simm.s32 $0x2690;
	s26 =	simm.s32 $0x2990;
	s25 =	simm.s32 $0x2C90  }
0x12d: {  	[tilespmem:s18], [sflag:$0x1] =	stream.indirect_vreg.gather @!p3 [hbm4b:s15+s31], $0x1, v0, vm0, $0xb8;
	[tilespmem:$0x3C00] =	vst v63  }
0x12e: {  	s23 =	simm.s32 $0x2F90;
	s21 =	simm.s32 $0x3290;
	s18 =	simm.s32 $0x20  }
.LBB2_12:
0x12f: {  	[tilespmem:s22], [sflag:$0x1] =	stream.indirect_vreg.gather @!p3 [hbm4b:s16+s31], $0x1, v0, vm0, $0xb8;
	[tilespmem:$0x3C00] =	vst v63  }
0x130: {  	p0 =	sge.s32 s18, s20;
	s0 =	sadd.s32 $0xFFFFFFFF, s0;
	s9 =	smov.u32 s19;
	v0 =	vld @!p2 [tilespmem:s30+$0x0]  }
0x131: {  	s22 =	smov.u32 s28;
	s10 =	smov.u32 s21;
	p5 =	seq.s32 s0, $0x0  }
0x132: {  	p3 =	por p2, p2;
	p2 =	por p0, p0;
	_ =	sdelay $0x4  }
0x133: {  	vm0 =	vmmov @!p3 $0xffff;
	s31 =	simm.s32 @!p3 $0x0  }
0x134: {  	[tilespmem:s29], [sflag:$0x1] =	stream.indirect_vreg.gather @!p3 [hbm4b:s1+s31], $0x1, v0, vm0, $0xb8;
	[tilespmem:$0x3C00] =	vst v63  }
0x135: {  	_ = 	snop  }
0x136: {  	[tilespmem:s24], [sflag:$0x1] =	stream.indirect_vreg.gather @!p3 [hbm4b:s2+s31], $0x1, v0, vm0, $0xb8;
	[tilespmem:$0x3C00] =	vst v63  }
0x137: {  	_ = 	snop  }
0x138: {  	[tilespmem:s26], [sflag:$0x1] =	stream.indirect_vreg.gather @!p3 [hbm4b:s11+s31], $0x1, v0, vm0, $0xb8;
	[tilespmem:$0x3C00] =	vst v63  }
0x139: {  	_ = 	snop  }
0x13a: {  	[tilespmem:s25], [sflag:$0x1] =	stream.indirect_vreg.gather @!p3 [hbm4b:s12+s31], $0x1, v0, vm0, $0xb8;
	[tilespmem:$0x3C00] =	vst v63  }
0x13b: {  	s19 =	sadd.s32 $0x10, s19;
	s28 =	sadd.s32 $0x10, s28  }
0x13c: {  	[tilespmem:s23], [sflag:$0x1] =	stream.indirect_vreg.gather @!p3 [hbm4b:s13+s31], $0x1, v0, vm0, $0xb8;
	[tilespmem:$0x3C00] =	vst v63  }
.Ltmp8:
0x13d: {  	s21 =	sadd.s32 $0x10, s21;
	s23 =	sadd.s32 $0x10, s23;
	(pc) =	sbr.rel @!p5 .LBB2_12-.Ltmp8, $4  }
0x13e: {  	[tilespmem:s10], [sflag:$0x1] =	stream.indirect_vreg.gather @!p3 [hbm4b:s14+s31], $0x1, v0, vm0, $0xb8;
	[tilespmem:$0x3C00] =	vst v63  }
0x13f: {  	s24 =	sadd.s32 $0x10, s24;
	s26 =	sadd.s32 $0x10, s26;
	s25 =	sadd.s32 $0x10, s25  }
0x140: {  	[tilespmem:s9], [sflag:$0x1] =	stream.indirect_vreg.gather @!p3 [hbm4b:s15+s31], $0x1, v0, vm0, $0xb8;
	[tilespmem:$0x3C00] =	vst v63  }
0x141: {  	s18 =	sadd.s32 $0x10, s18;
	s30 =	sadd.s32 $0x10, s30;
	s29 =	sadd.s32 $0x10, s29  }
0x142: {  	s9 =	smov.u32 s2;
	s2 =	rddreg [dreg:$0x6]  }
0x143: {  	s0 =	smov.u32 s22;
	s18 =	smov.u32 s19;
	s10 =	rddreg [dreg:$0x0]  }
0x144: {  	s22 =	smov.u32 s28;
	s28 =	smov.u32 s1;
	s19 =	rddreg [dreg:$0x7]  }
.LBB2_14:
0x145: {  	_ =	sdelay $0x2  }
0x146: {  	p0 =	por p3, !p4  }
0x147: {  	[tilespmem:s0], [sflag:$0x1] =	stream.indirect_vreg.gather @!p0 [hbm4b:s16+s31], $0x1, v0, vm0, $0xb8;
	[tilespmem:$0x3C00] =	vst v63  }
0x148: {  	v0 =	vld @!p2 [tilespmem:s30+$0x0];
	_ =	sdelay $0x5  }
0x149: {  	p0 =	por p2, p2  }
0x14a: {  	vm0 =	vmmov @!p0 $0xffff;
	s0 =	simm.s32 @!p0 $0x0  }
0x14b: {  	[tilespmem:s29], [sflag:$0x1] =	stream.indirect_vreg.gather @!p0 [hbm4b:s28+s0], $0x1, v0, vm0, $0xb8;
	[tilespmem:$0x3C00] =	vst v63  }
0x14c: {  	_ = 	snop  }
0x14d: {  	[tilespmem:s24], [sflag:$0x1] =	stream.indirect_vreg.gather @!p0 [hbm4b:s9+s0], $0x1, v0, vm0, $0xb8;
	[tilespmem:$0x3C00] =	vst v63  }
0x14e: {  	_ = 	snop  }
0x14f: {  	[tilespmem:s26], [sflag:$0x1] =	stream.indirect_vreg.gather @!p0 [hbm4b:s11+s0], $0x1, v0, vm0, $0xb8;
	[tilespmem:$0x3C00] =	vst v63  }
0x150: {  	_ = 	snop  }
0x151: {  	[tilespmem:s25], [sflag:$0x1] =	stream.indirect_vreg.gather @!p0 [hbm4b:s12+s0], $0x1, v0, vm0, $0xb8;
	[tilespmem:$0x3C00] =	vst v63  }
0x152: {  	_ = 	snop  }
0x153: {  	[tilespmem:s23], [sflag:$0x1] =	stream.indirect_vreg.gather @!p0 [hbm4b:s13+s0], $0x1, v0, vm0, $0xb8;
	[tilespmem:$0x3C00] =	vst v63  }
0x154: {  	_ = 	snop  }
0x155: {  	[tilespmem:s21], [sflag:$0x1] =	stream.indirect_vreg.gather @!p0 [hbm4b:s14+s0], $0x1, v0, vm0, $0xb8;
	[tilespmem:$0x3C00] =	vst v63  }
.Ltmp9:
0x156: {  	_ = 	snop;
	(pc) =	sbr.rel @p1 .LBB2_15-.Ltmp9, $4  }
0x157: {  	[tilespmem:s18], [sflag:$0x1] =	stream.indirect_vreg.gather @!p0 [hbm4b:s15+s0], $0x1, v0, vm0, $0xb8;
	[tilespmem:$0x3C00] =	vst v63  }
0x158: {  	_ = 	snop  }
0x159: {  	[tilespmem:s22], [sflag:$0x1] =	stream.indirect_vreg.gather @!p0 [hbm4b:s16+s0], $0x1, v0, vm0, $0xb8;
	[tilespmem:$0x3C00] =	vst v63  }
0x15a: {  	s1 =	rddreg [dreg:$0x5];
	p2 =	por $0x0, $0x0;
	p0 =	sle.s32 s20, $0x0  }
0x15b: {  	s23 =	simm.s32 @!p0 $0x1  }
0x15c: {  	p1 =	por p0, p0;
	_ =	swait.ge @!p0 [sflag:s23], $0x10  }
0x15d: {  	[sflag:s23] =	ssyncset.done @!p1 $0x0  }
0x15e: {  	[sflag:s23] =	ssyncadd.s32 @!p1 $0xFFFFFFF0  }
0x15f: {  	_ =	swait.ge @!p1 [sflag:s23], $0x10  }
0x160: {  	[sflag:s23] =	ssyncset.done @!p1 $0x0  }
0x161: {  	[sflag:s23] =	ssyncadd.s32 @!p1 $0xFFFFFFF0  }
0x162: {  	_ =	swait.ge @!p1 [sflag:s23], $0x10  }
0x163: {  	[sflag:s23] =	ssyncset.done @!p1 $0x0  }
0x164: {  	[sflag:s23] =	ssyncadd.s32 @!p1 $0xFFFFFFF0  }
0x165: {  	_ =	swait.ge @!p1 [sflag:s23], $0x10  }
0x166: {  	[sflag:s23] =	ssyncset.done @!p1 $0x0  }
0x167: {  	[sflag:s23] =	ssyncadd.s32 @!p1 $0xFFFFFFF0  }
0x168: {  	_ =	swait.ge @!p1 [sflag:s23], $0x10  }
0x169: {  	[sflag:s23] =	ssyncset.done @!p1 $0x0  }
0x16a: {  	[sflag:s23] =	ssyncadd.s32 @!p1 $0xFFFFFFF0  }
0x16b: {  	_ =	swait.ge @!p1 [sflag:s23], $0x10  }
0x16c: {  	s0 =	sadd.s32 $0xFFFFFFFF, s19;
	[sflag:s23] =	ssyncset.done @!p1 $0x0  }
0x16d: {  	p3 =	seq.s32 s0, $0x0;
	[sflag:s23] =	ssyncadd.s32 @!p1 $0xFFFFFFF0  }
.Ltmp10:
0x16e: {  	_ =	swait.ge @!p1 [sflag:s23], $0x10;
	(pc) =	sbr.rel @p3 .LBB2_17-.Ltmp10, $4  }
0x16f: {  	[sflag:s23] =	ssyncset.done @!p1 $0x0  }
0x170: {  	[sflag:s23] =	ssyncadd.s32 @!p1 $0xFFFFFFF0  }
0x171: {  	s19 =	simm.s32 $0x10;
	_ =	swait.ge @!p1 [sflag:s23], $0x10  }
0x172: {  	p2 =	por $0x1, $0x1;
	p0 =	sle.s32 s20, $0x10;
	[sflag:s23] =	ssyncset.done @!p1 $0x0  }
.LBB2_18:
0x173: {  	s0 =	sadd.s32 $0xFFFFFFFF, s0;
	[sflag:s23] =	ssyncadd.s32 @!p1 $0xFFFFFFF0;
	s23 =	simm.s32 @!p0 $0x1  }
0x174: {  	p1 =	por p0, p0;
	p3 =	seq.s32 s0, $0x0;
	_ =	swait.ge @!p0 [sflag:s23], $0x10  }
0x175: {  	[sflag:s23] =	ssyncset.done @!p1 $0x0  }
0x176: {  	[sflag:s23] =	ssyncadd.s32 @!p1 $0xFFFFFFF0  }
0x177: {  	_ =	swait.ge @!p1 [sflag:s23], $0x10  }
0x178: {  	[sflag:s23] =	ssyncset.done @!p1 $0x0  }
0x179: {  	[sflag:s23] =	ssyncadd.s32 @!p1 $0xFFFFFFF0  }
0x17a: {  	_ =	swait.ge @!p1 [sflag:s23], $0x10  }
0x17b: {  	[sflag:s23] =	ssyncset.done @!p1 $0x0  }
0x17c: {  	[sflag:s23] =	ssyncadd.s32 @!p1 $0xFFFFFFF0  }
0x17d: {  	_ =	swait.ge @!p1 [sflag:s23], $0x10  }
0x17e: {  	[sflag:s23] =	ssyncset.done @!p1 $0x0  }
0x17f: {  	[sflag:s23] =	ssyncadd.s32 @!p1 $0xFFFFFFF0  }
0x180: {  	_ =	swait.ge @!p1 [sflag:s23], $0x10  }
0x181: {  	[sflag:s23] =	ssyncset.done @!p1 $0x0  }
0x182: {  	[sflag:s23] =	ssyncadd.s32 @!p1 $0xFFFFFFF0  }
0x183: {  	_ =	swait.ge @!p1 [sflag:s23], $0x10  }
0x184: {  	[sflag:s23] =	ssyncset.done @!p1 $0x0  }
0x185: {  	[sflag:s23] =	ssyncadd.s32 @!p1 $0xFFFFFFF0  }
.Ltmp11:
0x186: {  	_ =	swait.ge @!p1 [sflag:s23], $0x10;
	(pc) =	sbr.rel @!p3 .LBB2_18-.Ltmp11, $4  }
0x187: {  	[sflag:s23] =	ssyncset.done @!p1 $0x0  }
0x188: {  	[sflag:s23] =	ssyncadd.s32 @!p1 $0xFFFFFFF0  }
0x189: {  	s19 =	sadd.s32 $0x10, s19;
	_ =	swait.ge @!p1 [sflag:s23], $0x10  }
0x18a: {  	p0 =	sge.s32 s19, s20;
	[sflag:s23] =	ssyncset.done @!p1 $0x0  }
0x18b: {  	s19 =	rddreg [dreg:$0x7]  }
.LBB2_20:
0x18c: {  	p1 =	por p1, !p2  }
0x18d: {  	s0 =	simm.s32 @!p0 $0x1;
	[sflag:s23] =	ssyncadd.s32 @!p1 $0xFFFFFFF0  }
0x18e: {  	_ =	swait.ge @!p0 [sflag:s0], $0x10;
	p0 =	por p0, p0  }
0x18f: {  	[sflag:s0] =	ssyncset.done @!p0 $0x0  }
0x190: {  	[sflag:s0] =	ssyncadd.s32 @!p0 $0xFFFFFFF0  }
0x191: {  	_ =	swait.ge @!p0 [sflag:s0], $0x10  }
0x192: {  	[sflag:s0] =	ssyncset.done @!p0 $0x0  }
0x193: {  	[sflag:s0] =	ssyncadd.s32 @!p0 $0xFFFFFFF0  }
0x194: {  	_ =	swait.ge @!p0 [sflag:s0], $0x10  }
0x195: {  	[sflag:s0] =	ssyncset.done @!p0 $0x0  }
0x196: {  	[sflag:s0] =	ssyncadd.s32 @!p0 $0xFFFFFFF0  }
0x197: {  	_ =	swait.ge @!p0 [sflag:s0], $0x10  }
0x198: {  	[sflag:s0] =	ssyncset.done @!p0 $0x0  }
0x199: {  	[sflag:s0] =	ssyncadd.s32 @!p0 $0xFFFFFFF0  }
0x19a: {  	_ =	swait.ge @!p0 [sflag:s0], $0x10  }
0x19b: {  	[sflag:s0] =	ssyncset.done @!p0 $0x0  }
0x19c: {  	[sflag:s0] =	ssyncadd.s32 @!p0 $0xFFFFFFF0  }
0x19d: {  	_ =	swait.ge @!p0 [sflag:s0], $0x10  }
0x19e: {  	[sflag:s0] =	ssyncset.done @!p0 $0x0  }
0x19f: {  	[sflag:s0] =	ssyncadd.s32 @!p0 $0xFFFFFFF0  }
0x1a0: {  	_ =	swait.ge @!p0 [sflag:s0], $0x10  }
0x1a1: {  	[sflag:s0] =	ssyncset.done @!p0 $0x0  }
0x1a2: {  	[sflag:s0] =	ssyncadd.s32 @!p0 $0xFFFFFFF0  }
0x1a3: {  	_ =	swait.ge @!p0 [sflag:s0], $0x10  }
0x1a4: {  	p2 =	sle.s32 s20, $0x0;
	[sflag:s0] =	ssyncset.done @!p0 $0x0  }
0x1a5: {  	v0 =	vlaneseq.u32 @!p2;
	s9 =	rddreg [dreg:$0x9];
	[sflag:s0] =	ssyncadd.s32 @!p0 $0xFFFFFFF0;
	s0 =	simm.s32 $0x0  }
0x1a6: {  	v1 =	vmov s20;
	v2 =	vmov s9;
	v0 =	vor.u32 @!p2 s0, v0  }
0x1a7: {  	p3 =	sne.s32 s19, $0x0;
	vm0 =	vlt.s32 @!p2 v0, v1;
	v0 =	vadd.s32 @!p2 v2, v0  }
.Ltmp12:
0x1a8: {  	v0 =	vnsel @!p2 vm0, $0x300, v0;
	(pc) =	sbr.rel @!p3 .LBB2_21-.Ltmp12, $4  }
0x1a9: {  	_ = 	snop  }
0x1aa: {  	s28 =	simm.s32 $0x2380;
	s25 =	simm.s32 $0x2680;
	s26 =	simm.s32 $0x2980  }
0x1ab: {  	s24 =	simm.s32 $0x2F80;
	s22 =	simm.s32 $0x3280;
	s18 =	simm.s32 $0x3580  }
0x1ac: {  	s29 =	simm.s32 $0x3880;
	s23 =	simm.s32 $0x2C80;
	p1 =	por $0x0, $0x0  }
0x1ad: {  	_ =	sdelay $0x2  }
0x1ae: {  	vm0 =	vmmov @!p2 $0xffff;
	s30 =	simm.s32 @!p2 $0x0  }
0x1af: {  	[hbm4b:s1+s30] =	stream.indirect_vreg.scatter @!p2 [tilespmem:s28], [sflag:$0x1], $0x1, v0, vm0, $0xb8;
	[tilespmem:$0x3C00] =	vst v63  }
0x1b0: {  	p4 =	por p2, p2  }
0x1b1: {  	[hbm4b:s2+s30] =	stream.indirect_vreg.scatter @!p4 [tilespmem:s25], [sflag:$0x1], $0x1, v0, vm0, $0xb8;
	[tilespmem:$0x3C00] =	vst v63  }
0x1b2: {  	_ = 	snop  }
0x1b3: {  	[hbm4b:s3+s30] =	stream.indirect_vreg.scatter @!p4 [tilespmem:s26], [sflag:$0x1], $0x1, v0, vm0, $0xb8;
	[tilespmem:$0x3C00] =	vst v63  }
0x1b4: {  	s0 =	sadd.s32 $0xFFFFFFFF, s19;
	s31 =	simm.s32 $0x10  }
0x1b5: {  	[hbm4b:s4+s30] =	stream.indirect_vreg.scatter @!p4 [tilespmem:s23], [sflag:$0x1], $0x1, v0, vm0, $0xb8;
	[tilespmem:$0x3C00] =	vst v63  }
0x1b6: {  	p5 =	sle.s32 s20, $0x10;
	s19 =	simm.s32 $0x3590;
	p0 =	sne.s32 s0, $0x0  }
0x1b7: {  	[hbm4b:s5+s30] =	stream.indirect_vreg.scatter @!p4 [tilespmem:s24], [sflag:$0x1], $0x1, v0, vm0, $0xb8;
	[tilespmem:$0x3C00] =	vst v63  }
.Ltmp13:
0x1b8: {  	s21 =	simm.s32 $0x3890;
	p6 =	por $0x1, $0x1;
	(pc) =	sbr.rel @!p0 .LBB2_23-.Ltmp13, $4  }
0x1b9: {  	v3 =	vlaneseq.u32 @!p5;
	s28 =	simm.s32 $0x2390;
	s25 =	simm.s32 $0x2690;
	s26 =	simm.s32 $0x2990  }
0x1ba: {  	v3 =	vor.u32 @!p5 s31, v3;
	[hbm4b:s6+s30] =	stream.indirect_vreg.scatter @!p4 [tilespmem:s22], [sflag:$0x1], $0x1, v0, vm0, $0xb8;
	[tilespmem:$0x3C00] =	vst v63  }
0x1bb: {  	vm1 =	vlt.s32 @!p5 v3, v1;
	v3 =	vadd.s32 @!p5 v2, v3;
	s23 =	simm.s32 $0x2C90;
	s24 =	simm.s32 $0x2F90;
	s22 =	simm.s32 $0x3290  }
0x1bc: {  	v3 =	vnsel @!p5 vm1, $0x300, v3;
	[hbm4b:s7+s30] =	stream.indirect_vreg.scatter @!p4 [tilespmem:s18], [sflag:$0x1], $0x1, v0, vm0, $0xb8;
	[tilespmem:$0x3C00] =	vst v63  }
.LBB2_24:
0x1bd: {  	[hbm4b:s8+s30] =	stream.indirect_vreg.scatter @!p4 [tilespmem:s29], [sflag:$0x1], $0x1, v0, vm0, $0xb8;
	v0 =	vmov v3;
	[tilespmem:$0x3C00] =	vst v63  }
0x1be: {  	s0 =	sadd.s32 $0xFFFFFFFF, s0;
	vm0 =	vmmov @!p5 $0xffff;
	s30 =	simm.s32 @!p5 $0x0;
	s9 =	smov.u32 s19  }
0x1bf: {  	[hbm4b:s1+s30] =	stream.indirect_vreg.scatter @!p5 [tilespmem:s28], [sflag:$0x1], $0x1, v3, vm0, $0xb8;
	[tilespmem:$0x3C00] =	vst v63  }
0x1c0: {  	s29 =	smov.u32 s21;
	p4 =	por p5, p5;
	p0 =	sne.s32 s0, $0x0  }
0x1c1: {  	[hbm4b:s2+s30] =	stream.indirect_vreg.scatter @!p4 [tilespmem:s25], [sflag:$0x1], $0x1, v3, vm0, $0xb8;
	[tilespmem:$0x3C00] =	vst v63  }
0x1c2: {  	_ = 	snop  }
0x1c3: {  	[hbm4b:s3+s30] =	stream.indirect_vreg.scatter @!p4 [tilespmem:s26], [sflag:$0x1], $0x1, v3, vm0, $0xb8;
	[tilespmem:$0x3C00] =	vst v63  }
0x1c4: {  	s31 =	sadd.s32 $0x10, s31  }
0x1c5: {  	[hbm4b:s4+s30] =	stream.indirect_vreg.scatter @!p4 [tilespmem:s23], [sflag:$0x1], $0x1, v3, vm0, $0xb8;
	[tilespmem:$0x3C00] =	vst v63  }
0x1c6: {  	p5 =	sge.s32 s31, s20  }
0x1c7: {  	v3 =	vlaneseq.u32 @!p5;
	[hbm4b:s5+s30] =	stream.indirect_vreg.scatter @!p4 [tilespmem:s24], [sflag:$0x1], $0x1, v0, vm0, $0xb8;
	[tilespmem:$0x3C00] =	vst v63  }
.Ltmp14:
0x1c8: {  	s19 =	sadd.s32 $0x10, s19;
	s21 =	sadd.s32 $0x10, s21;
	v3 =	vor.u32 @!p5 s31, v3;
	(pc) =	sbr.rel @p0 .LBB2_24-.Ltmp14, $4  }
0x1c9: {  	vm1 =	vlt.s32 @!p5 v3, v1;
	v3 =	vadd.s32 @!p5 v2, v3;
	[hbm4b:s6+s30] =	stream.indirect_vreg.scatter @!p4 [tilespmem:s22], [sflag:$0x1], $0x1, v0, vm0, $0xb8;
	[tilespmem:$0x3C00] =	vst v63  }
0x1ca: {  	s23 =	sadd.s32 $0x10, s23;
	s24 =	sadd.s32 $0x10, s24;
	v3 =	vnsel @!p5 vm1, $0x300, v3;
	s22 =	sadd.s32 $0x10, s22  }
0x1cb: {  	[hbm4b:s7+s30] =	stream.indirect_vreg.scatter @!p4 [tilespmem:s9], [sflag:$0x1], $0x1, v0, vm0, $0xb8;
	[tilespmem:$0x3C00] =	vst v63  }
0x1cc: {  	s28 =	sadd.s32 $0x10, s28;
	s25 =	sadd.s32 $0x10, s25;
	s26 =	sadd.s32 $0x10, s26  }
0x1cd: {  	s0 =	smov.u32 s29  }
0x1ce: {  	v1 =	vmov v0;
	v0 =	vmov v3;
	s18 =	smov.u32 s19;
	s29 =	smov.u32 s21;
	s19 =	rddreg [dreg:$0x7]  }
.LBB2_26:
0x1cf: {  	_ =	sdelay $0x2  }
0x1d0: {  	p0 =	por p4, !p6  }
0x1d1: {  	[hbm4b:s8+s30] =	stream.indirect_vreg.scatter @!p0 [tilespmem:s0], [sflag:$0x1], $0x1, v1, vm0, $0xb8;
	[tilespmem:$0x3C00] =	vst v63  }
0x1d2: {  	vm0 =	vmmov @!p5 $0xffff;
	s0 =	simm.s32 @!p5 $0x0  }
0x1d3: {  	[hbm4b:s1+s0] =	stream.indirect_vreg.scatter @!p5 [tilespmem:s28], [sflag:$0x1], $0x1, v0, vm0, $0xb8;
	[tilespmem:$0x3C00] =	vst v63  }
0x1d4: {  	p0 =	por p5, p5  }
0x1d5: {  	[hbm4b:s2+s0] =	stream.indirect_vreg.scatter @!p0 [tilespmem:s25], [sflag:$0x1], $0x1, v0, vm0, $0xb8;
	[tilespmem:$0x3C00] =	vst v63  }
0x1d6: {  	_ = 	snop  }
0x1d7: {  	[hbm4b:s3+s0] =	stream.indirect_vreg.scatter @!p0 [tilespmem:s26], [sflag:$0x1], $0x1, v0, vm0, $0xb8;
	[tilespmem:$0x3C00] =	vst v63  }
0x1d8: {  	_ = 	snop  }
0x1d9: {  	[hbm4b:s4+s0] =	stream.indirect_vreg.scatter @!p0 [tilespmem:s23], [sflag:$0x1], $0x1, v0, vm0, $0xb8;
	[tilespmem:$0x3C00] =	vst v63  }
0x1da: {  	_ = 	snop  }
0x1db: {  	[hbm4b:s5+s0] =	stream.indirect_vreg.scatter @!p0 [tilespmem:s24], [sflag:$0x1], $0x1, v0, vm0, $0xb8;
	[tilespmem:$0x3C00] =	vst v63  }
0x1dc: {  	_ = 	snop  }
0x1dd: {  	[hbm4b:s6+s0] =	stream.indirect_vreg.scatter @!p0 [tilespmem:s22], [sflag:$0x1], $0x1, v0, vm0, $0xb8;
	[tilespmem:$0x3C00] =	vst v63  }
.Ltmp15:
0x1de: {  	_ = 	snop;
	(pc) =	sbr.rel @!p3 .LBB2_27-.Ltmp15, $4  }
0x1df: {  	_ = 	snop  }
0x1e0: {  	[hbm4b:s7+s0] =	stream.indirect_vreg.scatter @!p0 [tilespmem:s18], [sflag:$0x1], $0x1, v0, vm0, $0xb8;
	[tilespmem:$0x3C00] =	vst v63  }
0x1e1: {  	_ = 	snop  }
0x1e2: {  	[hbm4b:s8+s0] =	stream.indirect_vreg.scatter @!p0 [tilespmem:s29], [sflag:$0x1], $0x1, v0, vm0, $0xb8;
	[tilespmem:$0x3C00] =	vst v63  }
0x1e3: {  	s22 =	simm.s32 @!p2 $0x1  }
0x1e4: {  	p3 =	por p2, p2;
	_ =	swait.ge @!p2 [sflag:s22], $0x10  }
0x1e5: {  	[sflag:s22] =	ssyncset.done @!p3 $0x0  }
0x1e6: {  	[sflag:s22] =	ssyncadd.s32 @!p3 $0xFFFFFFF0  }
0x1e7: {  	_ =	swait.ge @!p3 [sflag:s22], $0x10  }
0x1e8: {  	[sflag:s22] =	ssyncset.done @!p3 $0x0  }
0x1e9: {  	[sflag:s22] =	ssyncadd.s32 @!p3 $0xFFFFFFF0  }
0x1ea: {  	_ =	swait.ge @!p3 [sflag:s22], $0x10  }
0x1eb: {  	[sflag:s22] =	ssyncset.done @!p3 $0x0  }
0x1ec: {  	[sflag:s22] =	ssyncadd.s32 @!p3 $0xFFFFFFF0  }
0x1ed: {  	_ =	swait.ge @!p3 [sflag:s22], $0x10  }
0x1ee: {  	[sflag:s22] =	ssyncset.done @!p3 $0x0  }
0x1ef: {  	[sflag:s22] =	ssyncadd.s32 @!p3 $0xFFFFFFF0  }
0x1f0: {  	_ =	swait.ge @!p3 [sflag:s22], $0x10  }
0x1f1: {  	[sflag:s22] =	ssyncset.done @!p3 $0x0  }
0x1f2: {  	[sflag:s22] =	ssyncadd.s32 @!p3 $0xFFFFFFF0  }
0x1f3: {  	_ =	swait.ge @!p3 [sflag:s22], $0x10  }
0x1f4: {  	[sflag:s22] =	ssyncset.done @!p3 $0x0  }
0x1f5: {  	[sflag:s22] =	ssyncadd.s32 @!p3 $0xFFFFFFF0  }
0x1f6: {  	s0 =	sadd.s32 $0xFFFFFFFF, s19;
	_ =	swait.ge @!p3 [sflag:s22], $0x10  }
0x1f7: {  	p0 =	sne.s32 s0, $0x0;
	[sflag:s22] =	ssyncset.done @!p3 $0x0  }
.Ltmp16:
0x1f8: {  	[sflag:s22] =	ssyncadd.s32 @!p3 $0xFFFFFFF0;
	(pc) =	sbr.rel @!p0 .LBB2_30-.Ltmp16, $4  }
0x1f9: {  	_ =	swait.ge @!p3 [sflag:s22], $0x10  }
0x1fa: {  	[sflag:s22] =	ssyncset.done @!p3 $0x0  }
0x1fb: {  	s19 =	simm.s32 $0x10;
	p1 =	por $0x1, $0x1;
	s30 =	rddreg [dreg:$0x4]  }
0x1fc: {  	s1 =	stileid.u32;
	p2 =	sle.s32 s20, $0x10;
	s28 =	rddreg [dreg:$0x2]  }
.LBB2_29:
0x1fd: {  	s0 =	sadd.s32 $0xFFFFFFFF, s0;
	[sflag:s22] =	ssyncadd.s32 @!p3 $0xFFFFFFF0;
	s22 =	simm.s32 @!p2 $0x1  }
0x1fe: {  	p3 =	por p2, p2;
	p4 =	sne.s32 s0, $0x0;
	_ =	swait.ge @!p2 [sflag:s22], $0x10  }
0x1ff: {  	[sflag:s22] =	ssyncset.done @!p3 $0x0  }
0x200: {  	[sflag:s22] =	ssyncadd.s32 @!p3 $0xFFFFFFF0  }
0x201: {  	_ =	swait.ge @!p3 [sflag:s22], $0x10  }
0x202: {  	[sflag:s22] =	ssyncset.done @!p3 $0x0  }
0x203: {  	[sflag:s22] =	ssyncadd.s32 @!p3 $0xFFFFFFF0  }
0x204: {  	_ =	swait.ge @!p3 [sflag:s22], $0x10  }
0x205: {  	[sflag:s22] =	ssyncset.done @!p3 $0x0  }
0x206: {  	[sflag:s22] =	ssyncadd.s32 @!p3 $0xFFFFFFF0  }
0x207: {  	_ =	swait.ge @!p3 [sflag:s22], $0x10  }
0x208: {  	[sflag:s22] =	ssyncset.done @!p3 $0x0  }
0x209: {  	[sflag:s22] =	ssyncadd.s32 @!p3 $0xFFFFFFF0  }
0x20a: {  	_ =	swait.ge @!p3 [sflag:s22], $0x10  }
0x20b: {  	[sflag:s22] =	ssyncset.done @!p3 $0x0  }
0x20c: {  	[sflag:s22] =	ssyncadd.s32 @!p3 $0xFFFFFFF0  }
0x20d: {  	_ =	swait.ge @!p3 [sflag:s22], $0x10  }
0x20e: {  	[sflag:s22] =	ssyncset.done @!p3 $0x0  }
0x20f: {  	[sflag:s22] =	ssyncadd.s32 @!p3 $0xFFFFFFF0  }
.Ltmp17:
0x210: {  	_ =	swait.ge @!p3 [sflag:s22], $0x10;
	(pc) =	sbr.rel @p4 .LBB2_29-.Ltmp17, $4  }
0x211: {  	[sflag:s22] =	ssyncset.done @!p3 $0x0  }
0x212: {  	[sflag:s22] =	ssyncadd.s32 @!p3 $0xFFFFFFF0  }
0x213: {  	s19 =	sadd.s32 $0x10, s19;
	_ =	swait.ge @!p3 [sflag:s22], $0x10  }
0x214: {  	p2 =	sge.s32 s19, s20;
	[sflag:s22] =	ssyncset.done @!p3 $0x0  }
.LBB2_30:
0x215: {  	p0 =	por p3, !p1  }
0x216: {  	s0 =	simm.s32 @!p2 $0x1;
	[sflag:s22] =	ssyncadd.s32 @!p0 $0xFFFFFFF0  }
0x217: {  	p0 =	por p2, p2;
	_ =	swait.ge @!p2 [sflag:s0], $0x10  }
0x218: {  	[sflag:s0] =	ssyncset.done @!p0 $0x0  }
0x219: {  	[sflag:s0] =	ssyncadd.s32 @!p0 $0xFFFFFFF0  }
0x21a: {  	_ =	swait.ge @!p0 [sflag:s0], $0x10  }
0x21b: {  	[sflag:s0] =	ssyncset.done @!p0 $0x0  }
0x21c: {  	[sflag:s0] =	ssyncadd.s32 @!p0 $0xFFFFFFF0  }
0x21d: {  	_ =	swait.ge @!p0 [sflag:s0], $0x10  }
0x21e: {  	[sflag:s0] =	ssyncset.done @!p0 $0x0  }
0x21f: {  	[sflag:s0] =	ssyncadd.s32 @!p0 $0xFFFFFFF0  }
0x220: {  	_ =	swait.ge @!p0 [sflag:s0], $0x10  }
0x221: {  	[sflag:s0] =	ssyncset.done @!p0 $0x0  }
0x222: {  	[sflag:s0] =	ssyncadd.s32 @!p0 $0xFFFFFFF0  }
0x223: {  	_ =	swait.ge @!p0 [sflag:s0], $0x10  }
0x224: {  	[sflag:s0] =	ssyncset.done @!p0 $0x0  }
0x225: {  	[sflag:s0] =	ssyncadd.s32 @!p0 $0xFFFFFFF0  }
0x226: {  	_ =	swait.ge @!p0 [sflag:s0], $0x10  }
0x227: {  	[sflag:s0] =	ssyncset.done @!p0 $0x0  }
0x228: {  	[sflag:s0] =	ssyncadd.s32 @!p0 $0xFFFFFFF0  }
0x229: {  	_ =	swait.ge @!p0 [sflag:s0], $0x10  }
0x22a: {  	[sflag:s0] =	ssyncset.done @!p0 $0x0  }
0x22b: {  	p1 =	slt.u32 s1, $0x8;
	[sflag:s0] =	ssyncadd.s32 @!p0 $0xFFFFFFF0  }
.Ltmp18:
0x22c: {  	_ =	swait.ge @!p0 [sflag:s0], $0x10;
	(pc) =	sbr.rel @p1 .LBB2_57-.Ltmp18, $3  }
0x22d: {  	s31 =	sld [smem:$0x7FD];
	_ =	sdelay $0x1  }
0x22e: {  	[sflag:s0] =	ssyncset.done @!p0 $0x0  }
0x22f: {  	[sflag:s0] =	ssyncadd.s32 @!p0 $0xFFFFFFF0;
	p2 =	seq.s32 s31, $0x1  }
.LBB2_31:
0x230: {  	s0 =	sadd.s32 $0xFFFF0000, s17  }
0x231: {  	s0 =	sshrl.u32 s0, $0x3  }
0x232: {  	s0 =	sadd.s32 s0, s10  }
0x233: {  	s9 =	simm.s32 $0x0;
	s24 =	simm.s32 $0x4;
	s0 =	sadd.s32 $0xFE00, s0  }
0x234: {  	[tilespmem:s9], [sflag:$0x4] =	stream.linear.gather [hbm4b:s0+s9], $0x2000, $0x38;
	[tilespmem:$0x3C00] =	vst v63  }
0x235: {  	_ =	swait.ge [sflag:s24], $0x2000  }
0x236: {  	[sflag:s24] =	ssyncset.done $0x0  }
0x237: {  	v2 =	vimm.s32 $0x0;
	[sflag:s24] =	ssyncadd.s32 $0xFFFFE000  }
0x238: {  	[tilespmem:$0x2000] =	vst v2  }
0x239: {  	[tilespmem:$0x2010] =	vst v2  }
0x23a: {  	[tilespmem:$0x2020] =	vst v2  }
0x23b: {  	[tilespmem:$0x2030] =	vst v2  }
0x23c: {  	[tilespmem:$0x2040] =	vst v2  }
0x23d: {  	[tilespmem:$0x2050] =	vst v2  }
0x23e: {  	[tilespmem:$0x2060] =	vst v2  }
0x23f: {  	[tilespmem:$0x2070] =	vst v2  }
0x240: {  	[tilespmem:$0x2080] =	vst v2  }
0x241: {  	[tilespmem:$0x2090] =	vst v2  }
0x242: {  	[tilespmem:$0x20A0] =	vst v2  }
0x243: {  	[tilespmem:$0x20B0] =	vst v2  }
0x244: {  	[tilespmem:$0x20C0] =	vst v2  }
0x245: {  	[tilespmem:$0x20D0] =	vst v2  }
0x246: {  	[tilespmem:$0x20E0] =	vst v2  }
0x247: {  	[tilespmem:$0x20F0] =	vst v2  }
0x248: {  	[tilespmem:$0x2100] =	vst v2  }
0x249: {  	[tilespmem:$0x2110] =	vst v2  }
0x24a: {  	[tilespmem:$0x2120] =	vst v2  }
0x24b: {  	[tilespmem:$0x2130] =	vst v2  }
0x24c: {  	[tilespmem:$0x2140] =	vst v2  }
0x24d: {  	[tilespmem:$0x2150] =	vst v2  }
0x24e: {  	[tilespmem:$0x2160] =	vst v2  }
0x24f: {  	[tilespmem:$0x2170] =	vst v2  }
0x250: {  	[tilespmem:$0x2180] =	vst v2  }
0x251: {  	[tilespmem:$0x2190] =	vst v2  }
0x252: {  	[tilespmem:$0x21A0] =	vst v2  }
0x253: {  	[tilespmem:$0x21B0] =	vst v2  }
0x254: {  	[tilespmem:$0x21C0] =	vst v2  }
0x255: {  	[tilespmem:$0x21D0] =	vst v2  }
0x256: {  	[tilespmem:$0x21E0] =	vst v2  }
0x257: {  	[tilespmem:$0x21F0] =	vst v2  }
0x258: {  	[tilespmem:$0x2200] =	vst v2  }
0x259: {  	[tilespmem:$0x2210] =	vst v2  }
0x25a: {  	[tilespmem:$0x2220] =	vst v2  }
0x25b: {  	[tilespmem:$0x2230] =	vst v2  }
0x25c: {  	[tilespmem:$0x2240] =	vst v2  }
0x25d: {  	[tilespmem:$0x2250] =	vst v2  }
0x25e: {  	[tilespmem:$0x2260] =	vst v2  }
0x25f: {  	[tilespmem:$0x2270] =	vst v2  }
0x260: {  	[tilespmem:$0x2280] =	vst v2  }
0x261: {  	[tilespmem:$0x2290] =	vst v2  }
0x262: {  	[tilespmem:$0x22A0] =	vst v2  }
0x263: {  	[tilespmem:$0x22B0] =	vst v2  }
0x264: {  	s25 =	sadd.s32 $0x0, s17;
	[tilespmem:$0x22C0] =	vst v2  }
0x265: {  	s1 =	smov.u32 s28;
	v0 =	vlaneseq.u32;
	s26 =	sadd.s32 $0xFFFF0070, s25;
	[tilespmem:$0x22D0] =	vst v2  }
0x266: {  	v3 =	vmul.u32 $0xFFFFFFFF, v0;
	s28 =	sadd.s32 $0xFFFF0050, s25;
	s19 =	sadd.s32 $0xFFFF0060, s25;
	s29 =	sadd.s32 $0xFFFF0020, s25;
	v4 =	vmov s26;
	v1 =	vld [tilespmem:$0x3B80];
	[tilespmem:$0x22E0] =	vst v2  }
0x267: {  	s20 =	sadd.s32 $0xFFFF0030, s25;
	s21 =	sadd.s32 $0xFFFF0040, s25;
	v6 =	vmov s28;
	v7 =	vmov s19;
	v9 =	vmov s29;
	[tilespmem:$0x22F0] =	vst v2  }
0x268: {  	s18 =	simm.s32 $0x40;
	s31 =	sadd.s32 $0xFFFF0000, s25;
	v10 =	vmov s20;
	v5 =	vmov s21;
	v3 =	vadd.s32 $0xFFFF, v3;
	[tilespmem:$0x2300] =	vst v2  }
0x269: {  	v11 =	vmov s31;
	v4 =	vsub.s32 v3, v4;
	v14 =	vsub.s32 v3, v5;
	v12 =	vld [tilespmem:s18+$0x30]  }
0x26a: {  	s0 =	sadd.s32 $0xFFFF0010, s25;
	v15 =	vsub.s32 v3, v6;
	v16 =	vsub.s32 v3, v7;
	v17 =	vsub.s32 v3, v9;
	v8 =	vld [tilespmem:s18+$0x20]  }
0x26b: {  	v13 =	vmov s0;
	v5 =	vld [tilespmem:s18+$0x10];
	v0 =	vbroadcast v1, $0x2;
	v1 =	vbroadcast v1, $0x3  }
0x26c: {  	v9 =	vsub.s32 v3, v10;
	v10 =	vsub.s32 v3, v11;
	v13 =	vsub.s32 v3, v13;
	v6 =	vld [tilespmem:s18+$0x0]  }
0x26d: {  	v7 =	vld [tilespmem:s18+$0xFFFFFFF0];
	vm8 =	vge.s32 v16, v1;
	vm10 =	vge.s32 v4, v1;
	vm12 =	vge.s32 v9, v1  }
0x26e: {  	v11 =	vld [tilespmem:s18+$0xFFFFFFC0];
	vm6 =	vge.s32 v14, v1;
	vm4 =	vge.s32 v15, v1;
	vm9 =	vge.s32 v10, v1  }
0x26f: {  	v9 =	vld [tilespmem:s18+$0xFFFFFFE0];
	vm7 =	vge.s32 v13, v1;
	vm14 =	vge.s32 v17, v1;
	vm11 =	vgt.s32 v8, v0  }
0x270: {  	s19 =	simm.s32 $0x80;
	v10 =	vld [tilespmem:s18+$0xFFFFFFD0];
	vm5 =	vgt.s32 v12, v0;
	vm13 =	veq.s32 v12, v0;
	v4 =	vimm.s32 $0x0  }
.LBB2_32:
0x271: {  	v12 =	vimm.s32 $0x0  }
0x272: {  	v59 =	vimm.s32 $0x0;
	v60 =	vimm.s32 $0x0;
	v12 =	vsel vm14, $0xFFFFFFFF, v12  }
0x273: {  	v61 =	vimm.s32 $0x0;
	v62 =	vimm.s32 $0x0;
	[tilespmem:$0x1FF10] =	vst v12;
	v12 =	vsel vm11, $0xFFFFFFFF, v59  }
0x274: {  	vm14 =	veq.s32 v8, v0;
	[tilespmem:$0x1FF60] =	vst v12;
	v12 =	vsel vm5, $0xFFFFFFFF, v60;
	vm0 =	vgt.s32 v6, v0  }
0x275: {  	v8 =	vimm.s32 $0x0;
	[tilespmem:$0x1FF70] =	vst v12;
	v12 =	vsel vm0, $0xFFFFFFFF, v61;
	vm0 =	vgt.s32 v5, v0  }
0x276: {  	vm1 =	vgt.s32 v10, v0;
	[tilespmem:$0x1FF40] =	vst v12;
	v12 =	vsel vm0, $0xFFFFFFFF, v62;
	vm0 =	vgt.s32 v7, v0  }
0x277: {  	v8 =	vsel vm0, $0xFFFFFFFF, v8;
	vm0 =	veq.s32 v5, v0;
	v5 =	vimm.s32 $0x0  }
0x278: {  	v5 =	vsel vm1, $0xFFFFFFFF, v5  }
0x279: {  	[tilespmem:$0x1FF00] =	vst v5  }
0x27a: {  	vm15 =	veq.s32 v6, v0;
	v6 =	vld [tilespmem:$0x1FF00];
	_ =	sdelay $0x1  }
0x27b: {  	vm2 =	vgt.s32 v11, v0;
	vm3 =	veq.s32 v11, v0  }
0x27c: {  	vm3 =	vmand vm9, vm3;
	vm1 =	vgt.s32 v9, v0;
	v5 =	vimm.s32 $0x0  }
0x27d: {  	vm2 =	vmor vm2, vm3;
	v5 =	vsel vm1, $0xFFFFFFFF, v5  }
0x27e: {  	[tilespmem:$0x1FF20] =	vst v5;
	v5 =	vsel vm2, $0x1, v2;
	vm2 =	vnez.u8 v6;
	v6 =	vld [tilespmem:$0x1FF10];
	_ =	sdelay $0x2  }
0x27f: {  	vm5 =	vmmov vm12;
	vm12 =	veq.s32 v10, v0  }
0x280: {  	vm3 =	vmand vm7, vm12  }
0x281: {  	vm2 =	vmor vm2, vm3;
	vm3 =	vnez.u8 v6;
	v6 =	vld [tilespmem:$0x1FF20];
	_ =	sdelay $0x3  }
0x282: {  	[tilespmem:$0x1FF30] =	vst v8  }
0x283: {  	v4 =	vadd.s32 v5, v4;
	v5 =	vsel vm2, $0x1, v2;
	vm2 =	vnez.u8 v6;
	v6 =	vld [tilespmem:$0x1FF30];
	_ =	sdelay $0x1  }
0x284: {  	vm11 =	veq.s32 v9, v0  }
0x285: {  	vm3 =	vmand vm3, vm11  }
0x286: {  	vm2 =	vmor vm2, vm3  }
0x287: {  	v4 =	vadd.s32 v5, v4;
	v5 =	vsel vm2, $0x1, v2;
	vm2 =	vnez.u8 v6;
	v6 =	vld [tilespmem:$0x1FF40];
	_ =	sdelay $0x1  }
0x288: {  	vm1 =	veq.s32 v7, v0  }
0x289: {  	vm1 =	vmand vm5, vm1  }
0x28a: {  	[tilespmem:$0x1FF50] =	vst v12;
	vm1 =	vmor vm2, vm1  }
0x28b: {  	v4 =	vadd.s32 v5, v4;
	v5 =	vsel vm1, $0x1, v2;
	vm1 =	vnez.u8 v6;
	v6 =	vld [tilespmem:$0x1FF50];
	_ =	sdelay $0x1  }
0x28c: {  	s0 =	sadd.s32 s19, s17  }
0x28d: {  	vm10 =	vmand vm10, vm13;
	s9 =	sadd.s32 $0xFFFF0070, s0;
	s22 =	sadd.s32 $0xFFFF0040, s0;
	vm6 =	vmand vm6, vm15  }
0x28e: {  	s10 =	sadd.s32 $0xFFFF0050, s0;
	s20 =	sadd.s32 $0xFFFF0060, s0;
	s29 =	sadd.s32 $0xFFFF0020, s0;
	vm8 =	vmand vm8, vm14;
	v13 =	vmov s22;
	vm1 =	vmor vm1, vm6  }
0x28f: {  	s21 =	sadd.s32 $0xFFFF0030, s0;
	s31 =	sadd.s32 $0xFFFF0000, s0;
	s0 =	sadd.s32 $0xFFFF0010, s0;
	v4 =	vadd.s32 v5, v4;
	v5 =	vsel vm1, $0x1, v2;
	vm1 =	vnez.u8 v6;
	v6 =	vld [tilespmem:$0x1FF60]  }
0x290: {  	s18 =	sadd.s32 $0x80, s18;
	v14 =	vmov s31;
	v15 =	vmov s0;
	v13 =	vsub.s32 v3, v13  }
0x291: {  	v63 =	vld [tilespmem:s18+$0x30];
	v15 =	vsub.s32 v3, v15;
	v14 =	vsub.s32 v3, v14;
	v10 =	vmov s29  }
0x292: {  	v11 =	vmov s21;
	v19 =	vsub.s32 v3, v10;
	vm0 =	vmand vm4, vm0  }
0x293: {  	v11 =	vsub.s32 v3, v11;
	vm9 =	vge.s32 v14, v1;
	v8 =	vld [tilespmem:s18+$0x20];
	vm0 =	vmor vm1, vm0  }
0x294: {  	v4 =	vadd.s32 v5, v4;
	v5 =	vsel vm0, $0x1, v2;
	vm0 =	vnez.u8 v6;
	v6 =	vld [tilespmem:$0x1FF70]  }
0x295: {  	vm12 =	vge.s32 v11, v1;
	vm7 =	vge.s32 v15, v1;
	vm14 =	vge.s32 v19, v1  }
0x296: {  	vm13 =	veq.s32 v63, v0;
	v9 =	vmov s20;
	v7 =	vmov s10  }
0x297: {  	p1 =	sne.s32 s19, $0x1F80;
	v10 =	vld [tilespmem:s18+$0xFFFFFFD0];
	v18 =	vsub.s32 v3, v9;
	v17 =	vsub.s32 v3, v7;
	vm5 =	vgt.s32 v63, v0  }
.Ltmp19:
0x298: {  	v11 =	vld [tilespmem:s18+$0xFFFFFFC0];
	vm4 =	vge.s32 v17, v1;
	vm11 =	vgt.s32 v8, v0;
	vm0 =	vmor vm0, vm8;
	(pc) =	sbr.rel @p1 .LBB2_32-.Ltmp19, $4  }
0x299: {  	v9 =	vld [tilespmem:s18+$0xFFFFFFE0];
	v4 =	vadd.s32 v5, v4;
	v5 =	vsel vm0, $0x1, v2;
	vm0 =	vnez.u8 v6  }
0x29a: {  	v7 =	vld [tilespmem:s18+$0xFFFFFFF0];
	vm6 =	vge.s32 v13, v1;
	v6 =	vmov s9;
	vm0 =	vmor vm0, vm10  }
0x29b: {  	v4 =	vadd.s32 v5, v4;
	v16 =	vsub.s32 v3, v6;
	v6 =	vld [tilespmem:s18+$0x0];
	v5 =	vsel vm0, $0x1, v2  }
0x29c: {  	s19 =	sadd.s32 $0x80, s19;
	vm8 =	vge.s32 v18, v1;
	vm10 =	vge.s32 v16, v1;
	v4 =	vadd.s32 v5, v4;
	v5 =	vld [tilespmem:s18+$0x10]  }
0x29d: {  	vm0 =	veq.s32 v8, v0;
	vm10 =	vmand vm10, vm13;
	vm2 =	veq.s32 v11, v0  }
0x29e: {  	vm15 =	vgt.s32 v11, v0;
	vm8 =	vmand vm8, vm0;
	vm2 =	vmand vm9, vm2  }
0x29f: {  	vm9 =	veq.s32 v10, v0;
	vm13 =	veq.s32 v9, v0;
	vm3 =	veq.s32 v7, v0  }
0x2a0: {  	vm2 =	vmor vm15, vm2;
	vm15 =	vgt.s32 v7, v0;
	vm1 =	veq.s32 v6, v0  }
0x2a1: {  	vm3 =	vmand vm12, vm3;
	vm12 =	vgt.s32 v10, v0;
	v3 =	vsel vm2, $0x1, v2  }
0x2a2: {  	vm2 =	vmand vm14, vm13;
	vm14 =	vgt.s32 v9, v0;
	vm0 =	veq.s32 v5, v0  }
0x2a3: {  	vm1 =	vmand vm6, vm1;
	vm0 =	vmand vm4, vm0;
	vm4 =	vmand vm7, vm9  }
0x2a4: {  	vm2 =	vmor vm14, vm2;
	vm6 =	vmor vm15, vm3;
	vm4 =	vmor vm12, vm4  }
0x2a5: {  	v3 =	vadd.s32 v3, v4;
	v7 =	vsel vm2, $0x1, v2;
	v8 =	vsel vm4, $0x1, v2  }
0x2a6: {  	v4 =	vsel vm6, $0x1, v2;
	vm7 =	vgt.s32 v6, v0;
	v3 =	vadd.s32 v8, v3  }
0x2a7: {  	vm9 =	vgt.s32 v5, v0;
	vm1 =	vmor vm7, vm1;
	v3 =	vadd.s32 v7, v3  }
0x2a8: {  	vm0 =	vmor vm9, vm0;
	v5 =	vsel vm1, $0x1, v2;
	v3 =	vadd.s32 v4, v3  }
0x2a9: {  	vm11 =	vmor vm11, vm8;
	v4 =	vsel vm0, $0x1, v2;
	v3 =	vadd.s32 v5, v3  }
0x2aa: {  	vm12 =	vmor vm5, vm10;
	v5 =	vsel vm11, $0x1, v2;
	v3 =	vadd.s32 v4, v3  }
0x2ab: {  	v2 =	vsel vm12, $0x1, v2;
	v3 =	vadd.s32 v5, v3  }
0x2ac: {  	v2 =	vadd.s32 v2, v3  }
0x2ad: {  	(v2sf) =	vpush v2, $0x0  }
0x2ae: {  	(v2sf) =	vpush v2, $0x1  }
0x2af: {  	(v2sf) =	vpush v2, $0x2  }
0x2b0: {  	(v2sf) =	vpush v2, $0x3  }
0x2b1: {  	(v2sf) =	vpush v2, $0x4  }
0x2b2: {  	(v2sf) =	vpush v2, $0x5  }
0x2b3: {  	(v2sf) =	vpush v2, $0x6  }
0x2b4: {  	(v2sf) =	vpush v2, $0x7  }
0x2b5: {  	(v2sf) =	vpush v2, $0x8  }
0x2b6: {  	(v2sf) =	vpush v2, $0x9  }
0x2b7: {  	(v2sf) =	vpush v2, $0xA  }
0x2b8: {  	(v2sf) =	vpush v2, $0xB  }
0x2b9: {  	(v2sf) =	vpush v2, $0xC  }
0x2ba: {  	(v2sf) =	vpush v2, $0xD  }
0x2bb: {  	(v2sf) =	vpush v2, $0xE  }
0x2bc: {  	v3 =	vlaneseq.u32;
	v4 =	vbroadcast v2, $0x0;
	s0 =	spop (v2sf)  }
0x2bd: {  	vm13 =	veq.s32 v3, $0x0;
	s9 =	spop (v2sf)  }
0x2be: {  	vm14 =	veq.s32 v3, $0x2;
	v4 =	vsel vm13, $0x0, v4;
	s10 =	spop (v2sf);
	s0 =	sadd.s32 s9, s0  }
0x2bf: {  	vm15 =	veq.s32 v3, $0x3;
	s18 =	spop (v2sf);
	v4 =	vsel vm14, s0, v4;
	s0 =	sadd.s32 s10, s0  }
0x2c0: {  	vm4 =	veq.s32 v3, $0x4;
	s19 =	spop (v2sf);
	v4 =	vsel vm15, s0, v4;
	s0 =	sadd.s32 s18, s0  }
0x2c1: {  	vm5 =	veq.s32 v3, $0x5;
	s20 =	spop (v2sf);
	v4 =	vsel vm4, s0, v4;
	s0 =	sadd.s32 s19, s0  }
0x2c2: {  	vm6 =	veq.s32 v3, $0x6;
	s21 =	spop (v2sf);
	v4 =	vsel vm5, s0, v4;
	s0 =	sadd.s32 s20, s0  }
0x2c3: {  	vm7 =	veq.s32 v3, $0x7;
	s22 =	spop (v2sf);
	v4 =	vsel vm6, s0, v4;
	s0 =	sadd.s32 s21, s0  }
0x2c4: {  	vm8 =	veq.s32 v3, $0x8;
	s23 =	spop (v2sf);
	v4 =	vsel vm7, s0, v4;
	s0 =	sadd.s32 s22, s0  }
0x2c5: {  	vm9 =	veq.s32 v3, $0x9;
	s24 =	spop (v2sf);
	v4 =	vsel vm8, s0, v4;
	s0 =	sadd.s32 s23, s0  }
0x2c6: {  	vm10 =	veq.s32 v3, $0xA;
	s25 =	spop (v2sf);
	v4 =	vsel vm9, s0, v4;
	s0 =	sadd.s32 s24, s0  }
0x2c7: {  	vm11 =	veq.s32 v3, $0xB;
	s26 =	spop (v2sf);
	v4 =	vsel vm10, s0, v4;
	s0 =	sadd.s32 s25, s0  }
0x2c8: {  	vm12 =	veq.s32 v3, $0xC;
	s28 =	spop (v2sf);
	v4 =	vsel vm11, s0, v4;
	s0 =	sadd.s32 s26, s0  }
0x2c9: {  	vm13 =	veq.s32 v3, $0xD;
	s29 =	spop (v2sf);
	v4 =	vsel vm12, s0, v4;
	s0 =	sadd.s32 s28, s0  }
0x2ca: {  	v6 =	vmul.u32 $0xFFFFFFFF, v3;
	vm14 =	veq.s32 v3, $0xE;
	v4 =	vsel vm13, s0, v4;
	s0 =	sadd.s32 s29, s0;
	s31 =	spop (v2sf)  }
0x2cb: {  	v7 =	vimm.s32 $0x0;
	vm15 =	veq.s32 v3, $0xF;
	v4 =	vsel vm14, s0, v4;
	s18 =	sadd.s32 s31, s0  }
0x2cc: {  	v5 =	vimm.s32 $0x0;
	v6 =	vadd.s32 $0xFFFF, v6;
	s19 =	simm.s32 $0x0;
	s20 =	simm.s32 $0x40;
	s21 =	simm.s32 $0x2000;
	v4 =	vsel vm15, s18, v4  }
.LBB2_34:
0x2cd: {  	v8 =	vld [tilespmem:s20+$0xFFFFFFC0]  }
0x2ce: {  	s22 =	sadd.s32 s19, s17  }
0x2cf: {  	s0 =	sadd.s32 $0xFFFF0000, s22  }
0x2d0: {  	v9 =	vmov s0  }
0x2d1: {  	v9 =	vsub.s32 v6, v9  }
0x2d2: {  	vm1 =	vge.s32 v9, v1;
	vm0 =	veq.s32 v8, v0  }
0x2d3: {  	vm2 =	vgt.s32 v8, v0;
	vm0 =	vmand vm1, vm0  }
0x2d4: {  	v8 =	vadd.s32 v4, v7;
	vm0 =	vmor vm2, vm0  }
0x2d5: {  	v8 =	vnsel vm0, $0x300, v8;
	_ =	sdelay $0x3  }
0x2d6: {  	v42 =	vor.u32 s0, v3  }
0x2d7: {  	[tilespmem:v8+s21+$0x0] =	vst.idx.msk $0xffff, v42  }
0x2d8: {  	v8 =	vld [tilespmem:s20+$0xFFFFFFD0];
	_ =	sdelay $0x1  }
0x2d9: {  	s23 =	sadd.s32 $0xFFFF0010, s22  }
0x2da: {  	v43 =	vmov s23  }
0x2db: {  	v9 =	vsub.s32 v6, v43  }
0x2dc: {  	vm8 =	vge.s32 v9, v1;
	v10 =	vsel vm0, $0x1, v5;
	vm7 =	veq.s32 v8, v0  }
0x2dd: {  	v7 =	vadd.s32 v10, v7;
	vm9 =	vgt.s32 v8, v0;
	vm0 =	vmand vm8, vm7  }
0x2de: {  	v8 =	vadd.s32 v4, v7;
	vm0 =	vmor vm9, vm0  }
0x2df: {  	v8 =	vnsel vm0, $0x300, v8;
	_ =	sdelay $0x3  }
0x2e0: {  	v44 =	vor.u32 s23, v3  }
0x2e1: {  	[tilespmem:v8+s21+$0x0] =	vst.idx.msk $0xffff, v44  }
0x2e2: {  	v8 =	vld [tilespmem:s20+$0xFFFFFFE0];
	_ =	sdelay $0x1  }
0x2e3: {  	s24 =	sadd.s32 $0xFFFF0020, s22  }
0x2e4: {  	v45 =	vmov s24  }
0x2e5: {  	v9 =	vsub.s32 v6, v45  }
0x2e6: {  	vm11 =	vge.s32 v9, v1;
	v46 =	vsel vm0, $0x1, v5;
	vm10 =	veq.s32 v8, v0  }
0x2e7: {  	v7 =	vadd.s32 v46, v7;
	vm12 =	vgt.s32 v8, v0;
	vm0 =	vmand vm11, vm10  }
0x2e8: {  	v8 =	vadd.s32 v4, v7;
	vm0 =	vmor vm12, vm0  }
0x2e9: {  	v8 =	vnsel vm0, $0x300, v8;
	_ =	sdelay $0x3  }
0x2ea: {  	v47 =	vor.u32 s24, v3  }
0x2eb: {  	[tilespmem:v8+s21+$0x0] =	vst.idx.msk $0xffff, v47  }
0x2ec: {  	v8 =	vld [tilespmem:s20+$0xFFFFFFF0];
	_ =	sdelay $0x1  }
0x2ed: {  	s25 =	sadd.s32 $0xFFFF0030, s22  }
0x2ee: {  	v48 =	vmov s25  }
0x2ef: {  	v9 =	vsub.s32 v6, v48  }
0x2f0: {  	vm14 =	vge.s32 v9, v1;
	v49 =	vsel vm0, $0x1, v5;
	vm13 =	veq.s32 v8, v0  }
0x2f1: {  	v7 =	vadd.s32 v49, v7;
	vm15 =	vgt.s32 v8, v0;
	vm0 =	vmand vm14, vm13  }
0x2f2: {  	v8 =	vadd.s32 v4, v7;
	vm0 =	vmor vm15, vm0  }
0x2f3: {  	v8 =	vnsel vm0, $0x300, v8;
	_ =	sdelay $0x3  }
0x2f4: {  	v50 =	vor.u32 s25, v3  }
0x2f5: {  	[tilespmem:v8+s21+$0x0] =	vst.idx.msk $0xffff, v50  }
0x2f6: {  	v8 =	vld [tilespmem:s20+$0x0];
	_ =	sdelay $0x1  }
0x2f7: {  	s26 =	sadd.s32 $0xFFFF0040, s22  }
0x2f8: {  	v51 =	vmov s26  }
0x2f9: {  	v9 =	vsub.s32 v6, v51  }
0x2fa: {  	vm5 =	vge.s32 v9, v1;
	v52 =	vsel vm0, $0x1, v5;
	vm4 =	veq.s32 v8, v0  }
0x2fb: {  	v7 =	vadd.s32 v52, v7;
	vm6 =	vgt.s32 v8, v0;
	vm0 =	vmand vm5, vm4  }
0x2fc: {  	v8 =	vadd.s32 v4, v7;
	vm0 =	vmor vm6, vm0  }
0x2fd: {  	v8 =	vnsel vm0, $0x300, v8;
	_ =	sdelay $0x3  }
0x2fe: {  	v53 =	vor.u32 s26, v3  }
0x2ff: {  	[tilespmem:v8+s21+$0x0] =	vst.idx.msk $0xffff, v53  }
0x300: {  	v8 =	vld [tilespmem:s20+$0x10];
	_ =	sdelay $0x1  }
0x301: {  	s28 =	sadd.s32 $0xFFFF0050, s22  }
0x302: {  	v54 =	vmov s28  }
0x303: {  	v9 =	vsub.s32 v6, v54  }
0x304: {  	vm8 =	vge.s32 v9, v1;
	v55 =	vsel vm0, $0x1, v5;
	vm7 =	veq.s32 v8, v0  }
0x305: {  	v7 =	vadd.s32 v55, v7;
	vm9 =	vgt.s32 v8, v0;
	vm0 =	vmand vm8, vm7  }
0x306: {  	v8 =	vadd.s32 v4, v7;
	vm0 =	vmor vm9, vm0  }
0x307: {  	v8 =	vnsel vm0, $0x300, v8;
	_ =	sdelay $0x3  }
0x308: {  	v56 =	vor.u32 s28, v3  }
0x309: {  	[tilespmem:v8+s21+$0x0] =	vst.idx.msk $0xffff, v56  }
0x30a: {  	v8 =	vld [tilespmem:s20+$0x20];
	_ =	sdelay $0x1  }
0x30b: {  	s29 =	sadd.s32 $0xFFFF0060, s22  }
0x30c: {  	v57 =	vmov s29  }
0x30d: {  	v9 =	vsub.s32 v6, v57  }
0x30e: {  	vm11 =	vge.s32 v9, v1;
	v58 =	vsel vm0, $0x1, v5;
	vm10 =	veq.s32 v8, v0  }
0x30f: {  	v7 =	vadd.s32 v58, v7;
	vm12 =	vgt.s32 v8, v0;
	vm0 =	vmand vm11, vm10  }
0x310: {  	v8 =	vadd.s32 v4, v7;
	vm0 =	vmor vm12, vm0  }
0x311: {  	v8 =	vnsel vm0, $0x300, v8;
	_ =	sdelay $0x3  }
0x312: {  	v59 =	vor.u32 s29, v3  }
0x313: {  	[tilespmem:v8+s21+$0x0] =	vst.idx.msk $0xffff, v59  }
0x314: {  	v8 =	vld [tilespmem:s20+$0x30];
	_ =	sdelay $0x1  }
0x315: {  	s31 =	sadd.s32 $0xFFFF0070, s22  }
0x316: {  	v60 =	vmov s31  }
0x317: {  	v9 =	vsub.s32 v6, v60  }
0x318: {  	vm14 =	vge.s32 v9, v1;
	v61 =	vsel vm0, $0x1, v5;
	vm13 =	veq.s32 v8, v0  }
0x319: {  	v7 =	vadd.s32 v61, v7;
	vm15 =	vgt.s32 v8, v0;
	vm0 =	vmand vm14, vm13  }
0x31a: {  	v8 =	vadd.s32 v4, v7;
	vm0 =	vmor vm15, vm0  }
0x31b: {  	p0 =	sne.s32 s19, $0x1F80;
	v8 =	vnsel vm0, $0x300, v8  }
.Ltmp20:
0x31c: {  	_ = 	snop;
	(pc) =	sbr.rel @p0 .LBB2_34-.Ltmp20, $3  }
0x31d: {  	_ =	sdelay $0x1  }
0x31e: {  	v62 =	vor.u32 s31, v3;
	v63 =	vsel vm0, $0x1, v5  }
0x31f: {  	s19 =	sadd.s32 $0x80, s19;
	s20 =	sadd.s32 $0x80, s20;
	v7 =	vadd.s32 v63, v7;
	[tilespmem:v8+s21+$0x0] =	vst.idx.msk $0xffff, v62  }
0x320: {  	(v2sf) =	vpush v2, $0xF;
	_ =	sdelay $0xe  }
0x321: {  	s0 =	spop (v2sf)  }
0x322: {  	s17 =	sadd.s32 s0, s18  }
0x323: {  	s0 =	sadd.s32 $0xF, s17  }
0x324: {  	s9 =	simm.s32 $0x3;
	[bflag:$0x0] =	sbarrier.arrive $0xFFFF;
	s10 =	sand.u32 $0xF, s0  }
0x325: {  	s31 =	sshra.s32 s0, $0x1F;
	p0 =	slt.s32 s0, $0x1;
	p1 =	sne.s32 s10, $0x0  }
0x326: {  	[sflag:s9] =	ssyncset.done $0x0;
	s18 =	sshrl.u32 s31, $0x1C;
	p0 =	por !p0, !p1  }
0x327: {  	s10 =	simm.s32 $0x1;
	s0 =	sadd.s32 s18, s0;
	p0 =	por !p0, !p0  }
0x328: {  	[smem:s10], [sflag:$0x3] =	smem.add.s32 s17;
	s0 =	sshra.s32 s0, $0x4;
	s10 =	simm.s32 @!p0 $0x0  }
0x329: {  	s0 =	ssub.s32 s0, s10  }
0x32a: {  	p0 =	slt.s32 s0, $0x1  }
.Ltmp21:
0x32b: {  	_ = 	snop;
	(pc) =	sbr.rel @p0 .LBB2_57-.Ltmp21, $4  }
0x32c: {  	_ =	swait.done [sflag:s9]  }
0x32d: {  	s18 =	ssyncread [sflag:$0x3]  }
0x32e: {  	[sflag:s9] =	ssyncset.s32 $0x0  }
0x32f: {  	[sflag:s9] =	ssyncset.done $0x0  }
0x330: {  	s9 =	simm.s32 @!p2 $0x0;
	s31 =	sadd.s32 $0xFFFFFFFF, s0  }
0x331: {  	s10 =	sadd.s32 $0x100, s18;
	s9 =	simm.s32 @p2 $0x1;
	p2 =	seq.s32 s31, $0x0  }
.Ltmp22:
0x332: {  	s28 =	simm.s32 $0x2000;
	s26 =	simm.s32 $0x2380;
	(pc) =	sbr.rel @p2 .LBB2_37-.Ltmp22, $4  }
0x333: {  	s22 =	simm.s32 $0x2680;
	s24 =	simm.s32 $0x2980;
	s23 =	simm.s32 $0x2C80  }
0x334: {  	s21 =	simm.s32 $0x2F80;
	s19 =	simm.s32 $0x3280;
	s18 =	simm.s32 $0x3580  }
0x335: {  	s25 =	simm.s32 $0x3880;
	p1 =	sle.s32 s17, $0x0;
	s20 =	simm.s32 $0x10  }
0x336: {  	p5 =	por $0x0, $0x0;
	p3 =	por p1, p1;
	[smem:$0x7FD] =	sst s9  }
0x337: {  	v0 =	vld @!p3 [tilespmem:s28+$0x0];
	_ =	sdelay $0x5  }
0x338: {  	[dreg:$0xa] =	wrdreg s10;
	p4 =	por p3, p3  }
0x339: {  	[dreg:$0x6] =	wrdreg s2;
	vm0 =	vmmov @!p4 $0xffff;
	s29 =	simm.s32 @!p4 $0x0  }
0x33a: {  	[tilespmem:s26], [sflag:$0x1] =	stream.indirect_vreg.gather @!p4 [hbm4b:s1+s29], $0x1, v0, vm0, $0xb8;
	[tilespmem:$0x3C00] =	vst v63  }
0x33b: {  	s2 =	rddreg [dreg:$0x3]  }
0x33c: {  	[tilespmem:s22], [sflag:$0x1] =	stream.indirect_vreg.gather @!p4 [hbm4b:s2+s29], $0x1, v0, vm0, $0xb8;
	[tilespmem:$0x3C00] =	vst v63  }
0x33d: {  	[dreg:$0x8] =	wrdreg s31;
	s0 =	sadd.s32 $0xFFFFFFFF, s31  }
0x33e: {  	[tilespmem:s24], [sflag:$0x1] =	stream.indirect_vreg.gather @!p4 [hbm4b:s11+s29], $0x1, v0, vm0, $0xb8;
	[tilespmem:$0x3C00] =	vst v63  }
0x33f: {  	p6 =	sle.s32 s17, $0x10;
	s30 =	simm.s32 $0x3590;
	s31 =	simm.s32 $0x3890  }
0x340: {  	[tilespmem:s23], [sflag:$0x1] =	stream.indirect_vreg.gather @!p4 [hbm4b:s12+s29], $0x1, v0, vm0, $0xb8;
	[tilespmem:$0x3C00] =	vst v63  }
0x341: {  	s28 =	simm.s32 $0x2010;
	p5 =	por $0x1, $0x1;
	p0 =	seq.s32 s0, $0x0  }
0x342: {  	[tilespmem:s21], [sflag:$0x1] =	stream.indirect_vreg.gather @!p4 [hbm4b:s13+s29], $0x1, v0, vm0, $0xb8;
	[tilespmem:$0x3C00] =	vst v63  }
.Ltmp23:
0x343: {  	p3 =	por p6, p6;
	s26 =	simm.s32 $0x2390;
	(pc) =	sbr.rel @p0 .LBB2_39-.Ltmp23, $4  }
0x344: {  	[tilespmem:s19], [sflag:$0x1] =	stream.indirect_vreg.gather @!p4 [hbm4b:s14+s29], $0x1, v0, vm0, $0xb8;
	[tilespmem:$0x3C00] =	vst v63  }
0x345: {  	s22 =	simm.s32 $0x2690;
	s24 =	simm.s32 $0x2990;
	s23 =	simm.s32 $0x2C90  }
0x346: {  	[tilespmem:s18], [sflag:$0x1] =	stream.indirect_vreg.gather @!p4 [hbm4b:s15+s29], $0x1, v0, vm0, $0xb8;
	[tilespmem:$0x3C00] =	vst v63  }
0x347: {  	s21 =	simm.s32 $0x2F90;
	s19 =	simm.s32 $0x3290;
	s18 =	simm.s32 $0x20  }
.LBB2_40:
0x348: {  	[tilespmem:s25], [sflag:$0x1] =	stream.indirect_vreg.gather @!p4 [hbm4b:s16+s29], $0x1, v0, vm0, $0xb8;
	[tilespmem:$0x3C00] =	vst v63  }
0x349: {  	p0 =	sge.s32 s18, s17;
	s0 =	sadd.s32 $0xFFFFFFFF, s0;
	s9 =	smov.u32 s30;
	v0 =	vld @!p3 [tilespmem:s28+$0x0]  }
0x34a: {  	s25 =	smov.u32 s31;
	s10 =	smov.u32 s19;
	p6 =	seq.s32 s0, $0x0  }
0x34b: {  	p4 =	por p3, p3;
	p3 =	por p0, p0;
	_ =	sdelay $0x4  }
0x34c: {  	vm0 =	vmmov @!p4 $0xffff;
	s29 =	simm.s32 @!p4 $0x0  }
0x34d: {  	[tilespmem:s26], [sflag:$0x1] =	stream.indirect_vreg.gather @!p4 [hbm4b:s1+s29], $0x1, v0, vm0, $0xb8;
	[tilespmem:$0x3C00] =	vst v63  }
0x34e: {  	_ = 	snop  }
0x34f: {  	[tilespmem:s22], [sflag:$0x1] =	stream.indirect_vreg.gather @!p4 [hbm4b:s2+s29], $0x1, v0, vm0, $0xb8;
	[tilespmem:$0x3C00] =	vst v63  }
0x350: {  	_ = 	snop  }
0x351: {  	[tilespmem:s24], [sflag:$0x1] =	stream.indirect_vreg.gather @!p4 [hbm4b:s11+s29], $0x1, v0, vm0, $0xb8;
	[tilespmem:$0x3C00] =	vst v63  }
0x352: {  	_ = 	snop  }
0x353: {  	[tilespmem:s23], [sflag:$0x1] =	stream.indirect_vreg.gather @!p4 [hbm4b:s12+s29], $0x1, v0, vm0, $0xb8;
	[tilespmem:$0x3C00] =	vst v63  }
0x354: {  	s30 =	sadd.s32 $0x10, s30;
	s31 =	sadd.s32 $0x10, s31  }
0x355: {  	[tilespmem:s21], [sflag:$0x1] =	stream.indirect_vreg.gather @!p4 [hbm4b:s13+s29], $0x1, v0, vm0, $0xb8;
	[tilespmem:$0x3C00] =	vst v63  }
.Ltmp24:
0x356: {  	s19 =	sadd.s32 $0x10, s19;
	s21 =	sadd.s32 $0x10, s21;
	(pc) =	sbr.rel @!p6 .LBB2_40-.Ltmp24, $4  }
0x357: {  	[tilespmem:s10], [sflag:$0x1] =	stream.indirect_vreg.gather @!p4 [hbm4b:s14+s29], $0x1, v0, vm0, $0xb8;
	[tilespmem:$0x3C00] =	vst v63  }
0x358: {  	s22 =	sadd.s32 $0x10, s22;
	s24 =	sadd.s32 $0x10, s24;
	s23 =	sadd.s32 $0x10, s23  }
0x359: {  	[tilespmem:s9], [sflag:$0x1] =	stream.indirect_vreg.gather @!p4 [hbm4b:s15+s29], $0x1, v0, vm0, $0xb8;
	[tilespmem:$0x3C00] =	vst v63  }
0x35a: {  	s18 =	sadd.s32 $0x10, s18;
	s28 =	sadd.s32 $0x10, s28;
	s26 =	sadd.s32 $0x10, s26  }
0x35b: {  	s18 =	smov.u32 s30;
	s30 =	rddreg [dreg:$0x4]  }
0x35c: {  	s2 =	rddreg [dreg:$0x6]  }
0x35d: {  	s0 =	smov.u32 s25;
	s25 =	smov.u32 s31;
	s31 =	rddreg [dreg:$0x8]  }
0x35e: {  	s10 =	rddreg [dreg:$0xa]  }
.LBB2_42:
0x35f: {  	_ =	sdelay $0x2  }
0x360: {  	p0 =	por p4, !p5  }
0x361: {  	[tilespmem:s0], [sflag:$0x1] =	stream.indirect_vreg.gather @!p0 [hbm4b:s16+s29], $0x1, v0, vm0, $0xb8;
	[tilespmem:$0x3C00] =	vst v63  }
0x362: {  	v0 =	vld @!p3 [tilespmem:s28+$0x0];
	_ =	sdelay $0x5  }
0x363: {  	p0 =	por p3, p3  }
0x364: {  	vm0 =	vmmov @!p0 $0xffff;
	s0 =	simm.s32 @!p0 $0x0  }
0x365: {  	[tilespmem:s26], [sflag:$0x1] =	stream.indirect_vreg.gather @!p0 [hbm4b:s1+s0], $0x1, v0, vm0, $0xb8;
	[tilespmem:$0x3C00] =	vst v63  }
0x366: {  	s1 =	rddreg [dreg:$0x3]  }
0x367: {  	[tilespmem:s22], [sflag:$0x1] =	stream.indirect_vreg.gather @!p0 [hbm4b:s1+s0], $0x1, v0, vm0, $0xb8;
	[tilespmem:$0x3C00] =	vst v63  }
0x368: {  	_ = 	snop  }
0x369: {  	[tilespmem:s24], [sflag:$0x1] =	stream.indirect_vreg.gather @!p0 [hbm4b:s11+s0], $0x1, v0, vm0, $0xb8;
	[tilespmem:$0x3C00] =	vst v63  }
0x36a: {  	_ = 	snop  }
0x36b: {  	[tilespmem:s23], [sflag:$0x1] =	stream.indirect_vreg.gather @!p0 [hbm4b:s12+s0], $0x1, v0, vm0, $0xb8;
	[tilespmem:$0x3C00] =	vst v63  }
0x36c: {  	_ = 	snop  }
0x36d: {  	[tilespmem:s21], [sflag:$0x1] =	stream.indirect_vreg.gather @!p0 [hbm4b:s13+s0], $0x1, v0, vm0, $0xb8;
	[tilespmem:$0x3C00] =	vst v63  }
0x36e: {  	_ = 	snop  }
0x36f: {  	[tilespmem:s19], [sflag:$0x1] =	stream.indirect_vreg.gather @!p0 [hbm4b:s14+s0], $0x1, v0, vm0, $0xb8;
	[tilespmem:$0x3C00] =	vst v63  }
.Ltmp25:
0x370: {  	_ = 	snop;
	(pc) =	sbr.rel @p2 .LBB2_43-.Ltmp25, $4  }
0x371: {  	_ = 	snop  }
0x372: {  	[tilespmem:s18], [sflag:$0x1] =	stream.indirect_vreg.gather @!p0 [hbm4b:s15+s0], $0x1, v0, vm0, $0xb8;
	[tilespmem:$0x3C00] =	vst v63  }
0x373: {  	p3 =	por $0x0, $0x0;
	s1 =	rddreg [dreg:$0x5]  }
0x374: {  	[tilespmem:s25], [sflag:$0x1] =	stream.indirect_vreg.gather @!p0 [hbm4b:s16+s0], $0x1, v0, vm0, $0xb8;
	[tilespmem:$0x3C00] =	vst v63  }
0x375: {  	s9 =	simm.s32 @!p1 $0x1  }
0x376: {  	p2 =	por p1, p1;
	_ =	swait.ge @!p1 [sflag:s9], $0x10  }
0x377: {  	[sflag:s9] =	ssyncset.done @!p2 $0x0  }
0x378: {  	[sflag:s9] =	ssyncadd.s32 @!p2 $0xFFFFFFF0  }
0x379: {  	_ =	swait.ge @!p2 [sflag:s9], $0x10  }
0x37a: {  	[sflag:s9] =	ssyncset.done @!p2 $0x0  }
0x37b: {  	[sflag:s9] =	ssyncadd.s32 @!p2 $0xFFFFFFF0  }
0x37c: {  	_ =	swait.ge @!p2 [sflag:s9], $0x10  }
0x37d: {  	[sflag:s9] =	ssyncset.done @!p2 $0x0  }
0x37e: {  	[sflag:s9] =	ssyncadd.s32 @!p2 $0xFFFFFFF0  }
0x37f: {  	_ =	swait.ge @!p2 [sflag:s9], $0x10  }
0x380: {  	[sflag:s9] =	ssyncset.done @!p2 $0x0  }
0x381: {  	[sflag:s9] =	ssyncadd.s32 @!p2 $0xFFFFFFF0  }
0x382: {  	_ =	swait.ge @!p2 [sflag:s9], $0x10  }
0x383: {  	[sflag:s9] =	ssyncset.done @!p2 $0x0  }
0x384: {  	[sflag:s9] =	ssyncadd.s32 @!p2 $0xFFFFFFF0  }
0x385: {  	_ =	swait.ge @!p2 [sflag:s9], $0x10  }
0x386: {  	s0 =	sadd.s32 $0xFFFFFFFF, s31;
	[sflag:s9] =	ssyncset.done @!p2 $0x0  }
0x387: {  	p0 =	seq.s32 s0, $0x0;
	[sflag:s9] =	ssyncadd.s32 @!p2 $0xFFFFFFF0  }
.Ltmp26:
0x388: {  	_ =	swait.ge @!p2 [sflag:s9], $0x10;
	(pc) =	sbr.rel @p0 .LBB2_46-.Ltmp26, $4  }
0x389: {  	[sflag:s9] =	ssyncset.done @!p2 $0x0  }
0x38a: {  	[sflag:s9] =	ssyncadd.s32 @!p2 $0xFFFFFFF0  }
0x38b: {  	_ =	swait.ge @!p2 [sflag:s9], $0x10  }
0x38c: {  	p3 =	por $0x1, $0x1;
	p1 =	sle.s32 s17, $0x10;
	[sflag:s9] =	ssyncset.done @!p2 $0x0  }
.LBB2_45:
0x38d: {  	s0 =	sadd.s32 $0xFFFFFFFF, s0;
	[sflag:s9] =	ssyncadd.s32 @!p2 $0xFFFFFFF0;
	s9 =	simm.s32 @!p1 $0x1  }
0x38e: {  	p2 =	por p1, p1;
	p4 =	seq.s32 s0, $0x0;
	_ =	swait.ge @!p1 [sflag:s9], $0x10  }
0x38f: {  	[sflag:s9] =	ssyncset.done @!p2 $0x0  }
0x390: {  	[sflag:s9] =	ssyncadd.s32 @!p2 $0xFFFFFFF0  }
0x391: {  	_ =	swait.ge @!p2 [sflag:s9], $0x10  }
0x392: {  	[sflag:s9] =	ssyncset.done @!p2 $0x0  }
0x393: {  	[sflag:s9] =	ssyncadd.s32 @!p2 $0xFFFFFFF0  }
0x394: {  	_ =	swait.ge @!p2 [sflag:s9], $0x10  }
0x395: {  	[sflag:s9] =	ssyncset.done @!p2 $0x0  }
0x396: {  	[sflag:s9] =	ssyncadd.s32 @!p2 $0xFFFFFFF0  }
0x397: {  	_ =	swait.ge @!p2 [sflag:s9], $0x10  }
0x398: {  	[sflag:s9] =	ssyncset.done @!p2 $0x0  }
0x399: {  	[sflag:s9] =	ssyncadd.s32 @!p2 $0xFFFFFFF0  }
0x39a: {  	_ =	swait.ge @!p2 [sflag:s9], $0x10  }
0x39b: {  	[sflag:s9] =	ssyncset.done @!p2 $0x0  }
0x39c: {  	[sflag:s9] =	ssyncadd.s32 @!p2 $0xFFFFFFF0  }
0x39d: {  	_ =	swait.ge @!p2 [sflag:s9], $0x10  }
0x39e: {  	[sflag:s9] =	ssyncset.done @!p2 $0x0  }
0x39f: {  	[sflag:s9] =	ssyncadd.s32 @!p2 $0xFFFFFFF0  }
.Ltmp27:
0x3a0: {  	_ =	swait.ge @!p2 [sflag:s9], $0x10;
	(pc) =	sbr.rel @!p4 .LBB2_45-.Ltmp27, $4  }
0x3a1: {  	[sflag:s9] =	ssyncset.done @!p2 $0x0  }
0x3a2: {  	[sflag:s9] =	ssyncadd.s32 @!p2 $0xFFFFFFF0  }
0x3a3: {  	s20 =	sadd.s32 $0x10, s20;
	_ =	swait.ge @!p2 [sflag:s9], $0x10  }
0x3a4: {  	p1 =	sge.s32 s20, s17;
	[sflag:s9] =	ssyncset.done @!p2 $0x0  }
.LBB2_46:
0x3a5: {  	p0 =	por p2, !p3  }
0x3a6: {  	s0 =	simm.s32 @!p1 $0x1;
	[sflag:s9] =	ssyncadd.s32 @!p0 $0xFFFFFFF0  }
0x3a7: {  	p0 =	por p1, p1;
	_ =	swait.ge @!p1 [sflag:s0], $0x10  }
0x3a8: {  	[sflag:s0] =	ssyncset.done @!p0 $0x0  }
0x3a9: {  	[sflag:s0] =	ssyncadd.s32 @!p0 $0xFFFFFFF0  }
0x3aa: {  	_ =	swait.ge @!p0 [sflag:s0], $0x10  }
0x3ab: {  	[sflag:s0] =	ssyncset.done @!p0 $0x0  }
0x3ac: {  	[sflag:s0] =	ssyncadd.s32 @!p0 $0xFFFFFFF0  }
0x3ad: {  	_ =	swait.ge @!p0 [sflag:s0], $0x10  }
0x3ae: {  	[sflag:s0] =	ssyncset.done @!p0 $0x0  }
0x3af: {  	[sflag:s0] =	ssyncadd.s32 @!p0 $0xFFFFFFF0  }
0x3b0: {  	_ =	swait.ge @!p0 [sflag:s0], $0x10  }
0x3b1: {  	[sflag:s0] =	ssyncset.done @!p0 $0x0  }
0x3b2: {  	[sflag:s0] =	ssyncadd.s32 @!p0 $0xFFFFFFF0  }
0x3b3: {  	_ =	swait.ge @!p0 [sflag:s0], $0x10  }
0x3b4: {  	[sflag:s0] =	ssyncset.done @!p0 $0x0  }
0x3b5: {  	[sflag:s0] =	ssyncadd.s32 @!p0 $0xFFFFFFF0  }
0x3b6: {  	_ =	swait.ge @!p0 [sflag:s0], $0x10  }
0x3b7: {  	[sflag:s0] =	ssyncset.done @!p0 $0x0  }
0x3b8: {  	[sflag:s0] =	ssyncadd.s32 @!p0 $0xFFFFFFF0  }
0x3b9: {  	_ =	swait.ge @!p0 [sflag:s0], $0x10  }
0x3ba: {  	[sflag:s0] =	ssyncset.done @!p0 $0x0  }
0x3bb: {  	[sflag:s0] =	ssyncadd.s32 @!p0 $0xFFFFFFF0  }
0x3bc: {  	_ =	swait.ge @!p0 [sflag:s0], $0x10  }
0x3bd: {  	p2 =	sle.s32 s17, $0x0;
	[sflag:s0] =	ssyncset.done @!p0 $0x0  }
0x3be: {  	v0 =	vlaneseq.u32 @!p2;
	[sflag:s0] =	ssyncadd.s32 @!p0 $0xFFFFFFF0;
	s0 =	simm.s32 $0x0  }
0x3bf: {  	v1 =	vmov s17;
	v2 =	vmov s10;
	v0 =	vor.u32 @!p2 s0, v0  }
0x3c0: {  	p3 =	sne.s32 s31, $0x0;
	vm0 =	vlt.s32 @!p2 v0, v1;
	v0 =	vadd.s32 @!p2 v2, v0  }
.Ltmp28:
0x3c1: {  	v0 =	vnsel @!p2 vm0, $0x300, v0;
	(pc) =	sbr.rel @!p3 .LBB2_47-.Ltmp28, $4  }
0x3c2: {  	_ = 	snop  }
0x3c3: {  	s14 =	simm.s32 $0x2380;
	s12 =	simm.s32 $0x2680;
	s13 =	simm.s32 $0x2980  }
0x3c4: {  	s11 =	simm.s32 $0x2F80;
	s10 =	simm.s32 $0x3280;
	s18 =	simm.s32 $0x3580  }
0x3c5: {  	s15 =	simm.s32 $0x3880;
	s9 =	simm.s32 $0x2C80;
	p1 =	por $0x0, $0x0  }
0x3c6: {  	_ =	sdelay $0x2  }
0x3c7: {  	vm0 =	vmmov @!p2 $0xffff;
	s16 =	simm.s32 @!p2 $0x0  }
0x3c8: {  	[hbm4b:s1+s16] =	stream.indirect_vreg.scatter @!p2 [tilespmem:s14], [sflag:$0x1], $0x1, v0, vm0, $0xb8;
	[tilespmem:$0x3C00] =	vst v63  }
0x3c9: {  	p4 =	por p2, p2  }
0x3ca: {  	[hbm4b:s2+s16] =	stream.indirect_vreg.scatter @!p4 [tilespmem:s12], [sflag:$0x1], $0x1, v0, vm0, $0xb8;
	[tilespmem:$0x3C00] =	vst v63  }
0x3cb: {  	_ = 	snop  }
0x3cc: {  	[hbm4b:s3+s16] =	stream.indirect_vreg.scatter @!p4 [tilespmem:s13], [sflag:$0x1], $0x1, v0, vm0, $0xb8;
	[tilespmem:$0x3C00] =	vst v63  }
0x3cd: {  	s0 =	sadd.s32 $0xFFFFFFFF, s31;
	s21 =	simm.s32 $0x10  }
0x3ce: {  	[hbm4b:s4+s16] =	stream.indirect_vreg.scatter @!p4 [tilespmem:s9], [sflag:$0x1], $0x1, v0, vm0, $0xb8;
	[tilespmem:$0x3C00] =	vst v63  }
0x3cf: {  	p5 =	sle.s32 s17, $0x10;
	s19 =	simm.s32 $0x3590;
	p0 =	sne.s32 s0, $0x0  }
0x3d0: {  	[hbm4b:s5+s16] =	stream.indirect_vreg.scatter @!p4 [tilespmem:s11], [sflag:$0x1], $0x1, v0, vm0, $0xb8;
	[tilespmem:$0x3C00] =	vst v63  }
.Ltmp29:
0x3d1: {  	s20 =	simm.s32 $0x3890;
	p6 =	por $0x1, $0x1;
	(pc) =	sbr.rel @!p0 .LBB2_49-.Ltmp29, $4  }
0x3d2: {  	v3 =	vlaneseq.u32 @!p5;
	s14 =	simm.s32 $0x2390;
	s12 =	simm.s32 $0x2690;
	s13 =	simm.s32 $0x2990  }
0x3d3: {  	v3 =	vor.u32 @!p5 s21, v3;
	[hbm4b:s6+s16] =	stream.indirect_vreg.scatter @!p4 [tilespmem:s10], [sflag:$0x1], $0x1, v0, vm0, $0xb8;
	[tilespmem:$0x3C00] =	vst v63  }
0x3d4: {  	vm1 =	vlt.s32 @!p5 v3, v1;
	v3 =	vadd.s32 @!p5 v2, v3;
	s9 =	simm.s32 $0x2C90;
	s11 =	simm.s32 $0x2F90;
	s10 =	simm.s32 $0x3290  }
0x3d5: {  	v3 =	vnsel @!p5 vm1, $0x300, v3;
	[hbm4b:s7+s16] =	stream.indirect_vreg.scatter @!p4 [tilespmem:s18], [sflag:$0x1], $0x1, v0, vm0, $0xb8;
	[tilespmem:$0x3C00] =	vst v63  }
.LBB2_50:
0x3d6: {  	[hbm4b:s8+s16] =	stream.indirect_vreg.scatter @!p4 [tilespmem:s15], [sflag:$0x1], $0x1, v0, vm0, $0xb8;
	v0 =	vmov v3;
	[tilespmem:$0x3C00] =	vst v63  }
0x3d7: {  	s0 =	sadd.s32 $0xFFFFFFFF, s0;
	vm0 =	vmmov @!p5 $0xffff;
	s16 =	simm.s32 @!p5 $0x0;
	s18 =	smov.u32 s19  }
0x3d8: {  	[hbm4b:s1+s16] =	stream.indirect_vreg.scatter @!p5 [tilespmem:s14], [sflag:$0x1], $0x1, v3, vm0, $0xb8;
	[tilespmem:$0x3C00] =	vst v63  }
0x3d9: {  	s15 =	smov.u32 s20;
	p4 =	por p5, p5;
	p0 =	sne.s32 s0, $0x0  }
0x3da: {  	[hbm4b:s2+s16] =	stream.indirect_vreg.scatter @!p4 [tilespmem:s12], [sflag:$0x1], $0x1, v3, vm0, $0xb8;
	[tilespmem:$0x3C00] =	vst v63  }
0x3db: {  	_ = 	snop  }
0x3dc: {  	[hbm4b:s3+s16] =	stream.indirect_vreg.scatter @!p4 [tilespmem:s13], [sflag:$0x1], $0x1, v3, vm0, $0xb8;
	[tilespmem:$0x3C00] =	vst v63  }
0x3dd: {  	s21 =	sadd.s32 $0x10, s21  }
0x3de: {  	[hbm4b:s4+s16] =	stream.indirect_vreg.scatter @!p4 [tilespmem:s9], [sflag:$0x1], $0x1, v3, vm0, $0xb8;
	[tilespmem:$0x3C00] =	vst v63  }
0x3df: {  	p5 =	sge.s32 s21, s17  }
0x3e0: {  	v3 =	vlaneseq.u32 @!p5;
	[hbm4b:s5+s16] =	stream.indirect_vreg.scatter @!p4 [tilespmem:s11], [sflag:$0x1], $0x1, v0, vm0, $0xb8;
	[tilespmem:$0x3C00] =	vst v63  }
.Ltmp30:
0x3e1: {  	s19 =	sadd.s32 $0x10, s19;
	s20 =	sadd.s32 $0x10, s20;
	v3 =	vor.u32 @!p5 s21, v3;
	(pc) =	sbr.rel @p0 .LBB2_50-.Ltmp30, $4  }
0x3e2: {  	vm1 =	vlt.s32 @!p5 v3, v1;
	v3 =	vadd.s32 @!p5 v2, v3;
	[hbm4b:s6+s16] =	stream.indirect_vreg.scatter @!p4 [tilespmem:s10], [sflag:$0x1], $0x1, v0, vm0, $0xb8;
	[tilespmem:$0x3C00] =	vst v63  }
0x3e3: {  	s9 =	sadd.s32 $0x10, s9;
	s11 =	sadd.s32 $0x10, s11;
	v3 =	vnsel @!p5 vm1, $0x300, v3;
	s10 =	sadd.s32 $0x10, s10  }
0x3e4: {  	[hbm4b:s7+s16] =	stream.indirect_vreg.scatter @!p4 [tilespmem:s18], [sflag:$0x1], $0x1, v0, vm0, $0xb8;
	[tilespmem:$0x3C00] =	vst v63  }
0x3e5: {  	s14 =	sadd.s32 $0x10, s14;
	s12 =	sadd.s32 $0x10, s12;
	s13 =	sadd.s32 $0x10, s13  }
0x3e6: {  	s0 =	smov.u32 s15;
	v1 =	vmov v0;
	v0 =	vmov v3;
	s18 =	smov.u32 s19;
	s15 =	smov.u32 s20  }
.LBB2_52:
0x3e7: {  	_ =	sdelay $0x2  }
0x3e8: {  	p0 =	por p4, !p6  }
0x3e9: {  	[hbm4b:s8+s16] =	stream.indirect_vreg.scatter @!p0 [tilespmem:s0], [sflag:$0x1], $0x1, v1, vm0, $0xb8;
	[tilespmem:$0x3C00] =	vst v63  }
0x3ea: {  	vm0 =	vmmov @!p5 $0xffff;
	s0 =	simm.s32 @!p5 $0x0  }
0x3eb: {  	[hbm4b:s1+s0] =	stream.indirect_vreg.scatter @!p5 [tilespmem:s14], [sflag:$0x1], $0x1, v0, vm0, $0xb8;
	[tilespmem:$0x3C00] =	vst v63  }
0x3ec: {  	p0 =	por p5, p5  }
0x3ed: {  	[hbm4b:s2+s0] =	stream.indirect_vreg.scatter @!p0 [tilespmem:s12], [sflag:$0x1], $0x1, v0, vm0, $0xb8;
	[tilespmem:$0x3C00] =	vst v63  }
0x3ee: {  	_ = 	snop  }
0x3ef: {  	[hbm4b:s3+s0] =	stream.indirect_vreg.scatter @!p0 [tilespmem:s13], [sflag:$0x1], $0x1, v0, vm0, $0xb8;
	[tilespmem:$0x3C00] =	vst v63  }
0x3f0: {  	_ = 	snop  }
0x3f1: {  	[hbm4b:s4+s0] =	stream.indirect_vreg.scatter @!p0 [tilespmem:s9], [sflag:$0x1], $0x1, v0, vm0, $0xb8;
	[tilespmem:$0x3C00] =	vst v63  }
0x3f2: {  	_ = 	snop  }
0x3f3: {  	[hbm4b:s5+s0] =	stream.indirect_vreg.scatter @!p0 [tilespmem:s11], [sflag:$0x1], $0x1, v0, vm0, $0xb8;
	[tilespmem:$0x3C00] =	vst v63  }
0x3f4: {  	_ = 	snop  }
0x3f5: {  	[hbm4b:s6+s0] =	stream.indirect_vreg.scatter @!p0 [tilespmem:s10], [sflag:$0x1], $0x1, v0, vm0, $0xb8;
	[tilespmem:$0x3C00] =	vst v63  }
.Ltmp31:
0x3f6: {  	_ = 	snop;
	(pc) =	sbr.rel @!p3 .LBB2_53-.Ltmp31, $4  }
0x3f7: {  	_ = 	snop  }
0x3f8: {  	[hbm4b:s7+s0] =	stream.indirect_vreg.scatter @!p0 [tilespmem:s18], [sflag:$0x1], $0x1, v0, vm0, $0xb8;
	[tilespmem:$0x3C00] =	vst v63  }
0x3f9: {  	_ = 	snop  }
0x3fa: {  	[hbm4b:s8+s0] =	stream.indirect_vreg.scatter @!p0 [tilespmem:s15], [sflag:$0x1], $0x1, v0, vm0, $0xb8;
	[tilespmem:$0x3C00] =	vst v63  }
0x3fb: {  	s1 =	simm.s32 @!p2 $0x1  }
0x3fc: {  	p3 =	por p2, p2;
	_ =	swait.ge @!p2 [sflag:s1], $0x10  }
0x3fd: {  	[sflag:s1] =	ssyncset.done @!p3 $0x0  }
0x3fe: {  	[sflag:s1] =	ssyncadd.s32 @!p3 $0xFFFFFFF0  }
0x3ff: {  	_ =	swait.ge @!p3 [sflag:s1], $0x10  }
0x400: {  	[sflag:s1] =	ssyncset.done @!p3 $0x0  }
0x401: {  	[sflag:s1] =	ssyncadd.s32 @!p3 $0xFFFFFFF0  }
0x402: {  	_ =	swait.ge @!p3 [sflag:s1], $0x10  }
0x403: {  	[sflag:s1] =	ssyncset.done @!p3 $0x0  }
0x404: {  	[sflag:s1] =	ssyncadd.s32 @!p3 $0xFFFFFFF0  }
0x405: {  	_ =	swait.ge @!p3 [sflag:s1], $0x10  }
0x406: {  	[sflag:s1] =	ssyncset.done @!p3 $0x0  }
0x407: {  	[sflag:s1] =	ssyncadd.s32 @!p3 $0xFFFFFFF0  }
0x408: {  	_ =	swait.ge @!p3 [sflag:s1], $0x10  }
0x409: {  	[sflag:s1] =	ssyncset.done @!p3 $0x0  }
0x40a: {  	[sflag:s1] =	ssyncadd.s32 @!p3 $0xFFFFFFF0  }
0x40b: {  	_ =	swait.ge @!p3 [sflag:s1], $0x10  }
0x40c: {  	s0 =	sadd.s32 $0xFFFFFFFF, s31;
	[sflag:s1] =	ssyncset.done @!p3 $0x0  }
0x40d: {  	p0 =	sne.s32 s0, $0x0;
	[sflag:s1] =	ssyncadd.s32 @!p3 $0xFFFFFFF0  }
.Ltmp32:
0x40e: {  	_ =	swait.ge @!p3 [sflag:s1], $0x10;
	(pc) =	sbr.rel @!p0 .LBB2_56-.Ltmp32, $4  }
0x40f: {  	[sflag:s1] =	ssyncset.done @!p3 $0x0  }
0x410: {  	[sflag:s1] =	ssyncadd.s32 @!p3 $0xFFFFFFF0  }
0x411: {  	s2 =	simm.s32 $0x10;
	_ =	swait.ge @!p3 [sflag:s1], $0x10  }
0x412: {  	p1 =	por $0x1, $0x1;
	p2 =	sle.s32 s17, $0x10;
	[sflag:s1] =	ssyncset.done @!p3 $0x0  }
.LBB2_55:
0x413: {  	s0 =	sadd.s32 $0xFFFFFFFF, s0;
	[sflag:s1] =	ssyncadd.s32 @!p3 $0xFFFFFFF0;
	s1 =	simm.s32 @!p2 $0x1  }
0x414: {  	p3 =	por p2, p2;
	p4 =	sne.s32 s0, $0x0;
	_ =	swait.ge @!p2 [sflag:s1], $0x10  }
0x415: {  	[sflag:s1] =	ssyncset.done @!p3 $0x0  }
0x416: {  	[sflag:s1] =	ssyncadd.s32 @!p3 $0xFFFFFFF0  }
0x417: {  	_ =	swait.ge @!p3 [sflag:s1], $0x10  }
0x418: {  	[sflag:s1] =	ssyncset.done @!p3 $0x0  }
0x419: {  	[sflag:s1] =	ssyncadd.s32 @!p3 $0xFFFFFFF0  }
0x41a: {  	_ =	swait.ge @!p3 [sflag:s1], $0x10  }
0x41b: {  	[sflag:s1] =	ssyncset.done @!p3 $0x0  }
0x41c: {  	[sflag:s1] =	ssyncadd.s32 @!p3 $0xFFFFFFF0  }
0x41d: {  	_ =	swait.ge @!p3 [sflag:s1], $0x10  }
0x41e: {  	[sflag:s1] =	ssyncset.done @!p3 $0x0  }
0x41f: {  	[sflag:s1] =	ssyncadd.s32 @!p3 $0xFFFFFFF0  }
0x420: {  	_ =	swait.ge @!p3 [sflag:s1], $0x10  }
0x421: {  	[sflag:s1] =	ssyncset.done @!p3 $0x0  }
0x422: {  	[sflag:s1] =	ssyncadd.s32 @!p3 $0xFFFFFFF0  }
0x423: {  	_ =	swait.ge @!p3 [sflag:s1], $0x10  }
0x424: {  	[sflag:s1] =	ssyncset.done @!p3 $0x0  }
0x425: {  	[sflag:s1] =	ssyncadd.s32 @!p3 $0xFFFFFFF0  }
.Ltmp33:
0x426: {  	_ =	swait.ge @!p3 [sflag:s1], $0x10;
	(pc) =	sbr.rel @p4 .LBB2_55-.Ltmp33, $4  }
0x427: {  	[sflag:s1] =	ssyncset.done @!p3 $0x0  }
0x428: {  	[sflag:s1] =	ssyncadd.s32 @!p3 $0xFFFFFFF0  }
0x429: {  	s2 =	sadd.s32 $0x10, s2;
	_ =	swait.ge @!p3 [sflag:s1], $0x10  }
0x42a: {  	p2 =	sge.s32 s2, s17;
	[sflag:s1] =	ssyncset.done @!p3 $0x0  }
.LBB2_56:
0x42b: {  	p0 =	por p3, !p1  }
0x42c: {  	s0 =	simm.s32 @!p2 $0x1;
	[sflag:s1] =	ssyncadd.s32 @!p0 $0xFFFFFFF0  }
0x42d: {  	p0 =	por p2, p2;
	_ =	swait.ge @!p2 [sflag:s0], $0x10  }
0x42e: {  	[sflag:s0] =	ssyncset.done @!p0 $0x0  }
0x42f: {  	[sflag:s0] =	ssyncadd.s32 @!p0 $0xFFFFFFF0  }
0x430: {  	_ =	swait.ge @!p0 [sflag:s0], $0x10  }
0x431: {  	[sflag:s0] =	ssyncset.done @!p0 $0x0  }
0x432: {  	[sflag:s0] =	ssyncadd.s32 @!p0 $0xFFFFFFF0  }
0x433: {  	_ =	swait.ge @!p0 [sflag:s0], $0x10  }
0x434: {  	[sflag:s0] =	ssyncset.done @!p0 $0x0  }
0x435: {  	[sflag:s0] =	ssyncadd.s32 @!p0 $0xFFFFFFF0  }
0x436: {  	_ =	swait.ge @!p0 [sflag:s0], $0x10  }
0x437: {  	[sflag:s0] =	ssyncset.done @!p0 $0x0  }
0x438: {  	[sflag:s0] =	ssyncadd.s32 @!p0 $0xFFFFFFF0  }
0x439: {  	_ =	swait.ge @!p0 [sflag:s0], $0x10  }
0x43a: {  	[sflag:s0] =	ssyncset.done @!p0 $0x0  }
0x43b: {  	[sflag:s0] =	ssyncadd.s32 @!p0 $0xFFFFFFF0  }
0x43c: {  	_ =	swait.ge @!p0 [sflag:s0], $0x10  }
0x43d: {  	[sflag:s0] =	ssyncset.done @!p0 $0x0  }
0x43e: {  	[sflag:s0] =	ssyncadd.s32 @!p0 $0xFFFFFFF0  }
0x43f: {  	_ =	swait.ge @!p0 [sflag:s0], $0x10  }
0x440: {  	[sflag:s0] =	ssyncset.done @!p0 $0x0  }
0x441: {  	[sflag:s0] =	ssyncadd.s32 @!p0 $0xFFFFFFF0  }
0x442: {  	_ =	swait.ge @!p0 [sflag:s0], $0x10  }
0x443: {  	s31 =	sld [smem:$0x7FD];
	_ =	sdelay $0x1  }
0x444: {  	[sflag:s0] =	ssyncset.done @!p0 $0x0  }
0x445: {  	[sflag:s0] =	ssyncadd.s32 @!p0 $0xFFFFFFF0;
	p2 =	seq.s32 s31, $0x1  }
.LBB2_57:
0x446: {  	_ =	sfence.sel $0x180000  }
0x447: {  	[bflag:$0x0] =	sbarrier.arrive $0xFFFF  }
0x448: {  	_ =	strace $0x90000047  }
0x449: {  	s0 =	sadd.s32 @!p2 $0x100000, s30;
	[bflag:$0x2] =	sbarrier.arrive $0xFFFF  }
0x44a: {  	[sflag:s0] =	ssyncadd.tile.s32 @!p2 $0x1;
	_ =	shalt  }
.LBB2_9:
.Ltmp34:
0x44b: {  	(pc) =	sbr.rel .LBB2_14-.Ltmp34, $2  }
0x44c: {  	_ =	sdelay $0x2  }
0x44d: {  	_ = 	snop  }
.LBB2_15:
.Ltmp35:
0x44e: {  	(pc) =	sbr.rel .LBB2_20-.Ltmp35, $2  }
0x44f: {  	_ =	sdelay $0x2  }
0x450: {  	_ = 	snop  }
.LBB2_21:
.Ltmp36:
0x451: {  	(pc) =	sbr.rel .LBB2_26-.Ltmp36, $2  }
0x452: {  	_ =	sdelay $0x2  }
0x453: {  	p5 =	por p2, p2;
	p6 =	por $0x0, $0x0  }
.LBB2_27:
.Ltmp37:
0x454: {  	(pc) =	sbr.rel .LBB2_30-.Ltmp37, $3  }
0x455: {  	_ =	sdelay $0x1  }
0x456: {  	s30 =	rddreg [dreg:$0x4]  }
0x457: {  	s1 =	stileid.u32;
	s28 =	rddreg [dreg:$0x2]  }
.LBB2_11:
.Ltmp38:
0x458: {  	(pc) =	sbr.rel .LBB2_14-.Ltmp38, $4  }
0x459: {  	_ = 	snop  }
0x45a: {  	s0 =	simm.s32 $0x3880;
	s9 =	smov.u32 s2;
	s2 =	rddreg [dreg:$0x6]  }
0x45b: {  	s18 =	simm.s32 $0x3590;
	s22 =	simm.s32 $0x3890;
	s10 =	rddreg [dreg:$0x0]  }
0x45c: {  	s21 =	simm.s32 $0x3290;
	s28 =	smov.u32 s1;
	s19 =	rddreg [dreg:$0x7]  }
.LBB2_17:
.Ltmp39:
0x45d: {  	(pc) =	sbr.rel .LBB2_20-.Ltmp39, $2  }
0x45e: {  	_ =	sdelay $0x2  }
0x45f: {  	s19 =	rddreg [dreg:$0x7]  }
.LBB2_23:
.Ltmp40:
0x460: {  	(pc) =	sbr.rel .LBB2_26-.Ltmp40, $3  }
0x461: {  	_ =	sdelay $0x1  }
0x462: {  	s0 =	simm.s32 $0x3880  }
0x463: {  	v1 =	vmov v0;
	v0 =	vmov v3;
	s18 =	simm.s32 $0x3590;
	s29 =	simm.s32 $0x3890;
	s19 =	rddreg [dreg:$0x7]  }
.LBB2_37:
.Ltmp41:
0x464: {  	(pc) =	sbr.rel .LBB2_42-.Ltmp41, $2  }
0x465: {  	_ =	sdelay $0x2  }
0x466: {  	_ = 	snop  }
.LBB2_43:
.Ltmp42:
0x467: {  	(pc) =	sbr.rel .LBB2_46-.Ltmp42, $2  }
0x468: {  	_ =	sdelay $0x2  }
0x469: {  	_ = 	snop  }
.LBB2_47:
.Ltmp43:
0x46a: {  	(pc) =	sbr.rel .LBB2_52-.Ltmp43, $2  }
0x46b: {  	_ =	sdelay $0x2  }
0x46c: {  	p5 =	por p2, p2;
	p6 =	por $0x0, $0x0  }
.LBB2_53:
.Ltmp44:
0x46d: {  	(pc) =	sbr.rel .LBB2_56-.Ltmp44, $2  }
0x46e: {  	_ =	sdelay $0x2  }
0x46f: {  	_ = 	snop  }
.LBB2_39:
.Ltmp45:
0x470: {  	(pc) =	sbr.rel .LBB2_42-.Ltmp45, $4  }
0x471: {  	s30 =	rddreg [dreg:$0x4]  }
0x472: {  	s2 =	rddreg [dreg:$0x6]  }
0x473: {  	s0 =	simm.s32 $0x3880;
	s18 =	simm.s32 $0x3590;
	s31 =	rddreg [dreg:$0x8]  }
0x474: {  	s25 =	simm.s32 $0x3890;
	s19 =	simm.s32 $0x3290;
	s10 =	rddreg [dreg:$0xa]  }
.LBB2_49:
.Ltmp46:
0x475: {  	(pc) =	sbr.rel .LBB2_52-.Ltmp46, $2  }
0x476: {  	_ =	sdelay $0x2  }
0x477: {  	v1 =	vmov v0;
	s0 =	simm.s32 $0x3880;
	v0 =	vmov v3;
	s18 =	simm.s32 $0x3590;
	s15 =	simm.s32 $0x3890  }
.Lfunc_end2:
_tile_overlayer_lowered:
.L_overlay_start_2:
0x478: {  	(tag) =	ssettag $0x2  }
0x479: {  	s0 =	rddreg [dreg:$0x0];
	s2 =	stileid.u32  }
0x47a: {  	s1 =	rddreg [dreg:$0x1];
	p0 =	sne.s32 s2, $0x0  }
0x47b: {  	s3 =	rddreg [dreg:$0x2];
	[bflag:$0x3] =	sbarrier.arrive $0xFFFF;
	s2 =	simm.s32 @!p0 $0x1C02  }
0x47c: {  	[timem:s3], [sflag:s2] =	dma.local @!p0 [hbm:s0], s1  }
0x47d: {  	s0 =	simm.s32 @!p0 $0x2  }
0x47e: {  	_ =	swait.ge @!p0 [sflag:s0], s1  }
0x47f: {  	s1 =	ssub.s32 @!p0 $0x0, s1;
	[sflag:s0] =	ssyncset.done @!p0 $0x0  }
0x480: {  	[sflag:s0] =	ssyncadd.s32 @!p0 s1  }
0x481: {  	[bflag:$0x3] =	sbarrier.arrive $0xFFFF  }
0x482: {  	_ =	shalt  }

</sc_bundles>
